<compile_context>
chip_gen: v7x
topology: tpu7x:2x2x1
jax: 0.10.2.dev20260603
libtpu: 0.0.44.dev20260713+nightly
codegen_flags: <defaults>
</compile_context>

<pallas_src>
import functools

import jax
import jax.numpy as jnp
import numpy as np
from jax import lax
from jax.experimental import pallas as pl
from jax.experimental.pallas import tpu as pltpu
from jax.experimental.pallas import tpu_sc as plsc

N = 1024
E = 4096
LATENT = 128
MP = 3
DT = 0.01
LN_EPS = 1e-6

_f32 = jnp.float32
_EB = 2048
_NEB = E // _EB

_NC = 2
_NS = 16
_NW = _NC * _NS
_EPW = E // _NW
_RPT = N // _NS


def _mm(a, b):
    return lax.dot_general(a, b, (((1,), (0,)), ((), ())),
                           preferred_element_type=_f32)


def _mmT(a, b):
    return lax.dot_general(a, b, (((1,), (1,)), ((), ())),
                           preferred_element_type=_f32)


def _ln(z):
    mu = jnp.mean(z, axis=-1, keepdims=True)
    zc = z - mu
    var = jnp.mean(zc * zc, axis=-1, keepdims=True)
    sig = jnp.sqrt(var + LN_EPS)
    return zc / sig, sig


def _ln_bwd(gy, y, sig):
    return (gy - jnp.mean(gy, axis=-1, keepdims=True)
            - y * jnp.mean(gy * y, axis=-1, keepdims=True)) / sig



def _sc_mesh():
    return plsc.VectorSubcoreMesh(core_axis_name="c", subcore_axis_name="s")


def _wid():
    return lax.axis_index("s") * _NC + lax.axis_index("c")


def _gather2_body(tbl, idxa, idxb, outa, outb,
                  ia_v, ib_v, ra_v, rb_v, sia, sib, sga, sgb, swa, swb):
    base = _wid() * _EPW
    cia = pltpu.async_copy(idxa.at[pl.ds(base, _EPW)], ia_v, sia)
    cib = pltpu.async_copy(idxb.at[pl.ds(base, _EPW)], ib_v, sib)
    cia.wait()
    cga = pltpu.async_copy(tbl.at[ia_v], ra_v, sga)
    cib.wait()
    cgb = pltpu.async_copy(tbl.at[ib_v], rb_v, sgb)
    cga.wait()
    cwa = pltpu.async_copy(ra_v, outa.at[pl.ds(base, _EPW)], swa)
    cgb.wait()
    cwb = pltpu.async_copy(rb_v, outb.at[pl.ds(base, _EPW)], swb)
    cwa.wait()
    cwb.wait()


@functools.cache
def _mk_gather2():
    return pl.kernel(
        _gather2_body,
        out_type=[jax.ShapeDtypeStruct((E, LATENT), _f32),
                  jax.ShapeDtypeStruct((E, LATENT), _f32)],
        mesh=_sc_mesh(),
        scratch_types=[pltpu.VMEM((_EPW,), jnp.int32),
                       pltpu.VMEM((_EPW,), jnp.int32),
                       pltpu.VMEM((_EPW, LATENT), _f32),
                       pltpu.VMEM((_EPW, LATENT), _f32)]
        + [pltpu.SemaphoreType.DMA] * 6,
    )


def _gather2(tbl, ia, ib):
    return _mk_gather2()(tbl, ia, ib)


def _gather1_body(tbl, idxa, outa, idx_v, rows_v, sem):
    base = _wid() * _EPW
    pltpu.sync_copy(idxa.at[pl.ds(base, _EPW)], idx_v)
    pltpu.async_copy(tbl.at[idx_v], rows_v, sem).wait()
    pltpu.sync_copy(rows_v, outa.at[pl.ds(base, _EPW)])


@functools.cache
def _mk_gather1():
    return pl.kernel(
        _gather1_body,
        out_type=jax.ShapeDtypeStruct((E, LATENT), _f32),
        mesh=_sc_mesh(),
        scratch_types=[pltpu.VMEM((_EPW,), jnp.int32),
                       pltpu.VMEM((_EPW, LATENT), _f32),
                       pltpu.SemaphoreType.DMA],
    )


def _gather1(tbl, ia):
    return _mk_gather1()(tbl, ia)


def _scat1_body(src, idx, init, out, acc, idx_v, rows_v, s0, s1, s2):
    c = lax.axis_index("c")
    s = lax.axis_index("s")
    base = _wid() * _EPW
    rbase = s * _RPT
    ci = pltpu.async_copy(init.at[pl.ds(rbase, _RPT)],
                          acc.at[pl.ds(rbase, _RPT)], s0)
    cx = pltpu.async_copy(idx.at[pl.ds(base, _EPW)], idx_v, s1)
    cs = pltpu.async_copy(src.at[pl.ds(base, _EPW)], rows_v, s2)
    ci.wait()
    cx.wait()
    cs.wait()
    plsc.subcore_barrier()
    pltpu.sync_copy(rows_v, acc.at[idx_v], add=True)
    plsc.subcore_barrier()
    pltpu.sync_copy(acc.at[pl.ds(rbase, _RPT)], out.at[c, pl.ds(rbase, _RPT)])


@functools.cache
def _mk_scat1():
    return pl.kernel(
        _scat1_body,
        out_type=jax.ShapeDtypeStruct((_NC, N, LATENT), _f32),
        mesh=_sc_mesh(),
        scratch_types=[pltpu.VMEM_SHARED((N, LATENT), _f32),
                       pltpu.VMEM((_EPW,), jnp.int32),
                       pltpu.VMEM((_EPW, LATENT), _f32)]
        + [pltpu.SemaphoreType.DMA] * 3,
    )


def _scat1(src_, idx, init):
    return _mk_scat1()(src_, idx, init)


def _scat2_body(srca, idxa, srcb, idxb, init, zeros, out, acc,
                ia_v, ib_v, ra_v, rb_v, s0, s1, s2, s3, s4):
    c = lax.axis_index("c")
    s = lax.axis_index("s")
    base = _wid() * _EPW
    rbase = s * _RPT

    @pl.when(c == 0)
    def _():
        pltpu.async_copy(init.at[pl.ds(rbase, _RPT)],
                         acc.at[pl.ds(rbase, _RPT)], s0).wait()

    @pl.when(c != 0)
    def _():
        pltpu.async_copy(zeros.at[pl.ds(rbase, _RPT)],
                         acc.at[pl.ds(rbase, _RPT)], s0).wait()

    ca = pltpu.async_copy(idxa.at[pl.ds(base, _EPW)], ia_v, s1)
    cb = pltpu.async_copy(idxb.at[pl.ds(base, _EPW)], ib_v, s2)
    cra = pltpu.async_copy(srca.at[pl.ds(base, _EPW)], ra_v, s3)
    crb = pltpu.async_copy(srcb.at[pl.ds(base, _EPW)], rb_v, s4)
    ca.wait()
    cb.wait()
    cra.wait()
    crb.wait()
    plsc.subcore_barrier()
    pltpu.sync_copy(ra_v, acc.at[ia_v], add=True)
    pltpu.sync_copy(rb_v, acc.at[ib_v], add=True)
    plsc.subcore_barrier()
    pltpu.sync_copy(acc.at[pl.ds(rbase, _RPT)], out.at[c, pl.ds(rbase, _RPT)])


@functools.cache
def _mk_scat2():
    return pl.kernel(
        _scat2_body,
        out_type=jax.ShapeDtypeStruct((_NC, N, LATENT), _f32),
        mesh=_sc_mesh(),
        scratch_types=[pltpu.VMEM_SHARED((N, LATENT), _f32),
                       pltpu.VMEM((_EPW,), jnp.int32),
                       pltpu.VMEM((_EPW,), jnp.int32),
                       pltpu.VMEM((_EPW, LATENT), _f32),
                       pltpu.VMEM((_EPW, LATENT), _f32)]
        + [pltpu.SemaphoreType.DMA] * 5,
    )


def _scat2(sa, ia, sb, ib, init, zeros):
    return _mk_scat2()(sa, ia, sb, ib, init, zeros)



def _eblk(i):
    return (i, 0)


def _full(i):
    return (0, 0)


def _espec(w=LATENT):
    return pl.BlockSpec((_EB, w), _eblk)


def _wspec(shape):
    return pl.BlockSpec(shape, _full)


def _enc_node_body(nodes, Wn0, bn0, Wn1, bn1, V0):
    a = jnp.maximum(_mm(nodes[...], Wn0[...]) + bn0[...], 0.0)
    V0[...], _ = _ln(_mm(a, Wn1[...]) + bn1[...])


def _run_enc_node(nodes, Wn0, bn0, Wn1, bn1):
    return pl.pallas_call(
        _enc_node_body,
        out_shape=jax.ShapeDtypeStruct((N, LATENT), _f32),
    )(nodes, Wn0, bn0, Wn1, bn1)


def _enc_edge_body(state, t2, w10, b10, W11, b11, w20, b20, W21, b21, Eh0):
    st = state[...]
    a1 = jnp.maximum(st * w10[...] + b10[...], 0.0)
    e1, _ = _ln(_mm(a1, W11[...]) + b11[...])
    a2 = jnp.maximum(st * w20[...] + b20[...], 0.0)
    e2, _ = _ln(_mm(a2, W21[...]) + b21[...])
    Eh0[...] = e1 + t2[...] * (e2 - e1)


def _run_enc_edge(state_col, t2_col, ew):
    return pl.pallas_call(
        _enc_edge_body,
        grid=(_NEB,),
        in_specs=[pl.BlockSpec((_EB, 1), _eblk), pl.BlockSpec((_EB, 1), _eblk)]
        + [_wspec(w.shape) for w in ew],
        out_specs=_espec(),
        out_shape=jax.ShapeDtypeStruct((E, LATENT), _f32),
    )(state_col, t2_col, *ew)


def _edge_fwd_body(Eh, Vs, Vr, P0, p0, P1, p1, Ehn, h_o, m_o, sig_o):
    c = jnp.concatenate([Eh[...], Vs[...], Vr[...]], axis=-1)
    h = jnp.maximum(_mm(c, P0[...]) + p0[...], 0.0)
    m, sig = _ln(_mm(h, P1[...]) + p1[...])
    Ehn[...] = Eh[...] + m
    h_o[...] = h
    m_o[...] = m
    sig_o[...] = sig


def _run_edge_fwd(Eh, Vs, Vr, pw):
    return pl.pallas_call(
        _edge_fwd_body,
        grid=(_NEB,),
        in_specs=[_espec(), _espec(), _espec()]
        + [_wspec(w.shape) for w in pw],
        out_specs=[_espec(), _espec(), _espec(), pl.BlockSpec((_EB, 1), _eblk)],
        out_shape=[jax.ShapeDtypeStruct((E, LATENT), _f32)] * 3
        + [jax.ShapeDtypeStruct((E, 1), _f32)],
    )(Eh, Vs, Vr, *pw)


def _node_fwd_body(V, aggp, Q0, q0, Q1, q1, Vn, k_o, u_o, sig_o):
    agg = aggp[0] + aggp[1]
    d = jnp.concatenate([V[...], agg], axis=-1)
    k = jnp.maximum(_mm(d, Q0[...]) + q0[...], 0.0)
    u, sig = _ln(_mm(k, Q1[...]) + q1[...])
    Vn[...] = V[...] + u
    k_o[...] = k
    u_o[...] = u
    sig_o[...] = sig


def _run_node_fwd(V, aggp, qw):
    return pl.pallas_call(
        _node_fwd_body,
        out_shape=[jax.ShapeDtypeStruct((N, LATENT), _f32)] * 3
        + [jax.ShapeDtypeStruct((N, 1), _f32)],
    )(V, aggp, *qw)


def _mid_body(Eh, Vs, Vr, t2, P0, p0, P1, p1,
              A0, a0, A1, a1, a2r, B0, b0, B1, b1, b2r,
              gE_o, gcs_o, gcr_o):
    c = jnp.concatenate([Eh[...], Vs[...], Vr[...]], axis=-1)
    h = jnp.maximum(_mm(c, P0[...]) + p0[...], 0.0)
    m, sig = _ln(_mm(h, P1[...]) + p1[...])
    Eh3 = Eh[...] + m
    t2v = t2[...]
    y11 = jnp.maximum(_mm(Eh3, A0[...]) + a0[...], 0.0)
    y12 = jnp.maximum(_mm(y11, A1[...]) + a1[...], 0.0)
    y21 = jnp.maximum(_mm(Eh3, B0[...]) + b0[...], 0.0)
    y22 = jnp.maximum(_mm(y21, B1[...]) + b1[...], 0.0)
    g12 = (1.0 - t2v) * a2r[...] * (y12 > 0)
    g11 = _mmT(g12, A1[...]) * (y11 > 0)
    gE = _mmT(g11, A0[...])
    g22 = t2v * b2r[...] * (y22 > 0)
    g21 = _mmT(g22, B1[...]) * (y21 > 0)
    gE = gE + _mmT(g21, B0[...])
    gz = _ln_bwd(gE, m, sig)
    gh = _mmT(gz, P1[...]) * (h > 0)
    gc = _mmT(gh, P0[...])
    gE_o[...] = gE + gc[:, :LATENT]
    gcs_o[...] = gc[:, LATENT:2 * LATENT]
    gcr_o[...] = gc[:, 2 * LATENT:]


def _run_mid(Eh, Vs, Vr, t2_col, pw, dw):
    return pl.pallas_call(
        _mid_body,
        grid=(_NEB,),
        in_specs=[_espec(), _espec(), _espec(), pl.BlockSpec((_EB, 1), _eblk)]
        + [_wspec(w.shape) for w in pw + dw],
        out_specs=[_espec(), _espec(), _espec()],
        out_shape=[jax.ShapeDtypeStruct((E, LATENT), _f32)] * 3,
    )(Eh, Vs, Vr, t2_col, *pw, *dw)


def _node_bwd_body(gVp, u, sigw, k, Q0, Q1, gVmid_o, gagg_o):
    gV = gVp[0] + gVp[1]
    gw = _ln_bwd(gV, u[...], sigw[...])
    gk = _mmT(gw, Q1[...]) * (k[...] > 0)
    gd = _mmT(gk, Q0[...])
    gVmid_o[...] = gV + gd[:, :LATENT]
    gagg_o[...] = gd[:, LATENT:]


def _run_node_bwd(gVp, u, sigw, k, Q0, Q1):
    return pl.pallas_call(
        _node_bwd_body,
        out_shape=[jax.ShapeDtypeStruct((N, LATENT), _f32)] * 2,
    )(gVp, u, sigw, k, Q0, Q1)


def _edge_bwd_body(gE_in, garr, m, sig, h, P0, P1, gE_o, gcs_o, gcr_o):
    gE = gE_in[...] + garr[...]
    gz = _ln_bwd(gE, m[...], sig[...])
    gh = _mmT(gz, P1[...]) * (h[...] > 0)
    gc = _mmT(gh, P0[...])
    gE_o[...] = gE + gc[:, :LATENT]
    gcs_o[...] = gc[:, LATENT:2 * LATENT]
    gcr_o[...] = gc[:, 2 * LATENT:]


def _run_edge_bwd(gE_in, garr, m, sig, h, P0, P1):
    return pl.pallas_call(
        _edge_bwd_body,
        grid=(_NEB,),
        in_specs=[_espec(), _espec(), _espec(), pl.BlockSpec((_EB, 1), _eblk),
                  _espec(), _wspec(P0.shape), _wspec(P1.shape)],
        out_specs=[_espec(), _espec(), _espec()],
        out_shape=[jax.ShapeDtypeStruct((E, LATENT), _f32)] * 3,
    )(gE_in, garr, m, sig, h, P0, P1)


def _edge_bwd0_enc_body(gE_in, garr, m, sig, h, P0, P1,
                        state, t2, w10, b10, W11, b11, w20, b20, W21, b21,
                        dH_o):
    gE = gE_in[...] + garr[...]
    gz = _ln_bwd(gE, m[...], sig[...])
    gh = _mmT(gz, P1[...]) * (h[...] > 0)
    gc = _mmT(gh, P0[...])
    gE0 = gE + gc[:, :LATENT]
    st = state[...]
    t2v = t2[...]
    a1 = jnp.maximum(st * w10[...] + b10[...], 0.0)
    e1, sig1 = _ln(_mm(a1, W11[...]) + b11[...])
    a2 = jnp.maximum(st * w20[...] + b20[...], 0.0)
    e2, sig2 = _ln(_mm(a2, W21[...]) + b21[...])
    gz1 = _ln_bwd((1.0 - t2v) * gE0, e1, sig1)
    ga1 = _mmT(gz1, W11[...]) * (a1 > 0)
    gs1 = jnp.sum(ga1 * w10[...], axis=-1, keepdims=True)
    gz2 = _ln_bwd(t2v * gE0, e2, sig2)
    ga2 = _mmT(gz2, W21[...]) * (a2 > 0)
    gs2 = jnp.sum(ga2 * w20[...], axis=-1, keepdims=True)
    dH_o[...] = gs1 + gs2


def _run_edge_bwd0_enc(gE_in, garr, m, sig, h, P0, P1, state_col, t2_col, ew):
    return pl.pallas_call(
        _edge_bwd0_enc_body,
        grid=(_NEB,),
        in_specs=[_espec(), _espec(), _espec(), pl.BlockSpec((_EB, 1), _eblk),
                  _espec(), _wspec(P0.shape), _wspec(P1.shape),
                  pl.BlockSpec((_EB, 1), _eblk), pl.BlockSpec((_EB, 1), _eblk)]
        + [_wspec(w.shape) for w in ew],
        out_specs=pl.BlockSpec((_EB, 1), _eblk),
        out_shape=jax.ShapeDtypeStruct((E, 1), _f32),
    )(gE_in, garr, m, sig, h, P0, P1, state_col, t2_col, *ew)


_JBLK = 256


def _jg_body(J_ref, g_ref, dHr_ref, dHc_ref, ctrl_ref, state_ref,
             out_ref, acc_ref):
    i = pl.program_id(0)

    @pl.when(i == 0)
    def _():
        acc_ref[...] = jnp.zeros_like(acc_ref)

    rows = lax.broadcasted_iota(jnp.int32, (_JBLK, E), 0) + i * _JBLK
    cols = lax.broadcasted_iota(jnp.int32, (_JBLK, E), 1)
    Jm = J_ref[...] * (cols >= rows).astype(_f32)
    y_rows = jnp.sum(Jm * dHr_ref[...], axis=1)
    cc = jnp.sum(Jm * dHc_ref[...], axis=0)
    acc_ref[0, :] = acc_ref[0, :] + cc
    gc = jnp.sum(g_ref[...] * ctrl_ref[...], axis=1)
    y_cols = acc_ref[0, pl.ds(i * _JBLK, _JBLK)]
    out_ref[:, 0] = state_ref[:, 0] + DT * (y_rows - y_cols + gc)


def _run_jg(J, g, dH_row, dH_col, ctrl_row, state_col):
    return pl.pallas_call(
        _jg_body,
        grid=(E // _JBLK,),
        in_specs=[
            pl.BlockSpec((_JBLK, E), _eblk),
            pl.BlockSpec((_JBLK, E), _eblk),
            pl.BlockSpec((1, E), _full),
            pl.BlockSpec((_JBLK, 1), _eblk),
            pl.BlockSpec((1, E), _full),
            pl.BlockSpec((_JBLK, 1), _eblk),
        ],
        out_specs=pl.BlockSpec((_JBLK, 1), _eblk),
        out_shape=jax.ShapeDtypeStruct((E, 1), _f32),
        scratch_shapes=[pltpu.VMEM((1, E), _f32)],
    )(J, g, dH_row, dH_col, ctrl_row, state_col)



def kernel(nodes, state, senders, receivers, type2_mask, control, J, g, params):
    state_col = state[:, None]
    send = senders if senders.dtype == jnp.int32 else senders.astype(jnp.int32)
    recv = (receivers if receivers.dtype == jnp.int32
            else receivers.astype(jnp.int32))
    t2_col = type2_mask[:, None].astype(_f32)

    def row(v):
        return v.reshape(1, -1)

    pe = params
    nw = (pe["enc_node"][0][0], row(pe["enc_node"][0][1]),
          pe["enc_node"][1][0], row(pe["enc_node"][1][1]))
    ew = (pe["enc_e1"][0][0], row(pe["enc_e1"][0][1]),
          pe["enc_e1"][1][0], row(pe["enc_e1"][1][1]),
          pe["enc_e2"][0][0], row(pe["enc_e2"][0][1]),
          pe["enc_e2"][1][0], row(pe["enc_e2"][1][1]))
    pw = (pe["proc_edge"][0][0], row(pe["proc_edge"][0][1]),
          pe["proc_edge"][1][0], row(pe["proc_edge"][1][1]))
    qw = (pe["proc_node"][0][0], row(pe["proc_node"][0][1]),
          pe["proc_node"][1][0], row(pe["proc_node"][1][1]))
    dw = (pe["dec_e1"][0][0], row(pe["dec_e1"][0][1]),
          pe["dec_e1"][1][0], row(pe["dec_e1"][1][1]),
          row(pe["dec_e1"][2][0][:, 0]),
          pe["dec_e2"][0][0], row(pe["dec_e2"][0][1]),
          pe["dec_e2"][1][0], row(pe["dec_e2"][1][1]),
          row(pe["dec_e2"][2][0][:, 0]))
    Q0, Q1 = qw[0], qw[2]
    P0, P1 = pw[0], pw[2]

    znp = jnp.asarray(np.zeros((N, LATENT), np.float32))

    V0 = _run_enc_node(nodes, *nw)
    Eh0 = _run_enc_edge(state_col, t2_col, ew)

    Vs0, Vr0 = _gather2(V0, send, recv)
    Eh1, h0, m0, sz0 = _run_edge_fwd(Eh0, Vs0, Vr0, pw)
    aggp0 = _scat1(Eh1, recv, znp)
    V1, k0, u0, sw0 = _run_node_fwd(V0, aggp0, qw)

    Vs1, Vr1 = _gather2(V1, send, recv)
    Eh2, h1, m1, sz1 = _run_edge_fwd(Eh1, Vs1, Vr1, pw)
    aggp1 = _scat1(Eh2, recv, znp)
    V2, k1, u1, sw1 = _run_node_fwd(V1, aggp1, qw)

    Vs2, Vr2 = _gather2(V2, send, recv)
    gE2, gcs2, gcr2 = _run_mid(Eh2, Vs2, Vr2, t2_col, pw, dw)

    gVp2 = _scat2(gcs2, send, gcr2, recv, znp, znp)
    gVmid1, gagg1 = _run_node_bwd(gVp2, u1, sw1, k1, Q0, Q1)
    garr1 = _gather1(gagg1, recv)
    gE1, gcs1, gcr1 = _run_edge_bwd(gE2, garr1, m1, sz1, h1, P0, P1)

    gVp1 = _scat2(gcs1, send, gcr1, recv, gVmid1, znp)
    _, gagg0 = _run_node_bwd(gVp1, u0, sw0, k0, Q0, Q1)
    garr0 = _gather1(gagg0, recv)
    dH_col = _run_edge_bwd0_enc(gE1, garr0, m0, sz0, h0, P0, P1,
                                state_col, t2_col, ew)

    dH_row = dH_col.reshape(1, E)
    next_col = _run_jg(J, g, dH_row, dH_col, control.reshape(1, E), state_col)
    return next_col[:, 0]

# --- scband reference (transcript-rebuilt; emitter-appended) ---
"""Pipeline reference for scband-lcgns-3100966388023 (READ-ONLY COPY).

The authoritative reference and input builder live on the scoring server;
editing this copy changes nothing except your own understanding.
"""

import jax, jax.numpy as jnp
import numpy as np

N = 1024
E = 4096
D_NODE = 8
LATENT = 128
HIDDEN = 2
MP = 3
DT = 0.01


def init_mlp(key, sizes):
    ps = []
    for i in range(len(sizes) - 1):
        key, k1 = jax.random.split(key)
        W = jax.random.normal(k1, (sizes[i], sizes[i + 1]), dtype=jnp.float32) * (1.0 / np.sqrt(sizes[i]))
        b = jnp.zeros((sizes[i + 1],), dtype=jnp.float32)
        ps.append((W, b))
    return ps


def mlp_apply(ps, x, layer_norm=False):
    n = len(ps)
    for i, (W, b) in enumerate(ps):
        x = x @ W + b
        if i < n - 1:
            x = jax.nn.relu(x)
    if layer_norm:
        mu = x.mean(-1, keepdims=True)
        var = x.var(-1, keepdims=True)
        x = (x - mu) / jnp.sqrt(var + 1e-6)
    return x


def setup_inputs(seed: int = 0):
    key = jax.random.key(seed)
    ks = jax.random.split(key, 16)
    nodes = jax.random.normal(ks[0], (N, D_NODE), dtype=jnp.float32)
    state = jax.random.normal(ks[1], (E,), dtype=jnp.float32)
    senders = jax.random.randint(ks[2], (E,), 0, N)
    receivers = jax.random.randint(ks[3], (E,), 0, N)
    control = jax.random.normal(ks[4], (E,), dtype=jnp.float32) * 0.1
    J = jax.random.normal(ks[5], (E, E), dtype=jnp.float32) * (1.0 / np.sqrt(E))
    g = jax.random.normal(ks[6], (E, E), dtype=jnp.float32) * (1.0 / np.sqrt(E))
    type2_mask = jnp.arange(E) >= (E // 2)
    params = {
        "enc_node": init_mlp(ks[7], [D_NODE] + [LATENT] * HIDDEN),
        "enc_e1": init_mlp(ks[8], [1] + [LATENT] * HIDDEN),
        "enc_e2": init_mlp(ks[9], [1] + [LATENT] * HIDDEN),
        "proc_edge": init_mlp(ks[10], [3 * LATENT] + [LATENT] * HIDDEN),
        "proc_node": init_mlp(ks[11], [2 * LATENT] + [LATENT] * HIDDEN),
        "dec_e1": init_mlp(ks[12], [LATENT] * (HIDDEN + 1) + [1]),
        "dec_e2": init_mlp(ks[13], [LATENT] * (HIDDEN + 1) + [1]),
    }
    return {"nodes": nodes, "state": state, "senders": senders, "receivers": receivers,
            "type2_mask": type2_mask, "control": control, "J": J, "g": g, "params": params}


def _h_from_state(state, nodes, params, senders, receivers, type2_mask):
    # graph_from_state: per-edge scalar state becomes edge features
    edges = state[:, None]
    # heterogeneous encoder: shared node MLP, per-edge-type edge MLPs
    V = mlp_apply(params["enc_node"], nodes, layer_norm=True)
    e1 = mlp_apply(params["enc_e1"], edges, layer_norm=True)
    e2 = mlp_apply(params["enc_e2"], edges, layer_norm=True)
    Eh = jnp.where(type2_mask[:, None], e2, e1)
    # message-passing processor (shared params across steps, residual updates)
    for _ in range(MP):
        edge_in = jnp.concatenate([Eh, V[senders], V[receivers]], axis=-1)
        Eh = Eh + mlp_apply(params["proc_edge"], edge_in, layer_norm=True)
        agg = jax.ops.segment_sum(Eh, receivers, num_segments=N)
        node_in = jnp.concatenate([V, agg], axis=-1)
        V = V + mlp_apply(params["proc_node"], node_in, layer_norm=True)
    # heterogeneous edge decoders -> per-edge scalar energy; H = sum(edges)
    d1 = mlp_apply(params["dec_e1"], Eh)
    d2 = mlp_apply(params["dec_e2"], Eh)
    dec_edges = jnp.where(type2_mask[:, None], d2, d1)
    return jnp.sum(dec_edges)


def reference(nodes, state, senders, receivers, type2_mask, control, J, g, params):
    # H(x) and dH/dx (port-Hamiltonian dynamics)
    dH = jax.grad(_h_from_state, argnums=0)(state, nodes, params, senders, receivers, type2_mask)
    # learned J (antisymmetrized via triu, as in get_learned_J) and g
    J_triu = jnp.triu(J)
    J_anti = J_triu - J_triu.T
    dyn = J_anti @ dH + g @ control
    # euler integrator, T=1
    next_state = state + DT * dyn
    return next_state

if __name__ == "__main__":
    import jax
    _d = setup_inputs()
    print(jax.jit(kernel)(*tuple(_d.values())))

</pallas_src>

<mosaic_0001>
#map = affine_map<(d0, d1) -> (0, 0)>
#map1 = affine_map<(d0, d1) -> (0)>
#map2 = affine_map<(d0, d1) -> (0, 0, 0)>
module attributes {stable_mosaic.version = 14 : i64} {
  func.func @_scat1_body(%arg0: i32, %arg1: i32, %arg2: memref<4096x128xf32, #tpu.memory_space<hbm>>, %arg3: memref<4096xi32, #tpu.memory_space<hbm>>, %arg4: memref<1024x128xf32, #tpu.memory_space<hbm>>, %arg5: memref<2x1024x128xf32, #tpu.memory_space<hbm>>, %arg6: memref<1024x128xf32, #tpu.memory_space<vmem_shared>>, %arg7: memref<128xi32, #tpu.memory_space<vmem>>, %arg8: memref<128x128xf32, #tpu.memory_space<vmem>>, %arg9: memref<!tpu.dma_semaphore, #tpu.memory_space<semaphore_mem>>, %arg10: memref<!tpu.dma_semaphore, #tpu.memory_space<semaphore_mem>>, %arg11: memref<!tpu.dma_semaphore, #tpu.memory_space<semaphore_mem>>) attributes {dimension_semantics = [#tpu.dimension_semantics<core_parallel>, #tpu.dimension_semantics<subcore_parallel>], iteration_bounds = array<i64: 2, 16>, scalar_prefetch = 0 : i64, scratch_operands = 6 : i64, tpu.core_type = #tpu.core_type<sc_vector_subcore>, window_params = [{transform_indices = #map}, {transform_indices = #map1}, {transform_indices = #map}, {transform_indices = #map2}]} {
    %mul3A = arith.constant 2 : i32
    %mul3A_0 = arith.muli %arg1, %mul3A : i32
    %add3A = arith.addi %mul3A_0, %arg0 : i32
    %mul3A_1 = arith.constant 128 : i32
    %mul3A_2 = arith.muli %add3A, %mul3A_1 : i32
    %mul3A_3 = arith.constant 64 : i32
    %mul3A_4 = arith.muli %arg1, %mul3A_3 : i32
    %dma_start3A = arith.constant 0 : i32
    %dma_start3A_5 = tpu.memref_slice %arg6[%mul3A_4, %dma_start3A] : memref<1024x128xf32, #tpu.memory_space<vmem_shared>> -> memref<64x128xf32, #tpu.memory_space<vmem_shared>>
    %dma_start3A_6 = arith.constant 0 : i32
    %dma_start3A_7 = tpu.memref_slice %arg4[%mul3A_4, %dma_start3A_6] : memref<1024x128xf32, #tpu.memory_space<hbm>> -> memref<64x128xf32, #tpu.memory_space<hbm>>
    tpu.enqueue_dma source(%dma_start3A_7 : memref<64x128xf32, #tpu.memory_space<hbm>>) target(%dma_start3A_5 : memref<64x128xf32, #tpu.memory_space<vmem_shared>>) target_semaphore(%arg9 : memref<!tpu.dma_semaphore, #tpu.memory_space<semaphore_mem>>)
    %dma_start3A_8 = tpu.memref_slice %arg3[%mul3A_2] : memref<4096xi32, #tpu.memory_space<hbm>> -> memref<128xi32, #tpu.memory_space<hbm>>
    %dma_start3A_9 = tpu.memref_slice %arg3[%mul3A_2] : memref<4096xi32, #tpu.memory_space<hbm>> -> memref<128xi32, #tpu.memory_space<hbm>>
    tpu.enqueue_dma source(%dma_start3A_9 : memref<128xi32, #tpu.memory_space<hbm>>) target(%arg7 : memref<128xi32, #tpu.memory_space<vmem>>) target_semaphore(%arg10 : memref<!tpu.dma_semaphore, #tpu.memory_space<semaphore_mem>>)
    %dma_start3A_10 = arith.constant 0 : i32
    %dma_start3A_11 = tpu.memref_slice %arg2[%mul3A_2, %dma_start3A_10] : memref<4096x128xf32, #tpu.memory_space<hbm>> -> memref<128x128xf32, #tpu.memory_space<hbm>>
    %dma_start3A_12 = arith.constant 0 : i32
    %dma_start3A_13 = tpu.memref_slice %arg2[%mul3A_2, %dma_start3A_12] : memref<4096x128xf32, #tpu.memory_space<hbm>> -> memref<128x128xf32, #tpu.memory_space<hbm>>
    tpu.enqueue_dma source(%dma_start3A_13 : memref<128x128xf32, #tpu.memory_space<hbm>>) target(%arg8 : memref<128x128xf32, #tpu.memory_space<vmem>>) target_semaphore(%arg11 : memref<!tpu.dma_semaphore, #tpu.memory_space<semaphore_mem>>)
    %dma_wait3A = arith.constant 0 : i32
    %dma_wait3A_14 = tpu.memref_slice %arg6[%mul3A_4, %dma_wait3A] : memref<1024x128xf32, #tpu.memory_space<vmem_shared>> -> memref<64x128xf32, #tpu.memory_space<vmem_shared>>
    %dma_wait3A_15 = arith.constant 0 : i32
    %dma_wait3A_16 = tpu.memref_slice %arg4[%mul3A_4, %dma_wait3A_15] : memref<1024x128xf32, #tpu.memory_space<hbm>> -> memref<64x128xf32, #tpu.memory_space<hbm>>
    tpu.wait_dma2 semaphore(%arg9 : memref<!tpu.dma_semaphore, #tpu.memory_space<semaphore_mem>>) src(%dma_wait3A_16 : memref<64x128xf32, #tpu.memory_space<hbm>>) dst(%dma_wait3A_14 : memref<64x128xf32, #tpu.memory_space<vmem_shared>>)
    %dma_wait3A_17 = tpu.memref_slice %arg3[%mul3A_2] : memref<4096xi32, #tpu.memory_space<hbm>> -> memref<128xi32, #tpu.memory_space<hbm>>
    %dma_wait3A_18 = tpu.memref_slice %arg3[%mul3A_2] : memref<4096xi32, #tpu.memory_space<hbm>> -> memref<128xi32, #tpu.memory_space<hbm>>
    tpu.wait_dma2 semaphore(%arg10 : memref<!tpu.dma_semaphore, #tpu.memory_space<semaphore_mem>>) src(%dma_wait3A_18 : memref<128xi32, #tpu.memory_space<hbm>>) dst(%arg7 : memref<128xi32, #tpu.memory_space<vmem>>)
    %dma_wait3A_19 = arith.constant 0 : i32
    %dma_wait3A_20 = tpu.memref_slice %arg2[%mul3A_2, %dma_wait3A_19] : memref<4096x128xf32, #tpu.memory_space<hbm>> -> memref<128x128xf32, #tpu.memory_space<hbm>>
    %dma_wait3A_21 = arith.constant 0 : i32
    %dma_wait3A_22 = tpu.memref_slice %arg2[%mul3A_2, %dma_wait3A_21] : memref<4096x128xf32, #tpu.memory_space<hbm>> -> memref<128x128xf32, #tpu.memory_space<hbm>>
    tpu.wait_dma2 semaphore(%arg11 : memref<!tpu.dma_semaphore, #tpu.memory_space<semaphore_mem>>) src(%dma_wait3A_22 : memref<128x128xf32, #tpu.memory_space<hbm>>) dst(%arg8 : memref<128x128xf32, #tpu.memory_space<vmem>>)
    %barrier3A = arith.constant 0 : index
    tpu.barrier barrier_id(%barrier3A)
    "tpu.region"() ({
      %run_scoped3A = tpu.sem_alloc : memref<!tpu.dma_semaphore, #tpu.memory_space<semaphore_mem>>
      %dma_start3A_24 = arith.constant 0 : i32
      %dma_start3A_25 = arith.constant 0 : i32
      %dma_start3A_26 = tpu.memref_slice %arg6[%dma_start3A_24, %dma_start3A_25] : memref<1024x128xf32, #tpu.memory_space<vmem_shared>> -> memref<1024x128xf32, #tpu.memory_space<vmem_shared>>
      tpu.enqueue_indirect_dma source(%arg8 : memref<128x128xf32, #tpu.memory_space<vmem>>) target(%dma_start3A_26 : memref<1024x128xf32, #tpu.memory_space<vmem_shared>>) offsets(%arg7 : memref<128xi32, #tpu.memory_space<vmem>>) semaphore(%run_scoped3A : memref<!tpu.dma_semaphore, #tpu.memory_space<semaphore_mem>>) {add = true}
      %dma_wait3A_27 = arith.constant 0 : i32
      %dma_wait3A_28 = arith.constant 0 : i32
      %dma_wait3A_29 = tpu.memref_slice %arg6[%dma_wait3A_27, %dma_wait3A_28] : memref<1024x128xf32, #tpu.memory_space<vmem_shared>> -> memref<1024x128xf32, #tpu.memory_space<vmem_shared>>
      tpu.wait_indirect_dma semaphore(%run_scoped3A : memref<!tpu.dma_semaphore, #tpu.memory_space<semaphore_mem>>) src(%arg8 : memref<128x128xf32, #tpu.memory_space<vmem>>) dst(%dma_wait3A_29 : memref<1024x128xf32, #tpu.memory_space<vmem_shared>>)
      tpu.yield
    }) : () -> ()
    %barrier3A_23 = arith.constant 0 : index
    tpu.barrier barrier_id(%barrier3A_23)
    "tpu.region"() ({
      %run_scoped3A = tpu.sem_alloc : memref<!tpu.dma_semaphore, #tpu.memory_space<semaphore_mem>>
      %dma_start3A_24 = arith.constant 0 : i32
      %dma_start3A_25 = tpu.memref_slice %arg5[%arg0, %mul3A_4, %dma_start3A_24] : memref<2x1024x128xf32, #tpu.memory_space<hbm>> -> memref<1x64x128xf32, #tpu.memory_space<hbm>>
      %dma_start3A_26 = tpu.memref_squeeze %dma_start3A_25 : memref<1x64x128xf32, #tpu.memory_space<hbm>> -> memref<64x128xf32, #tpu.memory_space<hbm>>
      %dma_start3A_27 = arith.constant 0 : i32
      %dma_start3A_28 = tpu.memref_slice %arg6[%mul3A_4, %dma_start3A_27] : memref<1024x128xf32, #tpu.memory_space<vmem_shared>> -> memref<64x128xf32, #tpu.memory_space<vmem_shared>>
      tpu.enqueue_dma source(%dma_start3A_28 : memref<64x128xf32, #tpu.memory_space<vmem_shared>>) target(%dma_start3A_26 : memref<64x128xf32, #tpu.memory_space<hbm>>) target_semaphore(%run_scoped3A : memref<!tpu.dma_semaphore, #tpu.memory_space<semaphore_mem>>)
      %dma_wait3A_29 = arith.constant 0 : i32
      %dma_wait3A_30 = tpu.memref_slice %arg5[%arg0, %mul3A_4, %dma_wait3A_29] : memref<2x1024x128xf32, #tpu.memory_space<hbm>> -> memref<1x64x128xf32, #tpu.memory_space<hbm>>
      %dma_wait3A_31 = tpu.memref_squeeze %dma_wait3A_30 : memref<1x64x128xf32, #tpu.memory_space<hbm>> -> memref<64x128xf32, #tpu.memory_space<hbm>>
      %dma_wait3A_32 = arith.constant 0 : i32
      %dma_wait3A_33 = tpu.memref_slice %arg6[%mul3A_4, %dma_wait3A_32] : memref<1024x128xf32, #tpu.memory_space<vmem_shared>> -> memref<64x128xf32, #tpu.memory_space<vmem_shared>>
      tpu.wait_dma2 semaphore(%run_scoped3A : memref<!tpu.dma_semaphore, #tpu.memory_space<semaphore_mem>>) src(%dma_wait3A_33 : memref<64x128xf32, #tpu.memory_space<vmem_shared>>) dst(%dma_wait3A_31 : memref<64x128xf32, #tpu.memory_space<hbm>>)
      tpu.yield
    }) : () -> ()
    return
  }
}

#map = affine_map<(d0, d1) -> (0, 0)>
#map1 = affine_map<(d0, d1) -> (0)>
#map2 = affine_map<(d0, d1) -> (0, 0, 0)>
module attributes {stable_mosaic.version = 14 : i64} {
  func.func @_scat1_body(%arg0: i32, %arg1: i32, %arg2: memref<4096x128xf32, #tpu.memory_space<hbm>>, %arg3: memref<4096xi32, #tpu.memory_space<hbm>>, %arg4: memref<1024x128xf32, #tpu.memory_space<hbm>>, %arg5: memref<2x1024x128xf32, #tpu.memory_space<hbm>>, %arg6: memref<1024x128xf32, #tpu.memory_space<vmem_shared>>, %arg7: memref<128xi32, #tpu.memory_space<vmem>>, %arg8: memref<128x128xf32, #tpu.memory_space<vmem>>, %arg9: memref<!tpu.dma_semaphore, #tpu.memory_space<semaphore_mem>>, %arg10: memref<!tpu.dma_semaphore, #tpu.memory_space<semaphore_mem>>, %arg11: memref<!tpu.dma_semaphore, #tpu.memory_space<semaphore_mem>>) attributes {dimension_semantics = [#tpu.dimension_semantics<core_parallel>, #tpu.dimension_semantics<subcore_parallel>], iteration_bounds = array<i64: 2, 16>, scalar_prefetch = 0 : i64, scratch_operands = 6 : i64, tpu.core_type = #tpu.core_type<sc_vector_subcore>, window_params = [{transform_indices = #map}, {transform_indices = #map1}, {transform_indices = #map}, {transform_indices = #map2}]} {
    %mul3A = arith.constant 2 : i32
    %mul3A_0 = arith.muli %arg1, %mul3A : i32
    %add3A = arith.addi %mul3A_0, %arg0 : i32
    %mul3A_1 = arith.constant 128 : i32
    %mul3A_2 = arith.muli %add3A, %mul3A_1 : i32
    %mul3A_3 = arith.constant 64 : i32
    %mul3A_4 = arith.muli %arg1, %mul3A_3 : i32
    %dma_start3A = arith.constant 0 : i32
    %dma_start3A_5 = tpu.memref_slice %arg6[%mul3A_4, %dma_start3A] : memref<1024x128xf32, #tpu.memory_space<vmem_shared>> -> memref<64x128xf32, #tpu.memory_space<vmem_shared>>
    %dma_start3A_6 = arith.constant 0 : i32
    %dma_start3A_7 = tpu.memref_slice %arg4[%mul3A_4, %dma_start3A_6] : memref<1024x128xf32, #tpu.memory_space<hbm>> -> memref<64x128xf32, #tpu.memory_space<hbm>>
    tpu.enqueue_dma source(%dma_start3A_7 : memref<64x128xf32, #tpu.memory_space<hbm>>) target(%dma_start3A_5 : memref<64x128xf32, #tpu.memory_space<vmem_shared>>) target_semaphore(%arg9 : memref<!tpu.dma_semaphore, #tpu.memory_space<semaphore_mem>>)
    %dma_start3A_8 = tpu.memref_slice %arg3[%mul3A_2] : memref<4096xi32, #tpu.memory_space<hbm>> -> memref<128xi32, #tpu.memory_space<hbm>>
    %dma_start3A_9 = tpu.memref_slice %arg3[%mul3A_2] : memref<4096xi32, #tpu.memory_space<hbm>> -> memref<128xi32, #tpu.memory_space<hbm>>
    tpu.enqueue_dma source(%dma_start3A_9 : memref<128xi32, #tpu.memory_space<hbm>>) target(%arg7 : memref<128xi32, #tpu.memory_space<vmem>>) target_semaphore(%arg10 : memref<!tpu.dma_semaphore, #tpu.memory_space<semaphore_mem>>)
    %dma_start3A_10 = arith.constant 0 : i32
    %dma_start3A_11 = tpu.memref_slice %arg2[%mul3A_2, %dma_start3A_10] : memref<4096x128xf32, #tpu.memory_space<hbm>> -> memref<128x128xf32, #tpu.memory_space<hbm>>
    %dma_start3A_12 = arith.constant 0 : i32
    %dma_start3A_13 = tpu.memref_slice %arg2[%mul3A_2, %dma_start3A_12] : memref<4096x128xf32, #tpu.memory_space<hbm>> -> memref<128x128xf32, #tpu.memory_space<hbm>>
    tpu.enqueue_dma source(%dma_start3A_13 : memref<128x128xf32, #tpu.memory_space<hbm>>) target(%arg8 : memref<128x128xf32, #tpu.memory_space<vmem>>) target_semaphore(%arg11 : memref<!tpu.dma_semaphore, #tpu.memory_space<semaphore_mem>>)
    %dma_wait3A = arith.constant 0 : i32
    %dma_wait3A_14 = tpu.memref_slice %arg6[%mul3A_4, %dma_wait3A] : memref<1024x128xf32, #tpu.memory_space<vmem_shared>> -> memref<64x128xf32, #tpu.memory_space<vmem_shared>>
    %dma_wait3A_15 = arith.constant 0 : i32
    %dma_wait3A_16 = tpu.memref_slice %arg4[%mul3A_4, %dma_wait3A_15] : memref<1024x128xf32, #tpu.memory_space<hbm>> -> memref<64x128xf32, #tpu.memory_space<hbm>>
    tpu.wait_dma2 semaphore(%arg9 : memref<!tpu.dma_semaphore, #tpu.memory_space<semaphore_mem>>) src(%dma_wait3A_16 : memref<64x128xf32, #tpu.memory_space<hbm>>) dst(%dma_wait3A_14 : memref<64x128xf32, #tpu.memory_space<vmem_shared>>)
    %dma_wait3A_17 = tpu.memref_slice %arg3[%mul3A_2] : memref<4096xi32, #tpu.memory_space<hbm>> -> memref<128xi32, #tpu.memory_space<hbm>>
    %dma_wait3A_18 = tpu.memref_slice %arg3[%mul3A_2] : memref<4096xi32, #tpu.memory_space<hbm>> -> memref<128xi32, #tpu.memory_space<hbm>>
    tpu.wait_dma2 semaphore(%arg10 : memref<!tpu.dma_semaphore, #tpu.memory_space<semaphore_mem>>) src(%dma_wait3A_18 : memref<128xi32, #tpu.memory_space<hbm>>) dst(%arg7 : memref<128xi32, #tpu.memory_space<vmem>>)
    %dma_wait3A_19 = arith.constant 0 : i32
    %dma_wait3A_20 = tpu.memref_slice %arg2[%mul3A_2, %dma_wait3A_19] : memref<4096x128xf32, #tpu.memory_space<hbm>> -> memref<128x128xf32, #tpu.memory_space<hbm>>
    %dma_wait3A_21 = arith.constant 0 : i32
    %dma_wait3A_22 = tpu.memref_slice %arg2[%mul3A_2, %dma_wait3A_21] : memref<4096x128xf32, #tpu.memory_space<hbm>> -> memref<128x128xf32, #tpu.memory_space<hbm>>
    tpu.wait_dma2 semaphore(%arg11 : memref<!tpu.dma_semaphore, #tpu.memory_space<semaphore_mem>>) src(%dma_wait3A_22 : memref<128x128xf32, #tpu.memory_space<hbm>>) dst(%arg8 : memref<128x128xf32, #tpu.memory_space<vmem>>)
    %barrier3A = arith.constant 0 : index
    tpu.barrier barrier_id(%barrier3A)
    "tpu.region"() ({
      %run_scoped3A = tpu.sem_alloc : memref<!tpu.dma_semaphore, #tpu.memory_space<semaphore_mem>>
      %dma_start3A_24 = arith.constant 0 : i32
      %dma_start3A_25 = arith.constant 0 : i32
      %dma_start3A_26 = tpu.memref_slice %arg6[%dma_start3A_24, %dma_start3A_25] : memref<1024x128xf32, #tpu.memory_space<vmem_shared>> -> memref<1024x128xf32, #tpu.memory_space<vmem_shared>>
      tpu.enqueue_indirect_dma source(%arg8 : memref<128x128xf32, #tpu.memory_space<vmem>>) target(%dma_start3A_26 : memref<1024x128xf32, #tpu.memory_space<vmem_shared>>) offsets(%arg7 : memref<128xi32, #tpu.memory_space<vmem>>) semaphore(%run_scoped3A : memref<!tpu.dma_semaphore, #tpu.memory_space<semaphore_mem>>) {add = true}
      %dma_wait3A_27 = arith.constant 0 : i32
      %dma_wait3A_28 = arith.constant 0 : i32
      %dma_wait3A_29 = tpu.memref_slice %arg6[%dma_wait3A_27, %dma_wait3A_28] : memref<1024x128xf32, #tpu.memory_space<vmem_shared>> -> memref<1024x128xf32, #tpu.memory_space<vmem_shared>>
      tpu.wait_indirect_dma semaphore(%run_scoped3A : memref<!tpu.dma_semaphore, #tpu.memory_space<semaphore_mem>>) src(%arg8 : memref<128x128xf32, #tpu.memory_space<vmem>>) dst(%dma_wait3A_29 : memref<1024x128xf32, #tpu.memory_space<vmem_shared>>)
      tpu.yield
    }) : () -> ()
    %barrier3A_23 = arith.constant 0 : index
    tpu.barrier barrier_id(%barrier3A_23)
    "tpu.region"() ({
      %run_scoped3A = tpu.sem_alloc : memref<!tpu.dma_semaphore, #tpu.memory_space<semaphore_mem>>
      %dma_start3A_24 = arith.constant 0 : i32
      %dma_start3A_25 = tpu.memref_slice %arg5[%arg0, %mul3A_4, %dma_start3A_24] : memref<2x1024x128xf32, #tpu.memory_space<hbm>> -> memref<1x64x128xf32, #tpu.memory_space<hbm>>
      %dma_start3A_26 = tpu.memref_squeeze %dma_start3A_25 : memref<1x64x128xf32, #tpu.memory_space<hbm>> -> memref<64x128xf32, #tpu.memory_space<hbm>>
      %dma_start3A_27 = arith.constant 0 : i32
      %dma_start3A_28 = tpu.memref_slice %arg6[%mul3A_4, %dma_start3A_27] : memref<1024x128xf32, #tpu.memory_space<vmem_shared>> -> memref<64x128xf32, #tpu.memory_space<vmem_shared>>
      tpu.enqueue_dma source(%dma_start3A_28 : memref<64x128xf32, #tpu.memory_space<vmem_shared>>) target(%dma_start3A_26 : memref<64x128xf32, #tpu.memory_space<hbm>>) target_semaphore(%run_scoped3A : memref<!tpu.dma_semaphore, #tpu.memory_space<semaphore_mem>>)
      %dma_wait3A_29 = arith.constant 0 : i32
      %dma_wait3A_30 = tpu.memref_slice %arg5[%arg0, %mul3A_4, %dma_wait3A_29] : memref<2x1024x128xf32, #tpu.memory_space<hbm>> -> memref<1x64x128xf32, #tpu.memory_space<hbm>>
      %dma_wait3A_31 = tpu.memref_squeeze %dma_wait3A_30 : memref<1x64x128xf32, #tpu.memory_space<hbm>> -> memref<64x128xf32, #tpu.memory_space<hbm>>
      %dma_wait3A_32 = arith.constant 0 : i32
      %dma_wait3A_33 = tpu.memref_slice %arg6[%mul3A_4, %dma_wait3A_32] : memref<1024x128xf32, #tpu.memory_space<vmem_shared>> -> memref<64x128xf32, #tpu.memory_space<vmem_shared>>
      tpu.wait_dma2 semaphore(%run_scoped3A : memref<!tpu.dma_semaphore, #tpu.memory_space<semaphore_mem>>) src(%dma_wait3A_33 : memref<64x128xf32, #tpu.memory_space<vmem_shared>>) dst(%dma_wait3A_31 : memref<64x128xf32, #tpu.memory_space<hbm>>)
      tpu.yield
    }) : () -> ()
    return
  }
}

#map = affine_map<(d0, d1) -> (0, 0)>
#map1 = affine_map<(d0, d1) -> (0)>
module attributes {stable_mosaic.version = 14 : i64} {
  func.func @_gather2_body(%arg0: i32, %arg1: i32, %arg2: memref<1024x128xf32, #tpu.memory_space<hbm>>, %arg3: memref<4096xi32, #tpu.memory_space<hbm>>, %arg4: memref<4096xi32, #tpu.memory_space<hbm>>, %arg5: memref<4096x128xf32, #tpu.memory_space<hbm>>, %arg6: memref<4096x128xf32, #tpu.memory_space<hbm>>, %arg7: memref<128xi32, #tpu.memory_space<vmem>>, %arg8: memref<128xi32, #tpu.memory_space<vmem>>, %arg9: memref<128x128xf32, #tpu.memory_space<vmem>>, %arg10: memref<128x128xf32, #tpu.memory_space<vmem>>, %arg11: memref<!tpu.dma_semaphore, #tpu.memory_space<semaphore_mem>>, %arg12: memref<!tpu.dma_semaphore, #tpu.memory_space<semaphore_mem>>, %arg13: memref<!tpu.dma_semaphore, #tpu.memory_space<semaphore_mem>>, %arg14: memref<!tpu.dma_semaphore, #tpu.memory_space<semaphore_mem>>, %arg15: memref<!tpu.dma_semaphore, #tpu.memory_space<semaphore_mem>>, %arg16: memref<!tpu.dma_semaphore, #tpu.memory_space<semaphore_mem>>) attributes {dimension_semantics = [#tpu.dimension_semantics<core_parallel>, #tpu.dimension_semantics<subcore_parallel>], iteration_bounds = array<i64: 2, 16>, scalar_prefetch = 0 : i64, scratch_operands = 10 : i64, tpu.core_type = #tpu.core_type<sc_vector_subcore>, window_params = [{transform_indices = #map}, {transform_indices = #map1}, {transform_indices = #map1}, {transform_indices = #map}, {transform_indices = #map}]} {
    %mul3A = arith.constant 2 : i32
    %mul3A_0 = arith.muli %arg1, %mul3A : i32
    %add3A = arith.addi %mul3A_0, %arg0 : i32
    %mul3A_1 = arith.constant 128 : i32
    %mul3A_2 = arith.muli %add3A, %mul3A_1 : i32
    %dma_start3A = tpu.memref_slice %arg3[%mul3A_2] : memref<4096xi32, #tpu.memory_space<hbm>> -> memref<128xi32, #tpu.memory_space<hbm>>
    %dma_start3A_3 = tpu.memref_slice %arg3[%mul3A_2] : memref<4096xi32, #tpu.memory_space<hbm>> -> memref<128xi32, #tpu.memory_space<hbm>>
    tpu.enqueue_dma source(%dma_start3A_3 : memref<128xi32, #tpu.memory_space<hbm>>) target(%arg7 : memref<128xi32, #tpu.memory_space<vmem>>) target_semaphore(%arg11 : memref<!tpu.dma_semaphore, #tpu.memory_space<semaphore_mem>>)
    %dma_start3A_4 = tpu.memref_slice %arg4[%mul3A_2] : memref<4096xi32, #tpu.memory_space<hbm>> -> memref<128xi32, #tpu.memory_space<hbm>>
    %dma_start3A_5 = tpu.memref_slice %arg4[%mul3A_2] : memref<4096xi32, #tpu.memory_space<hbm>> -> memref<128xi32, #tpu.memory_space<hbm>>
    tpu.enqueue_dma source(%dma_start3A_5 : memref<128xi32, #tpu.memory_space<hbm>>) target(%arg8 : memref<128xi32, #tpu.memory_space<vmem>>) target_semaphore(%arg12 : memref<!tpu.dma_semaphore, #tpu.memory_space<semaphore_mem>>)
    %dma_wait3A = tpu.memref_slice %arg3[%mul3A_2] : memref<4096xi32, #tpu.memory_space<hbm>> -> memref<128xi32, #tpu.memory_space<hbm>>
    %dma_wait3A_6 = tpu.memref_slice %arg3[%mul3A_2] : memref<4096xi32, #tpu.memory_space<hbm>> -> memref<128xi32, #tpu.memory_space<hbm>>
    tpu.wait_dma2 semaphore(%arg11 : memref<!tpu.dma_semaphore, #tpu.memory_space<semaphore_mem>>) src(%dma_wait3A_6 : memref<128xi32, #tpu.memory_space<hbm>>) dst(%arg7 : memref<128xi32, #tpu.memory_space<vmem>>)
    %dma_start3A_7 = arith.constant 0 : i32
    %dma_start3A_8 = arith.constant 0 : i32
    %dma_start3A_9 = tpu.memref_slice %arg2[%dma_start3A_7, %dma_start3A_8] : memref<1024x128xf32, #tpu.memory_space<hbm>> -> memref<1024x128xf32, #tpu.memory_space<hbm>>
    tpu.enqueue_indirect_dma source(%dma_start3A_9 : memref<1024x128xf32, #tpu.memory_space<hbm>>) target(%arg9 : memref<128x128xf32, #tpu.memory_space<vmem>>) offsets(%arg7 : memref<128xi32, #tpu.memory_space<vmem>>) semaphore(%arg13 : memref<!tpu.dma_semaphore, #tpu.memory_space<semaphore_mem>>)
    %dma_wait3A_10 = tpu.memref_slice %arg4[%mul3A_2] : memref<4096xi32, #tpu.memory_space<hbm>> -> memref<128xi32, #tpu.memory_space<hbm>>
    %dma_wait3A_11 = tpu.memref_slice %arg4[%mul3A_2] : memref<4096xi32, #tpu.memory_space<hbm>> -> memref<128xi32, #tpu.memory_space<hbm>>
    tpu.wait_dma2 semaphore(%arg12 : memref<!tpu.dma_semaphore, #tpu.memory_space<semaphore_mem>>) src(%dma_wait3A_11 : memref<128xi32, #tpu.memory_space<hbm>>) dst(%arg8 : memref<128xi32, #tpu.memory_space<vmem>>)
    %dma_start3A_12 = arith.constant 0 : i32
    %dma_start3A_13 = arith.constant 0 : i32
    %dma_start3A_14 = tpu.memref_slice %arg2[%dma_start3A_12, %dma_start3A_13] : memref<1024x128xf32, #tpu.memory_space<hbm>> -> memref<1024x128xf32, #tpu.memory_space<hbm>>
    tpu.enqueue_indirect_dma source(%dma_start3A_14 : memref<1024x128xf32, #tpu.memory_space<hbm>>) target(%arg10 : memref<128x128xf32, #tpu.memory_space<vmem>>) offsets(%arg8 : memref<128xi32, #tpu.memory_space<vmem>>) semaphore(%arg14 : memref<!tpu.dma_semaphore, #tpu.memory_space<semaphore_mem>>)
    %dma_wait3A_15 = arith.constant 0 : i32
    %dma_wait3A_16 = arith.constant 0 : i32
    %dma_wait3A_17 = tpu.memref_slice %arg2[%dma_wait3A_15, %dma_wait3A_16] : memref<1024x128xf32, #tpu.memory_space<hbm>> -> memref<1024x128xf32, #tpu.memory_space<hbm>>
    tpu.wait_indirect_dma semaphore(%arg13 : memref<!tpu.dma_semaphore, #tpu.memory_space<semaphore_mem>>) src(%dma_wait3A_17 : memref<1024x128xf32, #tpu.memory_space<hbm>>) dst(%arg9 : memref<128x128xf32, #tpu.memory_space<vmem>>)
    %dma_start3A_18 = arith.constant 0 : i32
    %dma_start3A_19 = tpu.memref_slice %arg5[%mul3A_2, %dma_start3A_18] : memref<4096x128xf32, #tpu.memory_space<hbm>> -> memref<128x128xf32, #tpu.memory_space<hbm>>
    %dma_start3A_20 = arith.constant 0 : i32
    %dma_start3A_21 = tpu.memref_slice %arg5[%mul3A_2, %dma_start3A_20] : memref<4096x128xf32, #tpu.memory_space<hbm>> -> memref<128x128xf32, #tpu.memory_space<hbm>>
    tpu.enqueue_dma source(%arg9 : memref<128x128xf32, #tpu.memory_space<vmem>>) target(%dma_start3A_21 : memref<128x128xf32, #tpu.memory_space<hbm>>) target_semaphore(%arg15 : memref<!tpu.dma_semaphore, #tpu.memory_space<semaphore_mem>>)
    %dma_wait3A_22 = arith.constant 0 : i32
    %dma_wait3A_23 = arith.constant 0 : i32
    %dma_wait3A_24 = tpu.memref_slice %arg2[%dma_wait3A_22, %dma_wait3A_23] : memref<1024x128xf32, #tpu.memory_space<hbm>> -> memref<1024x128xf32, #tpu.memory_space<hbm>>
    tpu.wait_indirect_dma semaphore(%arg14 : memref<!tpu.dma_semaphore, #tpu.memory_space<semaphore_mem>>) src(%dma_wait3A_24 : memref<1024x128xf32, #tpu.memory_space<hbm>>) dst(%arg10 : memref<128x128xf32, #tpu.memory_space<vmem>>)
    %dma_start3A_25 = arith.constant 0 : i32
    %dma_start3A_26 = tpu.memref_slice %arg6[%mul3A_2, %dma_start3A_25] : memref<4096x128xf32, #tpu.memory_space<hbm>> -> memref<128x128xf32, #tpu.memory_space<hbm>>
    %dma_start3A_27 = arith.constant 0 : i32
    %dma_start3A_28 = tpu.memref_slice %arg6[%mul3A_2, %dma_start3A_27] : memref<4096x128xf32, #tpu.memory_space<hbm>> -> memref<128x128xf32, #tpu.memory_space<hbm>>
    tpu.enqueue_dma source(%arg10 : memref<128x128xf32, #tpu.memory_space<vmem>>) target(%dma_start3A_28 : memref<128x128xf32, #tpu.memory_space<hbm>>) target_semaphore(%arg16 : memref<!tpu.dma_semaphore, #tpu.memory_space<semaphore_mem>>)
    %dma_wait3A_29 = arith.constant 0 : i32
    %dma_wait3A_30 = tpu.memref_slice %arg5[%mul3A_2, %dma_wait3A_29] : memref<4096x128xf32, #tpu.memory_space<hbm>> -> memref<128x128xf32, #tpu.memory_space<hbm>>
    %dma_wait3A_31 = arith.constant 0 : i32
    %dma_wait3A_32 = tpu.memref_slice %arg5[%mul3A_2, %dma_wait3A_31] : memref<4096x128xf32, #tpu.memory_space<hbm>> -> memref<128x128xf32, #tpu.memory_space<hbm>>
    tpu.wait_dma2 semaphore(%arg15 : memref<!tpu.dma_semaphore, #tpu.memory_space<semaphore_mem>>) src(%arg9 : memref<128x128xf32, #tpu.memory_space<vmem>>) dst(%dma_wait3A_32 : memref<128x128xf32, #tpu.memory_space<hbm>>)
    %dma_wait3A_33 = arith.constant 0 : i32
    %dma_wait3A_34 = tpu.memref_slice %arg6[%mul3A_2, %dma_wait3A_33] : memref<4096x128xf32, #tpu.memory_space<hbm>> -> memref<128x128xf32, #tpu.memory_space<hbm>>
    %dma_wait3A_35 = arith.constant 0 : i32
    %dma_wait3A_36 = tpu.memref_slice %arg6[%mul3A_2, %dma_wait3A_35] : memref<4096x128xf32, #tpu.memory_space<hbm>> -> memref<128x128xf32, #tpu.memory_space<hbm>>
    tpu.wait_dma2 semaphore(%arg16 : memref<!tpu.dma_semaphore, #tpu.memory_space<semaphore_mem>>) src(%arg10 : memref<128x128xf32, #tpu.memory_space<vmem>>) dst(%dma_wait3A_36 : memref<128x128xf32, #tpu.memory_space<hbm>>)
    return
  }
}

#map = affine_map<(d0, d1) -> (0, 0)>
#map1 = affine_map<(d0, d1) -> (0)>
module attributes {stable_mosaic.version = 14 : i64} {
  func.func @_gather2_body(%arg0: i32, %arg1: i32, %arg2: memref<1024x128xf32, #tpu.memory_space<hbm>>, %arg3: memref<4096xi32, #tpu.memory_space<hbm>>, %arg4: memref<4096xi32, #tpu.memory_space<hbm>>, %arg5: memref<4096x128xf32, #tpu.memory_space<hbm>>, %arg6: memref<4096x128xf32, #tpu.memory_space<hbm>>, %arg7: memref<128xi32, #tpu.memory_space<vmem>>, %arg8: memref<128xi32, #tpu.memory_space<vmem>>, %arg9: memref<128x128xf32, #tpu.memory_space<vmem>>, %arg10: memref<128x128xf32, #tpu.memory_space<vmem>>, %arg11: memref<!tpu.dma_semaphore, #tpu.memory_space<semaphore_mem>>, %arg12: memref<!tpu.dma_semaphore, #tpu.memory_space<semaphore_mem>>, %arg13: memref<!tpu.dma_semaphore, #tpu.memory_space<semaphore_mem>>, %arg14: memref<!tpu.dma_semaphore, #tpu.memory_space<semaphore_mem>>, %arg15: memref<!tpu.dma_semaphore, #tpu.memory_space<semaphore_mem>>, %arg16: memref<!tpu.dma_semaphore, #tpu.memory_space<semaphore_mem>>) attributes {dimension_semantics = [#tpu.dimension_semantics<core_parallel>, #tpu.dimension_semantics<subcore_parallel>], iteration_bounds = array<i64: 2, 16>, scalar_prefetch = 0 : i64, scratch_operands = 10 : i64, tpu.core_type = #tpu.core_type<sc_vector_subcore>, window_params = [{transform_indices = #map}, {transform_indices = #map1}, {transform_indices = #map1}, {transform_indices = #map}, {transform_indices = #map}]} {
    %mul3A = arith.constant 2 : i32
    %mul3A_0 = arith.muli %arg1, %mul3A : i32
    %add3A = arith.addi %mul3A_0, %arg0 : i32
    %mul3A_1 = arith.constant 128 : i32
    %mul3A_2 = arith.muli %add3A, %mul3A_1 : i32
    %dma_start3A = tpu.memref_slice %arg3[%mul3A_2] : memref<4096xi32, #tpu.memory_space<hbm>> -> memref<128xi32, #tpu.memory_space<hbm>>
    %dma_start3A_3 = tpu.memref_slice %arg3[%mul3A_2] : memref<4096xi32, #tpu.memory_space<hbm>> -> memref<128xi32, #tpu.memory_space<hbm>>
    tpu.enqueue_dma source(%dma_start3A_3 : memref<128xi32, #tpu.memory_space<hbm>>) target(%arg7 : memref<128xi32, #tpu.memory_space<vmem>>) target_semaphore(%arg11 : memref<!tpu.dma_semaphore, #tpu.memory_space<semaphore_mem>>)
    %dma_start3A_4 = tpu.memref_slice %arg4[%mul3A_2] : memref<4096xi32, #tpu.memory_space<hbm>> -> memref<128xi32, #tpu.memory_space<hbm>>
    %dma_start3A_5 = tpu.memref_slice %arg4[%mul3A_2] : memref<4096xi32, #tpu.memory_space<hbm>> -> memref<128xi32, #tpu.memory_space<hbm>>
    tpu.enqueue_dma source(%dma_start3A_5 : memref<128xi32, #tpu.memory_space<hbm>>) target(%arg8 : memref<128xi32, #tpu.memory_space<vmem>>) target_semaphore(%arg12 : memref<!tpu.dma_semaphore, #tpu.memory_space<semaphore_mem>>)
    %dma_wait3A = tpu.memref_slice %arg3[%mul3A_2] : memref<4096xi32, #tpu.memory_space<hbm>> -> memref<128xi32, #tpu.memory_space<hbm>>
    %dma_wait3A_6 = tpu.memref_slice %arg3[%mul3A_2] : memref<4096xi32, #tpu.memory_space<hbm>> -> memref<128xi32, #tpu.memory_space<hbm>>
    tpu.wait_dma2 semaphore(%arg11 : memref<!tpu.dma_semaphore, #tpu.memory_space<semaphore_mem>>) src(%dma_wait3A_6 : memref<128xi32, #tpu.memory_space<hbm>>) dst(%arg7 : memref<128xi32, #tpu.memory_space<vmem>>)
    %dma_start3A_7 = arith.constant 0 : i32
    %dma_start3A_8 = arith.constant 0 : i32
    %dma_start3A_9 = tpu.memref_slice %arg2[%dma_start3A_7, %dma_start3A_8] : memref<1024x128xf32, #tpu.memory_space<hbm>> -> memref<1024x128xf32, #tpu.memory_space<hbm>>
    tpu.enqueue_indirect_dma source(%dma_start3A_9 : memref<1024x128xf32, #tpu.memory_space<hbm>>) target(%arg9 : memref<128x128xf32, #tpu.memory_space<vmem>>) offsets(%arg7 : memref<128xi32, #tpu.memory_space<vmem>>) semaphore(%arg13 : memref<!tpu.dma_semaphore, #tpu.memory_space<semaphore_mem>>)
    %dma_wait3A_10 = tpu.memref_slice %arg4[%mul3A_2] : memref<4096xi32, #tpu.memory_space<hbm>> -> memref<128xi32, #tpu.memory_space<hbm>>
    %dma_wait3A_11 = tpu.memref_slice %arg4[%mul3A_2] : memref<4096xi32, #tpu.memory_space<hbm>> -> memref<128xi32, #tpu.memory_space<hbm>>
    tpu.wait_dma2 semaphore(%arg12 : memref<!tpu.dma_semaphore, #tpu.memory_space<semaphore_mem>>) src(%dma_wait3A_11 : memref<128xi32, #tpu.memory_space<hbm>>) dst(%arg8 : memref<128xi32, #tpu.memory_space<vmem>>)
    %dma_start3A_12 = arith.constant 0 : i32
    %dma_start3A_13 = arith.constant 0 : i32
    %dma_start3A_14 = tpu.memref_slice %arg2[%dma_start3A_12, %dma_start3A_13] : memref<1024x128xf32, #tpu.memory_space<hbm>> -> memref<1024x128xf32, #tpu.memory_space<hbm>>
    tpu.enqueue_indirect_dma source(%dma_start3A_14 : memref<1024x128xf32, #tpu.memory_space<hbm>>) target(%arg10 : memref<128x128xf32, #tpu.memory_space<vmem>>) offsets(%arg8 : memref<128xi32, #tpu.memory_space<vmem>>) semaphore(%arg14 : memref<!tpu.dma_semaphore, #tpu.memory_space<semaphore_mem>>)
    %dma_wait3A_15 = arith.constant 0 : i32
    %dma_wait3A_16 = arith.constant 0 : i32
    %dma_wait3A_17 = tpu.memref_slice %arg2[%dma_wait3A_15, %dma_wait3A_16] : memref<1024x128xf32, #tpu.memory_space<hbm>> -> memref<1024x128xf32, #tpu.memory_space<hbm>>
    tpu.wait_indirect_dma semaphore(%arg13 : memref<!tpu.dma_semaphore, #tpu.memory_space<semaphore_mem>>) src(%dma_wait3A_17 : memref<1024x128xf32, #tpu.memory_space<hbm>>) dst(%arg9 : memref<128x128xf32, #tpu.memory_space<vmem>>)
    %dma_start3A_18 = arith.constant 0 : i32
    %dma_start3A_19 = tpu.memref_slice %arg5[%mul3A_2, %dma_start3A_18] : memref<4096x128xf32, #tpu.memory_space<hbm>> -> memref<128x128xf32, #tpu.memory_space<hbm>>
    %dma_start3A_20 = arith.constant 0 : i32
    %dma_start3A_21 = tpu.memref_slice %arg5[%mul3A_2, %dma_start3A_20] : memref<4096x128xf32, #tpu.memory_space<hbm>> -> memref<128x128xf32, #tpu.memory_space<hbm>>
    tpu.enqueue_dma source(%arg9 : memref<128x128xf32, #tpu.memory_space<vmem>>) target(%dma_start3A_21 : memref<128x128xf32, #tpu.memory_space<hbm>>) target_semaphore(%arg15 : memref<!tpu.dma_semaphore, #tpu.memory_space<semaphore_mem>>)
    %dma_wait3A_22 = arith.constant 0 : i32
    %dma_wait3A_23 = arith.constant 0 : i32
    %dma_wait3A_24 = tpu.memref_slice %arg2[%dma_wait3A_22, %dma_wait3A_23] : memref<1024x128xf32, #tpu.memory_space<hbm>> -> memref<1024x128xf32, #tpu.memory_space<hbm>>
    tpu.wait_indirect_dma semaphore(%arg14 : memref<!tpu.dma_semaphore, #tpu.memory_space<semaphore_mem>>) src(%dma_wait3A_24 : memref<1024x128xf32, #tpu.memory_space<hbm>>) dst(%arg10 : memref<128x128xf32, #tpu.memory_space<vmem>>)
    %dma_start3A_25 = arith.constant 0 : i32
    %dma_start3A_26 = tpu.memref_slice %arg6[%mul3A_2, %dma_start3A_25] : memref<4096x128xf32, #tpu.memory_space<hbm>> -> memref<128x128xf32, #tpu.memory_space<hbm>>
    %dma_start3A_27 = arith.constant 0 : i32
    %dma_start3A_28 = tpu.memref_slice %arg6[%mul3A_2, %dma_start3A_27] : memref<4096x128xf32, #tpu.memory_space<hbm>> -> memref<128x128xf32, #tpu.memory_space<hbm>>
    tpu.enqueue_dma source(%arg10 : memref<128x128xf32, #tpu.memory_space<vmem>>) target(%dma_start3A_28 : memref<128x128xf32, #tpu.memory_space<hbm>>) target_semaphore(%arg16 : memref<!tpu.dma_semaphore, #tpu.memory_space<semaphore_mem>>)
    %dma_wait3A_29 = arith.constant 0 : i32
    %dma_wait3A_30 = tpu.memref_slice %arg5[%mul3A_2, %dma_wait3A_29] : memref<4096x128xf32, #tpu.memory_space<hbm>> -> memref<128x128xf32, #tpu.memory_space<hbm>>
    %dma_wait3A_31 = arith.constant 0 : i32
    %dma_wait3A_32 = tpu.memref_slice %arg5[%mul3A_2, %dma_wait3A_31] : memref<4096x128xf32, #tpu.memory_space<hbm>> -> memref<128x128xf32, #tpu.memory_space<hbm>>
    tpu.wait_dma2 semaphore(%arg15 : memref<!tpu.dma_semaphore, #tpu.memory_space<semaphore_mem>>) src(%arg9 : memref<128x128xf32, #tpu.memory_space<vmem>>) dst(%dma_wait3A_32 : memref<128x128xf32, #tpu.memory_space<hbm>>)
    %dma_wait3A_33 = arith.constant 0 : i32
    %dma_wait3A_34 = tpu.memref_slice %arg6[%mul3A_2, %dma_wait3A_33] : memref<4096x128xf32, #tpu.memory_space<hbm>> -> memref<128x128xf32, #tpu.memory_space<hbm>>
    %dma_wait3A_35 = arith.constant 0 : i32
    %dma_wait3A_36 = tpu.memref_slice %arg6[%mul3A_2, %dma_wait3A_35] : memref<4096x128xf32, #tpu.memory_space<hbm>> -> memref<128x128xf32, #tpu.memory_space<hbm>>
    tpu.wait_dma2 semaphore(%arg16 : memref<!tpu.dma_semaphore, #tpu.memory_space<semaphore_mem>>) src(%arg10 : memref<128x128xf32, #tpu.memory_space<vmem>>) dst(%dma_wait3A_36 : memref<128x128xf32, #tpu.memory_space<hbm>>)
    return
  }
}

#map = affine_map<(d0, d1) -> (0, 0)>
#map1 = affine_map<(d0, d1) -> (0)>
module attributes {stable_mosaic.version = 14 : i64} {
  func.func @_gather2_body(%arg0: i32, %arg1: i32, %arg2: memref<1024x128xf32, #tpu.memory_space<hbm>>, %arg3: memref<4096xi32, #tpu.memory_space<hbm>>, %arg4: memref<4096xi32, #tpu.memory_space<hbm>>, %arg5: memref<4096x128xf32, #tpu.memory_space<hbm>>, %arg6: memref<4096x128xf32, #tpu.memory_space<hbm>>, %arg7: memref<128xi32, #tpu.memory_space<vmem>>, %arg8: memref<128xi32, #tpu.memory_space<vmem>>, %arg9: memref<128x128xf32, #tpu.memory_space<vmem>>, %arg10: memref<128x128xf32, #tpu.memory_space<vmem>>, %arg11: memref<!tpu.dma_semaphore, #tpu.memory_space<semaphore_mem>>, %arg12: memref<!tpu.dma_semaphore, #tpu.memory_space<semaphore_mem>>, %arg13: memref<!tpu.dma_semaphore, #tpu.memory_space<semaphore_mem>>, %arg14: memref<!tpu.dma_semaphore, #tpu.memory_space<semaphore_mem>>, %arg15: memref<!tpu.dma_semaphore, #tpu.memory_space<semaphore_mem>>, %arg16: memref<!tpu.dma_semaphore, #tpu.memory_space<semaphore_mem>>) attributes {dimension_semantics = [#tpu.dimension_semantics<core_parallel>, #tpu.dimension_semantics<subcore_parallel>], iteration_bounds = array<i64: 2, 16>, scalar_prefetch = 0 : i64, scratch_operands = 10 : i64, tpu.core_type = #tpu.core_type<sc_vector_subcore>, window_params = [{transform_indices = #map}, {transform_indices = #map1}, {transform_indices = #map1}, {transform_indices = #map}, {transform_indices = #map}]} {
    %mul3A = arith.constant 2 : i32
    %mul3A_0 = arith.muli %arg1, %mul3A : i32
    %add3A = arith.addi %mul3A_0, %arg0 : i32
    %mul3A_1 = arith.constant 128 : i32
    %mul3A_2 = arith.muli %add3A, %mul3A_1 : i32
    %dma_start3A = tpu.memref_slice %arg3[%mul3A_2] : memref<4096xi32, #tpu.memory_space<hbm>> -> memref<128xi32, #tpu.memory_space<hbm>>
    %dma_start3A_3 = tpu.memref_slice %arg3[%mul3A_2] : memref<4096xi32, #tpu.memory_space<hbm>> -> memref<128xi32, #tpu.memory_space<hbm>>
    tpu.enqueue_dma source(%dma_start3A_3 : memref<128xi32, #tpu.memory_space<hbm>>) target(%arg7 : memref<128xi32, #tpu.memory_space<vmem>>) target_semaphore(%arg11 : memref<!tpu.dma_semaphore, #tpu.memory_space<semaphore_mem>>)
    %dma_start3A_4 = tpu.memref_slice %arg4[%mul3A_2] : memref<4096xi32, #tpu.memory_space<hbm>> -> memref<128xi32, #tpu.memory_space<hbm>>
    %dma_start3A_5 = tpu.memref_slice %arg4[%mul3A_2] : memref<4096xi32, #tpu.memory_space<hbm>> -> memref<128xi32, #tpu.memory_space<hbm>>
    tpu.enqueue_dma source(%dma_start3A_5 : memref<128xi32, #tpu.memory_space<hbm>>) target(%arg8 : memref<128xi32, #tpu.memory_space<vmem>>) target_semaphore(%arg12 : memref<!tpu.dma_semaphore, #tpu.memory_space<semaphore_mem>>)
    %dma_wait3A = tpu.memref_slice %arg3[%mul3A_2] : memref<4096xi32, #tpu.memory_space<hbm>> -> memref<128xi32, #tpu.memory_space<hbm>>
    %dma_wait3A_6 = tpu.memref_slice %arg3[%mul3A_2] : memref<4096xi32, #tpu.memory_space<hbm>> -> memref<128xi32, #tpu.memory_space<hbm>>
    tpu.wait_dma2 semaphore(%arg11 : memref<!tpu.dma_semaphore, #tpu.memory_space<semaphore_mem>>) src(%dma_wait3A_6 : memref<128xi32, #tpu.memory_space<hbm>>) dst(%arg7 : memref<128xi32, #tpu.memory_space<vmem>>)
    %dma_start3A_7 = arith.constant 0 : i32
    %dma_start3A_8 = arith.constant 0 : i32
    %dma_start3A_9 = tpu.memref_slice %arg2[%dma_start3A_7, %dma_start3A_8] : memref<1024x128xf32, #tpu.memory_space<hbm>> -> memref<1024x128xf32, #tpu.memory_space<hbm>>
    tpu.enqueue_indirect_dma source(%dma_start3A_9 : memref<1024x128xf32, #tpu.memory_space<hbm>>) target(%arg9 : memref<128x128xf32, #tpu.memory_space<vmem>>) offsets(%arg7 : memref<128xi32, #tpu.memory_space<vmem>>) semaphore(%arg13 : memref<!tpu.dma_semaphore, #tpu.memory_space<semaphore_mem>>)
    %dma_wait3A_10 = tpu.memref_slice %arg4[%mul3A_2] : memref<4096xi32, #tpu.memory_space<hbm>> -> memref<128xi32, #tpu.memory_space<hbm>>
    %dma_wait3A_11 = tpu.memref_slice %arg4[%mul3A_2] : memref<4096xi32, #tpu.memory_space<hbm>> -> memref<128xi32, #tpu.memory_space<hbm>>
    tpu.wait_dma2 semaphore(%arg12 : memref<!tpu.dma_semaphore, #tpu.memory_space<semaphore_mem>>) src(%dma_wait3A_11 : memref<128xi32, #tpu.memory_space<hbm>>) dst(%arg8 : memref<128xi32, #tpu.memory_space<vmem>>)
    %dma_start3A_12 = arith.constant 0 : i32
    %dma_start3A_13 = arith.constant 0 : i32
    %dma_start3A_14 = tpu.memref_slice %arg2[%dma_start3A_12, %dma_start3A_13] : memref<1024x128xf32, #tpu.memory_space<hbm>> -> memref<1024x128xf32, #tpu.memory_space<hbm>>
    tpu.enqueue_indirect_dma source(%dma_start3A_14 : memref<1024x128xf32, #tpu.memory_space<hbm>>) target(%arg10 : memref<128x128xf32, #tpu.memory_space<vmem>>) offsets(%arg8 : memref<128xi32, #tpu.memory_space<vmem>>) semaphore(%arg14 : memref<!tpu.dma_semaphore, #tpu.memory_space<semaphore_mem>>)
    %dma_wait3A_15 = arith.constant 0 : i32
    %dma_wait3A_16 = arith.constant 0 : i32
    %dma_wait3A_17 = tpu.memref_slice %arg2[%dma_wait3A_15, %dma_wait3A_16] : memref<1024x128xf32, #tpu.memory_space<hbm>> -> memref<1024x128xf32, #tpu.memory_space<hbm>>
    tpu.wait_indirect_dma semaphore(%arg13 : memref<!tpu.dma_semaphore, #tpu.memory_space<semaphore_mem>>) src(%dma_wait3A_17 : memref<1024x128xf32, #tpu.memory_space<hbm>>) dst(%arg9 : memref<128x128xf32, #tpu.memory_space<vmem>>)
    %dma_start3A_18 = arith.constant 0 : i32
    %dma_start3A_19 = tpu.memref_slice %arg5[%mul3A_2, %dma_start3A_18] : memref<4096x128xf32, #tpu.memory_space<hbm>> -> memref<128x128xf32, #tpu.memory_space<hbm>>
    %dma_start3A_20 = arith.constant 0 : i32
    %dma_start3A_21 = tpu.memref_slice %arg5[%mul3A_2, %dma_start3A_20] : memref<4096x128xf32, #tpu.memory_space<hbm>> -> memref<128x128xf32, #tpu.memory_space<hbm>>
    tpu.enqueue_dma source(%arg9 : memref<128x128xf32, #tpu.memory_space<vmem>>) target(%dma_start3A_21 : memref<128x128xf32, #tpu.memory_space<hbm>>) target_semaphore(%arg15 : memref<!tpu.dma_semaphore, #tpu.memory_space<semaphore_mem>>)
    %dma_wait3A_22 = arith.constant 0 : i32
    %dma_wait3A_23 = arith.constant 0 : i32
    %dma_wait3A_24 = tpu.memref_slice %arg2[%dma_wait3A_22, %dma_wait3A_23] : memref<1024x128xf32, #tpu.memory_space<hbm>> -> memref<1024x128xf32, #tpu.memory_space<hbm>>
    tpu.wait_indirect_dma semaphore(%arg14 : memref<!tpu.dma_semaphore, #tpu.memory_space<semaphore_mem>>) src(%dma_wait3A_24 : memref<1024x128xf32, #tpu.memory_space<hbm>>) dst(%arg10 : memref<128x128xf32, #tpu.memory_space<vmem>>)
    %dma_start3A_25 = arith.constant 0 : i32
    %dma_start3A_26 = tpu.memref_slice %arg6[%mul3A_2, %dma_start3A_25] : memref<4096x128xf32, #tpu.memory_space<hbm>> -> memref<128x128xf32, #tpu.memory_space<hbm>>
    %dma_start3A_27 = arith.constant 0 : i32
    %dma_start3A_28 = tpu.memref_slice %arg6[%mul3A_2, %dma_start3A_27] : memref<4096x128xf32, #tpu.memory_space<hbm>> -> memref<128x128xf32, #tpu.memory_space<hbm>>
    tpu.enqueue_dma source(%arg10 : memref<128x128xf32, #tpu.memory_space<vmem>>) target(%dma_start3A_28 : memref<128x128xf32, #tpu.memory_space<hbm>>) target_semaphore(%arg16 : memref<!tpu.dma_semaphore, #tpu.memory_space<semaphore_mem>>)
    %dma_wait3A_29 = arith.constant 0 : i32
    %dma_wait3A_30 = tpu.memref_slice %arg5[%mul3A_2, %dma_wait3A_29] : memref<4096x128xf32, #tpu.memory_space<hbm>> -> memref<128x128xf32, #tpu.memory_space<hbm>>
    %dma_wait3A_31 = arith.constant 0 : i32
    %dma_wait3A_32 = tpu.memref_slice %arg5[%mul3A_2, %dma_wait3A_31] : memref<4096x128xf32, #tpu.memory_space<hbm>> -> memref<128x128xf32, #tpu.memory_space<hbm>>
    tpu.wait_dma2 semaphore(%arg15 : memref<!tpu.dma_semaphore, #tpu.memory_space<semaphore_mem>>) src(%arg9 : memref<128x128xf32, #tpu.memory_space<vmem>>) dst(%dma_wait3A_32 : memref<128x128xf32, #tpu.memory_space<hbm>>)
    %dma_wait3A_33 = arith.constant 0 : i32
    %dma_wait3A_34 = tpu.memref_slice %arg6[%mul3A_2, %dma_wait3A_33] : memref<4096x128xf32, #tpu.memory_space<hbm>> -> memref<128x128xf32, #tpu.memory_space<hbm>>
    %dma_wait3A_35 = arith.constant 0 : i32
    %dma_wait3A_36 = tpu.memref_slice %arg6[%mul3A_2, %dma_wait3A_35] : memref<4096x128xf32, #tpu.memory_space<hbm>> -> memref<128x128xf32, #tpu.memory_space<hbm>>
    tpu.wait_dma2 semaphore(%arg16 : memref<!tpu.dma_semaphore, #tpu.memory_space<semaphore_mem>>) src(%arg10 : memref<128x128xf32, #tpu.memory_space<vmem>>) dst(%dma_wait3A_36 : memref<128x128xf32, #tpu.memory_space<hbm>>)
    return
  }
}

#map = affine_map<(d0, d1) -> (0, 0)>
#map1 = affine_map<(d0, d1) -> (0)>
#map2 = affine_map<(d0, d1) -> (0, 0, 0)>
module attributes {stable_mosaic.version = 14 : i64} {
  func.func @_scat2_body(%arg0: i32, %arg1: i32, %arg2: memref<4096x128xf32, #tpu.memory_space<hbm>>, %arg3: memref<4096xi32, #tpu.memory_space<hbm>>, %arg4: memref<4096x128xf32, #tpu.memory_space<hbm>>, %arg5: memref<4096xi32, #tpu.memory_space<hbm>>, %arg6: memref<1024x128xf32, #tpu.memory_space<hbm>>, %arg7: memref<1024x128xf32, #tpu.memory_space<hbm>>, %arg8: memref<2x1024x128xf32, #tpu.memory_space<hbm>>, %arg9: memref<1024x128xf32, #tpu.memory_space<vmem_shared>>, %arg10: memref<128xi32, #tpu.memory_space<vmem>>, %arg11: memref<128xi32, #tpu.memory_space<vmem>>, %arg12: memref<128x128xf32, #tpu.memory_space<vmem>>, %arg13: memref<128x128xf32, #tpu.memory_space<vmem>>, %arg14: memref<!tpu.dma_semaphore, #tpu.memory_space<semaphore_mem>>, %arg15: memref<!tpu.dma_semaphore, #tpu.memory_space<semaphore_mem>>, %arg16: memref<!tpu.dma_semaphore, #tpu.memory_space<semaphore_mem>>, %arg17: memref<!tpu.dma_semaphore, #tpu.memory_space<semaphore_mem>>, %arg18: memref<!tpu.dma_semaphore, #tpu.memory_space<semaphore_mem>>) attributes {dimension_semantics = [#tpu.dimension_semantics<core_parallel>, #tpu.dimension_semantics<subcore_parallel>], iteration_bounds = array<i64: 2, 16>, scalar_prefetch = 0 : i64, scratch_operands = 10 : i64, tpu.core_type = #tpu.core_type<sc_vector_subcore>, window_params = [{transform_indices = #map}, {transform_indices = #map1}, {transform_indices = #map}, {transform_indices = #map1}, {transform_indices = #map}, {transform_indices = #map}, {transform_indices = #map2}]} {
    %mul3A = arith.constant 2 : i32
    %mul3A_0 = arith.muli %arg1, %mul3A : i32
    %add3A = arith.addi %mul3A_0, %arg0 : i32
    %mul3A_1 = arith.constant 128 : i32
    %mul3A_2 = arith.muli %add3A, %mul3A_1 : i32
    %mul3A_3 = arith.constant 64 : i32
    %mul3A_4 = arith.muli %arg1, %mul3A_3 : i32
    %eq3A = arith.constant 0 : i32
    %eq3A_5 = arith.cmpi eq, %arg0, %eq3A : i32
    %convert_element_type3A = arith.extui %eq3A_5 : i1 to i32
    %cond3A = arith.constant 0 : i32
    %cond3A_6 = arith.cmpi ne, %convert_element_type3A, %cond3A : i32
    scf.if %cond3A_6 {
      %dma_start3A_34 = arith.constant 0 : i32
      %dma_start3A_35 = tpu.memref_slice %arg9[%mul3A_4, %dma_start3A_34] : memref<1024x128xf32, #tpu.memory_space<vmem_shared>> -> memref<64x128xf32, #tpu.memory_space<vmem_shared>>
      %dma_start3A_36 = arith.constant 0 : i32
      %dma_start3A_37 = tpu.memref_slice %arg6[%mul3A_4, %dma_start3A_36] : memref<1024x128xf32, #tpu.memory_space<hbm>> -> memref<64x128xf32, #tpu.memory_space<hbm>>
      tpu.enqueue_dma source(%dma_start3A_37 : memref<64x128xf32, #tpu.memory_space<hbm>>) target(%dma_start3A_35 : memref<64x128xf32, #tpu.memory_space<vmem_shared>>) target_semaphore(%arg14 : memref<!tpu.dma_semaphore, #tpu.memory_space<semaphore_mem>>)
      %dma_wait3A_38 = arith.constant 0 : i32
      %dma_wait3A_39 = tpu.memref_slice %arg9[%mul3A_4, %dma_wait3A_38] : memref<1024x128xf32, #tpu.memory_space<vmem_shared>> -> memref<64x128xf32, #tpu.memory_space<vmem_shared>>
      %dma_wait3A_40 = arith.constant 0 : i32
      %dma_wait3A_41 = tpu.memref_slice %arg6[%mul3A_4, %dma_wait3A_40] : memref<1024x128xf32, #tpu.memory_space<hbm>> -> memref<64x128xf32, #tpu.memory_space<hbm>>
      tpu.wait_dma2 semaphore(%arg14 : memref<!tpu.dma_semaphore, #tpu.memory_space<semaphore_mem>>) src(%dma_wait3A_41 : memref<64x128xf32, #tpu.memory_space<hbm>>) dst(%dma_wait3A_39 : memref<64x128xf32, #tpu.memory_space<vmem_shared>>)
    } else {
    }
    %ne3A = arith.constant 0 : i32
    %ne3A_7 = arith.cmpi ne, %arg0, %ne3A : i32
    %convert_element_type3A_8 = arith.extui %ne3A_7 : i1 to i32
    %cond3A_9 = arith.constant 0 : i32
    %cond3A_10 = arith.cmpi ne, %convert_element_type3A_8, %cond3A_9 : i32
    scf.if %cond3A_10 {
      %dma_start3A_34 = arith.constant 0 : i32
      %dma_start3A_35 = tpu.memref_slice %arg9[%mul3A_4, %dma_start3A_34] : memref<1024x128xf32, #tpu.memory_space<vmem_shared>> -> memref<64x128xf32, #tpu.memory_space<vmem_shared>>
      %dma_start3A_36 = arith.constant 0 : i32
      %dma_start3A_37 = tpu.memref_slice %arg7[%mul3A_4, %dma_start3A_36] : memref<1024x128xf32, #tpu.memory_space<hbm>> -> memref<64x128xf32, #tpu.memory_space<hbm>>
      tpu.enqueue_dma source(%dma_start3A_37 : memref<64x128xf32, #tpu.memory_space<hbm>>) target(%dma_start3A_35 : memref<64x128xf32, #tpu.memory_space<vmem_shared>>) target_semaphore(%arg14 : memref<!tpu.dma_semaphore, #tpu.memory_space<semaphore_mem>>)
      %dma_wait3A_38 = arith.constant 0 : i32
      %dma_wait3A_39 = tpu.memref_slice %arg9[%mul3A_4, %dma_wait3A_38] : memref<1024x128xf32, #tpu.memory_space<vmem_shared>> -> memref<64x128xf32, #tpu.memory_space<vmem_shared>>
      %dma_wait3A_40 = arith.constant 0 : i32
      %dma_wait3A_41 = tpu.memref_slice %arg7[%mul3A_4, %dma_wait3A_40] : memref<1024x128xf32, #tpu.memory_space<hbm>> -> memref<64x128xf32, #tpu.memory_space<hbm>>
      tpu.wait_dma2 semaphore(%arg14 : memref<!tpu.dma_semaphore, #tpu.memory_space<semaphore_mem>>) src(%dma_wait3A_41 : memref<64x128xf32, #tpu.memory_space<hbm>>) dst(%dma_wait3A_39 : memref<64x128xf32, #tpu.memory_space<vmem_shared>>)
    } else {
    }
    %dma_start3A = tpu.memref_slice %arg3[%mul3A_2] : memref<4096xi32, #tpu.memory_space<hbm>> -> memref<128xi32, #tpu.memory_space<hbm>>
    %dma_start3A_11 = tpu.memref_slice %arg3[%mul3A_2] : memref<4096xi32, #tpu.memory_space<hbm>> -> memref<128xi32, #tpu.memory_space<hbm>>
    tpu.enqueue_dma source(%dma_start3A_11 : memref<128xi32, #tpu.memory_space<hbm>>) target(%arg10 : memref<128xi32, #tpu.memory_space<vmem>>) target_semaphore(%arg15 : memref<!tpu.dma_semaphore, #tpu.memory_space<semaphore_mem>>)
    %dma_start3A_12 = tpu.memref_slice %arg5[%mul3A_2] : memref<4096xi32, #tpu.memory_space<hbm>> -> memref<128xi32, #tpu.memory_space<hbm>>
    %dma_start3A_13 = tpu.memref_slice %arg5[%mul3A_2] : memref<4096xi32, #tpu.memory_space<hbm>> -> memref<128xi32, #tpu.memory_space<hbm>>
    tpu.enqueue_dma source(%dma_start3A_13 : memref<128xi32, #tpu.memory_space<hbm>>) target(%arg11 : memref<128xi32, #tpu.memory_space<vmem>>) target_semaphore(%arg16 : memref<!tpu.dma_semaphore, #tpu.memory_space<semaphore_mem>>)
    %dma_start3A_14 = arith.constant 0 : i32
    %dma_start3A_15 = tpu.memref_slice %arg2[%mul3A_2, %dma_start3A_14] : memref<4096x128xf32, #tpu.memory_space<hbm>> -> memref<128x128xf32, #tpu.memory_space<hbm>>
    %dma_start3A_16 = arith.constant 0 : i32
    %dma_start3A_17 = tpu.memref_slice %arg2[%mul3A_2, %dma_start3A_16] : memref<4096x128xf32, #tpu.memory_space<hbm>> -> memref<128x128xf32, #tpu.memory_space<hbm>>
    tpu.enqueue_dma source(%dma_start3A_17 : memref<128x128xf32, #tpu.memory_space<hbm>>) target(%arg12 : memref<128x128xf32, #tpu.memory_space<vmem>>) target_semaphore(%arg17 : memref<!tpu.dma_semaphore, #tpu.memory_space<semaphore_mem>>)
    %dma_start3A_18 = arith.constant 0 : i32
    %dma_start3A_19 = tpu.memref_slice %arg4[%mul3A_2, %dma_start3A_18] : memref<4096x128xf32, #tpu.memory_space<hbm>> -> memref<128x128xf32, #tpu.memory_space<hbm>>
    %dma_start3A_20 = arith.constant 0 : i32
    %dma_start3A_21 = tpu.memref_slice %arg4[%mul3A_2, %dma_start3A_20] : memref<4096x128xf32, #tpu.memory_space<hbm>> -> memref<128x128xf32, #tpu.memory_space<hbm>>
    tpu.enqueue_dma source(%dma_start3A_21 : memref<128x128xf32, #tpu.memory_space<hbm>>) target(%arg13 : memref<128x128xf32, #tpu.memory_space<vmem>>) target_semaphore(%arg18 : memref<!tpu.dma_semaphore, #tpu.memory_space<semaphore_mem>>)
    %dma_wait3A = tpu.memref_slice %arg3[%mul3A_2] : memref<4096xi32, #tpu.memory_space<hbm>> -> memref<128xi32, #tpu.memory_space<hbm>>
    %dma_wait3A_22 = tpu.memref_slice %arg3[%mul3A_2] : memref<4096xi32, #tpu.memory_space<hbm>> -> memref<128xi32, #tpu.memory_space<hbm>>
    tpu.wait_dma2 semaphore(%arg15 : memref<!tpu.dma_semaphore, #tpu.memory_space<semaphore_mem>>) src(%dma_wait3A_22 : memref<128xi32, #tpu.memory_space<hbm>>) dst(%arg10 : memref<128xi32, #tpu.memory_space<vmem>>)
    %dma_wait3A_23 = tpu.memref_slice %arg5[%mul3A_2] : memref<4096xi32, #tpu.memory_space<hbm>> -> memref<128xi32, #tpu.memory_space<hbm>>
    %dma_wait3A_24 = tpu.memref_slice %arg5[%mul3A_2] : memref<4096xi32, #tpu.memory_space<hbm>> -> memref<128xi32, #tpu.memory_space<hbm>>
    tpu.wait_dma2 semaphore(%arg16 : memref<!tpu.dma_semaphore, #tpu.memory_space<semaphore_mem>>) src(%dma_wait3A_24 : memref<128xi32, #tpu.memory_space<hbm>>) dst(%arg11 : memref<128xi32, #tpu.memory_space<vmem>>)
    %dma_wait3A_25 = arith.constant 0 : i32
    %dma_wait3A_26 = tpu.memref_slice %arg2[%mul3A_2, %dma_wait3A_25] : memref<4096x128xf32, #tpu.memory_space<hbm>> -> memref<128x128xf32, #tpu.memory_space<hbm>>
    %dma_wait3A_27 = arith.constant 0 : i32
    %dma_wait3A_28 = tpu.memref_slice %arg2[%mul3A_2, %dma_wait3A_27] : memref<4096x128xf32, #tpu.memory_space<hbm>> -> memref<128x128xf32, #tpu.memory_space<hbm>>
    tpu.wait_dma2 semaphore(%arg17 : memref<!tpu.dma_semaphore, #tpu.memory_space<semaphore_mem>>) src(%dma_wait3A_28 : memref<128x128xf32, #tpu.memory_space<hbm>>) dst(%arg12 : memref<128x128xf32, #tpu.memory_space<vmem>>)
    %dma_wait3A_29 = arith.constant 0 : i32
    %dma_wait3A_30 = tpu.memref_slice %arg4[%mul3A_2, %dma_wait3A_29] : memref<4096x128xf32, #tpu.memory_space<hbm>> -> memref<128x128xf32, #tpu.memory_space<hbm>>
    %dma_wait3A_31 = arith.constant 0 : i32
    %dma_wait3A_32 = tpu.memref_slice %arg4[%mul3A_2, %dma_wait3A_31] : memref<4096x128xf32, #tpu.memory_space<hbm>> -> memref<128x128xf32, #tpu.memory_space<hbm>>
    tpu.wait_dma2 semaphore(%arg18 : memref<!tpu.dma_semaphore, #tpu.memory_space<semaphore_mem>>) src(%dma_wait3A_32 : memref<128x128xf32, #tpu.memory_space<hbm>>) dst(%arg13 : memref<128x128xf32, #tpu.memory_space<vmem>>)
    %barrier3A = arith.constant 0 : index
    tpu.barrier barrier_id(%barrier3A)
    "tpu.region"() ({
      %run_scoped3A = tpu.sem_alloc : memref<!tpu.dma_semaphore, #tpu.memory_space<semaphore_mem>>
      %dma_start3A_34 = arith.constant 0 : i32
      %dma_start3A_35 = arith.constant 0 : i32
      %dma_start3A_36 = tpu.memref_slice %arg9[%dma_start3A_34, %dma_start3A_35] : memref<1024x128xf32, #tpu.memory_space<vmem_shared>> -> memref<1024x128xf32, #tpu.memory_space<vmem_shared>>
      tpu.enqueue_indirect_dma source(%arg12 : memref<128x128xf32, #tpu.memory_space<vmem>>) target(%dma_start3A_36 : memref<1024x128xf32, #tpu.memory_space<vmem_shared>>) offsets(%arg10 : memref<128xi32, #tpu.memory_space<vmem>>) semaphore(%run_scoped3A : memref<!tpu.dma_semaphore, #tpu.memory_space<semaphore_mem>>) {add = true}
      %dma_wait3A_37 = arith.constant 0 : i32
      %dma_wait3A_38 = arith.constant 0 : i32
      %dma_wait3A_39 = tpu.memref_slice %arg9[%dma_wait3A_37, %dma_wait3A_38] : memref<1024x128xf32, #tpu.memory_space<vmem_shared>> -> memref<1024x128xf32, #tpu.memory_space<vmem_shared>>
      tpu.wait_indirect_dma semaphore(%run_scoped3A : memref<!tpu.dma_semaphore, #tpu.memory_space<semaphore_mem>>) src(%arg12 : memref<128x128xf32, #tpu.memory_space<vmem>>) dst(%dma_wait3A_39 : memref<1024x128xf32, #tpu.memory_space<vmem_shared>>)
      tpu.yield
    }) : () -> ()
    "tpu.region"() ({
      %run_scoped3A = tpu.sem_alloc : memref<!tpu.dma_semaphore, #tpu.memory_space<semaphore_mem>>
      %dma_start3A_34 = arith.constant 0 : i32
      %dma_start3A_35 = arith.constant 0 : i32
      %dma_start3A_36 = tpu.memref_slice %arg9[%dma_start3A_34, %dma_start3A_35] : memref<1024x128xf32, #tpu.memory_space<vmem_shared>> -> memref<1024x128xf32, #tpu.memory_space<vmem_shared>>
      tpu.enqueue_indirect_dma source(%arg13 : memref<128x128xf32, #tpu.memory_space<vmem>>) target(%dma_start3A_36 : memref<1024x128xf32, #tpu.memory_space<vmem_shared>>) offsets(%arg11 : memref<128xi32, #tpu.memory_space<vmem>>) semaphore(%run_scoped3A : memref<!tpu.dma_semaphore, #tpu.memory_space<semaphore_mem>>) {add = true}
      %dma_wait3A_37 = arith.constant 0 : i32
      %dma_wait3A_38 = arith.constant 0 : i32
      %dma_wait3A_39 = tpu.memref_slice %arg9[%dma_wait3A_37, %dma_wait3A_38] : memref<1024x128xf32, #tpu.memory_space<vmem_shared>> -> memref<1024x128xf32, #tpu.memory_space<vmem_shared>>
      tpu.wait_indirect_dma semaphore(%run_scoped3A : memref<!tpu.dma_semaphore, #tpu.memory_space<semaphore_mem>>) src(%arg13 : memref<128x128xf32, #tpu.memory_space<vmem>>) dst(%dma_wait3A_39 : memref<1024x128xf32, #tpu.memory_space<vmem_shared>>)
      tpu.yield
    }) : () -> ()
    %barrier3A_33 = arith.constant 0 : index
    tpu.barrier barrier_id(%barrier3A_33)
    "tpu.region"() ({
      %run_scoped3A = tpu.sem_alloc : memref<!tpu.dma_semaphore, #tpu.memory_space<semaphore_mem>>
      %dma_start3A_34 = arith.constant 0 : i32
      %dma_start3A_35 = tpu.memref_slice %arg8[%arg0, %mul3A_4, %dma_start3A_34] : memref<2x1024x128xf32, #tpu.memory_space<hbm>> -> memref<1x64x128xf32, #tpu.memory_space<hbm>>
      %dma_start3A_36 = tpu.memref_squeeze %dma_start3A_35 : memref<1x64x128xf32, #tpu.memory_space<hbm>> -> memref<64x128xf32, #tpu.memory_space<hbm>>
      %dma_start3A_37 = arith.constant 0 : i32
      %dma_start3A_38 = tpu.memref_slice %arg9[%mul3A_4, %dma_start3A_37] : memref<1024x128xf32, #tpu.memory_space<vmem_shared>> -> memref<64x128xf32, #tpu.memory_space<vmem_shared>>
      tpu.enqueue_dma source(%dma_start3A_38 : memref<64x128xf32, #tpu.memory_space<vmem_shared>>) target(%dma_start3A_36 : memref<64x128xf32, #tpu.memory_space<hbm>>) target_semaphore(%run_scoped3A : memref<!tpu.dma_semaphore, #tpu.memory_space<semaphore_mem>>)
      %dma_wait3A_39 = arith.constant 0 : i32
      %dma_wait3A_40 = tpu.memref_slice %arg8[%arg0, %mul3A_4, %dma_wait3A_39] : memref<2x1024x128xf32, #tpu.memory_space<hbm>> -> memref<1x64x128xf32, #tpu.memory_space<hbm>>
      %dma_wait3A_41 = tpu.memref_squeeze %dma_wait3A_40 : memref<1x64x128xf32, #tpu.memory_space<hbm>> -> memref<64x128xf32, #tpu.memory_space<hbm>>
      %dma_wait3A_42 = arith.constant 0 : i32
      %dma_wait3A_43 = tpu.memref_slice %arg9[%mul3A_4, %dma_wait3A_42] : memref<1024x128xf32, #tpu.memory_space<vmem_shared>> -> memref<64x128xf32, #tpu.memory_space<vmem_shared>>
      tpu.wait_dma2 semaphore(%run_scoped3A : memref<!tpu.dma_semaphore, #tpu.memory_space<semaphore_mem>>) src(%dma_wait3A_43 : memref<64x128xf32, #tpu.memory_space<vmem_shared>>) dst(%dma_wait3A_41 : memref<64x128xf32, #tpu.memory_space<hbm>>)
      tpu.yield
    }) : () -> ()
    return
  }
}

#map = affine_map<(d0, d1) -> (0, 0)>
#map1 = affine_map<(d0, d1) -> (0)>
module attributes {stable_mosaic.version = 14 : i64} {
  func.func @_gather1_body(%arg0: i32, %arg1: i32, %arg2: memref<1024x128xf32, #tpu.memory_space<hbm>>, %arg3: memref<4096xi32, #tpu.memory_space<hbm>>, %arg4: memref<4096x128xf32, #tpu.memory_space<hbm>>, %arg5: memref<128xi32, #tpu.memory_space<vmem>>, %arg6: memref<128x128xf32, #tpu.memory_space<vmem>>, %arg7: memref<!tpu.dma_semaphore, #tpu.memory_space<semaphore_mem>>) attributes {dimension_semantics = [#tpu.dimension_semantics<core_parallel>, #tpu.dimension_semantics<subcore_parallel>], iteration_bounds = array<i64: 2, 16>, scalar_prefetch = 0 : i64, scratch_operands = 3 : i64, tpu.core_type = #tpu.core_type<sc_vector_subcore>, window_params = [{transform_indices = #map}, {transform_indices = #map1}, {transform_indices = #map}]} {
    %mul3A = arith.constant 2 : i32
    %mul3A_0 = arith.muli %arg1, %mul3A : i32
    %add3A = arith.addi %mul3A_0, %arg0 : i32
    %mul3A_1 = arith.constant 128 : i32
    %mul3A_2 = arith.muli %add3A, %mul3A_1 : i32
    "tpu.region"() ({
      %run_scoped3A = tpu.sem_alloc : memref<!tpu.dma_semaphore, #tpu.memory_space<semaphore_mem>>
      %dma_start3A_7 = tpu.memref_slice %arg3[%mul3A_2] : memref<4096xi32, #tpu.memory_space<hbm>> -> memref<128xi32, #tpu.memory_space<hbm>>
      %dma_start3A_8 = tpu.memref_slice %arg3[%mul3A_2] : memref<4096xi32, #tpu.memory_space<hbm>> -> memref<128xi32, #tpu.memory_space<hbm>>
      tpu.enqueue_dma source(%dma_start3A_8 : memref<128xi32, #tpu.memory_space<hbm>>) target(%arg5 : memref<128xi32, #tpu.memory_space<vmem>>) target_semaphore(%run_scoped3A : memref<!tpu.dma_semaphore, #tpu.memory_space<semaphore_mem>>)
      %dma_wait3A_9 = tpu.memref_slice %arg3[%mul3A_2] : memref<4096xi32, #tpu.memory_space<hbm>> -> memref<128xi32, #tpu.memory_space<hbm>>
      %dma_wait3A_10 = tpu.memref_slice %arg3[%mul3A_2] : memref<4096xi32, #tpu.memory_space<hbm>> -> memref<128xi32, #tpu.memory_space<hbm>>
      tpu.wait_dma2 semaphore(%run_scoped3A : memref<!tpu.dma_semaphore, #tpu.memory_space<semaphore_mem>>) src(%dma_wait3A_10 : memref<128xi32, #tpu.memory_space<hbm>>) dst(%arg5 : memref<128xi32, #tpu.memory_space<vmem>>)
      tpu.yield
    }) : () -> ()
    %dma_start3A = arith.constant 0 : i32
    %dma_start3A_3 = arith.constant 0 : i32
    %dma_start3A_4 = tpu.memref_slice %arg2[%dma_start3A, %dma_start3A_3] : memref<1024x128xf32, #tpu.memory_space<hbm>> -> memref<1024x128xf32, #tpu.memory_space<hbm>>
    tpu.enqueue_indirect_dma source(%dma_start3A_4 : memref<1024x128xf32, #tpu.memory_space<hbm>>) target(%arg6 : memref<128x128xf32, #tpu.memory_space<vmem>>) offsets(%arg5 : memref<128xi32, #tpu.memory_space<vmem>>) semaphore(%arg7 : memref<!tpu.dma_semaphore, #tpu.memory_space<semaphore_mem>>)
    %dma_wait3A = arith.constant 0 : i32
    %dma_wait3A_5 = arith.constant 0 : i32
    %dma_wait3A_6 = tpu.memref_slice %arg2[%dma_wait3A, %dma_wait3A_5] : memref<1024x128xf32, #tpu.memory_space<hbm>> -> memref<1024x128xf32, #tpu.memory_space<hbm>>
    tpu.wait_indirect_dma semaphore(%arg7 : memref<!tpu.dma_semaphore, #tpu.memory_space<semaphore_mem>>) src(%dma_wait3A_6 : memref<1024x128xf32, #tpu.memory_space<hbm>>) dst(%arg6 : memref<128x128xf32, #tpu.memory_space<vmem>>)
    "tpu.region"() ({
      %run_scoped3A = tpu.sem_alloc : memref<!tpu.dma_semaphore, #tpu.memory_space<semaphore_mem>>
      %dma_start3A_7 = arith.constant 0 : i32
      %dma_start3A_8 = tpu.memref_slice %arg4[%mul3A_2, %dma_start3A_7] : memref<4096x128xf32, #tpu.memory_space<hbm>> -> memref<128x128xf32, #tpu.memory_space<hbm>>
      %dma_start3A_9 = arith.constant 0 : i32
      %dma_start3A_10 = tpu.memref_slice %arg4[%mul3A_2, %dma_start3A_9] : memref<4096x128xf32, #tpu.memory_space<hbm>> -> memref<128x128xf32, #tpu.memory_space<hbm>>
      tpu.enqueue_dma source(%arg6 : memref<128x128xf32, #tpu.memory_space<vmem>>) target(%dma_start3A_10 : memref<128x128xf32, #tpu.memory_space<hbm>>) target_semaphore(%run_scoped3A : memref<!tpu.dma_semaphore, #tpu.memory_space<semaphore_mem>>)
      %dma_wait3A_11 = arith.constant 0 : i32
      %dma_wait3A_12 = tpu.memref_slice %arg4[%mul3A_2, %dma_wait3A_11] : memref<4096x128xf32, #tpu.memory_space<hbm>> -> memref<128x128xf32, #tpu.memory_space<hbm>>
      %dma_wait3A_13 = arith.constant 0 : i32
      %dma_wait3A_14 = tpu.memref_slice %arg4[%mul3A_2, %dma_wait3A_13] : memref<4096x128xf32, #tpu.memory_space<hbm>> -> memref<128x128xf32, #tpu.memory_space<hbm>>
      tpu.wait_dma2 semaphore(%run_scoped3A : memref<!tpu.dma_semaphore, #tpu.memory_space<semaphore_mem>>) src(%arg6 : memref<128x128xf32, #tpu.memory_space<vmem>>) dst(%dma_wait3A_14 : memref<128x128xf32, #tpu.memory_space<hbm>>)
      tpu.yield
    }) : () -> ()
    return
  }
}

#map = affine_map<(d0, d1) -> (0, 0)>
#map1 = affine_map<(d0, d1) -> (0)>
#map2 = affine_map<(d0, d1) -> (0, 0, 0)>
module attributes {stable_mosaic.version = 14 : i64} {
  func.func @_scat2_body(%arg0: i32, %arg1: i32, %arg2: memref<4096x128xf32, #tpu.memory_space<hbm>>, %arg3: memref<4096xi32, #tpu.memory_space<hbm>>, %arg4: memref<4096x128xf32, #tpu.memory_space<hbm>>, %arg5: memref<4096xi32, #tpu.memory_space<hbm>>, %arg6: memref<1024x128xf32, #tpu.memory_space<hbm>>, %arg7: memref<1024x128xf32, #tpu.memory_space<hbm>>, %arg8: memref<2x1024x128xf32, #tpu.memory_space<hbm>>, %arg9: memref<1024x128xf32, #tpu.memory_space<vmem_shared>>, %arg10: memref<128xi32, #tpu.memory_space<vmem>>, %arg11: memref<128xi32, #tpu.memory_space<vmem>>, %arg12: memref<128x128xf32, #tpu.memory_space<vmem>>, %arg13: memref<128x128xf32, #tpu.memory_space<vmem>>, %arg14: memref<!tpu.dma_semaphore, #tpu.memory_space<semaphore_mem>>, %arg15: memref<!tpu.dma_semaphore, #tpu.memory_space<semaphore_mem>>, %arg16: memref<!tpu.dma_semaphore, #tpu.memory_space<semaphore_mem>>, %arg17: memref<!tpu.dma_semaphore, #tpu.memory_space<semaphore_mem>>, %arg18: memref<!tpu.dma_semaphore, #tpu.memory_space<semaphore_mem>>) attributes {dimension_semantics = [#tpu.dimension_semantics<core_parallel>, #tpu.dimension_semantics<subcore_parallel>], iteration_bounds = array<i64: 2, 16>, scalar_prefetch = 0 : i64, scratch_operands = 10 : i64, tpu.core_type = #tpu.core_type<sc_vector_subcore>, window_params = [{transform_indices = #map}, {transform_indices = #map1}, {transform_indices = #map}, {transform_indices = #map1}, {transform_indices = #map}, {transform_indices = #map}, {transform_indices = #map2}]} {
    %mul3A = arith.constant 2 : i32
    %mul3A_0 = arith.muli %arg1, %mul3A : i32
    %add3A = arith.addi %mul3A_0, %arg0 : i32
    %mul3A_1 = arith.constant 128 : i32
    %mul3A_2 = arith.muli %add3A, %mul3A_1 : i32
    %mul3A_3 = arith.constant 64 : i32
    %mul3A_4 = arith.muli %arg1, %mul3A_3 : i32
    %eq3A = arith.constant 0 : i32
    %eq3A_5 = arith.cmpi eq, %arg0, %eq3A : i32
    %convert_element_type3A = arith.extui %eq3A_5 : i1 to i32
    %cond3A = arith.constant 0 : i32
    %cond3A_6 = arith.cmpi ne, %convert_element_type3A, %cond3A : i32
    scf.if %cond3A_6 {
      %dma_start3A_34 = arith.constant 0 : i32
      %dma_start3A_35 = tpu.memref_slice %arg9[%mul3A_4, %dma_start3A_34] : memref<1024x128xf32, #tpu.memory_space<vmem_shared>> -> memref<64x128xf32, #tpu.memory_space<vmem_shared>>
      %dma_start3A_36 = arith.constant 0 : i32
      %dma_start3A_37 = tpu.memref_slice %arg6[%mul3A_4, %dma_start3A_36] : memref<1024x128xf32, #tpu.memory_space<hbm>> -> memref<64x128xf32, #tpu.memory_space<hbm>>
      tpu.enqueue_dma source(%dma_start3A_37 : memref<64x128xf32, #tpu.memory_space<hbm>>) target(%dma_start3A_35 : memref<64x128xf32, #tpu.memory_space<vmem_shared>>) target_semaphore(%arg14 : memref<!tpu.dma_semaphore, #tpu.memory_space<semaphore_mem>>)
      %dma_wait3A_38 = arith.constant 0 : i32
      %dma_wait3A_39 = tpu.memref_slice %arg9[%mul3A_4, %dma_wait3A_38] : memref<1024x128xf32, #tpu.memory_space<vmem_shared>> -> memref<64x128xf32, #tpu.memory_space<vmem_shared>>
      %dma_wait3A_40 = arith.constant 0 : i32
      %dma_wait3A_41 = tpu.memref_slice %arg6[%mul3A_4, %dma_wait3A_40] : memref<1024x128xf32, #tpu.memory_space<hbm>> -> memref<64x128xf32, #tpu.memory_space<hbm>>
      tpu.wait_dma2 semaphore(%arg14 : memref<!tpu.dma_semaphore, #tpu.memory_space<semaphore_mem>>) src(%dma_wait3A_41 : memref<64x128xf32, #tpu.memory_space<hbm>>) dst(%dma_wait3A_39 : memref<64x128xf32, #tpu.memory_space<vmem_shared>>)
    } else {
    }
    %ne3A = arith.constant 0 : i32
    %ne3A_7 = arith.cmpi ne, %arg0, %ne3A : i32
    %convert_element_type3A_8 = arith.extui %ne3A_7 : i1 to i32
    %cond3A_9 = arith.constant 0 : i32
    %cond3A_10 = arith.cmpi ne, %convert_element_type3A_8, %cond3A_9 : i32
    scf.if %cond3A_10 {
      %dma_start3A_34 = arith.constant 0 : i32
      %dma_start3A_35 = tpu.memref_slice %arg9[%mul3A_4, %dma_start3A_34] : memref<1024x128xf32, #tpu.memory_space<vmem_shared>> -> memref<64x128xf32, #tpu.memory_space<vmem_shared>>
      %dma_start3A_36 = arith.constant 0 : i32
      %dma_start3A_37 = tpu.memref_slice %arg7[%mul3A_4, %dma_start3A_36] : memref<1024x128xf32, #tpu.memory_space<hbm>> -> memref<64x128xf32, #tpu.memory_space<hbm>>
      tpu.enqueue_dma source(%dma_start3A_37 : memref<64x128xf32, #tpu.memory_space<hbm>>) target(%dma_start3A_35 : memref<64x128xf32, #tpu.memory_space<vmem_shared>>) target_semaphore(%arg14 : memref<!tpu.dma_semaphore, #tpu.memory_space<semaphore_mem>>)
      %dma_wait3A_38 = arith.constant 0 : i32
      %dma_wait3A_39 = tpu.memref_slice %arg9[%mul3A_4, %dma_wait3A_38] : memref<1024x128xf32, #tpu.memory_space<vmem_shared>> -> memref<64x128xf32, #tpu.memory_space<vmem_shared>>
      %dma_wait3A_40 = arith.constant 0 : i32
      %dma_wait3A_41 = tpu.memref_slice %arg7[%mul3A_4, %dma_wait3A_40] : memref<1024x128xf32, #tpu.memory_space<hbm>> -> memref<64x128xf32, #tpu.memory_space<hbm>>
      tpu.wait_dma2 semaphore(%arg14 : memref<!tpu.dma_semaphore, #tpu.memory_space<semaphore_mem>>) src(%dma_wait3A_41 : memref<64x128xf32, #tpu.memory_space<hbm>>) dst(%dma_wait3A_39 : memref<64x128xf32, #tpu.memory_space<vmem_shared>>)
    } else {
    }
    %dma_start3A = tpu.memref_slice %arg3[%mul3A_2] : memref<4096xi32, #tpu.memory_space<hbm>> -> memref<128xi32, #tpu.memory_space<hbm>>
    %dma_start3A_11 = tpu.memref_slice %arg3[%mul3A_2] : memref<4096xi32, #tpu.memory_space<hbm>> -> memref<128xi32, #tpu.memory_space<hbm>>
    tpu.enqueue_dma source(%dma_start3A_11 : memref<128xi32, #tpu.memory_space<hbm>>) target(%arg10 : memref<128xi32, #tpu.memory_space<vmem>>) target_semaphore(%arg15 : memref<!tpu.dma_semaphore, #tpu.memory_space<semaphore_mem>>)
    %dma_start3A_12 = tpu.memref_slice %arg5[%mul3A_2] : memref<4096xi32, #tpu.memory_space<hbm>> -> memref<128xi32, #tpu.memory_space<hbm>>
    %dma_start3A_13 = tpu.memref_slice %arg5[%mul3A_2] : memref<4096xi32, #tpu.memory_space<hbm>> -> memref<128xi32, #tpu.memory_space<hbm>>
    tpu.enqueue_dma source(%dma_start3A_13 : memref<128xi32, #tpu.memory_space<hbm>>) target(%arg11 : memref<128xi32, #tpu.memory_space<vmem>>) target_semaphore(%arg16 : memref<!tpu.dma_semaphore, #tpu.memory_space<semaphore_mem>>)
    %dma_start3A_14 = arith.constant 0 : i32
    %dma_start3A_15 = tpu.memref_slice %arg2[%mul3A_2, %dma_start3A_14] : memref<4096x128xf32, #tpu.memory_space<hbm>> -> memref<128x128xf32, #tpu.memory_space<hbm>>
    %dma_start3A_16 = arith.constant 0 : i32
    %dma_start3A_17 = tpu.memref_slice %arg2[%mul3A_2, %dma_start3A_16] : memref<4096x128xf32, #tpu.memory_space<hbm>> -> memref<128x128xf32, #tpu.memory_space<hbm>>
    tpu.enqueue_dma source(%dma_start3A_17 : memref<128x128xf32, #tpu.memory_space<hbm>>) target(%arg12 : memref<128x128xf32, #tpu.memory_space<vmem>>) target_semaphore(%arg17 : memref<!tpu.dma_semaphore, #tpu.memory_space<semaphore_mem>>)
    %dma_start3A_18 = arith.constant 0 : i32
    %dma_start3A_19 = tpu.memref_slice %arg4[%mul3A_2, %dma_start3A_18] : memref<4096x128xf32, #tpu.memory_space<hbm>> -> memref<128x128xf32, #tpu.memory_space<hbm>>
    %dma_start3A_20 = arith.constant 0 : i32
    %dma_start3A_21 = tpu.memref_slice %arg4[%mul3A_2, %dma_start3A_20] : memref<4096x128xf32, #tpu.memory_space<hbm>> -> memref<128x128xf32, #tpu.memory_space<hbm>>
    tpu.enqueue_dma source(%dma_start3A_21 : memref<128x128xf32, #tpu.memory_space<hbm>>) target(%arg13 : memref<128x128xf32, #tpu.memory_space<vmem>>) target_semaphore(%arg18 : memref<!tpu.dma_semaphore, #tpu.memory_space<semaphore_mem>>)
    %dma_wait3A = tpu.memref_slice %arg3[%mul3A_2] : memref<4096xi32, #tpu.memory_space<hbm>> -> memref<128xi32, #tpu.memory_space<hbm>>
    %dma_wait3A_22 = tpu.memref_slice %arg3[%mul3A_2] : memref<4096xi32, #tpu.memory_space<hbm>> -> memref<128xi32, #tpu.memory_space<hbm>>
    tpu.wait_dma2 semaphore(%arg15 : memref<!tpu.dma_semaphore, #tpu.memory_space<semaphore_mem>>) src(%dma_wait3A_22 : memref<128xi32, #tpu.memory_space<hbm>>) dst(%arg10 : memref<128xi32, #tpu.memory_space<vmem>>)
    %dma_wait3A_23 = tpu.memref_slice %arg5[%mul3A_2] : memref<4096xi32, #tpu.memory_space<hbm>> -> memref<128xi32, #tpu.memory_space<hbm>>
    %dma_wait3A_24 = tpu.memref_slice %arg5[%mul3A_2] : memref<4096xi32, #tpu.memory_space<hbm>> -> memref<128xi32, #tpu.memory_space<hbm>>
    tpu.wait_dma2 semaphore(%arg16 : memref<!tpu.dma_semaphore, #tpu.memory_space<semaphore_mem>>) src(%dma_wait3A_24 : memref<128xi32, #tpu.memory_space<hbm>>) dst(%arg11 : memref<128xi32, #tpu.memory_space<vmem>>)
    %dma_wait3A_25 = arith.constant 0 : i32
    %dma_wait3A_26 = tpu.memref_slice %arg2[%mul3A_2, %dma_wait3A_25] : memref<4096x128xf32, #tpu.memory_space<hbm>> -> memref<128x128xf32, #tpu.memory_space<hbm>>
    %dma_wait3A_27 = arith.constant 0 : i32
    %dma_wait3A_28 = tpu.memref_slice %arg2[%mul3A_2, %dma_wait3A_27] : memref<4096x128xf32, #tpu.memory_space<hbm>> -> memref<128x128xf32, #tpu.memory_space<hbm>>
    tpu.wait_dma2 semaphore(%arg17 : memref<!tpu.dma_semaphore, #tpu.memory_space<semaphore_mem>>) src(%dma_wait3A_28 : memref<128x128xf32, #tpu.memory_space<hbm>>) dst(%arg12 : memref<128x128xf32, #tpu.memory_space<vmem>>)
    %dma_wait3A_29 = arith.constant 0 : i32
    %dma_wait3A_30 = tpu.memref_slice %arg4[%mul3A_2, %dma_wait3A_29] : memref<4096x128xf32, #tpu.memory_space<hbm>> -> memref<128x128xf32, #tpu.memory_space<hbm>>
    %dma_wait3A_31 = arith.constant 0 : i32
    %dma_wait3A_32 = tpu.memref_slice %arg4[%mul3A_2, %dma_wait3A_31] : memref<4096x128xf32, #tpu.memory_space<hbm>> -> memref<128x128xf32, #tpu.memory_space<hbm>>
    tpu.wait_dma2 semaphore(%arg18 : memref<!tpu.dma_semaphore, #tpu.memory_space<semaphore_mem>>) src(%dma_wait3A_32 : memref<128x128xf32, #tpu.memory_space<hbm>>) dst(%arg13 : memref<128x128xf32, #tpu.memory_space<vmem>>)
    %barrier3A = arith.constant 0 : index
    tpu.barrier barrier_id(%barrier3A)
    "tpu.region"() ({
      %run_scoped3A = tpu.sem_alloc : memref<!tpu.dma_semaphore, #tpu.memory_space<semaphore_mem>>
      %dma_start3A_34 = arith.constant 0 : i32
      %dma_start3A_35 = arith.constant 0 : i32
      %dma_start3A_36 = tpu.memref_slice %arg9[%dma_start3A_34, %dma_start3A_35] : memref<1024x128xf32, #tpu.memory_space<vmem_shared>> -> memref<1024x128xf32, #tpu.memory_space<vmem_shared>>
      tpu.enqueue_indirect_dma source(%arg12 : memref<128x128xf32, #tpu.memory_space<vmem>>) target(%dma_start3A_36 : memref<1024x128xf32, #tpu.memory_space<vmem_shared>>) offsets(%arg10 : memref<128xi32, #tpu.memory_space<vmem>>) semaphore(%run_scoped3A : memref<!tpu.dma_semaphore, #tpu.memory_space<semaphore_mem>>) {add = true}
      %dma_wait3A_37 = arith.constant 0 : i32
      %dma_wait3A_38 = arith.constant 0 : i32
      %dma_wait3A_39 = tpu.memref_slice %arg9[%dma_wait3A_37, %dma_wait3A_38] : memref<1024x128xf32, #tpu.memory_space<vmem_shared>> -> memref<1024x128xf32, #tpu.memory_space<vmem_shared>>
      tpu.wait_indirect_dma semaphore(%run_scoped3A : memref<!tpu.dma_semaphore, #tpu.memory_space<semaphore_mem>>) src(%arg12 : memref<128x128xf32, #tpu.memory_space<vmem>>) dst(%dma_wait3A_39 : memref<1024x128xf32, #tpu.memory_space<vmem_shared>>)
      tpu.yield
    }) : () -> ()
    "tpu.region"() ({
      %run_scoped3A = tpu.sem_alloc : memref<!tpu.dma_semaphore, #tpu.memory_space<semaphore_mem>>
      %dma_start3A_34 = arith.constant 0 : i32
      %dma_start3A_35 = arith.constant 0 : i32
      %dma_start3A_36 = tpu.memref_slice %arg9[%dma_start3A_34, %dma_start3A_35] : memref<1024x128xf32, #tpu.memory_space<vmem_shared>> -> memref<1024x128xf32, #tpu.memory_space<vmem_shared>>
      tpu.enqueue_indirect_dma source(%arg13 : memref<128x128xf32, #tpu.memory_space<vmem>>) target(%dma_start3A_36 : memref<1024x128xf32, #tpu.memory_space<vmem_shared>>) offsets(%arg11 : memref<128xi32, #tpu.memory_space<vmem>>) semaphore(%run_scoped3A : memref<!tpu.dma_semaphore, #tpu.memory_space<semaphore_mem>>) {add = true}
      %dma_wait3A_37 = arith.constant 0 : i32
      %dma_wait3A_38 = arith.constant 0 : i32
      %dma_wait3A_39 = tpu.memref_slice %arg9[%dma_wait3A_37, %dma_wait3A_38] : memref<1024x128xf32, #tpu.memory_space<vmem_shared>> -> memref<1024x128xf32, #tpu.memory_space<vmem_shared>>
      tpu.wait_indirect_dma semaphore(%run_scoped3A : memref<!tpu.dma_semaphore, #tpu.memory_space<semaphore_mem>>) src(%arg13 : memref<128x128xf32, #tpu.memory_space<vmem>>) dst(%dma_wait3A_39 : memref<1024x128xf32, #tpu.memory_space<vmem_shared>>)
      tpu.yield
    }) : () -> ()
    %barrier3A_33 = arith.constant 0 : index
    tpu.barrier barrier_id(%barrier3A_33)
    "tpu.region"() ({
      %run_scoped3A = tpu.sem_alloc : memref<!tpu.dma_semaphore, #tpu.memory_space<semaphore_mem>>
      %dma_start3A_34 = arith.constant 0 : i32
      %dma_start3A_35 = tpu.memref_slice %arg8[%arg0, %mul3A_4, %dma_start3A_34] : memref<2x1024x128xf32, #tpu.memory_space<hbm>> -> memref<1x64x128xf32, #tpu.memory_space<hbm>>
      %dma_start3A_36 = tpu.memref_squeeze %dma_start3A_35 : memref<1x64x128xf32, #tpu.memory_space<hbm>> -> memref<64x128xf32, #tpu.memory_space<hbm>>
      %dma_start3A_37 = arith.constant 0 : i32
      %dma_start3A_38 = tpu.memref_slice %arg9[%mul3A_4, %dma_start3A_37] : memref<1024x128xf32, #tpu.memory_space<vmem_shared>> -> memref<64x128xf32, #tpu.memory_space<vmem_shared>>
      tpu.enqueue_dma source(%dma_start3A_38 : memref<64x128xf32, #tpu.memory_space<vmem_shared>>) target(%dma_start3A_36 : memref<64x128xf32, #tpu.memory_space<hbm>>) target_semaphore(%run_scoped3A : memref<!tpu.dma_semaphore, #tpu.memory_space<semaphore_mem>>)
      %dma_wait3A_39 = arith.constant 0 : i32
      %dma_wait3A_40 = tpu.memref_slice %arg8[%arg0, %mul3A_4, %dma_wait3A_39] : memref<2x1024x128xf32, #tpu.memory_space<hbm>> -> memref<1x64x128xf32, #tpu.memory_space<hbm>>
      %dma_wait3A_41 = tpu.memref_squeeze %dma_wait3A_40 : memref<1x64x128xf32, #tpu.memory_space<hbm>> -> memref<64x128xf32, #tpu.memory_space<hbm>>
      %dma_wait3A_42 = arith.constant 0 : i32
      %dma_wait3A_43 = tpu.memref_slice %arg9[%mul3A_4, %dma_wait3A_42] : memref<1024x128xf32, #tpu.memory_space<vmem_shared>> -> memref<64x128xf32, #tpu.memory_space<vmem_shared>>
      tpu.wait_dma2 semaphore(%run_scoped3A : memref<!tpu.dma_semaphore, #tpu.memory_space<semaphore_mem>>) src(%dma_wait3A_43 : memref<64x128xf32, #tpu.memory_space<vmem_shared>>) dst(%dma_wait3A_41 : memref<64x128xf32, #tpu.memory_space<hbm>>)
      tpu.yield
    }) : () -> ()
    return
  }
}

#map = affine_map<(d0, d1) -> (0, 0)>
#map1 = affine_map<(d0, d1) -> (0)>
module attributes {stable_mosaic.version = 14 : i64} {
  func.func @_gather1_body(%arg0: i32, %arg1: i32, %arg2: memref<1024x128xf32, #tpu.memory_space<hbm>>, %arg3: memref<4096xi32, #tpu.memory_space<hbm>>, %arg4: memref<4096x128xf32, #tpu.memory_space<hbm>>, %arg5: memref<128xi32, #tpu.memory_space<vmem>>, %arg6: memref<128x128xf32, #tpu.memory_space<vmem>>, %arg7: memref<!tpu.dma_semaphore, #tpu.memory_space<semaphore_mem>>) attributes {dimension_semantics = [#tpu.dimension_semantics<core_parallel>, #tpu.dimension_semantics<subcore_parallel>], iteration_bounds = array<i64: 2, 16>, scalar_prefetch = 0 : i64, scratch_operands = 3 : i64, tpu.core_type = #tpu.core_type<sc_vector_subcore>, window_params = [{transform_indices = #map}, {transform_indices = #map1}, {transform_indices = #map}]} {
    %mul3A = arith.constant 2 : i32
    %mul3A_0 = arith.muli %arg1, %mul3A : i32
    %add3A = arith.addi %mul3A_0, %arg0 : i32
    %mul3A_1 = arith.constant 128 : i32
    %mul3A_2 = arith.muli %add3A, %mul3A_1 : i32
    "tpu.region"() ({
      %run_scoped3A = tpu.sem_alloc : memref<!tpu.dma_semaphore, #tpu.memory_space<semaphore_mem>>
      %dma_start3A_7 = tpu.memref_slice %arg3[%mul3A_2] : memref<4096xi32, #tpu.memory_space<hbm>> -> memref<128xi32, #tpu.memory_space<hbm>>
      %dma_start3A_8 = tpu.memref_slice %arg3[%mul3A_2] : memref<4096xi32, #tpu.memory_space<hbm>> -> memref<128xi32, #tpu.memory_space<hbm>>
      tpu.enqueue_dma source(%dma_start3A_8 : memref<128xi32, #tpu.memory_space<hbm>>) target(%arg5 : memref<128xi32, #tpu.memory_space<vmem>>) target_semaphore(%run_scoped3A : memref<!tpu.dma_semaphore, #tpu.memory_space<semaphore_mem>>)
      %dma_wait3A_9 = tpu.memref_slice %arg3[%mul3A_2] : memref<4096xi32, #tpu.memory_space<hbm>> -> memref<128xi32, #tpu.memory_space<hbm>>
      %dma_wait3A_10 = tpu.memref_slice %arg3[%mul3A_2] : memref<4096xi32, #tpu.memory_space<hbm>> -> memref<128xi32, #tpu.memory_space<hbm>>
      tpu.wait_dma2 semaphore(%run_scoped3A : memref<!tpu.dma_semaphore, #tpu.memory_space<semaphore_mem>>) src(%dma_wait3A_10 : memref<128xi32, #tpu.memory_space<hbm>>) dst(%arg5 : memref<128xi32, #tpu.memory_space<vmem>>)
      tpu.yield
    }) : () -> ()
    %dma_start3A = arith.constant 0 : i32
    %dma_start3A_3 = arith.constant 0 : i32
    %dma_start3A_4 = tpu.memref_slice %arg2[%dma_start3A, %dma_start3A_3] : memref<1024x128xf32, #tpu.memory_space<hbm>> -> memref<1024x128xf32, #tpu.memory_space<hbm>>
    tpu.enqueue_indirect_dma source(%dma_start3A_4 : memref<1024x128xf32, #tpu.memory_space<hbm>>) target(%arg6 : memref<128x128xf32, #tpu.memory_space<vmem>>) offsets(%arg5 : memref<128xi32, #tpu.memory_space<vmem>>) semaphore(%arg7 : memref<!tpu.dma_semaphore, #tpu.memory_space<semaphore_mem>>)
    %dma_wait3A = arith.constant 0 : i32
    %dma_wait3A_5 = arith.constant 0 : i32
    %dma_wait3A_6 = tpu.memref_slice %arg2[%dma_wait3A, %dma_wait3A_5] : memref<1024x128xf32, #tpu.memory_space<hbm>> -> memref<1024x128xf32, #tpu.memory_space<hbm>>
    tpu.wait_indirect_dma semaphore(%arg7 : memref<!tpu.dma_semaphore, #tpu.memory_space<semaphore_mem>>) src(%dma_wait3A_6 : memref<1024x128xf32, #tpu.memory_space<hbm>>) dst(%arg6 : memref<128x128xf32, #tpu.memory_space<vmem>>)
    "tpu.region"() ({
      %run_scoped3A = tpu.sem_alloc : memref<!tpu.dma_semaphore, #tpu.memory_space<semaphore_mem>>
      %dma_start3A_7 = arith.constant 0 : i32
      %dma_start3A_8 = tpu.memref_slice %arg4[%mul3A_2, %dma_start3A_7] : memref<4096x128xf32, #tpu.memory_space<hbm>> -> memref<128x128xf32, #tpu.memory_space<hbm>>
      %dma_start3A_9 = arith.constant 0 : i32
      %dma_start3A_10 = tpu.memref_slice %arg4[%mul3A_2, %dma_start3A_9] : memref<4096x128xf32, #tpu.memory_space<hbm>> -> memref<128x128xf32, #tpu.memory_space<hbm>>
      tpu.enqueue_dma source(%arg6 : memref<128x128xf32, #tpu.memory_space<vmem>>) target(%dma_start3A_10 : memref<128x128xf32, #tpu.memory_space<hbm>>) target_semaphore(%run_scoped3A : memref<!tpu.dma_semaphore, #tpu.memory_space<semaphore_mem>>)
      %dma_wait3A_11 = arith.constant 0 : i32
      %dma_wait3A_12 = tpu.memref_slice %arg4[%mul3A_2, %dma_wait3A_11] : memref<4096x128xf32, #tpu.memory_space<hbm>> -> memref<128x128xf32, #tpu.memory_space<hbm>>
      %dma_wait3A_13 = arith.constant 0 : i32
      %dma_wait3A_14 = tpu.memref_slice %arg4[%mul3A_2, %dma_wait3A_13] : memref<4096x128xf32, #tpu.memory_space<hbm>> -> memref<128x128xf32, #tpu.memory_space<hbm>>
      tpu.wait_dma2 semaphore(%run_scoped3A : memref<!tpu.dma_semaphore, #tpu.memory_space<semaphore_mem>>) src(%arg6 : memref<128x128xf32, #tpu.memory_space<vmem>>) dst(%dma_wait3A_14 : memref<128x128xf32, #tpu.memory_space<hbm>>)
      tpu.yield
    }) : () -> ()
    return
  }
}

module attributes {stable_mosaic.version = 14 : i64} {
  func.func @_enc_edge_body(%arg0: i32, %arg1: memref<2048x1xf32, #tpu.memory_space<vmem>>, %arg2: memref<2048x1xf32, #tpu.memory_space<vmem>>, %arg3: memref<1x128xf32, #tpu.memory_space<vmem>>, %arg4: memref<1x128xf32, #tpu.memory_space<vmem>>, %arg5: memref<128x128xf32, #tpu.memory_space<vmem>>, %arg6: memref<1x128xf32, #tpu.memory_space<vmem>>, %arg7: memref<1x128xf32, #tpu.memory_space<vmem>>, %arg8: memref<1x128xf32, #tpu.memory_space<vmem>>, %arg9: memref<128x128xf32, #tpu.memory_space<vmem>>, %arg10: memref<1x128xf32, #tpu.memory_space<vmem>>, %arg11: memref<2048x128xf32, #tpu.memory_space<vmem>>) attributes {dimension_semantics = [#tpu.dimension_semantics<arbitrary>], iteration_bounds = array<i64: 2>, scalar_prefetch = 0 : i64, scratch_operands = 0 : i64, tpu.core_type = #tpu.core_type<tc>, window_params = [{transform_indices = @transform_0, window_bounds = array<i64: 2048, 1>}, {transform_indices = @transform_1, window_bounds = array<i64: 2048, 1>}, {pipeline_mode = #tpu.pipeline_mode<synchronous>, transform_indices = @transform_2, window_bounds = array<i64: 1, 128>}, {pipeline_mode = #tpu.pipeline_mode<synchronous>, transform_indices = @transform_3, window_bounds = array<i64: 1, 128>}, {pipeline_mode = #tpu.pipeline_mode<synchronous>, transform_indices = @transform_4, window_bounds = array<i64: 128, 128>}, {pipeline_mode = #tpu.pipeline_mode<synchronous>, transform_indices = @transform_5, window_bounds = array<i64: 1, 128>}, {pipeline_mode = #tpu.pipeline_mode<synchronous>, transform_indices = @transform_6, window_bounds = array<i64: 1, 128>}, {pipeline_mode = #tpu.pipeline_mode<synchronous>, transform_indices = @transform_7, window_bounds = array<i64: 1, 128>}, {pipeline_mode = #tpu.pipeline_mode<synchronous>, transform_indices = @transform_8, window_bounds = array<i64: 128, 128>}, {pipeline_mode = #tpu.pipeline_mode<synchronous>, transform_indices = @transform_9, window_bounds = array<i64: 1, 128>}, {transform_indices = @transform_10, window_bounds = array<i64: 2048, 128>}]} {
    %get3A = arith.constant 0 : index
    %get3A_0 = arith.constant 0 : index
    %get3A_1 = vector.load %arg1[%get3A, %get3A_0] : memref<2048x1xf32, #tpu.memory_space<vmem>>, vector<2048x1xf32>
    %get3A_2 = arith.constant 0 : index
    %get3A_3 = arith.constant 0 : index
    %get3A_4 = vector.load %arg3[%get3A_2, %get3A_3] : memref<1x128xf32, #tpu.memory_space<vmem>>, vector<1x128xf32>
    %mul3A = vector.broadcast %get3A_1 : vector<2048x1xf32> to vector<2048x128xf32>
    %mul3A_5 = vector.broadcast %get3A_4 : vector<1x128xf32> to vector<2048x128xf32>
    %mul3A_6 = arith.mulf %mul3A, %mul3A_5 : vector<2048x128xf32>
    %get3A_7 = arith.constant 0 : index
    %get3A_8 = arith.constant 0 : index
    %get3A_9 = vector.load %arg4[%get3A_7, %get3A_8] : memref<1x128xf32, #tpu.memory_space<vmem>>, vector<1x128xf32>
    %add3A = vector.broadcast %get3A_9 : vector<1x128xf32> to vector<2048x128xf32>
    %add3A_10 = arith.addf %mul3A_6, %add3A : vector<2048x128xf32>
    %max3A = arith.constant 0.000000e+00 : f32
    %max3A_11 = vector.broadcast %max3A : f32 to vector<2048x128xf32>
    %max3A_12 = arith.maximumf %add3A_10, %max3A_11 : vector<2048x128xf32>
    %get3A_13 = arith.constant 0 : index
    %get3A_14 = arith.constant 0 : index
    %get3A_15 = vector.load %arg5[%get3A_13, %get3A_14] : memref<128x128xf32, #tpu.memory_space<vmem>>, vector<128x128xf32>
    %dot_general3A = arith.constant dense<0.000000e+00> : vector<2048x128xf32>
    %dot_general3A_16 = tpu.matmul %max3A_12, %get3A_15, %dot_general3A {dimension_numbers = #tpu.dot_dimension_numbers<[1], [0], [0], [1], [0, 0, 1, 1], [], []>, transpose_lhs_hint = false} : vector<2048x128xf32>, vector<128x128xf32>, vector<2048x128xf32> -> vector<2048x128xf32>
    %get3A_17 = arith.constant 0 : index
    %get3A_18 = arith.constant 0 : index
    %get3A_19 = vector.load %arg6[%get3A_17, %get3A_18] : memref<1x128xf32, #tpu.memory_space<vmem>>, vector<1x128xf32>
    %add3A_20 = vector.broadcast %get3A_19 : vector<1x128xf32> to vector<2048x128xf32>
    %add3A_21 = arith.addf %dot_general3A_16, %add3A_20 : vector<2048x128xf32>
    %reduce_sum3A = arith.constant dense<0.000000e+00> : vector<2048xf32>
    %reduce_sum3A_22 = vector.multi_reduction <add>, %add3A_21, %reduce_sum3A [1] : vector<2048x128xf32> to vector<2048xf32>
    %broadcast_in_dim3A = vector.shape_cast %reduce_sum3A_22 : vector<2048xf32> to vector<2048x1xf32>
    %div3A = arith.constant 1.280000e+02 : f32
    %div3A_23 = vector.broadcast %div3A : f32 to vector<2048x1xf32>
    %div3A_24 = arith.divf %broadcast_in_dim3A, %div3A_23 : vector<2048x1xf32>
    %sub3A = vector.broadcast %div3A_24 : vector<2048x1xf32> to vector<2048x128xf32>
    %sub3A_25 = arith.subf %add3A_21, %sub3A : vector<2048x128xf32>
    %mul3A_26 = arith.mulf %sub3A_25, %sub3A_25 : vector<2048x128xf32>
    %reduce_sum3A_27 = arith.constant dense<0.000000e+00> : vector<2048xf32>
    %reduce_sum3A_28 = vector.multi_reduction <add>, %mul3A_26, %reduce_sum3A_27 [1] : vector<2048x128xf32> to vector<2048xf32>
    %broadcast_in_dim3A_29 = vector.shape_cast %reduce_sum3A_28 : vector<2048xf32> to vector<2048x1xf32>
    %div3A_30 = arith.constant 1.280000e+02 : f32
    %div3A_31 = vector.broadcast %div3A_30 : f32 to vector<2048x1xf32>
    %div3A_32 = arith.divf %broadcast_in_dim3A_29, %div3A_31 : vector<2048x1xf32>
    %add3A_33 = arith.constant 9.99999997E-7 : f32
    %add3A_34 = vector.broadcast %add3A_33 : f32 to vector<2048x1xf32>
    %add3A_35 = arith.addf %div3A_32, %add3A_34 : vector<2048x1xf32>
    %sqrt3A = math.sqrt %add3A_35 : vector<2048x1xf32>
    %div3A_36 = vector.broadcast %sqrt3A : vector<2048x1xf32> to vector<2048x128xf32>
    %div3A_37 = arith.divf %sub3A_25, %div3A_36 : vector<2048x128xf32>
    %get3A_38 = arith.constant 0 : index
    %get3A_39 = arith.constant 0 : index
    %get3A_40 = vector.load %arg7[%get3A_38, %get3A_39] : memref<1x128xf32, #tpu.memory_space<vmem>>, vector<1x128xf32>
    %mul3A_41 = vector.broadcast %get3A_1 : vector<2048x1xf32> to vector<2048x128xf32>
    %mul3A_42 = vector.broadcast %get3A_40 : vector<1x128xf32> to vector<2048x128xf32>
    %mul3A_43 = arith.mulf %mul3A_41, %mul3A_42 : vector<2048x128xf32>
    %get3A_44 = arith.constant 0 : index
    %get3A_45 = arith.constant 0 : index
    %get3A_46 = vector.load %arg8[%get3A_44, %get3A_45] : memref<1x128xf32, #tpu.memory_space<vmem>>, vector<1x128xf32>
    %add3A_47 = vector.broadcast %get3A_46 : vector<1x128xf32> to vector<2048x128xf32>
    %add3A_48 = arith.addf %mul3A_43, %add3A_47 : vector<2048x128xf32>
    %max3A_49 = arith.constant 0.000000e+00 : f32
    %max3A_50 = vector.broadcast %max3A_49 : f32 to vector<2048x128xf32>
    %max3A_51 = arith.maximumf %add3A_48, %max3A_50 : vector<2048x128xf32>
    %get3A_52 = arith.constant 0 : index
    %get3A_53 = arith.constant 0 : index
    %get3A_54 = vector.load %arg9[%get3A_52, %get3A_53] : memref<128x128xf32, #tpu.memory_space<vmem>>, vector<128x128xf32>
    %dot_general3A_55 = arith.constant dense<0.000000e+00> : vector<2048x128xf32>
    %dot_general3A_56 = tpu.matmul %max3A_51, %get3A_54, %dot_general3A_55 {dimension_numbers = #tpu.dot_dimension_numbers<[1], [0], [0], [1], [0, 0, 1, 1], [], []>, transpose_lhs_hint = false} : vector<2048x128xf32>, vector<128x128xf32>, vector<2048x128xf32> -> vector<2048x128xf32>
    %get3A_57 = arith.constant 0 : index
    %get3A_58 = arith.constant 0 : index
    %get3A_59 = vector.load %arg10[%get3A_57, %get3A_58] : memref<1x128xf32, #tpu.memory_space<vmem>>, vector<1x128xf32>
    %add3A_60 = vector.broadcast %get3A_59 : vector<1x128xf32> to vector<2048x128xf32>
    %add3A_61 = arith.addf %dot_general3A_56, %add3A_60 : vector<2048x128xf32>
    %reduce_sum3A_62 = arith.constant dense<0.000000e+00> : vector<2048xf32>
    %reduce_sum3A_63 = vector.multi_reduction <add>, %add3A_61, %reduce_sum3A_62 [1] : vector<2048x128xf32> to vector<2048xf32>
    %broadcast_in_dim3A_64 = vector.shape_cast %reduce_sum3A_63 : vector<2048xf32> to vector<2048x1xf32>
    %div3A_65 = arith.constant 1.280000e+02 : f32
    %div3A_66 = vector.broadcast %div3A_65 : f32 to vector<2048x1xf32>
    %div3A_67 = arith.divf %broadcast_in_dim3A_64, %div3A_66 : vector<2048x1xf32>
    %sub3A_68 = vector.broadcast %div3A_67 : vector<2048x1xf32> to vector<2048x128xf32>
    %sub3A_69 = arith.subf %add3A_61, %sub3A_68 : vector<2048x128xf32>
    %mul3A_70 = arith.mulf %sub3A_69, %sub3A_69 : vector<2048x128xf32>
    %reduce_sum3A_71 = arith.constant dense<0.000000e+00> : vector<2048xf32>
    %reduce_sum3A_72 = vector.multi_reduction <add>, %mul3A_70, %reduce_sum3A_71 [1] : vector<2048x128xf32> to vector<2048xf32>
    %broadcast_in_dim3A_73 = vector.shape_cast %reduce_sum3A_72 : vector<2048xf32> to vector<2048x1xf32>
    %div3A_74 = arith.constant 1.280000e+02 : f32
    %div3A_75 = vector.broadcast %div3A_74 : f32 to vector<2048x1xf32>
    %div3A_76 = arith.divf %broadcast_in_dim3A_73, %div3A_75 : vector<2048x1xf32>
    %add3A_77 = arith.constant 9.99999997E-7 : f32
    %add3A_78 = vector.broadcast %add3A_77 : f32 to vector<2048x1xf32>
    %add3A_79 = arith.addf %div3A_76, %add3A_78 : vector<2048x1xf32>
    %sqrt3A_80 = math.sqrt %add3A_79 : vector<2048x1xf32>
    %div3A_81 = vector.broadcast %sqrt3A_80 : vector<2048x1xf32> to vector<2048x128xf32>
    %div3A_82 = arith.divf %sub3A_69, %div3A_81 : vector<2048x128xf32>
    %get3A_83 = arith.constant 0 : index
    %get3A_84 = arith.constant 0 : index
    %get3A_85 = vector.load %arg2[%get3A_83, %get3A_84] : memref<2048x1xf32, #tpu.memory_space<vmem>>, vector<2048x1xf32>
    %sub3A_86 = arith.subf %div3A_82, %div3A_37 : vector<2048x128xf32>
    %mul3A_87 = vector.broadcast %get3A_85 : vector<2048x1xf32> to vector<2048x128xf32>
    %mul3A_88 = arith.mulf %mul3A_87, %sub3A_86 : vector<2048x128xf32>
    %add3A_89 = arith.addf %div3A_37, %mul3A_88 : vector<2048x128xf32>
    %swap3A = arith.constant 0 : index
    %swap3A_90 = arith.constant 0 : index
    %swap3A_91 = vector.load %arg11[%swap3A, %swap3A_90] : memref<2048x128xf32, #tpu.memory_space<vmem>>, vector<2048x128xf32>
    tpu.vector_store %arg11[%swap3A, %swap3A_90], %add3A_89 {strides = array<i32>} : memref<2048x128xf32, #tpu.memory_space<vmem>>, vector<2048x128xf32>,
    return
  }
  func.func @transform_0(%arg0: i32) -> (i32, i32) {
    %c0_i32 = arith.constant 0 : i32
    %c0_i32_0 = arith.constant 0 : i32
    return %arg0, %c0_i32 : i32, i32
  }
  func.func @transform_1(%arg0: i32) -> (i32, i32) {
    %c0_i32 = arith.constant 0 : i32
    %c0_i32_0 = arith.constant 0 : i32
    return %arg0, %c0_i32 : i32, i32
  }
  func.func @transform_2(%arg0: i32) -> (i32, i32) {
    %c0_i32 = arith.constant 0 : i32
    %c0_i32_0 = arith.constant 0 : i32
    %c0_i32_1 = arith.constant 0 : i32
    return %c0_i32, %c0_i32_0 : i32, i32
  }
  func.func @transform_3(%arg0: i32) -> (i32, i32) {
    %c0_i32 = arith.constant 0 : i32
    %c0_i32_0 = arith.constant 0 : i32
    %c0_i32_1 = arith.constant 0 : i32
    return %c0_i32, %c0_i32_0 : i32, i32
  }
  func.func @transform_4(%arg0: i32) -> (i32, i32) {
    %c0_i32 = arith.constant 0 : i32
    %c0_i32_0 = arith.constant 0 : i32
    %c0_i32_1 = arith.constant 0 : i32
    return %c0_i32, %c0_i32_0 : i32, i32
  }
  func.func @transform_5(%arg0: i32) -> (i32, i32) {
    %c0_i32 = arith.constant 0 : i32
    %c0_i32_0 = arith.constant 0 : i32
    %c0_i32_1 = arith.constant 0 : i32
    return %c0_i32, %c0_i32_0 : i32, i32
  }
  func.func @transform_6(%arg0: i32) -> (i32, i32) {
    %c0_i32 = arith.constant 0 : i32
    %c0_i32_0 = arith.constant 0 : i32
    %c0_i32_1 = arith.constant 0 : i32
    return %c0_i32, %c0_i32_0 : i32, i32
  }
  func.func @transform_7(%arg0: i32) -> (i32, i32) {
    %c0_i32 = arith.constant 0 : i32
    %c0_i32_0 = arith.constant 0 : i32
    %c0_i32_1 = arith.constant 0 : i32
    return %c0_i32, %c0_i32_0 : i32, i32
  }
  func.func @transform_8(%arg0: i32) -> (i32, i32) {
    %c0_i32 = arith.constant 0 : i32
    %c0_i32_0 = arith.constant 0 : i32
    %c0_i32_1 = arith.constant 0 : i32
    return %c0_i32, %c0_i32_0 : i32, i32
  }
  func.func @transform_9(%arg0: i32) -> (i32, i32) {
    %c0_i32 = arith.constant 0 : i32
    %c0_i32_0 = arith.constant 0 : i32
    %c0_i32_1 = arith.constant 0 : i32
    return %c0_i32, %c0_i32_0 : i32, i32
  }
  func.func @transform_10(%arg0: i32) -> (i32, i32) {
    %c0_i32 = arith.constant 0 : i32
    %c0_i32_0 = arith.constant 0 : i32
    return %arg0, %c0_i32 : i32, i32
  }
}

module attributes {stable_mosaic.version = 14 : i64} {
  func.func @_enc_node_body(%arg0: memref<1024x8xf32, #tpu.memory_space<vmem>>, %arg1: memref<8x128xf32, #tpu.memory_space<vmem>>, %arg2: memref<1x128xf32, #tpu.memory_space<vmem>>, %arg3: memref<128x128xf32, #tpu.memory_space<vmem>>, %arg4: memref<1x128xf32, #tpu.memory_space<vmem>>, %arg5: memref<1024x128xf32, #tpu.memory_space<vmem>>) attributes {dimension_semantics = [], scalar_prefetch = 0 : i64, scratch_operands = 0 : i64, tpu.core_type = #tpu.core_type<tc>} {
    %get3A = arith.constant 0 : index
    %get3A_0 = arith.constant 0 : index
    %get3A_1 = vector.load %arg0[%get3A, %get3A_0] : memref<1024x8xf32, #tpu.memory_space<vmem>>, vector<1024x8xf32>
    %get3A_2 = arith.constant 0 : index
    %get3A_3 = arith.constant 0 : index
    %get3A_4 = vector.load %arg1[%get3A_2, %get3A_3] : memref<8x128xf32, #tpu.memory_space<vmem>>, vector<8x128xf32>
    %dot_general3A = arith.constant dense<0.000000e+00> : vector<1024x128xf32>
    %dot_general3A_5 = tpu.matmul %get3A_1, %get3A_4, %dot_general3A {dimension_numbers = #tpu.dot_dimension_numbers<[1], [0], [0], [1], [0, 0, 1, 1], [], []>, transpose_lhs_hint = false} : vector<1024x8xf32>, vector<8x128xf32>, vector<1024x128xf32> -> vector<1024x128xf32>
    %get3A_6 = arith.constant 0 : index
    %get3A_7 = arith.constant 0 : index
    %get3A_8 = vector.load %arg2[%get3A_6, %get3A_7] : memref<1x128xf32, #tpu.memory_space<vmem>>, vector<1x128xf32>
    %add3A = vector.broadcast %get3A_8 : vector<1x128xf32> to vector<1024x128xf32>
    %add3A_9 = arith.addf %dot_general3A_5, %add3A : vector<1024x128xf32>
    %max3A = arith.constant 0.000000e+00 : f32
    %max3A_10 = vector.broadcast %max3A : f32 to vector<1024x128xf32>
    %max3A_11 = arith.maximumf %add3A_9, %max3A_10 : vector<1024x128xf32>
    %get3A_12 = arith.constant 0 : index
    %get3A_13 = arith.constant 0 : index
    %get3A_14 = vector.load %arg3[%get3A_12, %get3A_13] : memref<128x128xf32, #tpu.memory_space<vmem>>, vector<128x128xf32>
    %dot_general3A_15 = arith.constant dense<0.000000e+00> : vector<1024x128xf32>
    %dot_general3A_16 = tpu.matmul %max3A_11, %get3A_14, %dot_general3A_15 {dimension_numbers = #tpu.dot_dimension_numbers<[1], [0], [0], [1], [0, 0, 1, 1], [], []>, transpose_lhs_hint = false} : vector<1024x128xf32>, vector<128x128xf32>, vector<1024x128xf32> -> vector<1024x128xf32>
    %get3A_17 = arith.constant 0 : index
    %get3A_18 = arith.constant 0 : index
    %get3A_19 = vector.load %arg4[%get3A_17, %get3A_18] : memref<1x128xf32, #tpu.memory_space<vmem>>, vector<1x128xf32>
    %add3A_20 = vector.broadcast %get3A_19 : vector<1x128xf32> to vector<1024x128xf32>
    %add3A_21 = arith.addf %dot_general3A_16, %add3A_20 : vector<1024x128xf32>
    %reduce_sum3A = arith.constant dense<0.000000e+00> : vector<1024xf32>
    %reduce_sum3A_22 = vector.multi_reduction <add>, %add3A_21, %reduce_sum3A [1] : vector<1024x128xf32> to vector<1024xf32>
    %broadcast_in_dim3A = vector.shape_cast %reduce_sum3A_22 : vector<1024xf32> to vector<1024x1xf32>
    %div3A = arith.constant 1.280000e+02 : f32
    %div3A_23 = vector.broadcast %div3A : f32 to vector<1024x1xf32>
    %div3A_24 = arith.divf %broadcast_in_dim3A, %div3A_23 : vector<1024x1xf32>
    %sub3A = vector.broadcast %div3A_24 : vector<1024x1xf32> to vector<1024x128xf32>
    %sub3A_25 = arith.subf %add3A_21, %sub3A : vector<1024x128xf32>
    %mul3A = arith.mulf %sub3A_25, %sub3A_25 : vector<1024x128xf32>
    %reduce_sum3A_26 = arith.constant dense<0.000000e+00> : vector<1024xf32>
    %reduce_sum3A_27 = vector.multi_reduction <add>, %mul3A, %reduce_sum3A_26 [1] : vector<1024x128xf32> to vector<1024xf32>
    %broadcast_in_dim3A_28 = vector.shape_cast %reduce_sum3A_27 : vector<1024xf32> to vector<1024x1xf32>
    %div3A_29 = arith.constant 1.280000e+02 : f32
    %div3A_30 = vector.broadcast %div3A_29 : f32 to vector<1024x1xf32>
    %div3A_31 = arith.divf %broadcast_in_dim3A_28, %div3A_30 : vector<1024x1xf32>
    %add3A_32 = arith.constant 9.99999997E-7 : f32
    %add3A_33 = vector.broadcast %add3A_32 : f32 to vector<1024x1xf32>
    %add3A_34 = arith.addf %div3A_31, %add3A_33 : vector<1024x1xf32>
    %sqrt3A = math.sqrt %add3A_34 : vector<1024x1xf32>
    %div3A_35 = vector.broadcast %sqrt3A : vector<1024x1xf32> to vector<1024x128xf32>
    %div3A_36 = arith.divf %sub3A_25, %div3A_35 : vector<1024x128xf32>
    %swap3A = arith.constant 0 : index
    %swap3A_37 = arith.constant 0 : index
    %swap3A_38 = vector.load %arg5[%swap3A, %swap3A_37] : memref<1024x128xf32, #tpu.memory_space<vmem>>, vector<1024x128xf32>
    tpu.vector_store %arg5[%swap3A, %swap3A_37], %div3A_36 {strides = array<i32>} : memref<1024x128xf32, #tpu.memory_space<vmem>>, vector<1024x128xf32>,
    return
  }
}

module attributes {stable_mosaic.version = 14 : i64} {
  func.func @_edge_fwd_body(%arg0: i32, %arg1: memref<2048x128xf32, #tpu.memory_space<vmem>>, %arg2: memref<2048x128xf32, #tpu.memory_space<vmem>>, %arg3: memref<2048x128xf32, #tpu.memory_space<vmem>>, %arg4: memref<384x128xf32, #tpu.memory_space<vmem>>, %arg5: memref<1x128xf32, #tpu.memory_space<vmem>>, %arg6: memref<128x128xf32, #tpu.memory_space<vmem>>, %arg7: memref<1x128xf32, #tpu.memory_space<vmem>>, %arg8: memref<2048x128xf32, #tpu.memory_space<vmem>>, %arg9: memref<2048x128xf32, #tpu.memory_space<vmem>>, %arg10: memref<2048x128xf32, #tpu.memory_space<vmem>>, %arg11: memref<2048x1xf32, #tpu.memory_space<vmem>>) attributes {dimension_semantics = [#tpu.dimension_semantics<arbitrary>], iteration_bounds = array<i64: 2>, scalar_prefetch = 0 : i64, scratch_operands = 0 : i64, tpu.core_type = #tpu.core_type<tc>, window_params = [{transform_indices = @transform_0, window_bounds = array<i64: 2048, 128>}, {transform_indices = @transform_1, window_bounds = array<i64: 2048, 128>}, {transform_indices = @transform_2, window_bounds = array<i64: 2048, 128>}, {pipeline_mode = #tpu.pipeline_mode<synchronous>, transform_indices = @transform_3, window_bounds = array<i64: 384, 128>}, {pipeline_mode = #tpu.pipeline_mode<synchronous>, transform_indices = @transform_4, window_bounds = array<i64: 1, 128>}, {pipeline_mode = #tpu.pipeline_mode<synchronous>, transform_indices = @transform_5, window_bounds = array<i64: 128, 128>}, {pipeline_mode = #tpu.pipeline_mode<synchronous>, transform_indices = @transform_6, window_bounds = array<i64: 1, 128>}, {transform_indices = @transform_7, window_bounds = array<i64: 2048, 128>}, {transform_indices = @transform_8, window_bounds = array<i64: 2048, 128>}, {transform_indices = @transform_9, window_bounds = array<i64: 2048, 128>}, {transform_indices = @transform_10, window_bounds = array<i64: 2048, 1>}]} {
    %get3A = arith.constant 0 : index
    %get3A_0 = arith.constant 0 : index
    %get3A_1 = vector.load %arg1[%get3A, %get3A_0] : memref<2048x128xf32, #tpu.memory_space<vmem>>, vector<2048x128xf32>
    %get3A_2 = arith.constant 0 : index
    %get3A_3 = arith.constant 0 : index
    %get3A_4 = vector.load %arg2[%get3A_2, %get3A_3] : memref<2048x128xf32, #tpu.memory_space<vmem>>, vector<2048x128xf32>
    %get3A_5 = arith.constant 0 : index
    %get3A_6 = arith.constant 0 : index
    %get3A_7 = vector.load %arg3[%get3A_5, %get3A_6] : memref<2048x128xf32, #tpu.memory_space<vmem>>, vector<2048x128xf32>
    %concatenate3A = tpu.concatenate %get3A_1, %get3A_4, %get3A_7 in 1 : vector<2048x128xf32>, vector<2048x128xf32>, vector<2048x128xf32> -> vector<2048x384xf32>
    %get3A_8 = arith.constant 0 : index
    %get3A_9 = arith.constant 0 : index
    %get3A_10 = vector.load %arg4[%get3A_8, %get3A_9] : memref<384x128xf32, #tpu.memory_space<vmem>>, vector<384x128xf32>
    %dot_general3A = arith.constant dense<0.000000e+00> : vector<2048x128xf32>
    %dot_general3A_11 = tpu.matmul %concatenate3A, %get3A_10, %dot_general3A {dimension_numbers = #tpu.dot_dimension_numbers<[1], [0], [0], [1], [0, 0, 1, 1], [], []>, transpose_lhs_hint = false} : vector<2048x384xf32>, vector<384x128xf32>, vector<2048x128xf32> -> vector<2048x128xf32>
    %get3A_12 = arith.constant 0 : index
    %get3A_13 = arith.constant 0 : index
    %get3A_14 = vector.load %arg5[%get3A_12, %get3A_13] : memref<1x128xf32, #tpu.memory_space<vmem>>, vector<1x128xf32>
    %add3A = vector.broadcast %get3A_14 : vector<1x128xf32> to vector<2048x128xf32>
    %add3A_15 = arith.addf %dot_general3A_11, %add3A : vector<2048x128xf32>
    %max3A = arith.constant 0.000000e+00 : f32
    %max3A_16 = vector.broadcast %max3A : f32 to vector<2048x128xf32>
    %max3A_17 = arith.maximumf %add3A_15, %max3A_16 : vector<2048x128xf32>
    %get3A_18 = arith.constant 0 : index
    %get3A_19 = arith.constant 0 : index
    %get3A_20 = vector.load %arg6[%get3A_18, %get3A_19] : memref<128x128xf32, #tpu.memory_space<vmem>>, vector<128x128xf32>
    %dot_general3A_21 = arith.constant dense<0.000000e+00> : vector<2048x128xf32>
    %dot_general3A_22 = tpu.matmul %max3A_17, %get3A_20, %dot_general3A_21 {dimension_numbers = #tpu.dot_dimension_numbers<[1], [0], [0], [1], [0, 0, 1, 1], [], []>, transpose_lhs_hint = false} : vector<2048x128xf32>, vector<128x128xf32>, vector<2048x128xf32> -> vector<2048x128xf32>
    %get3A_23 = arith.constant 0 : index
    %get3A_24 = arith.constant 0 : index
    %get3A_25 = vector.load %arg7[%get3A_23, %get3A_24] : memref<1x128xf32, #tpu.memory_space<vmem>>, vector<1x128xf32>
    %add3A_26 = vector.broadcast %get3A_25 : vector<1x128xf32> to vector<2048x128xf32>
    %add3A_27 = arith.addf %dot_general3A_22, %add3A_26 : vector<2048x128xf32>
    %reduce_sum3A = arith.constant dense<0.000000e+00> : vector<2048xf32>
    %reduce_sum3A_28 = vector.multi_reduction <add>, %add3A_27, %reduce_sum3A [1] : vector<2048x128xf32> to vector<2048xf32>
    %broadcast_in_dim3A = vector.shape_cast %reduce_sum3A_28 : vector<2048xf32> to vector<2048x1xf32>
    %div3A = arith.constant 1.280000e+02 : f32
    %div3A_29 = vector.broadcast %div3A : f32 to vector<2048x1xf32>
    %div3A_30 = arith.divf %broadcast_in_dim3A, %div3A_29 : vector<2048x1xf32>
    %sub3A = vector.broadcast %div3A_30 : vector<2048x1xf32> to vector<2048x128xf32>
    %sub3A_31 = arith.subf %add3A_27, %sub3A : vector<2048x128xf32>
    %mul3A = arith.mulf %sub3A_31, %sub3A_31 : vector<2048x128xf32>
    %reduce_sum3A_32 = arith.constant dense<0.000000e+00> : vector<2048xf32>
    %reduce_sum3A_33 = vector.multi_reduction <add>, %mul3A, %reduce_sum3A_32 [1] : vector<2048x128xf32> to vector<2048xf32>
    %broadcast_in_dim3A_34 = vector.shape_cast %reduce_sum3A_33 : vector<2048xf32> to vector<2048x1xf32>
    %div3A_35 = arith.constant 1.280000e+02 : f32
    %div3A_36 = vector.broadcast %div3A_35 : f32 to vector<2048x1xf32>
    %div3A_37 = arith.divf %broadcast_in_dim3A_34, %div3A_36 : vector<2048x1xf32>
    %add3A_38 = arith.constant 9.99999997E-7 : f32
    %add3A_39 = vector.broadcast %add3A_38 : f32 to vector<2048x1xf32>
    %add3A_40 = arith.addf %div3A_37, %add3A_39 : vector<2048x1xf32>
    %sqrt3A = math.sqrt %add3A_40 : vector<2048x1xf32>
    %div3A_41 = vector.broadcast %sqrt3A : vector<2048x1xf32> to vector<2048x128xf32>
    %div3A_42 = arith.divf %sub3A_31, %div3A_41 : vector<2048x128xf32>
    %get3A_43 = arith.constant 0 : index
    %get3A_44 = arith.constant 0 : index
    %get3A_45 = vector.load %arg1[%get3A_43, %get3A_44] : memref<2048x128xf32, #tpu.memory_space<vmem>>, vector<2048x128xf32>
    %add3A_46 = arith.addf %get3A_45, %div3A_42 : vector<2048x128xf32>
    %swap3A = arith.constant 0 : index
    %swap3A_47 = arith.constant 0 : index
    %swap3A_48 = vector.load %arg8[%swap3A, %swap3A_47] : memref<2048x128xf32, #tpu.memory_space<vmem>>, vector<2048x128xf32>
    tpu.vector_store %arg8[%swap3A, %swap3A_47], %add3A_46 {strides = array<i32>} : memref<2048x128xf32, #tpu.memory_space<vmem>>, vector<2048x128xf32>,
    %swap3A_49 = arith.constant 0 : index
    %swap3A_50 = arith.constant 0 : index
    %swap3A_51 = vector.load %arg9[%swap3A_49, %swap3A_50] : memref<2048x128xf32, #tpu.memory_space<vmem>>, vector<2048x128xf32>
    tpu.vector_store %arg9[%swap3A_49, %swap3A_50], %max3A_17 {strides = array<i32>} : memref<2048x128xf32, #tpu.memory_space<vmem>>, vector<2048x128xf32>,
    %swap3A_52 = arith.constant 0 : index
    %swap3A_53 = arith.constant 0 : index
    %swap3A_54 = vector.load %arg10[%swap3A_52, %swap3A_53] : memref<2048x128xf32, #tpu.memory_space<vmem>>, vector<2048x128xf32>
    tpu.vector_store %arg10[%swap3A_52, %swap3A_53], %div3A_42 {strides = array<i32>} : memref<2048x128xf32, #tpu.memory_space<vmem>>, vector<2048x128xf32>,
    %swap3A_55 = arith.constant 0 : index
    %swap3A_56 = arith.constant 0 : index
    %swap3A_57 = vector.load %arg11[%swap3A_55, %swap3A_56] : memref<2048x1xf32, #tpu.memory_space<vmem>>, vector<2048x1xf32>
    tpu.vector_store %arg11[%swap3A_55, %swap3A_56], %sqrt3A {strides = array<i32>} : memref<2048x1xf32, #tpu.memory_space<vmem>>, vector<2048x1xf32>,
    return
  }
  func.func @transform_0(%arg0: i32) -> (i32, i32) {
    %c0_i32 = arith.constant 0 : i32
    %c0_i32_0 = arith.constant 0 : i32
    return %arg0, %c0_i32 : i32, i32
  }
  func.func @transform_1(%arg0: i32) -> (i32, i32) {
    %c0_i32 = arith.constant 0 : i32
    %c0_i32_0 = arith.constant 0 : i32
    return %arg0, %c0_i32 : i32, i32
  }
  func.func @transform_2(%arg0: i32) -> (i32, i32) {
    %c0_i32 = arith.constant 0 : i32
    %c0_i32_0 = arith.constant 0 : i32
    return %arg0, %c0_i32 : i32, i32
  }
  func.func @transform_3(%arg0: i32) -> (i32, i32) {
    %c0_i32 = arith.constant 0 : i32
    %c0_i32_0 = arith.constant 0 : i32
    %c0_i32_1 = arith.constant 0 : i32
    return %c0_i32, %c0_i32_0 : i32, i32
  }
  func.func @transform_4(%arg0: i32) -> (i32, i32) {
    %c0_i32 = arith.constant 0 : i32
    %c0_i32_0 = arith.constant 0 : i32
    %c0_i32_1 = arith.constant 0 : i32
    return %c0_i32, %c0_i32_0 : i32, i32
  }
  func.func @transform_5(%arg0: i32) -> (i32, i32) {
    %c0_i32 = arith.constant 0 : i32
    %c0_i32_0 = arith.constant 0 : i32
    %c0_i32_1 = arith.constant 0 : i32
    return %c0_i32, %c0_i32_0 : i32, i32
  }
  func.func @transform_6(%arg0: i32) -> (i32, i32) {
    %c0_i32 = arith.constant 0 : i32
    %c0_i32_0 = arith.constant 0 : i32
    %c0_i32_1 = arith.constant 0 : i32
    return %c0_i32, %c0_i32_0 : i32, i32
  }
  func.func @transform_7(%arg0: i32) -> (i32, i32) {
    %c0_i32 = arith.constant 0 : i32
    %c0_i32_0 = arith.constant 0 : i32
    return %arg0, %c0_i32 : i32, i32
  }
  func.func @transform_8(%arg0: i32) -> (i32, i32) {
    %c0_i32 = arith.constant 0 : i32
    %c0_i32_0 = arith.constant 0 : i32
    return %arg0, %c0_i32 : i32, i32
  }
  func.func @transform_9(%arg0: i32) -> (i32, i32) {
    %c0_i32 = arith.constant 0 : i32
    %c0_i32_0 = arith.constant 0 : i32
    return %arg0, %c0_i32 : i32, i32
  }
  func.func @transform_10(%arg0: i32) -> (i32, i32) {
    %c0_i32 = arith.constant 0 : i32
    %c0_i32_0 = arith.constant 0 : i32
    return %arg0, %c0_i32 : i32, i32
  }
}

module attributes {stable_mosaic.version = 14 : i64} {
  func.func @_node_fwd_body(%arg0: memref<1024x128xf32, #tpu.memory_space<vmem>>, %arg1: memref<2x1024x128xf32, #tpu.memory_space<vmem>>, %arg2: memref<256x128xf32, #tpu.memory_space<vmem>>, %arg3: memref<1x128xf32, #tpu.memory_space<vmem>>, %arg4: memref<128x128xf32, #tpu.memory_space<vmem>>, %arg5: memref<1x128xf32, #tpu.memory_space<vmem>>, %arg6: memref<1024x128xf32, #tpu.memory_space<vmem>>, %arg7: memref<1024x128xf32, #tpu.memory_space<vmem>>, %arg8: memref<1024x128xf32, #tpu.memory_space<vmem>>, %arg9: memref<1024x1xf32, #tpu.memory_space<vmem>>) attributes {dimension_semantics = [], scalar_prefetch = 0 : i64, scratch_operands = 0 : i64, tpu.core_type = #tpu.core_type<tc>} {
    %get3A = arith.constant 0 : index
    %get3A_0 = arith.constant 0 : index
    %get3A_1 = arith.constant 0 : index
    %get3A_2 = vector.load %arg1[%get3A, %get3A_0, %get3A_1] : memref<2x1024x128xf32, #tpu.memory_space<vmem>>, vector<1x1024x128xf32>
    %get3A_3 = vector.shape_cast %get3A_2 : vector<1x1024x128xf32> to vector<1024x128xf32>
    %get3A_4 = arith.constant 1 : index
    %get3A_5 = arith.constant 0 : index
    %get3A_6 = arith.constant 0 : index
    %get3A_7 = vector.load %arg1[%get3A_4, %get3A_5, %get3A_6] : memref<2x1024x128xf32, #tpu.memory_space<vmem>>, vector<1x1024x128xf32>
    %get3A_8 = vector.shape_cast %get3A_7 : vector<1x1024x128xf32> to vector<1024x128xf32>
    %add3A = arith.addf %get3A_3, %get3A_8 : vector<1024x128xf32>
    %get3A_9 = arith.constant 0 : index
    %get3A_10 = arith.constant 0 : index
    %get3A_11 = vector.load %arg0[%get3A_9, %get3A_10] : memref<1024x128xf32, #tpu.memory_space<vmem>>, vector<1024x128xf32>
    %concatenate3A = tpu.concatenate %get3A_11, %add3A in 1 : vector<1024x128xf32>, vector<1024x128xf32> -> vector<1024x256xf32>
    %get3A_12 = arith.constant 0 : index
    %get3A_13 = arith.constant 0 : index
    %get3A_14 = vector.load %arg2[%get3A_12, %get3A_13] : memref<256x128xf32, #tpu.memory_space<vmem>>, vector<256x128xf32>
    %dot_general3A = arith.constant dense<0.000000e+00> : vector<1024x128xf32>
    %dot_general3A_15 = tpu.matmul %concatenate3A, %get3A_14, %dot_general3A {dimension_numbers = #tpu.dot_dimension_numbers<[1], [0], [0], [1], [0, 0, 1, 1], [], []>, transpose_lhs_hint = false} : vector<1024x256xf32>, vector<256x128xf32>, vector<1024x128xf32> -> vector<1024x128xf32>
    %get3A_16 = arith.constant 0 : index
    %get3A_17 = arith.constant 0 : index
    %get3A_18 = vector.load %arg3[%get3A_16, %get3A_17] : memref<1x128xf32, #tpu.memory_space<vmem>>, vector<1x128xf32>
    %add3A_19 = vector.broadcast %get3A_18 : vector<1x128xf32> to vector<1024x128xf32>
    %add3A_20 = arith.addf %dot_general3A_15, %add3A_19 : vector<1024x128xf32>
    %max3A = arith.constant 0.000000e+00 : f32
    %max3A_21 = vector.broadcast %max3A : f32 to vector<1024x128xf32>
    %max3A_22 = arith.maximumf %add3A_20, %max3A_21 : vector<1024x128xf32>
    %get3A_23 = arith.constant 0 : index
    %get3A_24 = arith.constant 0 : index
    %get3A_25 = vector.load %arg4[%get3A_23, %get3A_24] : memref<128x128xf32, #tpu.memory_space<vmem>>, vector<128x128xf32>
    %dot_general3A_26 = arith.constant dense<0.000000e+00> : vector<1024x128xf32>
    %dot_general3A_27 = tpu.matmul %max3A_22, %get3A_25, %dot_general3A_26 {dimension_numbers = #tpu.dot_dimension_numbers<[1], [0], [0], [1], [0, 0, 1, 1], [], []>, transpose_lhs_hint = false} : vector<1024x128xf32>, vector<128x128xf32>, vector<1024x128xf32> -> vector<1024x128xf32>
    %get3A_28 = arith.constant 0 : index
    %get3A_29 = arith.constant 0 : index
    %get3A_30 = vector.load %arg5[%get3A_28, %get3A_29] : memref<1x128xf32, #tpu.memory_space<vmem>>, vector<1x128xf32>
    %add3A_31 = vector.broadcast %get3A_30 : vector<1x128xf32> to vector<1024x128xf32>
    %add3A_32 = arith.addf %dot_general3A_27, %add3A_31 : vector<1024x128xf32>
    %reduce_sum3A = arith.constant dense<0.000000e+00> : vector<1024xf32>
    %reduce_sum3A_33 = vector.multi_reduction <add>, %add3A_32, %reduce_sum3A [1] : vector<1024x128xf32> to vector<1024xf32>
    %broadcast_in_dim3A = vector.shape_cast %reduce_sum3A_33 : vector<1024xf32> to vector<1024x1xf32>
    %div3A = arith.constant 1.280000e+02 : f32
    %div3A_34 = vector.broadcast %div3A : f32 to vector<1024x1xf32>
    %div3A_35 = arith.divf %broadcast_in_dim3A, %div3A_34 : vector<1024x1xf32>
    %sub3A = vector.broadcast %div3A_35 : vector<1024x1xf32> to vector<1024x128xf32>
    %sub3A_36 = arith.subf %add3A_32, %sub3A : vector<1024x128xf32>
    %mul3A = arith.mulf %sub3A_36, %sub3A_36 : vector<1024x128xf32>
    %reduce_sum3A_37 = arith.constant dense<0.000000e+00> : vector<1024xf32>
    %reduce_sum3A_38 = vector.multi_reduction <add>, %mul3A, %reduce_sum3A_37 [1] : vector<1024x128xf32> to vector<1024xf32>
    %broadcast_in_dim3A_39 = vector.shape_cast %reduce_sum3A_38 : vector<1024xf32> to vector<1024x1xf32>
    %div3A_40 = arith.constant 1.280000e+02 : f32
    %div3A_41 = vector.broadcast %div3A_40 : f32 to vector<1024x1xf32>
    %div3A_42 = arith.divf %broadcast_in_dim3A_39, %div3A_41 : vector<1024x1xf32>
    %add3A_43 = arith.constant 9.99999997E-7 : f32
    %add3A_44 = vector.broadcast %add3A_43 : f32 to vector<1024x1xf32>
    %add3A_45 = arith.addf %div3A_42, %add3A_44 : vector<1024x1xf32>
    %sqrt3A = math.sqrt %add3A_45 : vector<1024x1xf32>
    %div3A_46 = vector.broadcast %sqrt3A : vector<1024x1xf32> to vector<1024x128xf32>
    %div3A_47 = arith.divf %sub3A_36, %div3A_46 : vector<1024x128xf32>
    %get3A_48 = arith.constant 0 : index
    %get3A_49 = arith.constant 0 : index
    %get3A_50 = vector.load %arg0[%get3A_48, %get3A_49] : memref<1024x128xf32, #tpu.memory_space<vmem>>, vector<1024x128xf32>
    %add3A_51 = arith.addf %get3A_50, %div3A_47 : vector<1024x128xf32>
    %swap3A = arith.constant 0 : index
    %swap3A_52 = arith.constant 0 : index
    %swap3A_53 = vector.load %arg6[%swap3A, %swap3A_52] : memref<1024x128xf32, #tpu.memory_space<vmem>>, vector<1024x128xf32>
    tpu.vector_store %arg6[%swap3A, %swap3A_52], %add3A_51 {strides = array<i32>} : memref<1024x128xf32, #tpu.memory_space<vmem>>, vector<1024x128xf32>,
    %swap3A_54 = arith.constant 0 : index
    %swap3A_55 = arith.constant 0 : index
    %swap3A_56 = vector.load %arg7[%swap3A_54, %swap3A_55] : memref<1024x128xf32, #tpu.memory_space<vmem>>, vector<1024x128xf32>
    tpu.vector_store %arg7[%swap3A_54, %swap3A_55], %max3A_22 {strides = array<i32>} : memref<1024x128xf32, #tpu.memory_space<vmem>>, vector<1024x128xf32>,
    %swap3A_57 = arith.constant 0 : index
    %swap3A_58 = arith.constant 0 : index
    %swap3A_59 = vector.load %arg8[%swap3A_57, %swap3A_58] : memref<1024x128xf32, #tpu.memory_space<vmem>>, vector<1024x128xf32>
    tpu.vector_store %arg8[%swap3A_57, %swap3A_58], %div3A_47 {strides = array<i32>} : memref<1024x128xf32, #tpu.memory_space<vmem>>, vector<1024x128xf32>,
    %swap3A_60 = arith.constant 0 : index
    %swap3A_61 = arith.constant 0 : index
    %swap3A_62 = vector.load %arg9[%swap3A_60, %swap3A_61] : memref<1024x1xf32, #tpu.memory_space<vmem>>, vector<1024x1xf32>
    tpu.vector_store %arg9[%swap3A_60, %swap3A_61], %sqrt3A {strides = array<i32>} : memref<1024x1xf32, #tpu.memory_space<vmem>>, vector<1024x1xf32>,
    return
  }
}

module attributes {stable_mosaic.version = 14 : i64} {
  func.func @_mid_body(%arg0: i32, %arg1: memref<2048x128xf32, #tpu.memory_space<vmem>>, %arg2: memref<2048x128xf32, #tpu.memory_space<vmem>>, %arg3: memref<2048x128xf32, #tpu.memory_space<vmem>>, %arg4: memref<2048x1xf32, #tpu.memory_space<vmem>>, %arg5: memref<384x128xf32, #tpu.memory_space<vmem>>, %arg6: memref<1x128xf32, #tpu.memory_space<vmem>>, %arg7: memref<128x128xf32, #tpu.memory_space<vmem>>, %arg8: memref<1x128xf32, #tpu.memory_space<vmem>>, %arg9: memref<128x128xf32, #tpu.memory_space<vmem>>, %arg10: memref<1x128xf32, #tpu.memory_space<vmem>>, %arg11: memref<128x128xf32, #tpu.memory_space<vmem>>, %arg12: memref<1x128xf32, #tpu.memory_space<vmem>>, %arg13: memref<1x128xf32, #tpu.memory_space<vmem>>, %arg14: memref<128x128xf32, #tpu.memory_space<vmem>>, %arg15: memref<1x128xf32, #tpu.memory_space<vmem>>, %arg16: memref<128x128xf32, #tpu.memory_space<vmem>>, %arg17: memref<1x128xf32, #tpu.memory_space<vmem>>, %arg18: memref<1x128xf32, #tpu.memory_space<vmem>>, %arg19: memref<2048x128xf32, #tpu.memory_space<vmem>>, %arg20: memref<2048x128xf32, #tpu.memory_space<vmem>>, %arg21: memref<2048x128xf32, #tpu.memory_space<vmem>>) attributes {dimension_semantics = [#tpu.dimension_semantics<arbitrary>], iteration_bounds = array<i64: 2>, scalar_prefetch = 0 : i64, scratch_operands = 0 : i64, tpu.core_type = #tpu.core_type<tc>, window_params = [{transform_indices = @transform_0, window_bounds = array<i64: 2048, 128>}, {transform_indices = @transform_1, window_bounds = array<i64: 2048, 128>}, {transform_indices = @transform_2, window_bounds = array<i64: 2048, 128>}, {transform_indices = @transform_3, window_bounds = array<i64: 2048, 1>}, {pipeline_mode = #tpu.pipeline_mode<synchronous>, transform_indices = @transform_4, window_bounds = array<i64: 384, 128>}, {pipeline_mode = #tpu.pipeline_mode<synchronous>, transform_indices = @transform_5, window_bounds = array<i64: 1, 128>}, {pipeline_mode = #tpu.pipeline_mode<synchronous>, transform_indices = @transform_6, window_bounds = array<i64: 128, 128>}, {pipeline_mode = #tpu.pipeline_mode<synchronous>, transform_indices = @transform_7, window_bounds = array<i64: 1, 128>}, {pipeline_mode = #tpu.pipeline_mode<synchronous>, transform_indices = @transform_8, window_bounds = array<i64: 128, 128>}, {pipeline_mode = #tpu.pipeline_mode<synchronous>, transform_indices = @transform_9, window_bounds = array<i64: 1, 128>}, {pipeline_mode = #tpu.pipeline_mode<synchronous>, transform_indices = @transform_10, window_bounds = array<i64: 128, 128>}, {pipeline_mode = #tpu.pipeline_mode<synchronous>, transform_indices = @transform_11, window_bounds = array<i64: 1, 128>}, {pipeline_mode = #tpu.pipeline_mode<synchronous>, transform_indices = @transform_12, window_bounds = array<i64: 1, 128>}, {pipeline_mode = #tpu.pipeline_mode<synchronous>, transform_indices = @transform_13, window_bounds = array<i64: 128, 128>}, {pipeline_mode = #tpu.pipeline_mode<synchronous>, transform_indices = @transform_14, window_bounds = array<i64: 1, 128>}, {pipeline_mode = #tpu.pipeline_mode<synchronous>, transform_indices = @transform_15, window_bounds = array<i64: 128, 128>}, {pipeline_mode = #tpu.pipeline_mode<synchronous>, transform_indices = @transform_16, window_bounds = array<i64: 1, 128>}, {pipeline_mode = #tpu.pipeline_mode<synchronous>, transform_indices = @transform_17, window_bounds = array<i64: 1, 128>}, {transform_indices = @transform_18, window_bounds = array<i64: 2048, 128>}, {transform_indices = @transform_19, window_bounds = array<i64: 2048, 128>}, {transform_indices = @transform_20, window_bounds = array<i64: 2048, 128>}]} {
    %get3A = arith.constant 0 : index
    %get3A_0 = arith.constant 0 : index
    %get3A_1 = vector.load %arg1[%get3A, %get3A_0] : memref<2048x128xf32, #tpu.memory_space<vmem>>, vector<2048x128xf32>
    %get3A_2 = arith.constant 0 : index
    %get3A_3 = arith.constant 0 : index
    %get3A_4 = vector.load %arg2[%get3A_2, %get3A_3] : memref<2048x128xf32, #tpu.memory_space<vmem>>, vector<2048x128xf32>
    %get3A_5 = arith.constant 0 : index
    %get3A_6 = arith.constant 0 : index
    %get3A_7 = vector.load %arg3[%get3A_5, %get3A_6] : memref<2048x128xf32, #tpu.memory_space<vmem>>, vector<2048x128xf32>
    %concatenate3A = tpu.concatenate %get3A_1, %get3A_4, %get3A_7 in 1 : vector<2048x128xf32>, vector<2048x128xf32>, vector<2048x128xf32> -> vector<2048x384xf32>
    %get3A_8 = arith.constant 0 : index
    %get3A_9 = arith.constant 0 : index
    %get3A_10 = vector.load %arg5[%get3A_8, %get3A_9] : memref<384x128xf32, #tpu.memory_space<vmem>>, vector<384x128xf32>
    %dot_general3A = arith.constant dense<0.000000e+00> : vector<2048x128xf32>
    %dot_general3A_11 = tpu.matmul %concatenate3A, %get3A_10, %dot_general3A {dimension_numbers = #tpu.dot_dimension_numbers<[1], [0], [0], [1], [0, 0, 1, 1], [], []>, transpose_lhs_hint = false} : vector<2048x384xf32>, vector<384x128xf32>, vector<2048x128xf32> -> vector<2048x128xf32>
    %get3A_12 = arith.constant 0 : index
    %get3A_13 = arith.constant 0 : index
    %get3A_14 = vector.load %arg6[%get3A_12, %get3A_13] : memref<1x128xf32, #tpu.memory_space<vmem>>, vector<1x128xf32>
    %add3A = vector.broadcast %get3A_14 : vector<1x128xf32> to vector<2048x128xf32>
    %add3A_15 = arith.addf %dot_general3A_11, %add3A : vector<2048x128xf32>
    %max3A = arith.constant 0.000000e+00 : f32
    %max3A_16 = vector.broadcast %max3A : f32 to vector<2048x128xf32>
    %max3A_17 = arith.maximumf %add3A_15, %max3A_16 : vector<2048x128xf32>
    %get3A_18 = arith.constant 0 : index
    %get3A_19 = arith.constant 0 : index
    %get3A_20 = vector.load %arg7[%get3A_18, %get3A_19] : memref<128x128xf32, #tpu.memory_space<vmem>>, vector<128x128xf32>
    %dot_general3A_21 = arith.constant dense<0.000000e+00> : vector<2048x128xf32>
    %dot_general3A_22 = tpu.matmul %max3A_17, %get3A_20, %dot_general3A_21 {dimension_numbers = #tpu.dot_dimension_numbers<[1], [0], [0], [1], [0, 0, 1, 1], [], []>, transpose_lhs_hint = false} : vector<2048x128xf32>, vector<128x128xf32>, vector<2048x128xf32> -> vector<2048x128xf32>
    %get3A_23 = arith.constant 0 : index
    %get3A_24 = arith.constant 0 : index
    %get3A_25 = vector.load %arg8[%get3A_23, %get3A_24] : memref<1x128xf32, #tpu.memory_space<vmem>>, vector<1x128xf32>
    %add3A_26 = vector.broadcast %get3A_25 : vector<1x128xf32> to vector<2048x128xf32>
    %add3A_27 = arith.addf %dot_general3A_22, %add3A_26 : vector<2048x128xf32>
    %reduce_sum3A = arith.constant dense<0.000000e+00> : vector<2048xf32>
    %reduce_sum3A_28 = vector.multi_reduction <add>, %add3A_27, %reduce_sum3A [1] : vector<2048x128xf32> to vector<2048xf32>
    %broadcast_in_dim3A = vector.shape_cast %reduce_sum3A_28 : vector<2048xf32> to vector<2048x1xf32>
    %div3A = arith.constant 1.280000e+02 : f32
    %div3A_29 = vector.broadcast %div3A : f32 to vector<2048x1xf32>
    %div3A_30 = arith.divf %broadcast_in_dim3A, %div3A_29 : vector<2048x1xf32>
    %sub3A = vector.broadcast %div3A_30 : vector<2048x1xf32> to vector<2048x128xf32>
    %sub3A_31 = arith.subf %add3A_27, %sub3A : vector<2048x128xf32>
    %mul3A = arith.mulf %sub3A_31, %sub3A_31 : vector<2048x128xf32>
    %reduce_sum3A_32 = arith.constant dense<0.000000e+00> : vector<2048xf32>
    %reduce_sum3A_33 = vector.multi_reduction <add>, %mul3A, %reduce_sum3A_32 [1] : vector<2048x128xf32> to vector<2048xf32>
    %broadcast_in_dim3A_34 = vector.shape_cast %reduce_sum3A_33 : vector<2048xf32> to vector<2048x1xf32>
    %div3A_35 = arith.constant 1.280000e+02 : f32
    %div3A_36 = vector.broadcast %div3A_35 : f32 to vector<2048x1xf32>
    %div3A_37 = arith.divf %broadcast_in_dim3A_34, %div3A_36 : vector<2048x1xf32>
    %add3A_38 = arith.constant 9.99999997E-7 : f32
    %add3A_39 = vector.broadcast %add3A_38 : f32 to vector<2048x1xf32>
    %add3A_40 = arith.addf %div3A_37, %add3A_39 : vector<2048x1xf32>
    %sqrt3A = math.sqrt %add3A_40 : vector<2048x1xf32>
    %div3A_41 = vector.broadcast %sqrt3A : vector<2048x1xf32> to vector<2048x128xf32>
    %div3A_42 = arith.divf %sub3A_31, %div3A_41 : vector<2048x128xf32>
    %get3A_43 = arith.constant 0 : index
    %get3A_44 = arith.constant 0 : index
    %get3A_45 = vector.load %arg1[%get3A_43, %get3A_44] : memref<2048x128xf32, #tpu.memory_space<vmem>>, vector<2048x128xf32>
    %add3A_46 = arith.addf %get3A_45, %div3A_42 : vector<2048x128xf32>
    %get3A_47 = arith.constant 0 : index
    %get3A_48 = arith.constant 0 : index
    %get3A_49 = vector.load %arg4[%get3A_47, %get3A_48] : memref<2048x1xf32, #tpu.memory_space<vmem>>, vector<2048x1xf32>
    %get3A_50 = arith.constant 0 : index
    %get3A_51 = arith.constant 0 : index
    %get3A_52 = vector.load %arg9[%get3A_50, %get3A_51] : memref<128x128xf32, #tpu.memory_space<vmem>>, vector<128x128xf32>
    %dot_general3A_53 = arith.constant dense<0.000000e+00> : vector<2048x128xf32>
    %dot_general3A_54 = tpu.matmul %add3A_46, %get3A_52, %dot_general3A_53 {dimension_numbers = #tpu.dot_dimension_numbers<[1], [0], [0], [1], [0, 0, 1, 1], [], []>, transpose_lhs_hint = false} : vector<2048x128xf32>, vector<128x128xf32>, vector<2048x128xf32> -> vector<2048x128xf32>
    %get3A_55 = arith.constant 0 : index
    %get3A_56 = arith.constant 0 : index
    %get3A_57 = vector.load %arg10[%get3A_55, %get3A_56] : memref<1x128xf32, #tpu.memory_space<vmem>>, vector<1x128xf32>
    %add3A_58 = vector.broadcast %get3A_57 : vector<1x128xf32> to vector<2048x128xf32>
    %add3A_59 = arith.addf %dot_general3A_54, %add3A_58 : vector<2048x128xf32>
    %max3A_60 = arith.constant 0.000000e+00 : f32
    %max3A_61 = vector.broadcast %max3A_60 : f32 to vector<2048x128xf32>
    %max3A_62 = arith.maximumf %add3A_59, %max3A_61 : vector<2048x128xf32>
    %get3A_63 = arith.constant 0 : index
    %get3A_64 = arith.constant 0 : index
    %get3A_65 = vector.load %arg11[%get3A_63, %get3A_64] : memref<128x128xf32, #tpu.memory_space<vmem>>, vector<128x128xf32>
    %dot_general3A_66 = arith.constant dense<0.000000e+00> : vector<2048x128xf32>
    %dot_general3A_67 = tpu.matmul %max3A_62, %get3A_65, %dot_general3A_66 {dimension_numbers = #tpu.dot_dimension_numbers<[1], [0], [0], [1], [0, 0, 1, 1], [], []>, transpose_lhs_hint = false} : vector<2048x128xf32>, vector<128x128xf32>, vector<2048x128xf32> -> vector<2048x128xf32>
    %get3A_68 = arith.constant 0 : index
    %get3A_69 = arith.constant 0 : index
    %get3A_70 = vector.load %arg12[%get3A_68, %get3A_69] : memref<1x128xf32, #tpu.memory_space<vmem>>, vector<1x128xf32>
    %add3A_71 = vector.broadcast %get3A_70 : vector<1x128xf32> to vector<2048x128xf32>
    %add3A_72 = arith.addf %dot_general3A_67, %add3A_71 : vector<2048x128xf32>
    %max3A_73 = arith.constant 0.000000e+00 : f32
    %max3A_74 = vector.broadcast %max3A_73 : f32 to vector<2048x128xf32>
    %max3A_75 = arith.maximumf %add3A_72, %max3A_74 : vector<2048x128xf32>
    %get3A_76 = arith.constant 0 : index
    %get3A_77 = arith.constant 0 : index
    %get3A_78 = vector.load %arg14[%get3A_76, %get3A_77] : memref<128x128xf32, #tpu.memory_space<vmem>>, vector<128x128xf32>
    %dot_general3A_79 = arith.constant dense<0.000000e+00> : vector<2048x128xf32>
    %dot_general3A_80 = tpu.matmul %add3A_46, %get3A_78, %dot_general3A_79 {dimension_numbers = #tpu.dot_dimension_numbers<[1], [0], [0], [1], [0, 0, 1, 1], [], []>, transpose_lhs_hint = false} : vector<2048x128xf32>, vector<128x128xf32>, vector<2048x128xf32> -> vector<2048x128xf32>
    %get3A_81 = arith.constant 0 : index
    %get3A_82 = arith.constant 0 : index
    %get3A_83 = vector.load %arg15[%get3A_81, %get3A_82] : memref<1x128xf32, #tpu.memory_space<vmem>>, vector<1x128xf32>
    %add3A_84 = vector.broadcast %get3A_83 : vector<1x128xf32> to vector<2048x128xf32>
    %add3A_85 = arith.addf %dot_general3A_80, %add3A_84 : vector<2048x128xf32>
    %max3A_86 = arith.constant 0.000000e+00 : f32
    %max3A_87 = vector.broadcast %max3A_86 : f32 to vector<2048x128xf32>
    %max3A_88 = arith.maximumf %add3A_85, %max3A_87 : vector<2048x128xf32>
    %get3A_89 = arith.constant 0 : index
    %get3A_90 = arith.constant 0 : index
    %get3A_91 = vector.load %arg16[%get3A_89, %get3A_90] : memref<128x128xf32, #tpu.memory_space<vmem>>, vector<128x128xf32>
    %dot_general3A_92 = arith.constant dense<0.000000e+00> : vector<2048x128xf32>
    %dot_general3A_93 = tpu.matmul %max3A_88, %get3A_91, %dot_general3A_92 {dimension_numbers = #tpu.dot_dimension_numbers<[1], [0], [0], [1], [0, 0, 1, 1], [], []>, transpose_lhs_hint = false} : vector<2048x128xf32>, vector<128x128xf32>, vector<2048x128xf32> -> vector<2048x128xf32>
    %get3A_94 = arith.constant 0 : index
    %get3A_95 = arith.constant 0 : index
    %get3A_96 = vector.load %arg17[%get3A_94, %get3A_95] : memref<1x128xf32, #tpu.memory_space<vmem>>, vector<1x128xf32>
    %add3A_97 = vector.broadcast %get3A_96 : vector<1x128xf32> to vector<2048x128xf32>
    %add3A_98 = arith.addf %dot_general3A_93, %add3A_97 : vector<2048x128xf32>
    %max3A_99 = arith.constant 0.000000e+00 : f32
    %max3A_100 = vector.broadcast %max3A_99 : f32 to vector<2048x128xf32>
    %max3A_101 = arith.maximumf %add3A_98, %max3A_100 : vector<2048x128xf32>
    %sub3A_102 = arith.constant 1.000000e+00 : f32
    %sub3A_103 = vector.broadcast %sub3A_102 : f32 to vector<2048x1xf32>
    %sub3A_104 = arith.subf %sub3A_103, %get3A_49 : vector<2048x1xf32>
    %get3A_105 = arith.constant 0 : index
    %get3A_106 = arith.constant 0 : index
    %get3A_107 = vector.load %arg13[%get3A_105, %get3A_106] : memref<1x128xf32, #tpu.memory_space<vmem>>, vector<1x128xf32>
    %mul3A_108 = vector.broadcast %sub3A_104 : vector<2048x1xf32> to vector<2048x128xf32>
    %mul3A_109 = vector.broadcast %get3A_107 : vector<1x128xf32> to vector<2048x128xf32>
    %mul3A_110 = arith.mulf %mul3A_108, %mul3A_109 : vector<2048x128xf32>
    %gt3A = arith.constant 0.000000e+00 : f32
    %gt3A_111 = vector.broadcast %gt3A : f32 to vector<2048x128xf32>
    %gt3A_112 = arith.cmpf ogt, %max3A_75, %gt3A_111 : vector<2048x128xf32>
    %convert_element_type3A = arith.extui %gt3A_112 : vector<2048x128xi1> to vector<2048x128xi32>
    %convert_element_type3A_113 = arith.sitofp %convert_element_type3A : vector<2048x128xi32> to vector<2048x128xf32>
    %mul3A_114 = arith.mulf %mul3A_110, %convert_element_type3A_113 : vector<2048x128xf32>
    %get3A_115 = arith.constant 0 : index
    %get3A_116 = arith.constant 0 : index
    %get3A_117 = vector.load %arg11[%get3A_115, %get3A_116] : memref<128x128xf32, #tpu.memory_space<vmem>>, vector<128x128xf32>
    %dot_general3A_118 = arith.constant dense<0.000000e+00> : vector<2048x128xf32>
    %dot_general3A_119 = tpu.matmul %mul3A_114, %get3A_117, %dot_general3A_118 {dimension_numbers = #tpu.dot_dimension_numbers<[1], [1], [0], [0], [0, 0, 1, 0], [], []>, transpose_lhs_hint = false} : vector<2048x128xf32>, vector<128x128xf32>, vector<2048x128xf32> -> vector<2048x128xf32>
    %gt3A_120 = arith.constant 0.000000e+00 : f32
    %gt3A_121 = vector.broadcast %gt3A_120 : f32 to vector<2048x128xf32>
    %gt3A_122 = arith.cmpf ogt, %max3A_62, %gt3A_121 : vector<2048x128xf32>
    %convert_element_type3A_123 = arith.extui %gt3A_122 : vector<2048x128xi1> to vector<2048x128xi32>
    %convert_element_type3A_124 = arith.sitofp %convert_element_type3A_123 : vector<2048x128xi32> to vector<2048x128xf32>
    %mul3A_125 = arith.mulf %dot_general3A_119, %convert_element_type3A_124 : vector<2048x128xf32>
    %get3A_126 = arith.constant 0 : index
    %get3A_127 = arith.constant 0 : index
    %get3A_128 = vector.load %arg9[%get3A_126, %get3A_127] : memref<128x128xf32, #tpu.memory_space<vmem>>, vector<128x128xf32>
    %dot_general3A_129 = arith.constant dense<0.000000e+00> : vector<2048x128xf32>
    %dot_general3A_130 = tpu.matmul %mul3A_125, %get3A_128, %dot_general3A_129 {dimension_numbers = #tpu.dot_dimension_numbers<[1], [1], [0], [0], [0, 0, 1, 0], [], []>, transpose_lhs_hint = false} : vector<2048x128xf32>, vector<128x128xf32>, vector<2048x128xf32> -> vector<2048x128xf32>
    %get3A_131 = arith.constant 0 : index
    %get3A_132 = arith.constant 0 : index
    %get3A_133 = vector.load %arg18[%get3A_131, %get3A_132] : memref<1x128xf32, #tpu.memory_space<vmem>>, vector<1x128xf32>
    %mul3A_134 = vector.broadcast %get3A_49 : vector<2048x1xf32> to vector<2048x128xf32>
    %mul3A_135 = vector.broadcast %get3A_133 : vector<1x128xf32> to vector<2048x128xf32>
    %mul3A_136 = arith.mulf %mul3A_134, %mul3A_135 : vector<2048x128xf32>
    %gt3A_137 = arith.constant 0.000000e+00 : f32
    %gt3A_138 = vector.broadcast %gt3A_137 : f32 to vector<2048x128xf32>
    %gt3A_139 = arith.cmpf ogt, %max3A_101, %gt3A_138 : vector<2048x128xf32>
    %convert_element_type3A_140 = arith.extui %gt3A_139 : vector<2048x128xi1> to vector<2048x128xi32>
    %convert_element_type3A_141 = arith.sitofp %convert_element_type3A_140 : vector<2048x128xi32> to vector<2048x128xf32>
    %mul3A_142 = arith.mulf %mul3A_136, %convert_element_type3A_141 : vector<2048x128xf32>
    %get3A_143 = arith.constant 0 : index
    %get3A_144 = arith.constant 0 : index
    %get3A_145 = vector.load %arg16[%get3A_143, %get3A_144] : memref<128x128xf32, #tpu.memory_space<vmem>>, vector<128x128xf32>
    %dot_general3A_146 = arith.constant dense<0.000000e+00> : vector<2048x128xf32>
    %dot_general3A_147 = tpu.matmul %mul3A_142, %get3A_145, %dot_general3A_146 {dimension_numbers = #tpu.dot_dimension_numbers<[1], [1], [0], [0], [0, 0, 1, 0], [], []>, transpose_lhs_hint = false} : vector<2048x128xf32>, vector<128x128xf32>, vector<2048x128xf32> -> vector<2048x128xf32>
    %gt3A_148 = arith.constant 0.000000e+00 : f32
    %gt3A_149 = vector.broadcast %gt3A_148 : f32 to vector<2048x128xf32>
    %gt3A_150 = arith.cmpf ogt, %max3A_88, %gt3A_149 : vector<2048x128xf32>
    %convert_element_type3A_151 = arith.extui %gt3A_150 : vector<2048x128xi1> to vector<2048x128xi32>
    %convert_element_type3A_152 = arith.sitofp %convert_element_type3A_151 : vector<2048x128xi32> to vector<2048x128xf32>
    %mul3A_153 = arith.mulf %dot_general3A_147, %convert_element_type3A_152 : vector<2048x128xf32>
    %get3A_154 = arith.constant 0 : index
    %get3A_155 = arith.constant 0 : index
    %get3A_156 = vector.load %arg14[%get3A_154, %get3A_155] : memref<128x128xf32, #tpu.memory_space<vmem>>, vector<128x128xf32>
    %dot_general3A_157 = arith.constant dense<0.000000e+00> : vector<2048x128xf32>
    %dot_general3A_158 = tpu.matmul %mul3A_153, %get3A_156, %dot_general3A_157 {dimension_numbers = #tpu.dot_dimension_numbers<[1], [1], [0], [0], [0, 0, 1, 0], [], []>, transpose_lhs_hint = false} : vector<2048x128xf32>, vector<128x128xf32>, vector<2048x128xf32> -> vector<2048x128xf32>
    %add3A_159 = arith.addf %dot_general3A_130, %dot_general3A_158 : vector<2048x128xf32>
    %reduce_sum3A_160 = arith.constant dense<0.000000e+00> : vector<2048xf32>
    %reduce_sum3A_161 = vector.multi_reduction <add>, %add3A_159, %reduce_sum3A_160 [1] : vector<2048x128xf32> to vector<2048xf32>
    %broadcast_in_dim3A_162 = vector.shape_cast %reduce_sum3A_161 : vector<2048xf32> to vector<2048x1xf32>
    %div3A_163 = arith.constant 1.280000e+02 : f32
    %div3A_164 = vector.broadcast %div3A_163 : f32 to vector<2048x1xf32>
    %div3A_165 = arith.divf %broadcast_in_dim3A_162, %div3A_164 : vector<2048x1xf32>
    %sub3A_166 = vector.broadcast %div3A_165 : vector<2048x1xf32> to vector<2048x128xf32>
    %sub3A_167 = arith.subf %add3A_159, %sub3A_166 : vector<2048x128xf32>
    %mul3A_168 = arith.mulf %add3A_159, %div3A_42 : vector<2048x128xf32>
    %reduce_sum3A_169 = arith.constant dense<0.000000e+00> : vector<2048xf32>
    %reduce_sum3A_170 = vector.multi_reduction <add>, %mul3A_168, %reduce_sum3A_169 [1] : vector<2048x128xf32> to vector<2048xf32>
    %broadcast_in_dim3A_171 = vector.shape_cast %reduce_sum3A_170 : vector<2048xf32> to vector<2048x1xf32>
    %div3A_172 = arith.constant 1.280000e+02 : f32
    %div3A_173 = vector.broadcast %div3A_172 : f32 to vector<2048x1xf32>
    %div3A_174 = arith.divf %broadcast_in_dim3A_171, %div3A_173 : vector<2048x1xf32>
    %mul3A_175 = vector.broadcast %div3A_174 : vector<2048x1xf32> to vector<2048x128xf32>
    %mul3A_176 = arith.mulf %div3A_42, %mul3A_175 : vector<2048x128xf32>
    %sub3A_177 = arith.subf %sub3A_167, %mul3A_176 : vector<2048x128xf32>
    %div3A_178 = vector.broadcast %sqrt3A : vector<2048x1xf32> to vector<2048x128xf32>
    %div3A_179 = arith.divf %sub3A_177, %div3A_178 : vector<2048x128xf32>
    %get3A_180 = arith.constant 0 : index
    %get3A_181 = arith.constant 0 : index
    %get3A_182 = vector.load %arg7[%get3A_180, %get3A_181] : memref<128x128xf32, #tpu.memory_space<vmem>>, vector<128x128xf32>
    %dot_general3A_183 = arith.constant dense<0.000000e+00> : vector<2048x128xf32>
    %dot_general3A_184 = tpu.matmul %div3A_179, %get3A_182, %dot_general3A_183 {dimension_numbers = #tpu.dot_dimension_numbers<[1], [1], [0], [0], [0, 0, 1, 0], [], []>, transpose_lhs_hint = false} : vector<2048x128xf32>, vector<128x128xf32>, vector<2048x128xf32> -> vector<2048x128xf32>
    %gt3A_185 = arith.constant 0.000000e+00 : f32
    %gt3A_186 = vector.broadcast %gt3A_185 : f32 to vector<2048x128xf32>
    %gt3A_187 = arith.cmpf ogt, %max3A_17, %gt3A_186 : vector<2048x128xf32>
    %convert_element_type3A_188 = arith.extui %gt3A_187 : vector<2048x128xi1> to vector<2048x128xi32>
    %convert_element_type3A_189 = arith.sitofp %convert_element_type3A_188 : vector<2048x128xi32> to vector<2048x128xf32>
    %mul3A_190 = arith.mulf %dot_general3A_184, %convert_element_type3A_189 : vector<2048x128xf32>
    %get3A_191 = arith.constant 0 : index
    %get3A_192 = arith.constant 0 : index
    %get3A_193 = vector.load %arg5[%get3A_191, %get3A_192] : memref<384x128xf32, #tpu.memory_space<vmem>>, vector<384x128xf32>
    %dot_general3A_194 = arith.constant dense<0.000000e+00> : vector<2048x384xf32>
    %dot_general3A_195 = tpu.matmul %mul3A_190, %get3A_193, %dot_general3A_194 {dimension_numbers = #tpu.dot_dimension_numbers<[1], [1], [0], [0], [0, 0, 1, 0], [], []>, transpose_lhs_hint = false} : vector<2048x128xf32>, vector<384x128xf32>, vector<2048x384xf32> -> vector<2048x384xf32>
    %slice3A = vector.extract_strided_slice %dot_general3A_195 {offsets = [0, 0], sizes = [2048, 128], strides = [1, 1]} : vector<2048x384xf32> to vector<2048x128xf32>
    %add3A_196 = arith.addf %add3A_159, %slice3A : vector<2048x128xf32>
    %swap3A = arith.constant 0 : index
    %swap3A_197 = arith.constant 0 : index
    %swap3A_198 = vector.load %arg19[%swap3A, %swap3A_197] : memref<2048x128xf32, #tpu.memory_space<vmem>>, vector<2048x128xf32>
    tpu.vector_store %arg19[%swap3A, %swap3A_197], %add3A_196 {strides = array<i32>} : memref<2048x128xf32, #tpu.memory_space<vmem>>, vector<2048x128xf32>,
    %slice3A_199 = vector.extract_strided_slice %dot_general3A_195 {offsets = [0, 128], sizes = [2048, 128], strides = [1, 1]} : vector<2048x384xf32> to vector<2048x128xf32>
    %swap3A_200 = arith.constant 0 : index
    %swap3A_201 = arith.constant 0 : index
    %swap3A_202 = vector.load %arg20[%swap3A_200, %swap3A_201] : memref<2048x128xf32, #tpu.memory_space<vmem>>, vector<2048x128xf32>
    tpu.vector_store %arg20[%swap3A_200, %swap3A_201], %slice3A_199 {strides = array<i32>} : memref<2048x128xf32, #tpu.memory_space<vmem>>, vector<2048x128xf32>,
    %slice3A_203 = vector.extract_strided_slice %dot_general3A_195 {offsets = [0, 256], sizes = [2048, 128], strides = [1, 1]} : vector<2048x384xf32> to vector<2048x128xf32>
    %swap3A_204 = arith.constant 0 : index
    %swap3A_205 = arith.constant 0 : index
    %swap3A_206 = vector.load %arg21[%swap3A_204, %swap3A_205] : memref<2048x128xf32, #tpu.memory_space<vmem>>, vector<2048x128xf32>
    tpu.vector_store %arg21[%swap3A_204, %swap3A_205], %slice3A_203 {strides = array<i32>} : memref<2048x128xf32, #tpu.memory_space<vmem>>, vector<2048x128xf32>,
    return
  }
  func.func @transform_0(%arg0: i32) -> (i32, i32) {
    %c0_i32 = arith.constant 0 : i32
    %c0_i32_0 = arith.constant 0 : i32
    return %arg0, %c0_i32 : i32, i32
  }
  func.func @transform_1(%arg0: i32) -> (i32, i32) {
    %c0_i32 = arith.constant 0 : i32
    %c0_i32_0 = arith.constant 0 : i32
    return %arg0, %c0_i32 : i32, i32
  }
  func.func @transform_2(%arg0: i32) -> (i32, i32) {
    %c0_i32 = arith.constant 0 : i32
    %c0_i32_0 = arith.constant 0 : i32
    return %arg0, %c0_i32 : i32, i32
  }
  func.func @transform_3(%arg0: i32) -> (i32, i32) {
    %c0_i32 = arith.constant 0 : i32
    %c0_i32_0 = arith.constant 0 : i32
    return %arg0, %c0_i32 : i32, i32
  }
  func.func @transform_4(%arg0: i32) -> (i32, i32) {
    %c0_i32 = arith.constant 0 : i32
    %c0_i32_0 = arith.constant 0 : i32
    %c0_i32_1 = arith.constant 0 : i32
    return %c0_i32, %c0_i32_0 : i32, i32
  }
  func.func @transform_5(%arg0: i32) -> (i32, i32) {
    %c0_i32 = arith.constant 0 : i32
    %c0_i32_0 = arith.constant 0 : i32
    %c0_i32_1 = arith.constant 0 : i32
    return %c0_i32, %c0_i32_0 : i32, i32
  }
  func.func @transform_6(%arg0: i32) -> (i32, i32) {
    %c0_i32 = arith.constant 0 : i32
    %c0_i32_0 = arith.constant 0 : i32
    %c0_i32_1 = arith.constant 0 : i32
    return %c0_i32, %c0_i32_0 : i32, i32
  }
  func.func @transform_7(%arg0: i32) -> (i32, i32) {
    %c0_i32 = arith.constant 0 : i32
    %c0_i32_0 = arith.constant 0 : i32
    %c0_i32_1 = arith.constant 0 : i32
    return %c0_i32, %c0_i32_0 : i32, i32
  }
  func.func @transform_8(%arg0: i32) -> (i32, i32) {
    %c0_i32 = arith.constant 0 : i32
    %c0_i32_0 = arith.constant 0 : i32
    %c0_i32_1 = arith.constant 0 : i32
    return %c0_i32, %c0_i32_0 : i32, i32
  }
  func.func @transform_9(%arg0: i32) -> (i32, i32) {
    %c0_i32 = arith.constant 0 : i32
    %c0_i32_0 = arith.constant 0 : i32
    %c0_i32_1 = arith.constant 0 : i32
    return %c0_i32, %c0_i32_0 : i32, i32
  }
  func.func @transform_10(%arg0: i32) -> (i32, i32) {
    %c0_i32 = arith.constant 0 : i32
    %c0_i32_0 = arith.constant 0 : i32
    %c0_i32_1 = arith.constant 0 : i32
    return %c0_i32, %c0_i32_0 : i32, i32
  }
  func.func @transform_11(%arg0: i32) -> (i32, i32) {
    %c0_i32 = arith.constant 0 : i32
    %c0_i32_0 = arith.constant 0 : i32
    %c0_i32_1 = arith.constant 0 : i32
    return %c0_i32, %c0_i32_0 : i32, i32
  }
  func.func @transform_12(%arg0: i32) -> (i32, i32) {
    %c0_i32 = arith.constant 0 : i32
    %c0_i32_0 = arith.constant 0 : i32
    %c0_i32_1 = arith.constant 0 : i32
    return %c0_i32, %c0_i32_0 : i32, i32
  }
  func.func @transform_13(%arg0: i32) -> (i32, i32) {
    %c0_i32 = arith.constant 0 : i32
    %c0_i32_0 = arith.constant 0 : i32
    %c0_i32_1 = arith.constant 0 : i32
    return %c0_i32, %c0_i32_0 : i32, i32
  }
  func.func @transform_14(%arg0: i32) -> (i32, i32) {
    %c0_i32 = arith.constant 0 : i32
    %c0_i32_0 = arith.constant 0 : i32
    %c0_i32_1 = arith.constant 0 : i32
    return %c0_i32, %c0_i32_0 : i32, i32
  }
  func.func @transform_15(%arg0: i32) -> (i32, i32) {
    %c0_i32 = arith.constant 0 : i32
    %c0_i32_0 = arith.constant 0 : i32
    %c0_i32_1 = arith.constant 0 : i32
    return %c0_i32, %c0_i32_0 : i32, i32
  }
  func.func @transform_16(%arg0: i32) -> (i32, i32) {
    %c0_i32 = arith.constant 0 : i32
    %c0_i32_0 = arith.constant 0 : i32
    %c0_i32_1 = arith.constant 0 : i32
    return %c0_i32, %c0_i32_0 : i32, i32
  }
  func.func @transform_17(%arg0: i32) -> (i32, i32) {
    %c0_i32 = arith.constant 0 : i32
    %c0_i32_0 = arith.constant 0 : i32
    %c0_i32_1 = arith.constant 0 : i32
    return %c0_i32, %c0_i32_0 : i32, i32
  }
  func.func @transform_18(%arg0: i32) -> (i32, i32) {
    %c0_i32 = arith.constant 0 : i32
    %c0_i32_0 = arith.constant 0 : i32
    return %arg0, %c0_i32 : i32, i32
  }
  func.func @transform_19(%arg0: i32) -> (i32, i32) {
    %c0_i32 = arith.constant 0 : i32
    %c0_i32_0 = arith.constant 0 : i32
    return %arg0, %c0_i32 : i32, i32
  }
  func.func @transform_20(%arg0: i32) -> (i32, i32) {
    %c0_i32 = arith.constant 0 : i32
    %c0_i32_0 = arith.constant 0 : i32
    return %arg0, %c0_i32 : i32, i32
  }
}

module attributes {stable_mosaic.version = 14 : i64} {
  func.func @_node_bwd_body(%arg0: memref<2x1024x128xf32, #tpu.memory_space<vmem>>, %arg1: memref<1024x128xf32, #tpu.memory_space<vmem>>, %arg2: memref<1024x1xf32, #tpu.memory_space<vmem>>, %arg3: memref<1024x128xf32, #tpu.memory_space<vmem>>, %arg4: memref<256x128xf32, #tpu.memory_space<vmem>>, %arg5: memref<128x128xf32, #tpu.memory_space<vmem>>, %arg6: memref<1024x128xf32, #tpu.memory_space<vmem>>, %arg7: memref<1024x128xf32, #tpu.memory_space<vmem>>) attributes {dimension_semantics = [], scalar_prefetch = 0 : i64, scratch_operands = 0 : i64, tpu.core_type = #tpu.core_type<tc>} {
    %get3A = arith.constant 0 : index
    %get3A_0 = arith.constant 0 : index
    %get3A_1 = arith.constant 0 : index
    %get3A_2 = vector.load %arg0[%get3A, %get3A_0, %get3A_1] : memref<2x1024x128xf32, #tpu.memory_space<vmem>>, vector<1x1024x128xf32>
    %get3A_3 = vector.shape_cast %get3A_2 : vector<1x1024x128xf32> to vector<1024x128xf32>
    %get3A_4 = arith.constant 1 : index
    %get3A_5 = arith.constant 0 : index
    %get3A_6 = arith.constant 0 : index
    %get3A_7 = vector.load %arg0[%get3A_4, %get3A_5, %get3A_6] : memref<2x1024x128xf32, #tpu.memory_space<vmem>>, vector<1x1024x128xf32>
    %get3A_8 = vector.shape_cast %get3A_7 : vector<1x1024x128xf32> to vector<1024x128xf32>
    %add3A = arith.addf %get3A_3, %get3A_8 : vector<1024x128xf32>
    %get3A_9 = arith.constant 0 : index
    %get3A_10 = arith.constant 0 : index
    %get3A_11 = vector.load %arg1[%get3A_9, %get3A_10] : memref<1024x128xf32, #tpu.memory_space<vmem>>, vector<1024x128xf32>
    %get3A_12 = arith.constant 0 : index
    %get3A_13 = arith.constant 0 : index
    %get3A_14 = vector.load %arg2[%get3A_12, %get3A_13] : memref<1024x1xf32, #tpu.memory_space<vmem>>, vector<1024x1xf32>
    %reduce_sum3A = arith.constant dense<0.000000e+00> : vector<1024xf32>
    %reduce_sum3A_15 = vector.multi_reduction <add>, %add3A, %reduce_sum3A [1] : vector<1024x128xf32> to vector<1024xf32>
    %broadcast_in_dim3A = vector.shape_cast %reduce_sum3A_15 : vector<1024xf32> to vector<1024x1xf32>
    %div3A = arith.constant 1.280000e+02 : f32
    %div3A_16 = vector.broadcast %div3A : f32 to vector<1024x1xf32>
    %div3A_17 = arith.divf %broadcast_in_dim3A, %div3A_16 : vector<1024x1xf32>
    %sub3A = vector.broadcast %div3A_17 : vector<1024x1xf32> to vector<1024x128xf32>
    %sub3A_18 = arith.subf %add3A, %sub3A : vector<1024x128xf32>
    %mul3A = arith.mulf %add3A, %get3A_11 : vector<1024x128xf32>
    %reduce_sum3A_19 = arith.constant dense<0.000000e+00> : vector<1024xf32>
    %reduce_sum3A_20 = vector.multi_reduction <add>, %mul3A, %reduce_sum3A_19 [1] : vector<1024x128xf32> to vector<1024xf32>
    %broadcast_in_dim3A_21 = vector.shape_cast %reduce_sum3A_20 : vector<1024xf32> to vector<1024x1xf32>
    %div3A_22 = arith.constant 1.280000e+02 : f32
    %div3A_23 = vector.broadcast %div3A_22 : f32 to vector<1024x1xf32>
    %div3A_24 = arith.divf %broadcast_in_dim3A_21, %div3A_23 : vector<1024x1xf32>
    %mul3A_25 = vector.broadcast %div3A_24 : vector<1024x1xf32> to vector<1024x128xf32>
    %mul3A_26 = arith.mulf %get3A_11, %mul3A_25 : vector<1024x128xf32>
    %sub3A_27 = arith.subf %sub3A_18, %mul3A_26 : vector<1024x128xf32>
    %div3A_28 = vector.broadcast %get3A_14 : vector<1024x1xf32> to vector<1024x128xf32>
    %div3A_29 = arith.divf %sub3A_27, %div3A_28 : vector<1024x128xf32>
    %get3A_30 = arith.constant 0 : index
    %get3A_31 = arith.constant 0 : index
    %get3A_32 = vector.load %arg5[%get3A_30, %get3A_31] : memref<128x128xf32, #tpu.memory_space<vmem>>, vector<128x128xf32>
    %dot_general3A = arith.constant dense<0.000000e+00> : vector<1024x128xf32>
    %dot_general3A_33 = tpu.matmul %div3A_29, %get3A_32, %dot_general3A {dimension_numbers = #tpu.dot_dimension_numbers<[1], [1], [0], [0], [0, 0, 1, 0], [], []>, transpose_lhs_hint = false} : vector<1024x128xf32>, vector<128x128xf32>, vector<1024x128xf32> -> vector<1024x128xf32>
    %get3A_34 = arith.constant 0 : index
    %get3A_35 = arith.constant 0 : index
    %get3A_36 = vector.load %arg3[%get3A_34, %get3A_35] : memref<1024x128xf32, #tpu.memory_space<vmem>>, vector<1024x128xf32>
    %gt3A = arith.constant 0.000000e+00 : f32
    %gt3A_37 = vector.broadcast %gt3A : f32 to vector<1024x128xf32>
    %gt3A_38 = arith.cmpf ogt, %get3A_36, %gt3A_37 : vector<1024x128xf32>
    %convert_element_type3A = arith.extui %gt3A_38 : vector<1024x128xi1> to vector<1024x128xi32>
    %convert_element_type3A_39 = arith.sitofp %convert_element_type3A : vector<1024x128xi32> to vector<1024x128xf32>
    %mul3A_40 = arith.mulf %dot_general3A_33, %convert_element_type3A_39 : vector<1024x128xf32>
    %get3A_41 = arith.constant 0 : index
    %get3A_42 = arith.constant 0 : index
    %get3A_43 = vector.load %arg4[%get3A_41, %get3A_42] : memref<256x128xf32, #tpu.memory_space<vmem>>, vector<256x128xf32>
    %dot_general3A_44 = arith.constant dense<0.000000e+00> : vector<1024x256xf32>
    %dot_general3A_45 = tpu.matmul %mul3A_40, %get3A_43, %dot_general3A_44 {dimension_numbers = #tpu.dot_dimension_numbers<[1], [1], [0], [0], [0, 0, 1, 0], [], []>, transpose_lhs_hint = false} : vector<1024x128xf32>, vector<256x128xf32>, vector<1024x256xf32> -> vector<1024x256xf32>
    %slice3A = vector.extract_strided_slice %dot_general3A_45 {offsets = [0, 0], sizes = [1024, 128], strides = [1, 1]} : vector<1024x256xf32> to vector<1024x128xf32>
    %add3A_46 = arith.addf %add3A, %slice3A : vector<1024x128xf32>
    %swap3A = arith.constant 0 : index
    %swap3A_47 = arith.constant 0 : index
    %swap3A_48 = vector.load %arg6[%swap3A, %swap3A_47] : memref<1024x128xf32, #tpu.memory_space<vmem>>, vector<1024x128xf32>
    tpu.vector_store %arg6[%swap3A, %swap3A_47], %add3A_46 {strides = array<i32>} : memref<1024x128xf32, #tpu.memory_space<vmem>>, vector<1024x128xf32>,
    %slice3A_49 = vector.extract_strided_slice %dot_general3A_45 {offsets = [0, 128], sizes = [1024, 128], strides = [1, 1]} : vector<1024x256xf32> to vector<1024x128xf32>
    %swap3A_50 = arith.constant 0 : index
    %swap3A_51 = arith.constant 0 : index
    %swap3A_52 = vector.load %arg7[%swap3A_50, %swap3A_51] : memref<1024x128xf32, #tpu.memory_space<vmem>>, vector<1024x128xf32>
    tpu.vector_store %arg7[%swap3A_50, %swap3A_51], %slice3A_49 {strides = array<i32>} : memref<1024x128xf32, #tpu.memory_space<vmem>>, vector<1024x128xf32>,
    return
  }
}

module attributes {stable_mosaic.version = 14 : i64} {
  func.func @_edge_bwd_body(%arg0: i32, %arg1: memref<2048x128xf32, #tpu.memory_space<vmem>>, %arg2: memref<2048x128xf32, #tpu.memory_space<vmem>>, %arg3: memref<2048x128xf32, #tpu.memory_space<vmem>>, %arg4: memref<2048x1xf32, #tpu.memory_space<vmem>>, %arg5: memref<2048x128xf32, #tpu.memory_space<vmem>>, %arg6: memref<384x128xf32, #tpu.memory_space<vmem>>, %arg7: memref<128x128xf32, #tpu.memory_space<vmem>>, %arg8: memref<2048x128xf32, #tpu.memory_space<vmem>>, %arg9: memref<2048x128xf32, #tpu.memory_space<vmem>>, %arg10: memref<2048x128xf32, #tpu.memory_space<vmem>>) attributes {dimension_semantics = [#tpu.dimension_semantics<arbitrary>], iteration_bounds = array<i64: 2>, scalar_prefetch = 0 : i64, scratch_operands = 0 : i64, tpu.core_type = #tpu.core_type<tc>, window_params = [{transform_indices = @transform_0, window_bounds = array<i64: 2048, 128>}, {transform_indices = @transform_1, window_bounds = array<i64: 2048, 128>}, {transform_indices = @transform_2, window_bounds = array<i64: 2048, 128>}, {transform_indices = @transform_3, window_bounds = array<i64: 2048, 1>}, {transform_indices = @transform_4, window_bounds = array<i64: 2048, 128>}, {pipeline_mode = #tpu.pipeline_mode<synchronous>, transform_indices = @transform_5, window_bounds = array<i64: 384, 128>}, {pipeline_mode = #tpu.pipeline_mode<synchronous>, transform_indices = @transform_6, window_bounds = array<i64: 128, 128>}, {transform_indices = @transform_7, window_bounds = array<i64: 2048, 128>}, {transform_indices = @transform_8, window_bounds = array<i64: 2048, 128>}, {transform_indices = @transform_9, window_bounds = array<i64: 2048, 128>}]} {
    %get3A = arith.constant 0 : index
    %get3A_0 = arith.constant 0 : index
    %get3A_1 = vector.load %arg1[%get3A, %get3A_0] : memref<2048x128xf32, #tpu.memory_space<vmem>>, vector<2048x128xf32>
    %get3A_2 = arith.constant 0 : index
    %get3A_3 = arith.constant 0 : index
    %get3A_4 = vector.load %arg2[%get3A_2, %get3A_3] : memref<2048x128xf32, #tpu.memory_space<vmem>>, vector<2048x128xf32>
    %add3A = arith.addf %get3A_1, %get3A_4 : vector<2048x128xf32>
    %get3A_5 = arith.constant 0 : index
    %get3A_6 = arith.constant 0 : index
    %get3A_7 = vector.load %arg3[%get3A_5, %get3A_6] : memref<2048x128xf32, #tpu.memory_space<vmem>>, vector<2048x128xf32>
    %get3A_8 = arith.constant 0 : index
    %get3A_9 = arith.constant 0 : index
    %get3A_10 = vector.load %arg4[%get3A_8, %get3A_9] : memref<2048x1xf32, #tpu.memory_space<vmem>>, vector<2048x1xf32>
    %reduce_sum3A = arith.constant dense<0.000000e+00> : vector<2048xf32>
    %reduce_sum3A_11 = vector.multi_reduction <add>, %add3A, %reduce_sum3A [1] : vector<2048x128xf32> to vector<2048xf32>
    %broadcast_in_dim3A = vector.shape_cast %reduce_sum3A_11 : vector<2048xf32> to vector<2048x1xf32>
    %div3A = arith.constant 1.280000e+02 : f32
    %div3A_12 = vector.broadcast %div3A : f32 to vector<2048x1xf32>
    %div3A_13 = arith.divf %broadcast_in_dim3A, %div3A_12 : vector<2048x1xf32>
    %sub3A = vector.broadcast %div3A_13 : vector<2048x1xf32> to vector<2048x128xf32>
    %sub3A_14 = arith.subf %add3A, %sub3A : vector<2048x128xf32>
    %mul3A = arith.mulf %add3A, %get3A_7 : vector<2048x128xf32>
    %reduce_sum3A_15 = arith.constant dense<0.000000e+00> : vector<2048xf32>
    %reduce_sum3A_16 = vector.multi_reduction <add>, %mul3A, %reduce_sum3A_15 [1] : vector<2048x128xf32> to vector<2048xf32>
    %broadcast_in_dim3A_17 = vector.shape_cast %reduce_sum3A_16 : vector<2048xf32> to vector<2048x1xf32>
    %div3A_18 = arith.constant 1.280000e+02 : f32
    %div3A_19 = vector.broadcast %div3A_18 : f32 to vector<2048x1xf32>
    %div3A_20 = arith.divf %broadcast_in_dim3A_17, %div3A_19 : vector<2048x1xf32>
    %mul3A_21 = vector.broadcast %div3A_20 : vector<2048x1xf32> to vector<2048x128xf32>
    %mul3A_22 = arith.mulf %get3A_7, %mul3A_21 : vector<2048x128xf32>
    %sub3A_23 = arith.subf %sub3A_14, %mul3A_22 : vector<2048x128xf32>
    %div3A_24 = vector.broadcast %get3A_10 : vector<2048x1xf32> to vector<2048x128xf32>
    %div3A_25 = arith.divf %sub3A_23, %div3A_24 : vector<2048x128xf32>
    %get3A_26 = arith.constant 0 : index
    %get3A_27 = arith.constant 0 : index
    %get3A_28 = vector.load %arg7[%get3A_26, %get3A_27] : memref<128x128xf32, #tpu.memory_space<vmem>>, vector<128x128xf32>
    %dot_general3A = arith.constant dense<0.000000e+00> : vector<2048x128xf32>
    %dot_general3A_29 = tpu.matmul %div3A_25, %get3A_28, %dot_general3A {dimension_numbers = #tpu.dot_dimension_numbers<[1], [1], [0], [0], [0, 0, 1, 0], [], []>, transpose_lhs_hint = false} : vector<2048x128xf32>, vector<128x128xf32>, vector<2048x128xf32> -> vector<2048x128xf32>
    %get3A_30 = arith.constant 0 : index
    %get3A_31 = arith.constant 0 : index
    %get3A_32 = vector.load %arg5[%get3A_30, %get3A_31] : memref<2048x128xf32, #tpu.memory_space<vmem>>, vector<2048x128xf32>
    %gt3A = arith.constant 0.000000e+00 : f32
    %gt3A_33 = vector.broadcast %gt3A : f32 to vector<2048x128xf32>
    %gt3A_34 = arith.cmpf ogt, %get3A_32, %gt3A_33 : vector<2048x128xf32>
    %convert_element_type3A = arith.extui %gt3A_34 : vector<2048x128xi1> to vector<2048x128xi32>
    %convert_element_type3A_35 = arith.sitofp %convert_element_type3A : vector<2048x128xi32> to vector<2048x128xf32>
    %mul3A_36 = arith.mulf %dot_general3A_29, %convert_element_type3A_35 : vector<2048x128xf32>
    %get3A_37 = arith.constant 0 : index
    %get3A_38 = arith.constant 0 : index
    %get3A_39 = vector.load %arg6[%get3A_37, %get3A_38] : memref<384x128xf32, #tpu.memory_space<vmem>>, vector<384x128xf32>
    %dot_general3A_40 = arith.constant dense<0.000000e+00> : vector<2048x384xf32>
    %dot_general3A_41 = tpu.matmul %mul3A_36, %get3A_39, %dot_general3A_40 {dimension_numbers = #tpu.dot_dimension_numbers<[1], [1], [0], [0], [0, 0, 1, 0], [], []>, transpose_lhs_hint = false} : vector<2048x128xf32>, vector<384x128xf32>, vector<2048x384xf32> -> vector<2048x384xf32>
    %slice3A = vector.extract_strided_slice %dot_general3A_41 {offsets = [0, 0], sizes = [2048, 128], strides = [1, 1]} : vector<2048x384xf32> to vector<2048x128xf32>
    %add3A_42 = arith.addf %add3A, %slice3A : vector<2048x128xf32>
    %swap3A = arith.constant 0 : index
    %swap3A_43 = arith.constant 0 : index
    %swap3A_44 = vector.load %arg8[%swap3A, %swap3A_43] : memref<2048x128xf32, #tpu.memory_space<vmem>>, vector<2048x128xf32>
    tpu.vector_store %arg8[%swap3A, %swap3A_43], %add3A_42 {strides = array<i32>} : memref<2048x128xf32, #tpu.memory_space<vmem>>, vector<2048x128xf32>,
    %slice3A_45 = vector.extract_strided_slice %dot_general3A_41 {offsets = [0, 128], sizes = [2048, 128], strides = [1, 1]} : vector<2048x384xf32> to vector<2048x128xf32>
    %swap3A_46 = arith.constant 0 : index
    %swap3A_47 = arith.constant 0 : index
    %swap3A_48 = vector.load %arg9[%swap3A_46, %swap3A_47] : memref<2048x128xf32, #tpu.memory_space<vmem>>, vector<2048x128xf32>
    tpu.vector_store %arg9[%swap3A_46, %swap3A_47], %slice3A_45 {strides = array<i32>} : memref<2048x128xf32, #tpu.memory_space<vmem>>, vector<2048x128xf32>,
    %slice3A_49 = vector.extract_strided_slice %dot_general3A_41 {offsets = [0, 256], sizes = [2048, 128], strides = [1, 1]} : vector<2048x384xf32> to vector<2048x128xf32>
    %swap3A_50 = arith.constant 0 : index
    %swap3A_51 = arith.constant 0 : index
    %swap3A_52 = vector.load %arg10[%swap3A_50, %swap3A_51] : memref<2048x128xf32, #tpu.memory_space<vmem>>, vector<2048x128xf32>
    tpu.vector_store %arg10[%swap3A_50, %swap3A_51], %slice3A_49 {strides = array<i32>} : memref<2048x128xf32, #tpu.memory_space<vmem>>, vector<2048x128xf32>,
    return
  }
  func.func @transform_0(%arg0: i32) -> (i32, i32) {
    %c0_i32 = arith.constant 0 : i32
    %c0_i32_0 = arith.constant 0 : i32
    return %arg0, %c0_i32 : i32, i32
  }
  func.func @transform_1(%arg0: i32) -> (i32, i32) {
    %c0_i32 = arith.constant 0 : i32
    %c0_i32_0 = arith.constant 0 : i32
    return %arg0, %c0_i32 : i32, i32
  }
  func.func @transform_2(%arg0: i32) -> (i32, i32) {
    %c0_i32 = arith.constant 0 : i32
    %c0_i32_0 = arith.constant 0 : i32
    return %arg0, %c0_i32 : i32, i32
  }
  func.func @transform_3(%arg0: i32) -> (i32, i32) {
    %c0_i32 = arith.constant 0 : i32
    %c0_i32_0 = arith.constant 0 : i32
    return %arg0, %c0_i32 : i32, i32
  }
  func.func @transform_4(%arg0: i32) -> (i32, i32) {
    %c0_i32 = arith.constant 0 : i32
    %c0_i32_0 = arith.constant 0 : i32
    return %arg0, %c0_i32 : i32, i32
  }
  func.func @transform_5(%arg0: i32) -> (i32, i32) {
    %c0_i32 = arith.constant 0 : i32
    %c0_i32_0 = arith.constant 0 : i32
    %c0_i32_1 = arith.constant 0 : i32
    return %c0_i32, %c0_i32_0 : i32, i32
  }
  func.func @transform_6(%arg0: i32) -> (i32, i32) {
    %c0_i32 = arith.constant 0 : i32
    %c0_i32_0 = arith.constant 0 : i32
    %c0_i32_1 = arith.constant 0 : i32
    return %c0_i32, %c0_i32_0 : i32, i32
  }
  func.func @transform_7(%arg0: i32) -> (i32, i32) {
    %c0_i32 = arith.constant 0 : i32
    %c0_i32_0 = arith.constant 0 : i32
    return %arg0, %c0_i32 : i32, i32
  }
  func.func @transform_8(%arg0: i32) -> (i32, i32) {
    %c0_i32 = arith.constant 0 : i32
    %c0_i32_0 = arith.constant 0 : i32
    return %arg0, %c0_i32 : i32, i32
  }
  func.func @transform_9(%arg0: i32) -> (i32, i32) {
    %c0_i32 = arith.constant 0 : i32
    %c0_i32_0 = arith.constant 0 : i32
    return %arg0, %c0_i32 : i32, i32
  }
}

module attributes {stable_mosaic.version = 14 : i64} {
  func.func @_node_bwd_body(%arg0: memref<2x1024x128xf32, #tpu.memory_space<vmem>>, %arg1: memref<1024x128xf32, #tpu.memory_space<vmem>>, %arg2: memref<1024x1xf32, #tpu.memory_space<vmem>>, %arg3: memref<1024x128xf32, #tpu.memory_space<vmem>>, %arg4: memref<256x128xf32, #tpu.memory_space<vmem>>, %arg5: memref<128x128xf32, #tpu.memory_space<vmem>>, %arg6: memref<1024x128xf32, #tpu.memory_space<vmem>>, %arg7: memref<1024x128xf32, #tpu.memory_space<vmem>>) attributes {dimension_semantics = [], scalar_prefetch = 0 : i64, scratch_operands = 0 : i64, tpu.core_type = #tpu.core_type<tc>} {
    %get3A = arith.constant 0 : index
    %get3A_0 = arith.constant 0 : index
    %get3A_1 = arith.constant 0 : index
    %get3A_2 = vector.load %arg0[%get3A, %get3A_0, %get3A_1] : memref<2x1024x128xf32, #tpu.memory_space<vmem>>, vector<1x1024x128xf32>
    %get3A_3 = vector.shape_cast %get3A_2 : vector<1x1024x128xf32> to vector<1024x128xf32>
    %get3A_4 = arith.constant 1 : index
    %get3A_5 = arith.constant 0 : index
    %get3A_6 = arith.constant 0 : index
    %get3A_7 = vector.load %arg0[%get3A_4, %get3A_5, %get3A_6] : memref<2x1024x128xf32, #tpu.memory_space<vmem>>, vector<1x1024x128xf32>
    %get3A_8 = vector.shape_cast %get3A_7 : vector<1x1024x128xf32> to vector<1024x128xf32>
    %add3A = arith.addf %get3A_3, %get3A_8 : vector<1024x128xf32>
    %get3A_9 = arith.constant 0 : index
    %get3A_10 = arith.constant 0 : index
    %get3A_11 = vector.load %arg1[%get3A_9, %get3A_10] : memref<1024x128xf32, #tpu.memory_space<vmem>>, vector<1024x128xf32>
    %get3A_12 = arith.constant 0 : index
    %get3A_13 = arith.constant 0 : index
    %get3A_14 = vector.load %arg2[%get3A_12, %get3A_13] : memref<1024x1xf32, #tpu.memory_space<vmem>>, vector<1024x1xf32>
    %reduce_sum3A = arith.constant dense<0.000000e+00> : vector<1024xf32>
    %reduce_sum3A_15 = vector.multi_reduction <add>, %add3A, %reduce_sum3A [1] : vector<1024x128xf32> to vector<1024xf32>
    %broadcast_in_dim3A = vector.shape_cast %reduce_sum3A_15 : vector<1024xf32> to vector<1024x1xf32>
    %div3A = arith.constant 1.280000e+02 : f32
    %div3A_16 = vector.broadcast %div3A : f32 to vector<1024x1xf32>
    %div3A_17 = arith.divf %broadcast_in_dim3A, %div3A_16 : vector<1024x1xf32>
    %sub3A = vector.broadcast %div3A_17 : vector<1024x1xf32> to vector<1024x128xf32>
    %sub3A_18 = arith.subf %add3A, %sub3A : vector<1024x128xf32>
    %mul3A = arith.mulf %add3A, %get3A_11 : vector<1024x128xf32>
    %reduce_sum3A_19 = arith.constant dense<0.000000e+00> : vector<1024xf32>
    %reduce_sum3A_20 = vector.multi_reduction <add>, %mul3A, %reduce_sum3A_19 [1] : vector<1024x128xf32> to vector<1024xf32>
    %broadcast_in_dim3A_21 = vector.shape_cast %reduce_sum3A_20 : vector<1024xf32> to vector<1024x1xf32>
    %div3A_22 = arith.constant 1.280000e+02 : f32
    %div3A_23 = vector.broadcast %div3A_22 : f32 to vector<1024x1xf32>
    %div3A_24 = arith.divf %broadcast_in_dim3A_21, %div3A_23 : vector<1024x1xf32>
    %mul3A_25 = vector.broadcast %div3A_24 : vector<1024x1xf32> to vector<1024x128xf32>
    %mul3A_26 = arith.mulf %get3A_11, %mul3A_25 : vector<1024x128xf32>
    %sub3A_27 = arith.subf %sub3A_18, %mul3A_26 : vector<1024x128xf32>
    %div3A_28 = vector.broadcast %get3A_14 : vector<1024x1xf32> to vector<1024x128xf32>
    %div3A_29 = arith.divf %sub3A_27, %div3A_28 : vector<1024x128xf32>
    %get3A_30 = arith.constant 0 : index
    %get3A_31 = arith.constant 0 : index
    %get3A_32 = vector.load %arg5[%get3A_30, %get3A_31] : memref<128x128xf32, #tpu.memory_space<vmem>>, vector<128x128xf32>
    %dot_general3A = arith.constant dense<0.000000e+00> : vector<1024x128xf32>
    %dot_general3A_33 = tpu.matmul %div3A_29, %get3A_32, %dot_general3A {dimension_numbers = #tpu.dot_dimension_numbers<[1], [1], [0], [0], [0, 0, 1, 0], [], []>, transpose_lhs_hint = false} : vector<1024x128xf32>, vector<128x128xf32>, vector<1024x128xf32> -> vector<1024x128xf32>
    %get3A_34 = arith.constant 0 : index
    %get3A_35 = arith.constant 0 : index
    %get3A_36 = vector.load %arg3[%get3A_34, %get3A_35] : memref<1024x128xf32, #tpu.memory_space<vmem>>, vector<1024x128xf32>
    %gt3A = arith.constant 0.000000e+00 : f32
    %gt3A_37 = vector.broadcast %gt3A : f32 to vector<1024x128xf32>
    %gt3A_38 = arith.cmpf ogt, %get3A_36, %gt3A_37 : vector<1024x128xf32>
    %convert_element_type3A = arith.extui %gt3A_38 : vector<1024x128xi1> to vector<1024x128xi32>
    %convert_element_type3A_39 = arith.sitofp %convert_element_type3A : vector<1024x128xi32> to vector<1024x128xf32>
    %mul3A_40 = arith.mulf %dot_general3A_33, %convert_element_type3A_39 : vector<1024x128xf32>
    %get3A_41 = arith.constant 0 : index
    %get3A_42 = arith.constant 0 : index
    %get3A_43 = vector.load %arg4[%get3A_41, %get3A_42] : memref<256x128xf32, #tpu.memory_space<vmem>>, vector<256x128xf32>
    %dot_general3A_44 = arith.constant dense<0.000000e+00> : vector<1024x256xf32>
    %dot_general3A_45 = tpu.matmul %mul3A_40, %get3A_43, %dot_general3A_44 {dimension_numbers = #tpu.dot_dimension_numbers<[1], [1], [0], [0], [0, 0, 1, 0], [], []>, transpose_lhs_hint = false} : vector<1024x128xf32>, vector<256x128xf32>, vector<1024x256xf32> -> vector<1024x256xf32>
    %slice3A = vector.extract_strided_slice %dot_general3A_45 {offsets = [0, 0], sizes = [1024, 128], strides = [1, 1]} : vector<1024x256xf32> to vector<1024x128xf32>
    %add3A_46 = arith.addf %add3A, %slice3A : vector<1024x128xf32>
    %swap3A = arith.constant 0 : index
    %swap3A_47 = arith.constant 0 : index
    %swap3A_48 = vector.load %arg6[%swap3A, %swap3A_47] : memref<1024x128xf32, #tpu.memory_space<vmem>>, vector<1024x128xf32>
    tpu.vector_store %arg6[%swap3A, %swap3A_47], %add3A_46 {strides = array<i32>} : memref<1024x128xf32, #tpu.memory_space<vmem>>, vector<1024x128xf32>,
    %slice3A_49 = vector.extract_strided_slice %dot_general3A_45 {offsets = [0, 128], sizes = [1024, 128], strides = [1, 1]} : vector<1024x256xf32> to vector<1024x128xf32>
    %swap3A_50 = arith.constant 0 : index
    %swap3A_51 = arith.constant 0 : index
    %swap3A_52 = vector.load %arg7[%swap3A_50, %swap3A_51] : memref<1024x128xf32, #tpu.memory_space<vmem>>, vector<1024x128xf32>
    tpu.vector_store %arg7[%swap3A_50, %swap3A_51], %slice3A_49 {strides = array<i32>} : memref<1024x128xf32, #tpu.memory_space<vmem>>, vector<1024x128xf32>,
    return
  }
}

module attributes {stable_mosaic.version = 14 : i64} {
  func.func @_edge_bwd0_enc_body(%arg0: i32, %arg1: memref<2048x128xf32, #tpu.memory_space<vmem>>, %arg2: memref<2048x128xf32, #tpu.memory_space<vmem>>, %arg3: memref<2048x128xf32, #tpu.memory_space<vmem>>, %arg4: memref<2048x1xf32, #tpu.memory_space<vmem>>, %arg5: memref<2048x128xf32, #tpu.memory_space<vmem>>, %arg6: memref<384x128xf32, #tpu.memory_space<vmem>>, %arg7: memref<128x128xf32, #tpu.memory_space<vmem>>, %arg8: memref<2048x1xf32, #tpu.memory_space<vmem>>, %arg9: memref<2048x1xf32, #tpu.memory_space<vmem>>, %arg10: memref<1x128xf32, #tpu.memory_space<vmem>>, %arg11: memref<1x128xf32, #tpu.memory_space<vmem>>, %arg12: memref<128x128xf32, #tpu.memory_space<vmem>>, %arg13: memref<1x128xf32, #tpu.memory_space<vmem>>, %arg14: memref<1x128xf32, #tpu.memory_space<vmem>>, %arg15: memref<1x128xf32, #tpu.memory_space<vmem>>, %arg16: memref<128x128xf32, #tpu.memory_space<vmem>>, %arg17: memref<1x128xf32, #tpu.memory_space<vmem>>, %arg18: memref<2048x1xf32, #tpu.memory_space<vmem>>) attributes {dimension_semantics = [#tpu.dimension_semantics<arbitrary>], iteration_bounds = array<i64: 2>, scalar_prefetch = 0 : i64, scratch_operands = 0 : i64, tpu.core_type = #tpu.core_type<tc>, window_params = [{transform_indices = @transform_0, window_bounds = array<i64: 2048, 128>}, {transform_indices = @transform_1, window_bounds = array<i64: 2048, 128>}, {transform_indices = @transform_2, window_bounds = array<i64: 2048, 128>}, {transform_indices = @transform_3, window_bounds = array<i64: 2048, 1>}, {transform_indices = @transform_4, window_bounds = array<i64: 2048, 128>}, {pipeline_mode = #tpu.pipeline_mode<synchronous>, transform_indices = @transform_5, window_bounds = array<i64: 384, 128>}, {pipeline_mode = #tpu.pipeline_mode<synchronous>, transform_indices = @transform_6, window_bounds = array<i64: 128, 128>}, {transform_indices = @transform_7, window_bounds = array<i64: 2048, 1>}, {transform_indices = @transform_8, window_bounds = array<i64: 2048, 1>}, {pipeline_mode = #tpu.pipeline_mode<synchronous>, transform_indices = @transform_9, window_bounds = array<i64: 1, 128>}, {pipeline_mode = #tpu.pipeline_mode<synchronous>, transform_indices = @transform_10, window_bounds = array<i64: 1, 128>}, {pipeline_mode = #tpu.pipeline_mode<synchronous>, transform_indices = @transform_11, window_bounds = array<i64: 128, 128>}, {pipeline_mode = #tpu.pipeline_mode<synchronous>, transform_indices = @transform_12, window_bounds = array<i64: 1, 128>}, {pipeline_mode = #tpu.pipeline_mode<synchronous>, transform_indices = @transform_13, window_bounds = array<i64: 1, 128>}, {pipeline_mode = #tpu.pipeline_mode<synchronous>, transform_indices = @transform_14, window_bounds = array<i64: 1, 128>}, {pipeline_mode = #tpu.pipeline_mode<synchronous>, transform_indices = @transform_15, window_bounds = array<i64: 128, 128>}, {pipeline_mode = #tpu.pipeline_mode<synchronous>, transform_indices = @transform_16, window_bounds = array<i64: 1, 128>}, {transform_indices = @transform_17, window_bounds = array<i64: 2048, 1>}]} {
    %get3A = arith.constant 0 : index
    %get3A_0 = arith.constant 0 : index
    %get3A_1 = vector.load %arg1[%get3A, %get3A_0] : memref<2048x128xf32, #tpu.memory_space<vmem>>, vector<2048x128xf32>
    %get3A_2 = arith.constant 0 : index
    %get3A_3 = arith.constant 0 : index
    %get3A_4 = vector.load %arg2[%get3A_2, %get3A_3] : memref<2048x128xf32, #tpu.memory_space<vmem>>, vector<2048x128xf32>
    %add3A = arith.addf %get3A_1, %get3A_4 : vector<2048x128xf32>
    %get3A_5 = arith.constant 0 : index
    %get3A_6 = arith.constant 0 : index
    %get3A_7 = vector.load %arg3[%get3A_5, %get3A_6] : memref<2048x128xf32, #tpu.memory_space<vmem>>, vector<2048x128xf32>
    %get3A_8 = arith.constant 0 : index
    %get3A_9 = arith.constant 0 : index
    %get3A_10 = vector.load %arg4[%get3A_8, %get3A_9] : memref<2048x1xf32, #tpu.memory_space<vmem>>, vector<2048x1xf32>
    %reduce_sum3A = arith.constant dense<0.000000e+00> : vector<2048xf32>
    %reduce_sum3A_11 = vector.multi_reduction <add>, %add3A, %reduce_sum3A [1] : vector<2048x128xf32> to vector<2048xf32>
    %broadcast_in_dim3A = vector.shape_cast %reduce_sum3A_11 : vector<2048xf32> to vector<2048x1xf32>
    %div3A = arith.constant 1.280000e+02 : f32
    %div3A_12 = vector.broadcast %div3A : f32 to vector<2048x1xf32>
    %div3A_13 = arith.divf %broadcast_in_dim3A, %div3A_12 : vector<2048x1xf32>
    %sub3A = vector.broadcast %div3A_13 : vector<2048x1xf32> to vector<2048x128xf32>
    %sub3A_14 = arith.subf %add3A, %sub3A : vector<2048x128xf32>
    %mul3A = arith.mulf %add3A, %get3A_7 : vector<2048x128xf32>
    %reduce_sum3A_15 = arith.constant dense<0.000000e+00> : vector<2048xf32>
    %reduce_sum3A_16 = vector.multi_reduction <add>, %mul3A, %reduce_sum3A_15 [1] : vector<2048x128xf32> to vector<2048xf32>
    %broadcast_in_dim3A_17 = vector.shape_cast %reduce_sum3A_16 : vector<2048xf32> to vector<2048x1xf32>
    %div3A_18 = arith.constant 1.280000e+02 : f32
    %div3A_19 = vector.broadcast %div3A_18 : f32 to vector<2048x1xf32>
    %div3A_20 = arith.divf %broadcast_in_dim3A_17, %div3A_19 : vector<2048x1xf32>
    %mul3A_21 = vector.broadcast %div3A_20 : vector<2048x1xf32> to vector<2048x128xf32>
    %mul3A_22 = arith.mulf %get3A_7, %mul3A_21 : vector<2048x128xf32>
    %sub3A_23 = arith.subf %sub3A_14, %mul3A_22 : vector<2048x128xf32>
    %div3A_24 = vector.broadcast %get3A_10 : vector<2048x1xf32> to vector<2048x128xf32>
    %div3A_25 = arith.divf %sub3A_23, %div3A_24 : vector<2048x128xf32>
    %get3A_26 = arith.constant 0 : index
    %get3A_27 = arith.constant 0 : index
    %get3A_28 = vector.load %arg7[%get3A_26, %get3A_27] : memref<128x128xf32, #tpu.memory_space<vmem>>, vector<128x128xf32>
    %dot_general3A = arith.constant dense<0.000000e+00> : vector<2048x128xf32>
    %dot_general3A_29 = tpu.matmul %div3A_25, %get3A_28, %dot_general3A {dimension_numbers = #tpu.dot_dimension_numbers<[1], [1], [0], [0], [0, 0, 1, 0], [], []>, transpose_lhs_hint = false} : vector<2048x128xf32>, vector<128x128xf32>, vector<2048x128xf32> -> vector<2048x128xf32>
    %get3A_30 = arith.constant 0 : index
    %get3A_31 = arith.constant 0 : index
    %get3A_32 = vector.load %arg5[%get3A_30, %get3A_31] : memref<2048x128xf32, #tpu.memory_space<vmem>>, vector<2048x128xf32>
    %gt3A = arith.constant 0.000000e+00 : f32
    %gt3A_33 = vector.broadcast %gt3A : f32 to vector<2048x128xf32>
    %gt3A_34 = arith.cmpf ogt, %get3A_32, %gt3A_33 : vector<2048x128xf32>
    %convert_element_type3A = arith.extui %gt3A_34 : vector<2048x128xi1> to vector<2048x128xi32>
    %convert_element_type3A_35 = arith.sitofp %convert_element_type3A : vector<2048x128xi32> to vector<2048x128xf32>
    %mul3A_36 = arith.mulf %dot_general3A_29, %convert_element_type3A_35 : vector<2048x128xf32>
    %get3A_37 = arith.constant 0 : index
    %get3A_38 = arith.constant 0 : index
    %get3A_39 = vector.load %arg6[%get3A_37, %get3A_38] : memref<384x128xf32, #tpu.memory_space<vmem>>, vector<384x128xf32>
    %dot_general3A_40 = arith.constant dense<0.000000e+00> : vector<2048x384xf32>
    %dot_general3A_41 = tpu.matmul %mul3A_36, %get3A_39, %dot_general3A_40 {dimension_numbers = #tpu.dot_dimension_numbers<[1], [1], [0], [0], [0, 0, 1, 0], [], []>, transpose_lhs_hint = false} : vector<2048x128xf32>, vector<384x128xf32>, vector<2048x384xf32> -> vector<2048x384xf32>
    %slice3A = vector.extract_strided_slice %dot_general3A_41 {offsets = [0, 0], sizes = [2048, 128], strides = [1, 1]} : vector<2048x384xf32> to vector<2048x128xf32>
    %add3A_42 = arith.addf %add3A, %slice3A : vector<2048x128xf32>
    %get3A_43 = arith.constant 0 : index
    %get3A_44 = arith.constant 0 : index
    %get3A_45 = vector.load %arg8[%get3A_43, %get3A_44] : memref<2048x1xf32, #tpu.memory_space<vmem>>, vector<2048x1xf32>
    %get3A_46 = arith.constant 0 : index
    %get3A_47 = arith.constant 0 : index
    %get3A_48 = vector.load %arg9[%get3A_46, %get3A_47] : memref<2048x1xf32, #tpu.memory_space<vmem>>, vector<2048x1xf32>
    %get3A_49 = arith.constant 0 : index
    %get3A_50 = arith.constant 0 : index
    %get3A_51 = vector.load %arg10[%get3A_49, %get3A_50] : memref<1x128xf32, #tpu.memory_space<vmem>>, vector<1x128xf32>
    %mul3A_52 = vector.broadcast %get3A_45 : vector<2048x1xf32> to vector<2048x128xf32>
    %mul3A_53 = vector.broadcast %get3A_51 : vector<1x128xf32> to vector<2048x128xf32>
    %mul3A_54 = arith.mulf %mul3A_52, %mul3A_53 : vector<2048x128xf32>
    %get3A_55 = arith.constant 0 : index
    %get3A_56 = arith.constant 0 : index
    %get3A_57 = vector.load %arg11[%get3A_55, %get3A_56] : memref<1x128xf32, #tpu.memory_space<vmem>>, vector<1x128xf32>
    %add3A_58 = vector.broadcast %get3A_57 : vector<1x128xf32> to vector<2048x128xf32>
    %add3A_59 = arith.addf %mul3A_54, %add3A_58 : vector<2048x128xf32>
    %max3A = arith.constant 0.000000e+00 : f32
    %max3A_60 = vector.broadcast %max3A : f32 to vector<2048x128xf32>
    %max3A_61 = arith.maximumf %add3A_59, %max3A_60 : vector<2048x128xf32>
    %get3A_62 = arith.constant 0 : index
    %get3A_63 = arith.constant 0 : index
    %get3A_64 = vector.load %arg12[%get3A_62, %get3A_63] : memref<128x128xf32, #tpu.memory_space<vmem>>, vector<128x128xf32>
    %dot_general3A_65 = arith.constant dense<0.000000e+00> : vector<2048x128xf32>
    %dot_general3A_66 = tpu.matmul %max3A_61, %get3A_64, %dot_general3A_65 {dimension_numbers = #tpu.dot_dimension_numbers<[1], [0], [0], [1], [0, 0, 1, 1], [], []>, transpose_lhs_hint = false} : vector<2048x128xf32>, vector<128x128xf32>, vector<2048x128xf32> -> vector<2048x128xf32>
    %get3A_67 = arith.constant 0 : index
    %get3A_68 = arith.constant 0 : index
    %get3A_69 = vector.load %arg13[%get3A_67, %get3A_68] : memref<1x128xf32, #tpu.memory_space<vmem>>, vector<1x128xf32>
    %add3A_70 = vector.broadcast %get3A_69 : vector<1x128xf32> to vector<2048x128xf32>
    %add3A_71 = arith.addf %dot_general3A_66, %add3A_70 : vector<2048x128xf32>
    %reduce_sum3A_72 = arith.constant dense<0.000000e+00> : vector<2048xf32>
    %reduce_sum3A_73 = vector.multi_reduction <add>, %add3A_71, %reduce_sum3A_72 [1] : vector<2048x128xf32> to vector<2048xf32>
    %broadcast_in_dim3A_74 = vector.shape_cast %reduce_sum3A_73 : vector<2048xf32> to vector<2048x1xf32>
    %div3A_75 = arith.constant 1.280000e+02 : f32
    %div3A_76 = vector.broadcast %div3A_75 : f32 to vector<2048x1xf32>
    %div3A_77 = arith.divf %broadcast_in_dim3A_74, %div3A_76 : vector<2048x1xf32>
    %sub3A_78 = vector.broadcast %div3A_77 : vector<2048x1xf32> to vector<2048x128xf32>
    %sub3A_79 = arith.subf %add3A_71, %sub3A_78 : vector<2048x128xf32>
    %mul3A_80 = arith.mulf %sub3A_79, %sub3A_79 : vector<2048x128xf32>
    %reduce_sum3A_81 = arith.constant dense<0.000000e+00> : vector<2048xf32>
    %reduce_sum3A_82 = vector.multi_reduction <add>, %mul3A_80, %reduce_sum3A_81 [1] : vector<2048x128xf32> to vector<2048xf32>
    %broadcast_in_dim3A_83 = vector.shape_cast %reduce_sum3A_82 : vector<2048xf32> to vector<2048x1xf32>
    %div3A_84 = arith.constant 1.280000e+02 : f32
    %div3A_85 = vector.broadcast %div3A_84 : f32 to vector<2048x1xf32>
    %div3A_86 = arith.divf %broadcast_in_dim3A_83, %div3A_85 : vector<2048x1xf32>
    %add3A_87 = arith.constant 9.99999997E-7 : f32
    %add3A_88 = vector.broadcast %add3A_87 : f32 to vector<2048x1xf32>
    %add3A_89 = arith.addf %div3A_86, %add3A_88 : vector<2048x1xf32>
    %sqrt3A = math.sqrt %add3A_89 : vector<2048x1xf32>
    %div3A_90 = vector.broadcast %sqrt3A : vector<2048x1xf32> to vector<2048x128xf32>
    %div3A_91 = arith.divf %sub3A_79, %div3A_90 : vector<2048x128xf32>
    %get3A_92 = arith.constant 0 : index
    %get3A_93 = arith.constant 0 : index
    %get3A_94 = vector.load %arg14[%get3A_92, %get3A_93] : memref<1x128xf32, #tpu.memory_space<vmem>>, vector<1x128xf32>
    %mul3A_95 = vector.broadcast %get3A_45 : vector<2048x1xf32> to vector<2048x128xf32>
    %mul3A_96 = vector.broadcast %get3A_94 : vector<1x128xf32> to vector<2048x128xf32>
    %mul3A_97 = arith.mulf %mul3A_95, %mul3A_96 : vector<2048x128xf32>
    %get3A_98 = arith.constant 0 : index
    %get3A_99 = arith.constant 0 : index
    %get3A_100 = vector.load %arg15[%get3A_98, %get3A_99] : memref<1x128xf32, #tpu.memory_space<vmem>>, vector<1x128xf32>
    %add3A_101 = vector.broadcast %get3A_100 : vector<1x128xf32> to vector<2048x128xf32>
    %add3A_102 = arith.addf %mul3A_97, %add3A_101 : vector<2048x128xf32>
    %max3A_103 = arith.constant 0.000000e+00 : f32
    %max3A_104 = vector.broadcast %max3A_103 : f32 to vector<2048x128xf32>
    %max3A_105 = arith.maximumf %add3A_102, %max3A_104 : vector<2048x128xf32>
    %get3A_106 = arith.constant 0 : index
    %get3A_107 = arith.constant 0 : index
    %get3A_108 = vector.load %arg16[%get3A_106, %get3A_107] : memref<128x128xf32, #tpu.memory_space<vmem>>, vector<128x128xf32>
    %dot_general3A_109 = arith.constant dense<0.000000e+00> : vector<2048x128xf32>
    %dot_general3A_110 = tpu.matmul %max3A_105, %get3A_108, %dot_general3A_109 {dimension_numbers = #tpu.dot_dimension_numbers<[1], [0], [0], [1], [0, 0, 1, 1], [], []>, transpose_lhs_hint = false} : vector<2048x128xf32>, vector<128x128xf32>, vector<2048x128xf32> -> vector<2048x128xf32>
    %get3A_111 = arith.constant 0 : index
    %get3A_112 = arith.constant 0 : index
    %get3A_113 = vector.load %arg17[%get3A_111, %get3A_112] : memref<1x128xf32, #tpu.memory_space<vmem>>, vector<1x128xf32>
    %add3A_114 = vector.broadcast %get3A_113 : vector<1x128xf32> to vector<2048x128xf32>
    %add3A_115 = arith.addf %dot_general3A_110, %add3A_114 : vector<2048x128xf32>
    %reduce_sum3A_116 = arith.constant dense<0.000000e+00> : vector<2048xf32>
    %reduce_sum3A_117 = vector.multi_reduction <add>, %add3A_115, %reduce_sum3A_116 [1] : vector<2048x128xf32> to vector<2048xf32>
    %broadcast_in_dim3A_118 = vector.shape_cast %reduce_sum3A_117 : vector<2048xf32> to vector<2048x1xf32>
    %div3A_119 = arith.constant 1.280000e+02 : f32
    %div3A_120 = vector.broadcast %div3A_119 : f32 to vector<2048x1xf32>
    %div3A_121 = arith.divf %broadcast_in_dim3A_118, %div3A_120 : vector<2048x1xf32>
    %sub3A_122 = vector.broadcast %div3A_121 : vector<2048x1xf32> to vector<2048x128xf32>
    %sub3A_123 = arith.subf %add3A_115, %sub3A_122 : vector<2048x128xf32>
    %mul3A_124 = arith.mulf %sub3A_123, %sub3A_123 : vector<2048x128xf32>
    %reduce_sum3A_125 = arith.constant dense<0.000000e+00> : vector<2048xf32>
    %reduce_sum3A_126 = vector.multi_reduction <add>, %mul3A_124, %reduce_sum3A_125 [1] : vector<2048x128xf32> to vector<2048xf32>
    %broadcast_in_dim3A_127 = vector.shape_cast %reduce_sum3A_126 : vector<2048xf32> to vector<2048x1xf32>
    %div3A_128 = arith.constant 1.280000e+02 : f32
    %div3A_129 = vector.broadcast %div3A_128 : f32 to vector<2048x1xf32>
    %div3A_130 = arith.divf %broadcast_in_dim3A_127, %div3A_129 : vector<2048x1xf32>
    %add3A_131 = arith.constant 9.99999997E-7 : f32
    %add3A_132 = vector.broadcast %add3A_131 : f32 to vector<2048x1xf32>
    %add3A_133 = arith.addf %div3A_130, %add3A_132 : vector<2048x1xf32>
    %sqrt3A_134 = math.sqrt %add3A_133 : vector<2048x1xf32>
    %div3A_135 = vector.broadcast %sqrt3A_134 : vector<2048x1xf32> to vector<2048x128xf32>
    %div3A_136 = arith.divf %sub3A_123, %div3A_135 : vector<2048x128xf32>
    %sub3A_137 = arith.constant 1.000000e+00 : f32
    %sub3A_138 = vector.broadcast %sub3A_137 : f32 to vector<2048x1xf32>
    %sub3A_139 = arith.subf %sub3A_138, %get3A_48 : vector<2048x1xf32>
    %mul3A_140 = vector.broadcast %sub3A_139 : vector<2048x1xf32> to vector<2048x128xf32>
    %mul3A_141 = arith.mulf %mul3A_140, %add3A_42 : vector<2048x128xf32>
    %reduce_sum3A_142 = arith.constant dense<0.000000e+00> : vector<2048xf32>
    %reduce_sum3A_143 = vector.multi_reduction <add>, %mul3A_141, %reduce_sum3A_142 [1] : vector<2048x128xf32> to vector<2048xf32>
    %broadcast_in_dim3A_144 = vector.shape_cast %reduce_sum3A_143 : vector<2048xf32> to vector<2048x1xf32>
    %div3A_145 = arith.constant 1.280000e+02 : f32
    %div3A_146 = vector.broadcast %div3A_145 : f32 to vector<2048x1xf32>
    %div3A_147 = arith.divf %broadcast_in_dim3A_144, %div3A_146 : vector<2048x1xf32>
    %sub3A_148 = vector.broadcast %div3A_147 : vector<2048x1xf32> to vector<2048x128xf32>
    %sub3A_149 = arith.subf %mul3A_141, %sub3A_148 : vector<2048x128xf32>
    %mul3A_150 = arith.mulf %mul3A_141, %div3A_91 : vector<2048x128xf32>
    %reduce_sum3A_151 = arith.constant dense<0.000000e+00> : vector<2048xf32>
    %reduce_sum3A_152 = vector.multi_reduction <add>, %mul3A_150, %reduce_sum3A_151 [1] : vector<2048x128xf32> to vector<2048xf32>
    %broadcast_in_dim3A_153 = vector.shape_cast %reduce_sum3A_152 : vector<2048xf32> to vector<2048x1xf32>
    %div3A_154 = arith.constant 1.280000e+02 : f32
    %div3A_155 = vector.broadcast %div3A_154 : f32 to vector<2048x1xf32>
    %div3A_156 = arith.divf %broadcast_in_dim3A_153, %div3A_155 : vector<2048x1xf32>
    %mul3A_157 = vector.broadcast %div3A_156 : vector<2048x1xf32> to vector<2048x128xf32>
    %mul3A_158 = arith.mulf %div3A_91, %mul3A_157 : vector<2048x128xf32>
    %sub3A_159 = arith.subf %sub3A_149, %mul3A_158 : vector<2048x128xf32>
    %div3A_160 = vector.broadcast %sqrt3A : vector<2048x1xf32> to vector<2048x128xf32>
    %div3A_161 = arith.divf %sub3A_159, %div3A_160 : vector<2048x128xf32>
    %get3A_162 = arith.constant 0 : index
    %get3A_163 = arith.constant 0 : index
    %get3A_164 = vector.load %arg12[%get3A_162, %get3A_163] : memref<128x128xf32, #tpu.memory_space<vmem>>, vector<128x128xf32>
    %dot_general3A_165 = arith.constant dense<0.000000e+00> : vector<2048x128xf32>
    %dot_general3A_166 = tpu.matmul %div3A_161, %get3A_164, %dot_general3A_165 {dimension_numbers = #tpu.dot_dimension_numbers<[1], [1], [0], [0], [0, 0, 1, 0], [], []>, transpose_lhs_hint = false} : vector<2048x128xf32>, vector<128x128xf32>, vector<2048x128xf32> -> vector<2048x128xf32>
    %gt3A_167 = arith.constant 0.000000e+00 : f32
    %gt3A_168 = vector.broadcast %gt3A_167 : f32 to vector<2048x128xf32>
    %gt3A_169 = arith.cmpf ogt, %max3A_61, %gt3A_168 : vector<2048x128xf32>
    %convert_element_type3A_170 = arith.extui %gt3A_169 : vector<2048x128xi1> to vector<2048x128xi32>
    %convert_element_type3A_171 = arith.sitofp %convert_element_type3A_170 : vector<2048x128xi32> to vector<2048x128xf32>
    %mul3A_172 = arith.mulf %dot_general3A_166, %convert_element_type3A_171 : vector<2048x128xf32>
    %get3A_173 = arith.constant 0 : index
    %get3A_174 = arith.constant 0 : index
    %get3A_175 = vector.load %arg10[%get3A_173, %get3A_174] : memref<1x128xf32, #tpu.memory_space<vmem>>, vector<1x128xf32>
    %mul3A_176 = vector.broadcast %get3A_175 : vector<1x128xf32> to vector<2048x128xf32>
    %mul3A_177 = arith.mulf %mul3A_172, %mul3A_176 : vector<2048x128xf32>
    %reduce_sum3A_178 = arith.constant dense<0.000000e+00> : vector<2048xf32>
    %reduce_sum3A_179 = vector.multi_reduction <add>, %mul3A_177, %reduce_sum3A_178 [1] : vector<2048x128xf32> to vector<2048xf32>
    %broadcast_in_dim3A_180 = vector.shape_cast %reduce_sum3A_179 : vector<2048xf32> to vector<2048x1xf32>
    %mul3A_181 = vector.broadcast %get3A_48 : vector<2048x1xf32> to vector<2048x128xf32>
    %mul3A_182 = arith.mulf %mul3A_181, %add3A_42 : vector<2048x128xf32>
    %reduce_sum3A_183 = arith.constant dense<0.000000e+00> : vector<2048xf32>
    %reduce_sum3A_184 = vector.multi_reduction <add>, %mul3A_182, %reduce_sum3A_183 [1] : vector<2048x128xf32> to vector<2048xf32>
    %broadcast_in_dim3A_185 = vector.shape_cast %reduce_sum3A_184 : vector<2048xf32> to vector<2048x1xf32>
    %div3A_186 = arith.constant 1.280000e+02 : f32
    %div3A_187 = vector.broadcast %div3A_186 : f32 to vector<2048x1xf32>
    %div3A_188 = arith.divf %broadcast_in_dim3A_185, %div3A_187 : vector<2048x1xf32>
    %sub3A_189 = vector.broadcast %div3A_188 : vector<2048x1xf32> to vector<2048x128xf32>
    %sub3A_190 = arith.subf %mul3A_182, %sub3A_189 : vector<2048x128xf32>
    %mul3A_191 = arith.mulf %mul3A_182, %div3A_136 : vector<2048x128xf32>
    %reduce_sum3A_192 = arith.constant dense<0.000000e+00> : vector<2048xf32>
    %reduce_sum3A_193 = vector.multi_reduction <add>, %mul3A_191, %reduce_sum3A_192 [1] : vector<2048x128xf32> to vector<2048xf32>
    %broadcast_in_dim3A_194 = vector.shape_cast %reduce_sum3A_193 : vector<2048xf32> to vector<2048x1xf32>
    %div3A_195 = arith.constant 1.280000e+02 : f32
    %div3A_196 = vector.broadcast %div3A_195 : f32 to vector<2048x1xf32>
    %div3A_197 = arith.divf %broadcast_in_dim3A_194, %div3A_196 : vector<2048x1xf32>
    %mul3A_198 = vector.broadcast %div3A_197 : vector<2048x1xf32> to vector<2048x128xf32>
    %mul3A_199 = arith.mulf %div3A_136, %mul3A_198 : vector<2048x128xf32>
    %sub3A_200 = arith.subf %sub3A_190, %mul3A_199 : vector<2048x128xf32>
    %div3A_201 = vector.broadcast %sqrt3A_134 : vector<2048x1xf32> to vector<2048x128xf32>
    %div3A_202 = arith.divf %sub3A_200, %div3A_201 : vector<2048x128xf32>
    %get3A_203 = arith.constant 0 : index
    %get3A_204 = arith.constant 0 : index
    %get3A_205 = vector.load %arg16[%get3A_203, %get3A_204] : memref<128x128xf32, #tpu.memory_space<vmem>>, vector<128x128xf32>
    %dot_general3A_206 = arith.constant dense<0.000000e+00> : vector<2048x128xf32>
    %dot_general3A_207 = tpu.matmul %div3A_202, %get3A_205, %dot_general3A_206 {dimension_numbers = #tpu.dot_dimension_numbers<[1], [1], [0], [0], [0, 0, 1, 0], [], []>, transpose_lhs_hint = false} : vector<2048x128xf32>, vector<128x128xf32>, vector<2048x128xf32> -> vector<2048x128xf32>
    %gt3A_208 = arith.constant 0.000000e+00 : f32
    %gt3A_209 = vector.broadcast %gt3A_208 : f32 to vector<2048x128xf32>
    %gt3A_210 = arith.cmpf ogt, %max3A_105, %gt3A_209 : vector<2048x128xf32>
    %convert_element_type3A_211 = arith.extui %gt3A_210 : vector<2048x128xi1> to vector<2048x128xi32>
    %convert_element_type3A_212 = arith.sitofp %convert_element_type3A_211 : vector<2048x128xi32> to vector<2048x128xf32>
    %mul3A_213 = arith.mulf %dot_general3A_207, %convert_element_type3A_212 : vector<2048x128xf32>
    %get3A_214 = arith.constant 0 : index
    %get3A_215 = arith.constant 0 : index
    %get3A_216 = vector.load %arg14[%get3A_214, %get3A_215] : memref<1x128xf32, #tpu.memory_space<vmem>>, vector<1x128xf32>
    %mul3A_217 = vector.broadcast %get3A_216 : vector<1x128xf32> to vector<2048x128xf32>
    %mul3A_218 = arith.mulf %mul3A_213, %mul3A_217 : vector<2048x128xf32>
    %reduce_sum3A_219 = arith.constant dense<0.000000e+00> : vector<2048xf32>
    %reduce_sum3A_220 = vector.multi_reduction <add>, %mul3A_218, %reduce_sum3A_219 [1] : vector<2048x128xf32> to vector<2048xf32>
    %broadcast_in_dim3A_221 = vector.shape_cast %reduce_sum3A_220 : vector<2048xf32> to vector<2048x1xf32>
    %add3A_222 = arith.addf %broadcast_in_dim3A_180, %broadcast_in_dim3A_221 : vector<2048x1xf32>
    %swap3A = arith.constant 0 : index
    %swap3A_223 = arith.constant 0 : index
    %swap3A_224 = vector.load %arg18[%swap3A, %swap3A_223] : memref<2048x1xf32, #tpu.memory_space<vmem>>, vector<2048x1xf32>
    tpu.vector_store %arg18[%swap3A, %swap3A_223], %add3A_222 {strides = array<i32>} : memref<2048x1xf32, #tpu.memory_space<vmem>>, vector<2048x1xf32>,
    return
  }
  func.func @transform_0(%arg0: i32) -> (i32, i32) {
    %c0_i32 = arith.constant 0 : i32
    %c0_i32_0 = arith.constant 0 : i32
    return %arg0, %c0_i32 : i32, i32
  }
  func.func @transform_1(%arg0: i32) -> (i32, i32) {
    %c0_i32 = arith.constant 0 : i32
    %c0_i32_0 = arith.constant 0 : i32
    return %arg0, %c0_i32 : i32, i32
  }
  func.func @transform_2(%arg0: i32) -> (i32, i32) {
    %c0_i32 = arith.constant 0 : i32
    %c0_i32_0 = arith.constant 0 : i32
    return %arg0, %c0_i32 : i32, i32
  }
  func.func @transform_3(%arg0: i32) -> (i32, i32) {
    %c0_i32 = arith.constant 0 : i32
    %c0_i32_0 = arith.constant 0 : i32
    return %arg0, %c0_i32 : i32, i32
  }
  func.func @transform_4(%arg0: i32) -> (i32, i32) {
    %c0_i32 = arith.constant 0 : i32
    %c0_i32_0 = arith.constant 0 : i32
    return %arg0, %c0_i32 : i32, i32
  }
  func.func @transform_5(%arg0: i32) -> (i32, i32) {
    %c0_i32 = arith.constant 0 : i32
    %c0_i32_0 = arith.constant 0 : i32
    %c0_i32_1 = arith.constant 0 : i32
    return %c0_i32, %c0_i32_0 : i32, i32
  }
  func.func @transform_6(%arg0: i32) -> (i32, i32) {
    %c0_i32 = arith.constant 0 : i32
    %c0_i32_0 = arith.constant 0 : i32
    %c0_i32_1 = arith.constant 0 : i32
    return %c0_i32, %c0_i32_0 : i32, i32
  }
  func.func @transform_7(%arg0: i32) -> (i32, i32) {
    %c0_i32 = arith.constant 0 : i32
    %c0_i32_0 = arith.constant 0 : i32
    return %arg0, %c0_i32 : i32, i32
  }
  func.func @transform_8(%arg0: i32) -> (i32, i32) {
    %c0_i32 = arith.constant 0 : i32
    %c0_i32_0 = arith.constant 0 : i32
    return %arg0, %c0_i32 : i32, i32
  }
  func.func @transform_9(%arg0: i32) -> (i32, i32) {
    %c0_i32 = arith.constant 0 : i32
    %c0_i32_0 = arith.constant 0 : i32
    %c0_i32_1 = arith.constant 0 : i32
    return %c0_i32, %c0_i32_0 : i32, i32
  }
  func.func @transform_10(%arg0: i32) -> (i32, i32) {
    %c0_i32 = arith.constant 0 : i32
    %c0_i32_0 = arith.constant 0 : i32
    %c0_i32_1 = arith.constant 0 : i32
    return %c0_i32, %c0_i32_0 : i32, i32
  }
  func.func @transform_11(%arg0: i32) -> (i32, i32) {
    %c0_i32 = arith.constant 0 : i32
    %c0_i32_0 = arith.constant 0 : i32
    %c0_i32_1 = arith.constant 0 : i32
    return %c0_i32, %c0_i32_0 : i32, i32
  }
  func.func @transform_12(%arg0: i32) -> (i32, i32) {
    %c0_i32 = arith.constant 0 : i32
    %c0_i32_0 = arith.constant 0 : i32
    %c0_i32_1 = arith.constant 0 : i32
    return %c0_i32, %c0_i32_0 : i32, i32
  }
  func.func @transform_13(%arg0: i32) -> (i32, i32) {
    %c0_i32 = arith.constant 0 : i32
    %c0_i32_0 = arith.constant 0 : i32
    %c0_i32_1 = arith.constant 0 : i32
    return %c0_i32, %c0_i32_0 : i32, i32
  }
  func.func @transform_14(%arg0: i32) -> (i32, i32) {
    %c0_i32 = arith.constant 0 : i32
    %c0_i32_0 = arith.constant 0 : i32
    %c0_i32_1 = arith.constant 0 : i32
    return %c0_i32, %c0_i32_0 : i32, i32
  }
  func.func @transform_15(%arg0: i32) -> (i32, i32) {
    %c0_i32 = arith.constant 0 : i32
    %c0_i32_0 = arith.constant 0 : i32
    %c0_i32_1 = arith.constant 0 : i32
    return %c0_i32, %c0_i32_0 : i32, i32
  }
  func.func @transform_16(%arg0: i32) -> (i32, i32) {
    %c0_i32 = arith.constant 0 : i32
    %c0_i32_0 = arith.constant 0 : i32
    %c0_i32_1 = arith.constant 0 : i32
    return %c0_i32, %c0_i32_0 : i32, i32
  }
  func.func @transform_17(%arg0: i32) -> (i32, i32) {
    %c0_i32 = arith.constant 0 : i32
    %c0_i32_0 = arith.constant 0 : i32
    return %arg0, %c0_i32 : i32, i32
  }
}

module attributes {stable_mosaic.version = 14 : i64} {
  func.func @_jg_body(%arg0: i32, %arg1: memref<256x4096xf32, #tpu.memory_space<vmem>>, %arg2: memref<256x4096xf32, #tpu.memory_space<vmem>>, %arg3: memref<1x4096xf32, #tpu.memory_space<vmem>>, %arg4: memref<256x1xf32, #tpu.memory_space<vmem>>, %arg5: memref<1x4096xf32, #tpu.memory_space<vmem>>, %arg6: memref<256x1xf32, #tpu.memory_space<vmem>>, %arg7: memref<256x1xf32, #tpu.memory_space<vmem>>, %arg8: memref<1x4096xf32, #tpu.memory_space<vmem>>) attributes {dimension_semantics = [#tpu.dimension_semantics<arbitrary>], iteration_bounds = array<i64: 16>, scalar_prefetch = 0 : i64, scratch_operands = 1 : i64, tpu.core_type = #tpu.core_type<tc>, window_params = [{transform_indices = @transform_0, window_bounds = array<i64: 256, 4096>}, {transform_indices = @transform_1, window_bounds = array<i64: 256, 4096>}, {pipeline_mode = #tpu.pipeline_mode<synchronous>, transform_indices = @transform_2, window_bounds = array<i64: 1, 4096>}, {transform_indices = @transform_3, window_bounds = array<i64: 256, 1>}, {pipeline_mode = #tpu.pipeline_mode<synchronous>, transform_indices = @transform_4, window_bounds = array<i64: 1, 4096>}, {transform_indices = @transform_5, window_bounds = array<i64: 256, 1>}, {transform_indices = @transform_6, window_bounds = array<i64: 256, 1>}]} {
    %eq3A = arith.constant 0 : i32
    %eq3A_0 = arith.cmpi eq, %arg0, %eq3A : i32
    %convert_element_type3A = arith.extui %eq3A_0 : i1 to i32
    %cond3A = arith.constant 0 : i32
    %cond3A_1 = arith.cmpi ne, %convert_element_type3A, %cond3A : i32
    scf.if %cond3A_1 {
      %broadcast_in_dim3A = arith.constant 0.000000e+00 : f32
      %broadcast_in_dim3A_62 = vector.broadcast %broadcast_in_dim3A : f32 to vector<1x4096xf32>
      %swap3A_63 = arith.constant 0 : index
      %swap3A_64 = arith.constant 0 : index
      %swap3A_65 = vector.load %arg8[%swap3A_63, %swap3A_64] : memref<1x4096xf32, #tpu.memory_space<vmem>>, vector<1x4096xf32>
      tpu.vector_store %arg8[%swap3A_63, %swap3A_64], %broadcast_in_dim3A_62 {strides = array<i32>} : memref<1x4096xf32, #tpu.memory_space<vmem>>, vector<1x4096xf32>,
    } else {
    }
    %iota3A = tpu.iota {dimensions = array<i32: 0>} : vector<256x4096xi32>
    %mul3A = arith.constant 256 : i32
    %mul3A_2 = arith.muli %arg0, %mul3A : i32
    %add3A = vector.broadcast %mul3A_2 : i32 to vector<256x4096xi32>
    %add3A_3 = arith.addi %iota3A, %add3A : vector<256x4096xi32>
    %iota3A_4 = tpu.iota {dimensions = array<i32: 1>} : vector<256x4096xi32>
    %get3A = arith.constant 0 : index
    %get3A_5 = arith.constant 0 : index
    %get3A_6 = vector.load %arg1[%get3A, %get3A_5] : memref<256x4096xf32, #tpu.memory_space<vmem>>, vector<256x4096xf32>
    %ge3A = arith.cmpi sge, %iota3A_4, %add3A_3 : vector<256x4096xi32>
    %convert_element_type3A_7 = arith.extui %ge3A : vector<256x4096xi1> to vector<256x4096xi32>
    %convert_element_type3A_8 = arith.sitofp %convert_element_type3A_7 : vector<256x4096xi32> to vector<256x4096xf32>
    %mul3A_9 = arith.mulf %get3A_6, %convert_element_type3A_8 : vector<256x4096xf32>
    %get3A_10 = arith.constant 0 : index
    %get3A_11 = arith.constant 0 : index
    %get3A_12 = vector.load %arg3[%get3A_10, %get3A_11] : memref<1x4096xf32, #tpu.memory_space<vmem>>, vector<1x4096xf32>
    %mul3A_13 = vector.broadcast %get3A_12 : vector<1x4096xf32> to vector<256x4096xf32>
    %mul3A_14 = arith.mulf %mul3A_9, %mul3A_13 : vector<256x4096xf32>
    %reduce_sum3A = arith.constant dense<0.000000e+00> : vector<256xf32>
    %reduce_sum3A_15 = vector.multi_reduction <add>, %mul3A_14, %reduce_sum3A [1] : vector<256x4096xf32> to vector<256xf32>
    %get3A_16 = arith.constant 0 : index
    %get3A_17 = arith.constant 0 : index
    %get3A_18 = vector.load %arg4[%get3A_16, %get3A_17] : memref<256x1xf32, #tpu.memory_space<vmem>>, vector<256x1xf32>
    %mul3A_19 = vector.broadcast %get3A_18 : vector<256x1xf32> to vector<256x4096xf32>
    %mul3A_20 = arith.mulf %mul3A_9, %mul3A_19 : vector<256x4096xf32>
    %reduce_sum3A_21 = arith.constant dense<0.000000e+00> : vector<4096xf32>
    %reduce_sum3A_22 = vector.multi_reduction <add>, %mul3A_20, %reduce_sum3A_21 [0] : vector<256x4096xf32> to vector<4096xf32>
    %get3A_23 = arith.constant 0 : index
    %get3A_24 = arith.constant 0 : index
    %get3A_25 = vector.load %arg8[%get3A_23, %get3A_24] : memref<1x4096xf32, #tpu.memory_space<vmem>>, vector<1x4096xf32>
    %get3A_26 = vector.shape_cast %get3A_25 : vector<1x4096xf32> to vector<4096xf32>
    %add3A_27 = arith.addf %get3A_26, %reduce_sum3A_22 : vector<4096xf32>
    %swap3A = arith.constant 0 : index
    %swap3A_28 = arith.constant 0 : index
    %swap3A_29 = vector.load %arg8[%swap3A, %swap3A_28] : memref<1x4096xf32, #tpu.memory_space<vmem>>, vector<1x4096xf32>
    %swap3A_30 = vector.shape_cast %swap3A_29 : vector<1x4096xf32> to vector<4096xf32>
    %swap3A_31 = vector.shape_cast %add3A_27 : vector<4096xf32> to vector<1x4096xf32>
    tpu.vector_store %arg8[%swap3A, %swap3A_28], %swap3A_31 {strides = array<i32>} : memref<1x4096xf32, #tpu.memory_space<vmem>>, vector<1x4096xf32>,
    %get3A_32 = arith.constant 0 : index
    %get3A_33 = arith.constant 0 : index
    %get3A_34 = vector.load %arg2[%get3A_32, %get3A_33] : memref<256x4096xf32, #tpu.memory_space<vmem>>, vector<256x4096xf32>
    %get3A_35 = arith.constant 0 : index
    %get3A_36 = arith.constant 0 : index
    %get3A_37 = vector.load %arg5[%get3A_35, %get3A_36] : memref<1x4096xf32, #tpu.memory_space<vmem>>, vector<1x4096xf32>
    %mul3A_38 = vector.broadcast %get3A_37 : vector<1x4096xf32> to vector<256x4096xf32>
    %mul3A_39 = arith.mulf %get3A_34, %mul3A_38 : vector<256x4096xf32>
    %reduce_sum3A_40 = arith.constant dense<0.000000e+00> : vector<256xf32>
    %reduce_sum3A_41 = vector.multi_reduction <add>, %mul3A_39, %reduce_sum3A_40 [1] : vector<256x4096xf32> to vector<256xf32>
    %mul3A_42 = arith.constant 256 : i32
    %mul3A_43 = arith.muli %arg0, %mul3A_42 : i32
    %get3A_44 = arith.constant 0 : index
    %get3A_45 = arith.index_cast %mul3A_43 : i32 to index
    %get3A_46 = vector.load %arg8[%get3A_44, %get3A_45] : memref<1x4096xf32, #tpu.memory_space<vmem>>, vector<1x256xf32>
    %get3A_47 = vector.shape_cast %get3A_46 : vector<1x256xf32> to vector<256xf32>
    %get3A_48 = arith.constant 0 : index
    %get3A_49 = arith.constant 0 : index
    %get3A_50 = vector.load %arg6[%get3A_48, %get3A_49] : memref<256x1xf32, #tpu.memory_space<vmem>>, vector<256x1xf32>
    %get3A_51 = vector.shape_cast %get3A_50 : vector<256x1xf32> to vector<256xf32>
    %sub3A = arith.subf %reduce_sum3A_15, %get3A_47 : vector<256xf32>
    %add3A_52 = arith.addf %sub3A, %reduce_sum3A_41 : vector<256xf32>
    %mul3A_53 = arith.constant 0.00999999977 : f32
    %mul3A_54 = vector.broadcast %mul3A_53 : f32 to vector<256xf32>
    %mul3A_55 = arith.mulf %mul3A_54, %add3A_52 : vector<256xf32>
    %add3A_56 = arith.addf %get3A_51, %mul3A_55 : vector<256xf32>
    %swap3A_57 = arith.constant 0 : index
    %swap3A_58 = arith.constant 0 : index
    %swap3A_59 = vector.load %arg7[%swap3A_57, %swap3A_58] : memref<256x1xf32, #tpu.memory_space<vmem>>, vector<256x1xf32>
    %swap3A_60 = vector.shape_cast %swap3A_59 : vector<256x1xf32> to vector<256xf32>
    %swap3A_61 = vector.shape_cast %add3A_56 : vector<256xf32> to vector<256x1xf32>
    tpu.vector_store %arg7[%swap3A_57, %swap3A_58], %swap3A_61 {strides = array<i32>} : memref<256x1xf32, #tpu.memory_space<vmem>>, vector<256x1xf32>,
    return
  }
  func.func @transform_0(%arg0: i32) -> (i32, i32) {
    %c0_i32 = arith.constant 0 : i32
    %c0_i32_0 = arith.constant 0 : i32
    return %arg0, %c0_i32 : i32, i32
  }
  func.func @transform_1(%arg0: i32) -> (i32, i32) {
    %c0_i32 = arith.constant 0 : i32
    %c0_i32_0 = arith.constant 0 : i32
    return %arg0, %c0_i32 : i32, i32
  }
  func.func @transform_2(%arg0: i32) -> (i32, i32) {
    %c0_i32 = arith.constant 0 : i32
    %c0_i32_0 = arith.constant 0 : i32
    %c0_i32_1 = arith.constant 0 : i32
    return %c0_i32, %c0_i32_0 : i32, i32
  }
  func.func @transform_3(%arg0: i32) -> (i32, i32) {
    %c0_i32 = arith.constant 0 : i32
    %c0_i32_0 = arith.constant 0 : i32
    return %arg0, %c0_i32 : i32, i32
  }
  func.func @transform_4(%arg0: i32) -> (i32, i32) {
    %c0_i32 = arith.constant 0 : i32
    %c0_i32_0 = arith.constant 0 : i32
    %c0_i32_1 = arith.constant 0 : i32
    return %c0_i32, %c0_i32_0 : i32, i32
  }
  func.func @transform_5(%arg0: i32) -> (i32, i32) {
    %c0_i32 = arith.constant 0 : i32
    %c0_i32_0 = arith.constant 0 : i32
    return %arg0, %c0_i32 : i32, i32
  }
  func.func @transform_6(%arg0: i32) -> (i32, i32) {
    %c0_i32 = arith.constant 0 : i32
    %c0_i32_0 = arith.constant 0 : i32
    return %arg0, %c0_i32 : i32, i32
  }
}

</mosaic_0001>

<sc_bundles>
// kernel: kernel.23.cloned.1.call-start
scs
__scs_entry_jumppad:
0x0: {  	(pc) =	sbr.rel $0x88, $3  }
0x1: {  	(tag) =	ssettag $0x0;
	lr =	simm.s32 $0x1  }
0x2: {  	[smem:$0x3F7B] =	sst lr;
	_ =	strace $0xD0000000  }
0x3: {  	_ = 	snop  }
0x4: {  	_ = 	snop  }
0x5: {  	_ = 	snop  }
0x6: {  	_ = 	snop  }
0x7: {  	_ = 	snop  }
__scs_overlays_trampoline_lowered:
0x8: {  	[smem:$0x3F8A] =	sst s0  }
0x9: {  	[smem:$0x3F8B] =	sst s1  }
0xa: {  	[smem:$0x3F8C] =	sst s2  }
0xb: {  	[smem:$0x3F8D] =	sst s3  }
0xc: {  	[smem:$0x3F8E] =	sst s4  }
0xd: {  	[smem:$0x3F8F] =	sst s5  }
0xe: {  	[smem:$0x3F90] =	sst s6  }
0xf: {  	[smem:$0x3F91] =	sst s7  }
0x10: {  	[smem:$0x3F92] =	sst s8  }
0x11: {  	[smem:$0x3F93] =	sst s9;
	s0 =	simm.s32 @!p0 $0x0  }
0x12: {  	s1 =	sld [smem:$0x3F79];
	s0 =	simm.s32 @p0 $0x1  }
0x13: {  	[smem:$0x3F94] =	sst s0;
	s0 =	simm.s32 @!p1 $0x0  }
0x14: {  	s2 =	sld [smem:$0x3F78];
	s0 =	simm.s32 @p1 $0x1  }
0x15: {  	[smem:$0x3F95] =	sst s0;
	s0 =	simm.s32 @!p2 $0x0  }
0x16: {  	s3 =	sld [smem:$0x3FDB];
	s0 =	simm.s32 @p2 $0x1  }
0x17: {  	s4 =	simm.s32 $0x1BF5;
	[smem:$0x3F97] =	sst s0  }
0x18: {  	s0 =	sld [smem:$0x3F7A];
	_ =	swait.ge [sflag:s4], $0x0  }
0x19: {  	s7 =	sld [smem:$0x3F7B]  }
0x1a: {  	s8 =	sadd.s32 $0xFFFFE003, lr  }
0x1b: {  	s9 =	sadd.s32 $0xFFFFFEF7, lr;
	s5 =	simm.s32 $0xFFFFFFFF;
	p2 =	slt.u32 s8, $0xFFFFF086  }
0x1c: {  	p1 =	slt.u32 s9, $0xF7A;
	s5 =	simm.s32 @!p2 $0x0  }
0x1d: {  	s5 =	simm.s32 @p1 $0x1;
	p0 =	seq.s32 s7, s2  }
0x1e: {  	s7 =	smul.u32 @!p0 $0xF7A, s2;
	p2 =	seq.s32 @!p0 s5, $0x0  }
0x1f: {  	s9 =	smul.u32 $0xF7A, s1;
	s8 =	simm.s32 @!p0 $0x1BF5;
	p2 =	por !p2, p0  }
0x20: {  	[sflag:s8] =	ssyncset.s32 @!p0 $0xFFFFF086;
	s6 =	sadd.s32 @!p0 s3, s7;
	s7 =	simm.s32 @!p0 $0x108  }
0x21: {  	s3 =	sadd.s32 s3, s9;
	s6 =	sadd.s32 @!p0 $0x88, s6;
	s7 =	simm.s32 @p2 $0x1082  }
0x22: {  	[simem:s7], [sflag:s8] =	dma.local @!p0 [hbm:s6], $0xF7A  }
0x23: {  	s9 =	sor.u32 $0xD0000000, s2;
	s6 =	simm.s32 $0x108;
	_ =	swait.ge @!p0 [sflag:s8], $0x0  }
0x24: {  	s3 =	sadd.s32 $0x88, s3;
	s6 =	simm.s32 @!p1 $0x1082;
	[sflag:s4] =	ssyncset.s32 $0xFFFFF086  }
0x25: {  	[simem:s6], [sflag:s4] =	dma.local [hbm:s3], $0xF7A  }
0x26: {  	[smem:$0x3F7B] =	sst s1;
	(tag) =	ssettag s2;
	_ =	strace s9  }
0x27: {  	s1 =	sld [smem:$0x3F8B]  }
0x28: {  	s2 =	sld [smem:$0x3F8C]  }
0x29: {  	s4 =	sld [smem:$0x3F8E]  }
0x2a: {  	p0 =	seq.s32 s5, $0x0;
	s5 =	sld [smem:$0x3F8F]  }
0x2b: {  	s6 =	sld [smem:$0x3F90]  }
0x2c: {  	s7 =	sld [smem:$0x3F91]  }
0x2d: {  	s3 =	simm.s32 $0x108;
	s8 =	sld [smem:$0x3F92]  }
0x2e: {  	s3 =	simm.s32 @!p0 $0x1082;
	s9 =	sld [smem:$0x3F93]  }
0x2f: {  	lr =	sadd.s32 s0, s3;
	s0 =	sld [smem:$0x3F8A]  }
0x30: {  	s3 =	sld [smem:$0x3F8D]  }
0x31: {  	[smem:$0x3F96] =	sst s10  }
0x32: {  	s10 =	sld [smem:$0x3F94];
	_ =	sdelay $0x3  }
0x33: {  	p0 =	seq.s32 s10, $0x1;
	s10 =	sld [smem:$0x3F96];
	_ =	sdelay $0x3  }
0x34: {  	[smem:$0x3F96] =	sst s10  }
0x35: {  	s10 =	sld [smem:$0x3F95];
	_ =	sdelay $0x3  }
0x36: {  	p1 =	seq.s32 s10, $0x1;
	s10 =	sld [smem:$0x3F96];
	_ =	sdelay $0x3  }
0x37: {  	[smem:$0x3F96] =	sst s10  }
0x38: {  	s10 =	sld [smem:$0x3F97]  }
0x39: {  	_ = 	snop;
	(pc) =	sbr.ind lr, $3  }
0x3a: {  	_ = 	snop  }
0x3b: {  	_ = 	snop  }
0x3c: {  	p2 =	seq.s32 s10, $0x1;
	s10 =	sld [smem:$0x3F96]  }
0x3d: {  	_ =	shalt  }
0x3e: {  	_ =	shalt  }
0x3f: {  	_ =	shalt  }
0x40: {  	_ =	shalt  }
0x41: {  	_ =	shalt  }
0x42: {  	_ =	shalt  }
0x43: {  	_ =	shalt  }
0x44: {  	_ =	shalt  }
0x45: {  	_ =	shalt  }
0x46: {  	_ =	shalt  }
0x47: {  	_ =	shalt  }
0x48: {  	_ =	shalt  }
0x49: {  	_ =	shalt  }
0x4a: {  	_ =	shalt  }
0x4b: {  	_ =	shalt  }
0x4c: {  	_ =	shalt  }
0x4d: {  	_ =	shalt  }
0x4e: {  	_ =	shalt  }
0x4f: {  	_ =	shalt  }
0x50: {  	_ =	shalt  }
0x51: {  	_ =	shalt  }
0x52: {  	_ =	shalt  }
0x53: {  	_ =	shalt  }
0x54: {  	_ =	shalt  }
0x55: {  	_ =	shalt  }
0x56: {  	_ =	shalt  }
0x57: {  	_ =	shalt  }
0x58: {  	_ =	shalt  }
0x59: {  	_ =	shalt  }
0x5a: {  	_ =	shalt  }
0x5b: {  	_ =	shalt  }
0x5c: {  	_ =	shalt  }
0x5d: {  	_ =	shalt  }
0x5e: {  	_ =	shalt  }
0x5f: {  	_ =	shalt  }
0x60: {  	_ =	shalt  }
0x61: {  	_ =	shalt  }
0x62: {  	_ =	shalt  }
0x63: {  	_ =	shalt  }
0x64: {  	_ =	shalt  }
0x65: {  	_ =	shalt  }
0x66: {  	_ =	shalt  }
0x67: {  	_ =	shalt  }
0x68: {  	_ =	shalt  }
0x69: {  	_ =	shalt  }
0x6a: {  	_ =	shalt  }
0x6b: {  	_ =	shalt  }
0x6c: {  	_ =	shalt  }
0x6d: {  	_ =	shalt  }
0x6e: {  	_ =	shalt  }
0x6f: {  	_ =	shalt  }
0x70: {  	_ =	shalt  }
0x71: {  	_ =	shalt  }
0x72: {  	_ =	shalt  }
0x73: {  	_ =	shalt  }
0x74: {  	_ =	shalt  }
0x75: {  	_ =	shalt  }
0x76: {  	_ =	shalt  }
0x77: {  	_ =	shalt  }
0x78: {  	_ =	shalt  }
0x79: {  	_ =	shalt  }
0x7a: {  	_ =	shalt  }
0x7b: {  	_ =	shalt  }
0x7c: {  	_ =	shalt  }
0x7d: {  	_ =	shalt  }
0x7e: {  	_ =	shalt  }
0x7f: {  	_ =	shalt  }
0x80: {  	_ =	shalt  }
0x81: {  	_ =	shalt  }
0x82: {  	_ =	shalt  }
0x83: {  	_ =	shalt  }
0x84: {  	_ =	shalt  }
0x85: {  	_ =	shalt  }
0x86: {  	_ =	shalt  }
0x87: {  	_ =	shalt  }
.Lfunc_end0:
.L_simem_size_0:
called_computation_lowered:
.L_overlay_start_0:
0x88: {  	s2 =	sld [smem:$0x3FD9]  }
0x89: {  	s3 =	sld [smem:$0x3FFE];
	_ =	sdelay $0x1  }
0x8a: {  	s1 =	srdreg.scid  }
0x8b: {  	s0 =	sand.u32 $0x1, s1  }
0x8c: {  	s17 =	sshll.u32 s0, $0xA;
	s2 =	sadd.s32 s3, s2  }
0x8d: {  	s2 =	sadd.s32 s2, s17  }
0x8e: {  	[smem:$0x3FA2] =	sst s2  }
0x8f: {  	_ = 	snop  }
0x90: {  	s2 =	sld [smem:$0x3FC7]  }
0x91: {  	s18 =	sld [smem:$0x3FC6];
	(tm) =	ssettm $0x1  }
0x92: {  	s4 =	sld [smem:$0x3FFB];
	_ =	sdelay $0x3  }
0x93: {  	_ =	strace s4  }
0x94: {  	s4 =	sld [smem:$0x3FFC];
	_ =	sdelay $0x3  }
0x95: {  	_ =	strace s4  }
0x96: {  	s4 =	sld [smem:$0x3FFD];
	_ =	sdelay $0x3  }
0x97: {  	_ =	strace s4  }
0x98: {  	_ =	strace $0x8FFFFFFF  }
0x99: {  	s19 =	sld [smem:$0x3FDB];
	_ =	sdelay $0x1  }
0x9a: {  	s5 =	simm.s32 $_scs_section_size  }
0x9b: {  	s6 =	simm.s32 $_size__tile_overlayer_lowered;
	s7 =	simm.s32 $_tile_overlayer_lowered  }
0x9c: {  	s22 =	simm.s32 $0x1BFF;
	s21 =	sshll.u32 s7, $0x1;
	s4 =	sadd.s32 s5, s19  }
0x9d: {  	s8 =	simm.s32 $0x0;
	s20 =	sshll.u32 s6, $0x1;
	s6 =	sadd.s32 s21, s4  }
0x9e: {  	[timem:s8], [sflag:s22] =	dma.local [hbm:s6], s20  }
0x9f: {  	_ =	swait.ge [sflag:s22], s20  }
0xa0: {  	s5 =	ssub.s32 $0x0, s20;
	[sflag:s22] =	ssyncset.done $0x0  }
0xa1: {  	[sflag:s22] =	ssyncadd.s32 s5;
	_ =	sdelay $0x1  }
0xa2: {  	s23 =	simm.s32 $0x1B8B  }
0xa3: {  	_ =	swait.ge [sflag:s23], $0x1  }
0xa4: {  	[sflag:s23] =	ssyncset.done $0x0  }
0xa5: {  	s25 =	simm.s32 $0x1B8E;
	s24 =	sld [smem:$0x3FFE];
	[sflag:s23] =	ssyncadd.s32 $0xFFFFFFFF  }
0xa6: {  	s26 =	simm.s32 $execute0_lowered;
	[smem:$0x3FD2] =	sst s25  }
0xa7: {  	s6 =	sshll.u32 s26, $0x1;
	_ =	strace $0x80000046;
	[dreg:$0x1] =	wrdreg $0xFFFFFFFF  }
0xa8: {  	s28 =	simm.s32 $_size_execute0_lowered;
	s4 =	sadd.s32 s4, s6;
	[dreg:$0x0] =	wrdreg $0x0  }
0xa9: {  	s6 =	sshll.u32 s28, $0x1;
	[dreg:$0x2] =	wrdreg s4  }
0xaa: {  	[dreg:$0x3] =	wrdreg s6  }
0xab: {  	[dreg:$0x4] =	wrdreg $0xC0  }
0xac: {  	_ =	task [dreg:s8], $0x5FFFF  }
0xad: {  	[dreg:$0x1] =	wrdreg $0xFFFFFFFF  }
0xae: {  	[dreg:$0x0] =	wrdreg $0x60  }
0xaf: {  	[dreg:$0x2] =	wrdreg s24  }
0xb0: {  	[dreg:$0x3] =	wrdreg s2  }
0xb1: {  	[dreg:$0x4] =	wrdreg s18  }
0xb2: {  	[dreg:$0x5] =	wrdreg $0x9  }
0xb3: {  	_ =	task.clear_ibuf [dreg:s8], $0x6FFFF;
	_ =	strace $0x90000046  }
0xb4: {  	s29 =	simm.s32 $0x9;
	_ =	strace $0x80000048  }
0xb5: {  	_ =	swait.ge [sflag:s29], $0x1  }
0xb6: {  	[sflag:s29] =	ssyncadd.s32 $0xFFFFFFFF  }
0xb7: {  	_ =	strace $0x90000048  }
0xb8: {  	_ =	sfence  }
0xb9: {  	s30 =	sld [smem:$0x0];
	_ =	sdelay $0x2  }
0xba: {  	s31 =	sshll.u32 s1, $0xD;
	s1 =	sshrl.u32 s1, $0x2  }
0xbb: {  	s3 =	sand.u32 $0x4000, s31;
	s1 =	sadd.s32 s1, s30  }
0xbc: {  	s0 =	sor.u32 s3, s0;
	s1 =	sshll.u32 s1, $0x11  }
0xbd: {  	s0 =	sor.u32 s1, s0  }
0xbe: {  	s0 =	sadd.s32 $0x8F2B, s0  }
0xbf: {  	[sflag:s0] =	ssyncadd.remote.s32 $0x1  }
0xc0: {  	_ =	sfence.sel $0xFFFF  }
0xc1: {  	[dreg:$0x0] =	wrdreg $0xFFFFFFFF;
	(pc) =	sbr.abs _section_cstart, $3  }
0xc2: {  	[dreg:$0x1] =	wrdreg $0xFFFFFFFF  }
0xc3: {  	_ =	task.clear_ibuf [dreg:s8], $0x2FFFF;
	_ =	strace $0x9FFFFFFF  }
0xc4: {  	(tm) =	ssettm $0x7FFFFFFF  }
0xc5: {  	_ =	shalt  }
tec
execute0_lowered:
.L_overlay_start_1:
0x0: {  	(tag) =	ssettag $0x1  }
0x1: {  	s1 =	srdreg.scid  }
0x2: {  	s12 =	rddreg [dreg:$0x0];
	s0 =	stileid.u32;
	s14 =	sand.u32 $0x1, s1  }
0x3: {  	s3 =	rddreg [dreg:$0x1];
	s5 =	sshll.u32 s0, $0x8;
	s6 =	sshll.u32 s14, $0x7  }
0x4: {  	s4 =	rddreg [dreg:$0x2];
	s2 =	simm.s32 $0x0;
	s13 =	sor.u32 s6, s5  }
0x5: {  	[smem:$0x7FF] =	sst s2;
	s5 =	sshrl.u32 s13, $0x3  }
0x6: {  	s1 =	rddreg [dreg:$0x3];
	_ =	strace $0x80000047;
	s3 =	sadd.s32 s3, s5  }
0x7: {  	[tilespmem:s2], [sflag:$0x1] =	stream.linear.gather [hbm4b:s3+s2], $0x80, $0x38;
	[tilespmem:$0x8100] =	vst v63  }
0x8: {  	s6 =	simm.s32 $0x1;
	s4 =	sadd.s32 s4, s5;
	s5 =	simm.s32 $0x80  }
0x9: {  	[tilespmem:s5], [sflag:$0x2] =	stream.linear.gather [hbm4b:s4+s2], $0x80, $0x38;
	[tilespmem:$0x8100] =	vst v63  }
0xa: {  	_ =	swait.ge [sflag:s6], $0x80  }
0xb: {  	s8 =	simm.s32 $0x100;
	[sflag:s6] =	ssyncset.done $0x0  }
0xc: {  	s9 =	simm.s32 $0x2;
	s7 =	sadd.s32 $0xB800, s12;
	[sflag:s6] =	ssyncadd.s32 $0xFFFFFF80  }
0xd: {  	[tilespmem:s8], [sflag:$0x3] =	stream.indirect.gather [hbm4b:s7+s5], $0x80, s2, s5, $0xb8;
	[tilespmem:$0x8100] =	vst v63  }
0xe: {  	_ =	swait.ge [sflag:s9], $0x80  }
0xf: {  	[sflag:s9] =	ssyncset.done $0x0  }
0x10: {  	s10 =	simm.s32 $0x4100;
	s11 =	simm.s32 $0x3;
	[sflag:s9] =	ssyncadd.s32 $0xFFFFFF80  }
0x11: {  	[tilespmem:s10], [sflag:$0x4] =	stream.indirect.gather [hbm4b:s7+s5], $0x80, s5, s5, $0xb8;
	[tilespmem:$0x8100] =	vst v63  }
0x12: {  	s16 =	ssub.s32 $0x2, s14;
	s13 =	sshll.u32 s13, $0x4;
	_ =	swait.ge [sflag:s11], $0x4000  }
0x13: {  	s17 =	sshrl.u32 s16, $0x1;
	s15 =	sadd.s32 s13, s12;
	[sflag:s11] =	ssyncset.done $0x0  }
0x14: {  	s13 =	simm.s32 $0x4;
	s12 =	sadd.s32 $0xF800, s15;
	[sflag:s11] =	ssyncadd.s32 $0xFFFFC000  }
0x15: {  	[hbm4b:s12+s2] =	stream.linear.scatter [tilespmem:s8], [sflag:$0x5], $0x4000, $0x38;
	[tilespmem:$0x8100] =	vst v63  }
0x16: {  	s16 =	ssub.s32 s16, s17;
	_ =	swait.ge [sflag:s13], $0x4000  }
0x17: {  	s17 =	smax.u32 s16, $0x1;
	s14 =	sadd.s32 $0x1F800, s15;
	[sflag:s13] =	ssyncset.done $0x0  }
0x18: {  	s15 =	simm.s32 $0x5;
	p0 =	sne.s32 s17, $0x1;
	[sflag:s13] =	ssyncadd.s32 $0xFFFFC000  }
0x19: {  	[hbm4b:s14+s2] =	stream.linear.scatter [tilespmem:s10], [sflag:$0x6], $0x4000, $0x38;
	[tilespmem:$0x8100] =	vst v63  }
.Ltmp0:
0x1a: {  	_ =	swait.ge [sflag:s15], $0x4000;
	(pc) =	sbr.rel @!p0 .LBB2_2-.Ltmp0, $4  }
0x1b: {  	[sflag:s15] =	ssyncset.done $0x0  }
0x1c: {  	s16 =	simm.s32 $0x6;
	[sflag:s15] =	ssyncadd.s32 $0xFFFFC000  }
0x1d: {  	_ =	swait.ge [sflag:s16], $0x4000  }
0x1e: {  	s17 =	sadd.s32 $0xFFFFFFFF, s17;
	[sflag:s16] =	ssyncset.done $0x0  }
.LBB2_1:
0x1f: {  	p0 =	sne.s32 s17, $0x1;
	s17 =	sadd.s32 $0xFFFFFFFF, s17;
	[sflag:s16] =	ssyncadd.s32 $0xFFFFC000  }
0x20: {  	[tilespmem:s2], [sflag:$0x1] =	stream.linear.gather [hbm4b:s3+s2], $0x80, $0x38;
	[tilespmem:$0x8100] =	vst v63  }
0x21: {  	_ = 	snop  }
0x22: {  	[tilespmem:s5], [sflag:$0x2] =	stream.linear.gather [hbm4b:s4+s2], $0x80, $0x38;
	[tilespmem:$0x8100] =	vst v63  }
0x23: {  	_ =	swait.ge [sflag:s6], $0x80  }
0x24: {  	[sflag:s6] =	ssyncset.done $0x0  }
0x25: {  	[sflag:s6] =	ssyncadd.s32 $0xFFFFFF80  }
0x26: {  	[tilespmem:s8], [sflag:$0x3] =	stream.indirect.gather [hbm4b:s7+s5], $0x80, s2, s5, $0xb8;
	[tilespmem:$0x8100] =	vst v63  }
0x27: {  	_ =	swait.ge [sflag:s9], $0x80  }
0x28: {  	[sflag:s9] =	ssyncset.done $0x0  }
0x29: {  	[sflag:s9] =	ssyncadd.s32 $0xFFFFFF80  }
0x2a: {  	[tilespmem:s10], [sflag:$0x4] =	stream.indirect.gather [hbm4b:s7+s5], $0x80, s5, s5, $0xb8;
	[tilespmem:$0x8100] =	vst v63  }
0x2b: {  	_ =	swait.ge [sflag:s11], $0x4000  }
0x2c: {  	[sflag:s11] =	ssyncset.done $0x0  }
0x2d: {  	[sflag:s11] =	ssyncadd.s32 $0xFFFFC000  }
0x2e: {  	[hbm4b:s12+s2] =	stream.linear.scatter [tilespmem:s8], [sflag:$0x5], $0x4000, $0x38;
	[tilespmem:$0x8100] =	vst v63  }
0x2f: {  	_ =	swait.ge [sflag:s13], $0x4000  }
0x30: {  	[sflag:s13] =	ssyncset.done $0x0  }
0x31: {  	[sflag:s13] =	ssyncadd.s32 $0xFFFFC000  }
0x32: {  	[hbm4b:s14+s2] =	stream.linear.scatter [tilespmem:s10], [sflag:$0x6], $0x4000, $0x38;
	[tilespmem:$0x8100] =	vst v63  }
.Ltmp1:
0x33: {  	_ =	swait.ge [sflag:s15], $0x4000;
	(pc) =	sbr.rel @p0 .LBB2_1-.Ltmp1, $4  }
0x34: {  	[sflag:s15] =	ssyncset.done $0x0  }
0x35: {  	[sflag:s15] =	ssyncadd.s32 $0xFFFFC000  }
0x36: {  	_ =	swait.ge [sflag:s16], $0x4000  }
0x37: {  	[sflag:s16] =	ssyncset.done $0x0  }
.LBB2_2:
0x38: {  	[sflag:s16] =	ssyncadd.s32 $0xFFFFC000  }
0x39: {  	_ =	sfence.sel $0x180000  }
0x3a: {  	[bflag:$0x0] =	sbarrier.arrive $0xFFFF  }
0x3b: {  	p0 =	sne.s32 s0, $0x0;
	_ =	strace $0x90000047  }
0x3c: {  	s0 =	sadd.s32 @!p0 $0x100000, s1;
	[bflag:$0x2] =	sbarrier.arrive $0xFFFF  }
0x3d: {  	[sflag:s0] =	ssyncadd.tile.s32 @!p0 $0x1;
	_ =	shalt  }
.Lfunc_end2:
_tile_overlayer_lowered:
.L_overlay_start_2:
0x3e: {  	(tag) =	ssettag $0x2  }
0x3f: {  	s0 =	rddreg [dreg:$0x0];
	s2 =	stileid.u32  }
0x40: {  	s1 =	rddreg [dreg:$0x1];
	p0 =	sne.s32 s2, $0x0  }
0x41: {  	s3 =	rddreg [dreg:$0x2];
	[bflag:$0x3] =	sbarrier.arrive $0xFFFF;
	s2 =	simm.s32 @!p0 $0x1C07  }
0x42: {  	[timem:s3], [sflag:s2] =	dma.local @!p0 [hbm:s0], s1  }
0x43: {  	s0 =	simm.s32 @!p0 $0x7  }
0x44: {  	_ =	swait.ge @!p0 [sflag:s0], s1  }
0x45: {  	s1 =	ssub.s32 @!p0 $0x0, s1;
	[sflag:s0] =	ssyncset.done @!p0 $0x0  }
0x46: {  	[sflag:s0] =	ssyncadd.s32 @!p0 s1  }
0x47: {  	[bflag:$0x3] =	sbarrier.arrive $0xFFFF  }
0x48: {  	_ =	shalt  }

// kernel: kernel.26.cloned.1.call-start
scs
__scs_entry_jumppad:
0x0: {  	(pc) =	sbr.rel $0x88, $3  }
0x1: {  	(tag) =	ssettag $0x0;
	lr =	simm.s32 $0x1  }
0x2: {  	[smem:$0x3F7B] =	sst lr;
	_ =	strace $0xD0000000  }
0x3: {  	_ = 	snop  }
0x4: {  	_ = 	snop  }
0x5: {  	_ = 	snop  }
0x6: {  	_ = 	snop  }
0x7: {  	_ = 	snop  }
__scs_overlays_trampoline_lowered:
0x8: {  	[smem:$0x3F8A] =	sst s0  }
0x9: {  	[smem:$0x3F8B] =	sst s1  }
0xa: {  	[smem:$0x3F8C] =	sst s2  }
0xb: {  	[smem:$0x3F8D] =	sst s3  }
0xc: {  	[smem:$0x3F8E] =	sst s4  }
0xd: {  	[smem:$0x3F8F] =	sst s5  }
0xe: {  	[smem:$0x3F90] =	sst s6  }
0xf: {  	[smem:$0x3F91] =	sst s7  }
0x10: {  	[smem:$0x3F92] =	sst s8  }
0x11: {  	[smem:$0x3F93] =	sst s9;
	s0 =	simm.s32 @!p0 $0x0  }
0x12: {  	s1 =	sld [smem:$0x3F79];
	s0 =	simm.s32 @p0 $0x1  }
0x13: {  	[smem:$0x3F94] =	sst s0;
	s0 =	simm.s32 @!p1 $0x0  }
0x14: {  	s2 =	sld [smem:$0x3F78];
	s0 =	simm.s32 @p1 $0x1  }
0x15: {  	[smem:$0x3F95] =	sst s0;
	s0 =	simm.s32 @!p2 $0x0  }
0x16: {  	s3 =	sld [smem:$0x3FDB];
	s0 =	simm.s32 @p2 $0x1  }
0x17: {  	s4 =	simm.s32 $0x1BF5;
	[smem:$0x3F97] =	sst s0  }
0x18: {  	s0 =	sld [smem:$0x3F7A];
	_ =	swait.ge [sflag:s4], $0x0  }
0x19: {  	s7 =	sld [smem:$0x3F7B]  }
0x1a: {  	s8 =	sadd.s32 $0xFFFFE003, lr  }
0x1b: {  	s9 =	sadd.s32 $0xFFFFFEF7, lr;
	s5 =	simm.s32 $0xFFFFFFFF;
	p2 =	slt.u32 s8, $0xFFFFF086  }
0x1c: {  	p1 =	slt.u32 s9, $0xF7A;
	s5 =	simm.s32 @!p2 $0x0  }
0x1d: {  	s5 =	simm.s32 @p1 $0x1;
	p0 =	seq.s32 s7, s2  }
0x1e: {  	s7 =	smul.u32 @!p0 $0xF7A, s2;
	p2 =	seq.s32 @!p0 s5, $0x0  }
0x1f: {  	s9 =	smul.u32 $0xF7A, s1;
	s8 =	simm.s32 @!p0 $0x1BF5;
	p2 =	por !p2, p0  }
0x20: {  	[sflag:s8] =	ssyncset.s32 @!p0 $0xFFFFF086;
	s6 =	sadd.s32 @!p0 s3, s7;
	s7 =	simm.s32 @!p0 $0x108  }
0x21: {  	s3 =	sadd.s32 s3, s9;
	s6 =	sadd.s32 @!p0 $0x88, s6;
	s7 =	simm.s32 @p2 $0x1082  }
0x22: {  	[simem:s7], [sflag:s8] =	dma.local @!p0 [hbm:s6], $0xF7A  }
0x23: {  	s9 =	sor.u32 $0xD0000000, s2;
	s6 =	simm.s32 $0x108;
	_ =	swait.ge @!p0 [sflag:s8], $0x0  }
0x24: {  	s3 =	sadd.s32 $0x88, s3;
	s6 =	simm.s32 @!p1 $0x1082;
	[sflag:s4] =	ssyncset.s32 $0xFFFFF086  }
0x25: {  	[simem:s6], [sflag:s4] =	dma.local [hbm:s3], $0xF7A  }
0x26: {  	[smem:$0x3F7B] =	sst s1;
	(tag) =	ssettag s2;
	_ =	strace s9  }
0x27: {  	s1 =	sld [smem:$0x3F8B]  }
0x28: {  	s2 =	sld [smem:$0x3F8C]  }
0x29: {  	s4 =	sld [smem:$0x3F8E]  }
0x2a: {  	p0 =	seq.s32 s5, $0x0;
	s5 =	sld [smem:$0x3F8F]  }
0x2b: {  	s6 =	sld [smem:$0x3F90]  }
0x2c: {  	s7 =	sld [smem:$0x3F91]  }
0x2d: {  	s3 =	simm.s32 $0x108;
	s8 =	sld [smem:$0x3F92]  }
0x2e: {  	s3 =	simm.s32 @!p0 $0x1082;
	s9 =	sld [smem:$0x3F93]  }
0x2f: {  	lr =	sadd.s32 s0, s3;
	s0 =	sld [smem:$0x3F8A]  }
0x30: {  	s3 =	sld [smem:$0x3F8D]  }
0x31: {  	[smem:$0x3F96] =	sst s10  }
0x32: {  	s10 =	sld [smem:$0x3F94];
	_ =	sdelay $0x3  }
0x33: {  	p0 =	seq.s32 s10, $0x1;
	s10 =	sld [smem:$0x3F96];
	_ =	sdelay $0x3  }
0x34: {  	[smem:$0x3F96] =	sst s10  }
0x35: {  	s10 =	sld [smem:$0x3F95];
	_ =	sdelay $0x3  }
0x36: {  	p1 =	seq.s32 s10, $0x1;
	s10 =	sld [smem:$0x3F96];
	_ =	sdelay $0x3  }
0x37: {  	[smem:$0x3F96] =	sst s10  }
0x38: {  	s10 =	sld [smem:$0x3F97]  }
0x39: {  	_ = 	snop;
	(pc) =	sbr.ind lr, $3  }
0x3a: {  	_ = 	snop  }
0x3b: {  	_ = 	snop  }
0x3c: {  	p2 =	seq.s32 s10, $0x1;
	s10 =	sld [smem:$0x3F96]  }
0x3d: {  	_ =	shalt  }
0x3e: {  	_ =	shalt  }
0x3f: {  	_ =	shalt  }
0x40: {  	_ =	shalt  }
0x41: {  	_ =	shalt  }
0x42: {  	_ =	shalt  }
0x43: {  	_ =	shalt  }
0x44: {  	_ =	shalt  }
0x45: {  	_ =	shalt  }
0x46: {  	_ =	shalt  }
0x47: {  	_ =	shalt  }
0x48: {  	_ =	shalt  }
0x49: {  	_ =	shalt  }
0x4a: {  	_ =	shalt  }
0x4b: {  	_ =	shalt  }
0x4c: {  	_ =	shalt  }
0x4d: {  	_ =	shalt  }
0x4e: {  	_ =	shalt  }
0x4f: {  	_ =	shalt  }
0x50: {  	_ =	shalt  }
0x51: {  	_ =	shalt  }
0x52: {  	_ =	shalt  }
0x53: {  	_ =	shalt  }
0x54: {  	_ =	shalt  }
0x55: {  	_ =	shalt  }
0x56: {  	_ =	shalt  }
0x57: {  	_ =	shalt  }
0x58: {  	_ =	shalt  }
0x59: {  	_ =	shalt  }
0x5a: {  	_ =	shalt  }
0x5b: {  	_ =	shalt  }
0x5c: {  	_ =	shalt  }
0x5d: {  	_ =	shalt  }
0x5e: {  	_ =	shalt  }
0x5f: {  	_ =	shalt  }
0x60: {  	_ =	shalt  }
0x61: {  	_ =	shalt  }
0x62: {  	_ =	shalt  }
0x63: {  	_ =	shalt  }
0x64: {  	_ =	shalt  }
0x65: {  	_ =	shalt  }
0x66: {  	_ =	shalt  }
0x67: {  	_ =	shalt  }
0x68: {  	_ =	shalt  }
0x69: {  	_ =	shalt  }
0x6a: {  	_ =	shalt  }
0x6b: {  	_ =	shalt  }
0x6c: {  	_ =	shalt  }
0x6d: {  	_ =	shalt  }
0x6e: {  	_ =	shalt  }
0x6f: {  	_ =	shalt  }
0x70: {  	_ =	shalt  }
0x71: {  	_ =	shalt  }
0x72: {  	_ =	shalt  }
0x73: {  	_ =	shalt  }
0x74: {  	_ =	shalt  }
0x75: {  	_ =	shalt  }
0x76: {  	_ =	shalt  }
0x77: {  	_ =	shalt  }
0x78: {  	_ =	shalt  }
0x79: {  	_ =	shalt  }
0x7a: {  	_ =	shalt  }
0x7b: {  	_ =	shalt  }
0x7c: {  	_ =	shalt  }
0x7d: {  	_ =	shalt  }
0x7e: {  	_ =	shalt  }
0x7f: {  	_ =	shalt  }
0x80: {  	_ =	shalt  }
0x81: {  	_ =	shalt  }
0x82: {  	_ =	shalt  }
0x83: {  	_ =	shalt  }
0x84: {  	_ =	shalt  }
0x85: {  	_ =	shalt  }
0x86: {  	_ =	shalt  }
0x87: {  	_ =	shalt  }
.Lfunc_end0:
.L_simem_size_0:
called_computation.1_lowered:
.L_overlay_start_0:
0x88: {  	s2 =	sld [smem:$0x3FD9]  }
0x89: {  	s3 =	sld [smem:$0x3FFE];
	_ =	sdelay $0x1  }
0x8a: {  	s1 =	srdreg.scid  }
0x8b: {  	s0 =	sand.u32 $0x1, s1  }
0x8c: {  	s17 =	sshll.u32 s0, $0xA;
	s2 =	sadd.s32 s3, s2  }
0x8d: {  	s2 =	sadd.s32 s2, s17  }
0x8e: {  	[smem:$0x3FA2] =	sst s2  }
0x8f: {  	_ = 	snop  }
0x90: {  	s2 =	sld [smem:$0x3FC6];
	(tm) =	ssettm $0x1  }
0x91: {  	s18 =	sld [smem:$0x3FFB];
	_ =	sdelay $0x3  }
0x92: {  	_ =	strace s18  }
0x93: {  	s3 =	sld [smem:$0x3FFC];
	_ =	sdelay $0x3  }
0x94: {  	_ =	strace s3  }
0x95: {  	s3 =	sld [smem:$0x3FFD];
	_ =	sdelay $0x3  }
0x96: {  	_ =	strace s3  }
0x97: {  	_ =	strace $0x8FFFFFFF  }
0x98: {  	s19 =	sld [smem:$0x3FDB];
	_ =	sdelay $0x1  }
0x99: {  	s4 =	simm.s32 $_scs_section_size  }
0x9a: {  	s5 =	simm.s32 $_size__tile_overlayer_lowered;
	s6 =	simm.s32 $_tile_overlayer_lowered  }
0x9b: {  	s22 =	simm.s32 $0x1BFF;
	s21 =	sshll.u32 s6, $0x1;
	s3 =	sadd.s32 s4, s19  }
0x9c: {  	s7 =	simm.s32 $0x0;
	s20 =	sshll.u32 s5, $0x1;
	s5 =	sadd.s32 s21, s3  }
0x9d: {  	[timem:s7], [sflag:s22] =	dma.local [hbm:s5], s20  }
0x9e: {  	_ =	swait.ge [sflag:s22], s20  }
0x9f: {  	s4 =	ssub.s32 $0x0, s20;
	[sflag:s22] =	ssyncset.done $0x0  }
0xa0: {  	[sflag:s22] =	ssyncadd.s32 s4;
	_ =	sdelay $0x1  }
0xa1: {  	s23 =	simm.s32 $0x1B8B  }
0xa2: {  	_ =	swait.ge [sflag:s23], $0x1  }
0xa3: {  	[sflag:s23] =	ssyncset.done $0x0  }
0xa4: {  	s25 =	simm.s32 $0x1B8E;
	s24 =	sld [smem:$0x3FFE];
	[sflag:s23] =	ssyncadd.s32 $0xFFFFFFFF  }
0xa5: {  	s26 =	simm.s32 $execute0_lowered;
	[smem:$0x3FD2] =	sst s25  }
0xa6: {  	s5 =	sshll.u32 s26, $0x1;
	_ =	strace $0x80000049;
	[dreg:$0x1] =	wrdreg $0xFFFFFFFF  }
0xa7: {  	s28 =	simm.s32 $_size_execute0_lowered;
	s3 =	sadd.s32 s3, s5;
	[dreg:$0x0] =	wrdreg $0x0  }
0xa8: {  	s5 =	sshll.u32 s28, $0x1;
	[dreg:$0x2] =	wrdreg s3  }
0xa9: {  	[dreg:$0x3] =	wrdreg s5  }
0xaa: {  	[dreg:$0x4] =	wrdreg $0xC0  }
0xab: {  	_ =	task [dreg:s7], $0x5FFFF  }
0xac: {  	[dreg:$0x1] =	wrdreg $0xFFFFFFFF  }
0xad: {  	[dreg:$0x0] =	wrdreg $0x60  }
0xae: {  	[dreg:$0x2] =	wrdreg s24  }
0xaf: {  	[dreg:$0x3] =	wrdreg s2  }
0xb0: {  	[dreg:$0x4] =	wrdreg $0x0  }
0xb1: {  	[dreg:$0x5] =	wrdreg $0x9  }
0xb2: {  	_ =	task.clear_ibuf [dreg:s7], $0x6FFFF;
	_ =	strace $0x90000049  }
0xb3: {  	s29 =	simm.s32 $0x9;
	_ =	strace $0x8000004B  }
0xb4: {  	_ =	swait.ge [sflag:s29], $0x1  }
0xb5: {  	[sflag:s29] =	ssyncadd.s32 $0xFFFFFFFF  }
0xb6: {  	_ =	strace $0x9000004B  }
0xb7: {  	_ =	sfence  }
0xb8: {  	s30 =	sld [smem:$0x0];
	_ =	sdelay $0x2  }
0xb9: {  	s31 =	sshll.u32 s1, $0xD;
	s1 =	sshrl.u32 s1, $0x2  }
0xba: {  	s3 =	sand.u32 $0x4000, s31;
	s1 =	sadd.s32 s1, s30  }
0xbb: {  	s0 =	sor.u32 s3, s0;
	s1 =	sshll.u32 s1, $0x11  }
0xbc: {  	s0 =	sor.u32 s1, s0  }
0xbd: {  	s0 =	sadd.s32 $0x8F2B, s0  }
0xbe: {  	[sflag:s0] =	ssyncadd.remote.s32 $0x1  }
0xbf: {  	_ =	sfence.sel $0xFFFF  }
0xc0: {  	[dreg:$0x0] =	wrdreg $0xFFFFFFFF;
	(pc) =	sbr.abs _section_cstart, $3  }
0xc1: {  	[dreg:$0x1] =	wrdreg $0xFFFFFFFF  }
0xc2: {  	_ =	task.clear_ibuf [dreg:s7], $0x2FFFF;
	_ =	strace $0x9FFFFFFF  }
0xc3: {  	(tm) =	ssettm $0x7FFFFFFF  }
tec
execute0_lowered:
.L_overlay_start_1:
0x0: {  	(tag) =	ssettag $0x1  }
0x1: {  	s4 =	rddreg [dreg:$0x0]  }
0x2: {  	s6 =	rddreg [dreg:$0x1]  }
0x3: {  	s2 =	rddreg [dreg:$0x2]  }
0x4: {  	s3 =	srdreg.scid;
	s0 =	rddreg [dreg:$0x3]  }
0x5: {  	s1 =	stileid.u32;
	s16 =	sand.u32 $0x1, s3;
	s3 =	simm.s32 $0x0  }
0x6: {  	s5 =	sshll.u32 s1, $0x8;
	s30 =	sshll.u32 s1, $0xA;
	s8 =	sshll.u32 s1, $0xD  }
0x7: {  	s18 =	sshll.u32 s1, $0x6;
	s7 =	sshll.u32 s16, $0x7;
	[smem:$0x7FF] =	sst s3  }
0x8: {  	s17 =	sadd.s32 s30, s4;
	s8 =	sadd.s32 s8, s2;
	s7 =	sor.u32 s7, s5  }
0x9: {  	_ =	strace $0x8000004A;
	s5 =	sshll.u32 s7, $0x4;
	s7 =	sshrl.u32 s7, $0x3  }
0xa: {  	s9 =	sadd.s32 s5, s4;
	s4 =	sadd.s32 $0x1F800, s17;
	s5 =	sor.u32 $0x1C01, s18  }
0xb: {  	s6 =	sadd.s32 s6, s7;
	s7 =	sshrl.u32 s8, $0x3;
	s8 =	simm.s32 $0x2000  }
0xc: {  	[spmem:s7], [sflag:s5] =	dma.local [hbm:s4], $0x400  }
0xd: {  	[tilespmem:s8], [sflag:$0x2] =	stream.linear.gather [hbm4b:s6+s3], $0x80, $0x38;
	[tilespmem:$0x6080] =	vst v63  }
0xe: {  	s10 =	simm.s32 $0x2080;
	s11 =	simm.s32 $0x1;
	s9 =	sadd.s32 $0xF800, s9  }
0xf: {  	[tilespmem:s10], [sflag:$0x3] =	stream.linear.gather [hbm4b:s9+s3], $0x4000, $0x38;
	[tilespmem:$0x6080] =	vst v63  }
0x10: {  	_ =	swait.ge [sflag:s11], $0x400  }
0x11: {  	[sflag:s11] =	ssyncset.done $0x0  }
0x12: {  	s12 =	simm.s32 $0x2;
	[sflag:s11] =	ssyncadd.s32 $0xFFFFFC00  }
0x13: {  	_ =	swait.ge [sflag:s12], $0x80  }
0x14: {  	[sflag:s12] =	ssyncset.done $0x0  }
0x15: {  	s13 =	simm.s32 $0x3;
	[sflag:s12] =	ssyncadd.s32 $0xFFFFFF80  }
0x16: {  	s15 =	simm.s32 $0x80;
	_ =	swait.ge [sflag:s13], $0x4000  }
0x17: {  	s14 =	simm.s32 $0x4;
	s19 =	ssub.s32 $0x2, s16;
	[sflag:s13] =	ssyncset.done $0x0  }
0x18: {  	s16 =	sshll.u32 s16, $0xE;
	s31 =	sshrl.u32 s19, $0x1;
	[sflag:s13] =	ssyncadd.s32 $0xFFFFC000  }
0x19: {  	s16 =	sadd.s32 s16, s17;
	s17 =	ssub.s32 s19, s31;
	[bflag:$0x0] =	sbarrier.arrive $0xFFFF  }
0x1a: {  	[spmem:s2] =	stream.indirect.scatter.add.f32 [tilespmem:s10], [sflag:$0x4], $0x80, s8, s15, $0xb8;
	[tilespmem:$0x6080] =	vst v63  }
0x1b: {  	s19 =	smax.u32 s17, $0x1;
	_ =	swait.ge [sflag:s14], $0x4000  }
0x1c: {  	p0 =	sne.s32 s19, $0x1;
	[sflag:s14] =	ssyncset.done $0x0  }
.Ltmp0:
0x1d: {  	[sflag:s14] =	ssyncadd.s32 $0xFFFFC000;
	(pc) =	sbr.rel @!p0 .LBB2_2-.Ltmp0, $4  }
0x1e: {  	s16 =	sadd.s32 $0x23800, s16;
	s17 =	sor.u32 $0x1C04, s18;
	[bflag:$0x0] =	sbarrier.arrive $0xFFFF  }
0x1f: {  	[hbm:s16], [sflag:s17] =	dma.local [spmem:s7], $0x400  }
0x20: {  	_ =	swait.ge [sflag:s14], $0x400  }
0x21: {  	s18 =	sadd.s32 $0xFFFFFFFF, s19;
	[sflag:s14] =	ssyncset.done $0x0  }
.LBB2_1:
0x22: {  	p0 =	sne.s32 s18, $0x1;
	s18 =	sadd.s32 $0xFFFFFFFF, s18;
	[sflag:s14] =	ssyncadd.s32 $0xFFFFFC00  }
0x23: {  	[spmem:s7], [sflag:s5] =	dma.local [hbm:s4], $0x400  }
0x24: {  	[tilespmem:s8], [sflag:$0x2] =	stream.linear.gather [hbm4b:s6+s3], $0x80, $0x38;
	[tilespmem:$0x6080] =	vst v63  }
0x25: {  	_ = 	snop  }
0x26: {  	[tilespmem:s10], [sflag:$0x3] =	stream.linear.gather [hbm4b:s9+s3], $0x4000, $0x38;
	[tilespmem:$0x6080] =	vst v63  }
0x27: {  	_ =	swait.ge [sflag:s11], $0x400  }
0x28: {  	[sflag:s11] =	ssyncset.done $0x0  }
0x29: {  	[sflag:s11] =	ssyncadd.s32 $0xFFFFFC00  }
0x2a: {  	_ =	swait.ge [sflag:s12], $0x80  }
0x2b: {  	[sflag:s12] =	ssyncset.done $0x0  }
0x2c: {  	[sflag:s12] =	ssyncadd.s32 $0xFFFFFF80  }
0x2d: {  	_ =	swait.ge [sflag:s13], $0x4000  }
0x2e: {  	[sflag:s13] =	ssyncset.done $0x0  }
0x2f: {  	[sflag:s13] =	ssyncadd.s32 $0xFFFFC000  }
0x30: {  	[bflag:$0x0] =	sbarrier.arrive $0xFFFF  }
0x31: {  	[spmem:s2] =	stream.indirect.scatter.add.f32 [tilespmem:s10], [sflag:$0x4], $0x80, s8, s15, $0xb8;
	[tilespmem:$0x6080] =	vst v63  }
0x32: {  	_ =	swait.ge [sflag:s14], $0x4000  }
0x33: {  	[sflag:s14] =	ssyncset.done $0x0  }
.Ltmp1:
0x34: {  	[sflag:s14] =	ssyncadd.s32 $0xFFFFC000;
	(pc) =	sbr.rel @p0 .LBB2_1-.Ltmp1, $4  }
0x35: {  	[bflag:$0x0] =	sbarrier.arrive $0xFFFF  }
0x36: {  	[hbm:s16], [sflag:s17] =	dma.local [spmem:s7], $0x400  }
0x37: {  	_ =	swait.ge [sflag:s14], $0x400  }
0x38: {  	[sflag:s14] =	ssyncset.done $0x0  }
.LBB2_2:
0x39: {  	[sflag:s14] =	ssyncadd.s32 $0xFFFFFC00  }
0x3a: {  	_ =	sfence.sel $0x180000  }
0x3b: {  	[bflag:$0x0] =	sbarrier.arrive $0xFFFF  }
0x3c: {  	p0 =	sne.s32 s1, $0x0;
	_ =	strace $0x9000004A  }
0x3d: {  	s0 =	sadd.s32 @!p0 $0x100000, s0;
	[bflag:$0x2] =	sbarrier.arrive $0xFFFF  }
0x3e: {  	[sflag:s0] =	ssyncadd.tile.s32 @!p0 $0x1;
	_ =	shalt  }
.Lfunc_end2:
_tile_overlayer_lowered:
.L_overlay_start_2:
0x3f: {  	(tag) =	ssettag $0x2  }
0x40: {  	s0 =	rddreg [dreg:$0x0];
	s2 =	stileid.u32  }
0x41: {  	s1 =	rddreg [dreg:$0x1];
	p0 =	sne.s32 s2, $0x0  }
0x42: {  	s3 =	rddreg [dreg:$0x2];
	[bflag:$0x3] =	sbarrier.arrive $0xFFFF;
	s2 =	simm.s32 @!p0 $0x1C04  }
0x43: {  	[timem:s3], [sflag:s2] =	dma.local @!p0 [hbm:s0], s1  }
0x44: {  	s0 =	simm.s32 @!p0 $0x4  }
0x45: {  	_ =	swait.ge @!p0 [sflag:s0], s1  }
0x46: {  	s1 =	ssub.s32 @!p0 $0x0, s1;
	[sflag:s0] =	ssyncset.done @!p0 $0x0  }
0x47: {  	[sflag:s0] =	ssyncadd.s32 @!p0 s1  }
0x48: {  	[bflag:$0x3] =	sbarrier.arrive $0xFFFF  }
0x49: {  	_ =	shalt  }

// kernel: kernel.29.cloned.1.call-start
scs
__scs_entry_jumppad:
0x0: {  	(pc) =	sbr.rel $0x88, $3  }
0x1: {  	(tag) =	ssettag $0x0;
	lr =	simm.s32 $0x1  }
0x2: {  	[smem:$0x3F7B] =	sst lr;
	_ =	strace $0xD0000000  }
0x3: {  	_ = 	snop  }
0x4: {  	_ = 	snop  }
0x5: {  	_ = 	snop  }
0x6: {  	_ = 	snop  }
0x7: {  	_ = 	snop  }
__scs_overlays_trampoline_lowered:
0x8: {  	[smem:$0x3F8A] =	sst s0  }
0x9: {  	[smem:$0x3F8B] =	sst s1  }
0xa: {  	[smem:$0x3F8C] =	sst s2  }
0xb: {  	[smem:$0x3F8D] =	sst s3  }
0xc: {  	[smem:$0x3F8E] =	sst s4  }
0xd: {  	[smem:$0x3F8F] =	sst s5  }
0xe: {  	[smem:$0x3F90] =	sst s6  }
0xf: {  	[smem:$0x3F91] =	sst s7  }
0x10: {  	[smem:$0x3F92] =	sst s8  }
0x11: {  	[smem:$0x3F93] =	sst s9;
	s0 =	simm.s32 @!p0 $0x0  }
0x12: {  	s1 =	sld [smem:$0x3F79];
	s0 =	simm.s32 @p0 $0x1  }
0x13: {  	[smem:$0x3F94] =	sst s0;
	s0 =	simm.s32 @!p1 $0x0  }
0x14: {  	s2 =	sld [smem:$0x3F78];
	s0 =	simm.s32 @p1 $0x1  }
0x15: {  	[smem:$0x3F95] =	sst s0;
	s0 =	simm.s32 @!p2 $0x0  }
0x16: {  	s3 =	sld [smem:$0x3FDB];
	s0 =	simm.s32 @p2 $0x1  }
0x17: {  	s4 =	simm.s32 $0x1BF5;
	[smem:$0x3F97] =	sst s0  }
0x18: {  	s0 =	sld [smem:$0x3F7A];
	_ =	swait.ge [sflag:s4], $0x0  }
0x19: {  	s7 =	sld [smem:$0x3F7B]  }
0x1a: {  	s8 =	sadd.s32 $0xFFFFE003, lr  }
0x1b: {  	s9 =	sadd.s32 $0xFFFFFEF7, lr;
	s5 =	simm.s32 $0xFFFFFFFF;
	p2 =	slt.u32 s8, $0xFFFFF086  }
0x1c: {  	p1 =	slt.u32 s9, $0xF7A;
	s5 =	simm.s32 @!p2 $0x0  }
0x1d: {  	s5 =	simm.s32 @p1 $0x1;
	p0 =	seq.s32 s7, s2  }
0x1e: {  	s7 =	smul.u32 @!p0 $0xF7A, s2;
	p2 =	seq.s32 @!p0 s5, $0x0  }
0x1f: {  	s9 =	smul.u32 $0xF7A, s1;
	s8 =	simm.s32 @!p0 $0x1BF5;
	p2 =	por !p2, p0  }
0x20: {  	[sflag:s8] =	ssyncset.s32 @!p0 $0xFFFFF086;
	s6 =	sadd.s32 @!p0 s3, s7;
	s7 =	simm.s32 @!p0 $0x108  }
0x21: {  	s3 =	sadd.s32 s3, s9;
	s6 =	sadd.s32 @!p0 $0x88, s6;
	s7 =	simm.s32 @p2 $0x1082  }
0x22: {  	[simem:s7], [sflag:s8] =	dma.local @!p0 [hbm:s6], $0xF7A  }
0x23: {  	s9 =	sor.u32 $0xD0000000, s2;
	s6 =	simm.s32 $0x108;
	_ =	swait.ge @!p0 [sflag:s8], $0x0  }
0x24: {  	s3 =	sadd.s32 $0x88, s3;
	s6 =	simm.s32 @!p1 $0x1082;
	[sflag:s4] =	ssyncset.s32 $0xFFFFF086  }
0x25: {  	[simem:s6], [sflag:s4] =	dma.local [hbm:s3], $0xF7A  }
0x26: {  	[smem:$0x3F7B] =	sst s1;
	(tag) =	ssettag s2;
	_ =	strace s9  }
0x27: {  	s1 =	sld [smem:$0x3F8B]  }
0x28: {  	s2 =	sld [smem:$0x3F8C]  }
0x29: {  	s4 =	sld [smem:$0x3F8E]  }
0x2a: {  	p0 =	seq.s32 s5, $0x0;
	s5 =	sld [smem:$0x3F8F]  }
0x2b: {  	s6 =	sld [smem:$0x3F90]  }
0x2c: {  	s7 =	sld [smem:$0x3F91]  }
0x2d: {  	s3 =	simm.s32 $0x108;
	s8 =	sld [smem:$0x3F92]  }
0x2e: {  	s3 =	simm.s32 @!p0 $0x1082;
	s9 =	sld [smem:$0x3F93]  }
0x2f: {  	lr =	sadd.s32 s0, s3;
	s0 =	sld [smem:$0x3F8A]  }
0x30: {  	s3 =	sld [smem:$0x3F8D]  }
0x31: {  	[smem:$0x3F96] =	sst s10  }
0x32: {  	s10 =	sld [smem:$0x3F94];
	_ =	sdelay $0x3  }
0x33: {  	p0 =	seq.s32 s10, $0x1;
	s10 =	sld [smem:$0x3F96];
	_ =	sdelay $0x3  }
0x34: {  	[smem:$0x3F96] =	sst s10  }
0x35: {  	s10 =	sld [smem:$0x3F95];
	_ =	sdelay $0x3  }
0x36: {  	p1 =	seq.s32 s10, $0x1;
	s10 =	sld [smem:$0x3F96];
	_ =	sdelay $0x3  }
0x37: {  	[smem:$0x3F96] =	sst s10  }
0x38: {  	s10 =	sld [smem:$0x3F97]  }
0x39: {  	_ = 	snop;
	(pc) =	sbr.ind lr, $3  }
0x3a: {  	_ = 	snop  }
0x3b: {  	_ = 	snop  }
0x3c: {  	p2 =	seq.s32 s10, $0x1;
	s10 =	sld [smem:$0x3F96]  }
0x3d: {  	_ =	shalt  }
0x3e: {  	_ =	shalt  }
0x3f: {  	_ =	shalt  }
0x40: {  	_ =	shalt  }
0x41: {  	_ =	shalt  }
0x42: {  	_ =	shalt  }
0x43: {  	_ =	shalt  }
0x44: {  	_ =	shalt  }
0x45: {  	_ =	shalt  }
0x46: {  	_ =	shalt  }
0x47: {  	_ =	shalt  }
0x48: {  	_ =	shalt  }
0x49: {  	_ =	shalt  }
0x4a: {  	_ =	shalt  }
0x4b: {  	_ =	shalt  }
0x4c: {  	_ =	shalt  }
0x4d: {  	_ =	shalt  }
0x4e: {  	_ =	shalt  }
0x4f: {  	_ =	shalt  }
0x50: {  	_ =	shalt  }
0x51: {  	_ =	shalt  }
0x52: {  	_ =	shalt  }
0x53: {  	_ =	shalt  }
0x54: {  	_ =	shalt  }
0x55: {  	_ =	shalt  }
0x56: {  	_ =	shalt  }
0x57: {  	_ =	shalt  }
0x58: {  	_ =	shalt  }
0x59: {  	_ =	shalt  }
0x5a: {  	_ =	shalt  }
0x5b: {  	_ =	shalt  }
0x5c: {  	_ =	shalt  }
0x5d: {  	_ =	shalt  }
0x5e: {  	_ =	shalt  }
0x5f: {  	_ =	shalt  }
0x60: {  	_ =	shalt  }
0x61: {  	_ =	shalt  }
0x62: {  	_ =	shalt  }
0x63: {  	_ =	shalt  }
0x64: {  	_ =	shalt  }
0x65: {  	_ =	shalt  }
0x66: {  	_ =	shalt  }
0x67: {  	_ =	shalt  }
0x68: {  	_ =	shalt  }
0x69: {  	_ =	shalt  }
0x6a: {  	_ =	shalt  }
0x6b: {  	_ =	shalt  }
0x6c: {  	_ =	shalt  }
0x6d: {  	_ =	shalt  }
0x6e: {  	_ =	shalt  }
0x6f: {  	_ =	shalt  }
0x70: {  	_ =	shalt  }
0x71: {  	_ =	shalt  }
0x72: {  	_ =	shalt  }
0x73: {  	_ =	shalt  }
0x74: {  	_ =	shalt  }
0x75: {  	_ =	shalt  }
0x76: {  	_ =	shalt  }
0x77: {  	_ =	shalt  }
0x78: {  	_ =	shalt  }
0x79: {  	_ =	shalt  }
0x7a: {  	_ =	shalt  }
0x7b: {  	_ =	shalt  }
0x7c: {  	_ =	shalt  }
0x7d: {  	_ =	shalt  }
0x7e: {  	_ =	shalt  }
0x7f: {  	_ =	shalt  }
0x80: {  	_ =	shalt  }
0x81: {  	_ =	shalt  }
0x82: {  	_ =	shalt  }
0x83: {  	_ =	shalt  }
0x84: {  	_ =	shalt  }
0x85: {  	_ =	shalt  }
0x86: {  	_ =	shalt  }
0x87: {  	_ =	shalt  }
.Lfunc_end0:
.L_simem_size_0:
called_computation.2_lowered:
.L_overlay_start_0:
0x88: {  	s2 =	sld [smem:$0x3FD9]  }
0x89: {  	s3 =	sld [smem:$0x3FFE];
	_ =	sdelay $0x1  }
0x8a: {  	s1 =	srdreg.scid  }
0x8b: {  	s0 =	sand.u32 $0x1, s1  }
0x8c: {  	s17 =	sshll.u32 s0, $0xA;
	s2 =	sadd.s32 s3, s2  }
0x8d: {  	s2 =	sadd.s32 s2, s17  }
0x8e: {  	[smem:$0x3FA2] =	sst s2  }
0x8f: {  	_ = 	snop  }
0x90: {  	s2 =	sld [smem:$0x3FC7]  }
0x91: {  	s18 =	sld [smem:$0x3FC6];
	(tm) =	ssettm $0x1  }
0x92: {  	s4 =	sld [smem:$0x3FFB];
	_ =	sdelay $0x3  }
0x93: {  	_ =	strace s4  }
0x94: {  	s4 =	sld [smem:$0x3FFC];
	_ =	sdelay $0x3  }
0x95: {  	_ =	strace s4  }
0x96: {  	s4 =	sld [smem:$0x3FFD];
	_ =	sdelay $0x3  }
0x97: {  	_ =	strace s4  }
0x98: {  	_ =	strace $0x8FFFFFFF  }
0x99: {  	s19 =	sld [smem:$0x3FDB];
	_ =	sdelay $0x1  }
0x9a: {  	s5 =	simm.s32 $_scs_section_size  }
0x9b: {  	s6 =	simm.s32 $_size__tile_overlayer_lowered;
	s7 =	simm.s32 $_tile_overlayer_lowered  }
0x9c: {  	s22 =	simm.s32 $0x1BFF;
	s21 =	sshll.u32 s7, $0x1;
	s4 =	sadd.s32 s5, s19  }
0x9d: {  	s8 =	simm.s32 $0x0;
	s20 =	sshll.u32 s6, $0x1;
	s6 =	sadd.s32 s21, s4  }
0x9e: {  	[timem:s8], [sflag:s22] =	dma.local [hbm:s6], s20  }
0x9f: {  	_ =	swait.ge [sflag:s22], s20  }
0xa0: {  	s5 =	ssub.s32 $0x0, s20;
	[sflag:s22] =	ssyncset.done $0x0  }
0xa1: {  	[sflag:s22] =	ssyncadd.s32 s5;
	_ =	sdelay $0x1  }
0xa2: {  	s23 =	simm.s32 $0x1B8B  }
0xa3: {  	_ =	swait.ge [sflag:s23], $0x1  }
0xa4: {  	[sflag:s23] =	ssyncset.done $0x0  }
0xa5: {  	s25 =	simm.s32 $0x1B8E;
	s24 =	sld [smem:$0x3FFE];
	[sflag:s23] =	ssyncadd.s32 $0xFFFFFFFF  }
0xa6: {  	s26 =	simm.s32 $execute0_lowered;
	[smem:$0x3FD2] =	sst s25  }
0xa7: {  	s6 =	sshll.u32 s26, $0x1;
	_ =	strace $0x8000004C;
	[dreg:$0x1] =	wrdreg $0xFFFFFFFF  }
0xa8: {  	s28 =	simm.s32 $_size_execute0_lowered;
	s4 =	sadd.s32 s4, s6;
	[dreg:$0x0] =	wrdreg $0x0  }
0xa9: {  	s6 =	sshll.u32 s28, $0x1;
	[dreg:$0x2] =	wrdreg s4  }
0xaa: {  	[dreg:$0x3] =	wrdreg s6  }
0xab: {  	[dreg:$0x4] =	wrdreg $0xC0  }
0xac: {  	_ =	task [dreg:s8], $0x5FFFF  }
0xad: {  	[dreg:$0x1] =	wrdreg $0xFFFFFFFF  }
0xae: {  	[dreg:$0x0] =	wrdreg $0x60  }
0xaf: {  	[dreg:$0x2] =	wrdreg s24  }
0xb0: {  	[dreg:$0x3] =	wrdreg s2  }
0xb1: {  	[dreg:$0x4] =	wrdreg s18  }
0xb2: {  	[dreg:$0x5] =	wrdreg $0x9  }
0xb3: {  	_ =	task.clear_ibuf [dreg:s8], $0x6FFFF;
	_ =	strace $0x9000004C  }
0xb4: {  	s29 =	simm.s32 $0x9;
	_ =	strace $0x8000004E  }
0xb5: {  	_ =	swait.ge [sflag:s29], $0x1  }
0xb6: {  	[sflag:s29] =	ssyncadd.s32 $0xFFFFFFFF  }
0xb7: {  	_ =	strace $0x9000004E  }
0xb8: {  	_ =	sfence  }
0xb9: {  	s30 =	sld [smem:$0x0];
	_ =	sdelay $0x2  }
0xba: {  	s31 =	sshll.u32 s1, $0xD;
	s1 =	sshrl.u32 s1, $0x2  }
0xbb: {  	s3 =	sand.u32 $0x4000, s31;
	s1 =	sadd.s32 s1, s30  }
0xbc: {  	s0 =	sor.u32 s3, s0;
	s1 =	sshll.u32 s1, $0x11  }
0xbd: {  	s0 =	sor.u32 s1, s0  }
0xbe: {  	s0 =	sadd.s32 $0x8F2B, s0  }
0xbf: {  	[sflag:s0] =	ssyncadd.remote.s32 $0x1  }
0xc0: {  	_ =	sfence.sel $0xFFFF  }
0xc1: {  	[dreg:$0x0] =	wrdreg $0xFFFFFFFF;
	(pc) =	sbr.abs _section_cstart, $3  }
0xc2: {  	[dreg:$0x1] =	wrdreg $0xFFFFFFFF  }
0xc3: {  	_ =	task.clear_ibuf [dreg:s8], $0x2FFFF;
	_ =	strace $0x9FFFFFFF  }
0xc4: {  	(tm) =	ssettm $0x7FFFFFFF  }
0xc5: {  	_ =	shalt  }
tec
execute0_lowered:
.L_overlay_start_1:
0x0: {  	(tag) =	ssettag $0x1  }
0x1: {  	s1 =	srdreg.scid  }
0x2: {  	s12 =	rddreg [dreg:$0x0];
	s0 =	stileid.u32;
	s14 =	sand.u32 $0x1, s1  }
0x3: {  	s3 =	rddreg [dreg:$0x1];
	s5 =	sshll.u32 s0, $0x8;
	s6 =	sshll.u32 s14, $0x7  }
0x4: {  	s4 =	rddreg [dreg:$0x2];
	s2 =	simm.s32 $0x0;
	s13 =	sor.u32 s6, s5  }
0x5: {  	[smem:$0x7FF] =	sst s2;
	s5 =	sshrl.u32 s13, $0x3  }
0x6: {  	s1 =	rddreg [dreg:$0x3];
	_ =	strace $0x8000004D;
	s3 =	sadd.s32 s3, s5  }
0x7: {  	[tilespmem:s2], [sflag:$0x1] =	stream.linear.gather [hbm4b:s3+s2], $0x80, $0x38;
	[tilespmem:$0x8100] =	vst v63  }
0x8: {  	s6 =	simm.s32 $0x1;
	s4 =	sadd.s32 s4, s5;
	s5 =	simm.s32 $0x80  }
0x9: {  	[tilespmem:s5], [sflag:$0x2] =	stream.linear.gather [hbm4b:s4+s2], $0x80, $0x38;
	[tilespmem:$0x8100] =	vst v63  }
0xa: {  	_ =	swait.ge [sflag:s6], $0x80  }
0xb: {  	s8 =	simm.s32 $0x100;
	[sflag:s6] =	ssyncset.done $0x0  }
0xc: {  	s9 =	simm.s32 $0x2;
	s7 =	sadd.s32 $0xB800, s12;
	[sflag:s6] =	ssyncadd.s32 $0xFFFFFF80  }
0xd: {  	[tilespmem:s8], [sflag:$0x3] =	stream.indirect.gather [hbm4b:s7+s5], $0x80, s2, s5, $0xb8;
	[tilespmem:$0x8100] =	vst v63  }
0xe: {  	_ =	swait.ge [sflag:s9], $0x80  }
0xf: {  	[sflag:s9] =	ssyncset.done $0x0  }
0x10: {  	s10 =	simm.s32 $0x4100;
	s11 =	simm.s32 $0x3;
	[sflag:s9] =	ssyncadd.s32 $0xFFFFFF80  }
0x11: {  	[tilespmem:s10], [sflag:$0x4] =	stream.indirect.gather [hbm4b:s7+s5], $0x80, s5, s5, $0xb8;
	[tilespmem:$0x8100] =	vst v63  }
0x12: {  	s16 =	ssub.s32 $0x2, s14;
	s13 =	sshll.u32 s13, $0x4;
	_ =	swait.ge [sflag:s11], $0x4000  }
0x13: {  	s17 =	sshrl.u32 s16, $0x1;
	s15 =	sadd.s32 s13, s12;
	[sflag:s11] =	ssyncset.done $0x0  }
0x14: {  	s13 =	simm.s32 $0x4;
	s12 =	sadd.s32 $0x23800, s15;
	[sflag:s11] =	ssyncadd.s32 $0xFFFFC000  }
0x15: {  	[hbm4b:s12+s2] =	stream.linear.scatter [tilespmem:s8], [sflag:$0x5], $0x4000, $0x38;
	[tilespmem:$0x8100] =	vst v63  }
0x16: {  	s16 =	ssub.s32 s16, s17;
	_ =	swait.ge [sflag:s13], $0x4000  }
0x17: {  	s17 =	smax.u32 s16, $0x1;
	s14 =	sadd.s32 $0x33800, s15;
	[sflag:s13] =	ssyncset.done $0x0  }
0x18: {  	s15 =	simm.s32 $0x5;
	p0 =	sne.s32 s17, $0x1;
	[sflag:s13] =	ssyncadd.s32 $0xFFFFC000  }
0x19: {  	[hbm4b:s14+s2] =	stream.linear.scatter [tilespmem:s10], [sflag:$0x6], $0x4000, $0x38;
	[tilespmem:$0x8100] =	vst v63  }
.Ltmp0:
0x1a: {  	_ =	swait.ge [sflag:s15], $0x4000;
	(pc) =	sbr.rel @!p0 .LBB2_2-.Ltmp0, $4  }
0x1b: {  	[sflag:s15] =	ssyncset.done $0x0  }
0x1c: {  	s16 =	simm.s32 $0x6;
	[sflag:s15] =	ssyncadd.s32 $0xFFFFC000  }
0x1d: {  	_ =	swait.ge [sflag:s16], $0x4000  }
0x1e: {  	s17 =	sadd.s32 $0xFFFFFFFF, s17;
	[sflag:s16] =	ssyncset.done $0x0  }
.LBB2_1:
0x1f: {  	p0 =	sne.s32 s17, $0x1;
	s17 =	sadd.s32 $0xFFFFFFFF, s17;
	[sflag:s16] =	ssyncadd.s32 $0xFFFFC000  }
0x20: {  	[tilespmem:s2], [sflag:$0x1] =	stream.linear.gather [hbm4b:s3+s2], $0x80, $0x38;
	[tilespmem:$0x8100] =	vst v63  }
0x21: {  	_ = 	snop  }
0x22: {  	[tilespmem:s5], [sflag:$0x2] =	stream.linear.gather [hbm4b:s4+s2], $0x80, $0x38;
	[tilespmem:$0x8100] =	vst v63  }
0x23: {  	_ =	swait.ge [sflag:s6], $0x80  }
0x24: {  	[sflag:s6] =	ssyncset.done $0x0  }
0x25: {  	[sflag:s6] =	ssyncadd.s32 $0xFFFFFF80  }
0x26: {  	[tilespmem:s8], [sflag:$0x3] =	stream.indirect.gather [hbm4b:s7+s5], $0x80, s2, s5, $0xb8;
	[tilespmem:$0x8100] =	vst v63  }
0x27: {  	_ =	swait.ge [sflag:s9], $0x80  }
0x28: {  	[sflag:s9] =	ssyncset.done $0x0  }
0x29: {  	[sflag:s9] =	ssyncadd.s32 $0xFFFFFF80  }
0x2a: {  	[tilespmem:s10], [sflag:$0x4] =	stream.indirect.gather [hbm4b:s7+s5], $0x80, s5, s5, $0xb8;
	[tilespmem:$0x8100] =	vst v63  }
0x2b: {  	_ =	swait.ge [sflag:s11], $0x4000  }
0x2c: {  	[sflag:s11] =	ssyncset.done $0x0  }
0x2d: {  	[sflag:s11] =	ssyncadd.s32 $0xFFFFC000  }
0x2e: {  	[hbm4b:s12+s2] =	stream.linear.scatter [tilespmem:s8], [sflag:$0x5], $0x4000, $0x38;
	[tilespmem:$0x8100] =	vst v63  }
0x2f: {  	_ =	swait.ge [sflag:s13], $0x4000  }
0x30: {  	[sflag:s13] =	ssyncset.done $0x0  }
0x31: {  	[sflag:s13] =	ssyncadd.s32 $0xFFFFC000  }
0x32: {  	[hbm4b:s14+s2] =	stream.linear.scatter [tilespmem:s10], [sflag:$0x6], $0x4000, $0x38;
	[tilespmem:$0x8100] =	vst v63  }
.Ltmp1:
0x33: {  	_ =	swait.ge [sflag:s15], $0x4000;
	(pc) =	sbr.rel @p0 .LBB2_1-.Ltmp1, $4  }
0x34: {  	[sflag:s15] =	ssyncset.done $0x0  }
0x35: {  	[sflag:s15] =	ssyncadd.s32 $0xFFFFC000  }
0x36: {  	_ =	swait.ge [sflag:s16], $0x4000  }
0x37: {  	[sflag:s16] =	ssyncset.done $0x0  }
.LBB2_2:
0x38: {  	[sflag:s16] =	ssyncadd.s32 $0xFFFFC000  }
0x39: {  	_ =	sfence.sel $0x180000  }
0x3a: {  	[bflag:$0x0] =	sbarrier.arrive $0xFFFF  }
0x3b: {  	p0 =	sne.s32 s0, $0x0;
	_ =	strace $0x9000004D  }
0x3c: {  	s0 =	sadd.s32 @!p0 $0x100000, s1;
	[bflag:$0x2] =	sbarrier.arrive $0xFFFF  }
0x3d: {  	[sflag:s0] =	ssyncadd.tile.s32 @!p0 $0x1;
	_ =	shalt  }
.Lfunc_end2:
_tile_overlayer_lowered:
.L_overlay_start_2:
0x3e: {  	(tag) =	ssettag $0x2  }
0x3f: {  	s0 =	rddreg [dreg:$0x0];
	s2 =	stileid.u32  }
0x40: {  	s1 =	rddreg [dreg:$0x1];
	p0 =	sne.s32 s2, $0x0  }
0x41: {  	s3 =	rddreg [dreg:$0x2];
	[bflag:$0x3] =	sbarrier.arrive $0xFFFF;
	s2 =	simm.s32 @!p0 $0x1C07  }
0x42: {  	[timem:s3], [sflag:s2] =	dma.local @!p0 [hbm:s0], s1  }
0x43: {  	s0 =	simm.s32 @!p0 $0x7  }
0x44: {  	_ =	swait.ge @!p0 [sflag:s0], s1  }
0x45: {  	s1 =	ssub.s32 @!p0 $0x0, s1;
	[sflag:s0] =	ssyncset.done @!p0 $0x0  }
0x46: {  	[sflag:s0] =	ssyncadd.s32 @!p0 s1  }
0x47: {  	[bflag:$0x3] =	sbarrier.arrive $0xFFFF  }
0x48: {  	_ =	shalt  }

// kernel: kernel.32.cloned.1.call-start
scs
__scs_entry_jumppad:
0x0: {  	(pc) =	sbr.rel $0x88, $3  }
0x1: {  	(tag) =	ssettag $0x0;
	lr =	simm.s32 $0x1  }
0x2: {  	[smem:$0x3F7B] =	sst lr;
	_ =	strace $0xD0000000  }
0x3: {  	_ = 	snop  }
0x4: {  	_ = 	snop  }
0x5: {  	_ = 	snop  }
0x6: {  	_ = 	snop  }
0x7: {  	_ = 	snop  }
__scs_overlays_trampoline_lowered:
0x8: {  	[smem:$0x3F8A] =	sst s0  }
0x9: {  	[smem:$0x3F8B] =	sst s1  }
0xa: {  	[smem:$0x3F8C] =	sst s2  }
0xb: {  	[smem:$0x3F8D] =	sst s3  }
0xc: {  	[smem:$0x3F8E] =	sst s4  }
0xd: {  	[smem:$0x3F8F] =	sst s5  }
0xe: {  	[smem:$0x3F90] =	sst s6  }
0xf: {  	[smem:$0x3F91] =	sst s7  }
0x10: {  	[smem:$0x3F92] =	sst s8  }
0x11: {  	[smem:$0x3F93] =	sst s9;
	s0 =	simm.s32 @!p0 $0x0  }
0x12: {  	s1 =	sld [smem:$0x3F79];
	s0 =	simm.s32 @p0 $0x1  }
0x13: {  	[smem:$0x3F94] =	sst s0;
	s0 =	simm.s32 @!p1 $0x0  }
0x14: {  	s2 =	sld [smem:$0x3F78];
	s0 =	simm.s32 @p1 $0x1  }
0x15: {  	[smem:$0x3F95] =	sst s0;
	s0 =	simm.s32 @!p2 $0x0  }
0x16: {  	s3 =	sld [smem:$0x3FDB];
	s0 =	simm.s32 @p2 $0x1  }
0x17: {  	s4 =	simm.s32 $0x1BF5;
	[smem:$0x3F97] =	sst s0  }
0x18: {  	s0 =	sld [smem:$0x3F7A];
	_ =	swait.ge [sflag:s4], $0x0  }
0x19: {  	s7 =	sld [smem:$0x3F7B]  }
0x1a: {  	s8 =	sadd.s32 $0xFFFFE003, lr  }
0x1b: {  	s9 =	sadd.s32 $0xFFFFFEF7, lr;
	s5 =	simm.s32 $0xFFFFFFFF;
	p2 =	slt.u32 s8, $0xFFFFF086  }
0x1c: {  	p1 =	slt.u32 s9, $0xF7A;
	s5 =	simm.s32 @!p2 $0x0  }
0x1d: {  	s5 =	simm.s32 @p1 $0x1;
	p0 =	seq.s32 s7, s2  }
0x1e: {  	s7 =	smul.u32 @!p0 $0xF7A, s2;
	p2 =	seq.s32 @!p0 s5, $0x0  }
0x1f: {  	s9 =	smul.u32 $0xF7A, s1;
	s8 =	simm.s32 @!p0 $0x1BF5;
	p2 =	por !p2, p0  }
0x20: {  	[sflag:s8] =	ssyncset.s32 @!p0 $0xFFFFF086;
	s6 =	sadd.s32 @!p0 s3, s7;
	s7 =	simm.s32 @!p0 $0x108  }
0x21: {  	s3 =	sadd.s32 s3, s9;
	s6 =	sadd.s32 @!p0 $0x88, s6;
	s7 =	simm.s32 @p2 $0x1082  }
0x22: {  	[simem:s7], [sflag:s8] =	dma.local @!p0 [hbm:s6], $0xF7A  }
0x23: {  	s9 =	sor.u32 $0xD0000000, s2;
	s6 =	simm.s32 $0x108;
	_ =	swait.ge @!p0 [sflag:s8], $0x0  }
0x24: {  	s3 =	sadd.s32 $0x88, s3;
	s6 =	simm.s32 @!p1 $0x1082;
	[sflag:s4] =	ssyncset.s32 $0xFFFFF086  }
0x25: {  	[simem:s6], [sflag:s4] =	dma.local [hbm:s3], $0xF7A  }
0x26: {  	[smem:$0x3F7B] =	sst s1;
	(tag) =	ssettag s2;
	_ =	strace s9  }
0x27: {  	s1 =	sld [smem:$0x3F8B]  }
0x28: {  	s2 =	sld [smem:$0x3F8C]  }
0x29: {  	s4 =	sld [smem:$0x3F8E]  }
0x2a: {  	p0 =	seq.s32 s5, $0x0;
	s5 =	sld [smem:$0x3F8F]  }
0x2b: {  	s6 =	sld [smem:$0x3F90]  }
0x2c: {  	s7 =	sld [smem:$0x3F91]  }
0x2d: {  	s3 =	simm.s32 $0x108;
	s8 =	sld [smem:$0x3F92]  }
0x2e: {  	s3 =	simm.s32 @!p0 $0x1082;
	s9 =	sld [smem:$0x3F93]  }
0x2f: {  	lr =	sadd.s32 s0, s3;
	s0 =	sld [smem:$0x3F8A]  }
0x30: {  	s3 =	sld [smem:$0x3F8D]  }
0x31: {  	[smem:$0x3F96] =	sst s10  }
0x32: {  	s10 =	sld [smem:$0x3F94];
	_ =	sdelay $0x3  }
0x33: {  	p0 =	seq.s32 s10, $0x1;
	s10 =	sld [smem:$0x3F96];
	_ =	sdelay $0x3  }
0x34: {  	[smem:$0x3F96] =	sst s10  }
0x35: {  	s10 =	sld [smem:$0x3F95];
	_ =	sdelay $0x3  }
0x36: {  	p1 =	seq.s32 s10, $0x1;
	s10 =	sld [smem:$0x3F96];
	_ =	sdelay $0x3  }
0x37: {  	[smem:$0x3F96] =	sst s10  }
0x38: {  	s10 =	sld [smem:$0x3F97]  }
0x39: {  	_ = 	snop;
	(pc) =	sbr.ind lr, $3  }
0x3a: {  	_ = 	snop  }
0x3b: {  	_ = 	snop  }
0x3c: {  	p2 =	seq.s32 s10, $0x1;
	s10 =	sld [smem:$0x3F96]  }
0x3d: {  	_ =	shalt  }
0x3e: {  	_ =	shalt  }
0x3f: {  	_ =	shalt  }
0x40: {  	_ =	shalt  }
0x41: {  	_ =	shalt  }
0x42: {  	_ =	shalt  }
0x43: {  	_ =	shalt  }
0x44: {  	_ =	shalt  }
0x45: {  	_ =	shalt  }
0x46: {  	_ =	shalt  }
0x47: {  	_ =	shalt  }
0x48: {  	_ =	shalt  }
0x49: {  	_ =	shalt  }
0x4a: {  	_ =	shalt  }
0x4b: {  	_ =	shalt  }
0x4c: {  	_ =	shalt  }
0x4d: {  	_ =	shalt  }
0x4e: {  	_ =	shalt  }
0x4f: {  	_ =	shalt  }
0x50: {  	_ =	shalt  }
0x51: {  	_ =	shalt  }
0x52: {  	_ =	shalt  }
0x53: {  	_ =	shalt  }
0x54: {  	_ =	shalt  }
0x55: {  	_ =	shalt  }
0x56: {  	_ =	shalt  }
0x57: {  	_ =	shalt  }
0x58: {  	_ =	shalt  }
0x59: {  	_ =	shalt  }
0x5a: {  	_ =	shalt  }
0x5b: {  	_ =	shalt  }
0x5c: {  	_ =	shalt  }
0x5d: {  	_ =	shalt  }
0x5e: {  	_ =	shalt  }
0x5f: {  	_ =	shalt  }
0x60: {  	_ =	shalt  }
0x61: {  	_ =	shalt  }
0x62: {  	_ =	shalt  }
0x63: {  	_ =	shalt  }
0x64: {  	_ =	shalt  }
0x65: {  	_ =	shalt  }
0x66: {  	_ =	shalt  }
0x67: {  	_ =	shalt  }
0x68: {  	_ =	shalt  }
0x69: {  	_ =	shalt  }
0x6a: {  	_ =	shalt  }
0x6b: {  	_ =	shalt  }
0x6c: {  	_ =	shalt  }
0x6d: {  	_ =	shalt  }
0x6e: {  	_ =	shalt  }
0x6f: {  	_ =	shalt  }
0x70: {  	_ =	shalt  }
0x71: {  	_ =	shalt  }
0x72: {  	_ =	shalt  }
0x73: {  	_ =	shalt  }
0x74: {  	_ =	shalt  }
0x75: {  	_ =	shalt  }
0x76: {  	_ =	shalt  }
0x77: {  	_ =	shalt  }
0x78: {  	_ =	shalt  }
0x79: {  	_ =	shalt  }
0x7a: {  	_ =	shalt  }
0x7b: {  	_ =	shalt  }
0x7c: {  	_ =	shalt  }
0x7d: {  	_ =	shalt  }
0x7e: {  	_ =	shalt  }
0x7f: {  	_ =	shalt  }
0x80: {  	_ =	shalt  }
0x81: {  	_ =	shalt  }
0x82: {  	_ =	shalt  }
0x83: {  	_ =	shalt  }
0x84: {  	_ =	shalt  }
0x85: {  	_ =	shalt  }
0x86: {  	_ =	shalt  }
0x87: {  	_ =	shalt  }
.Lfunc_end0:
.L_simem_size_0:
called_computation.3_lowered:
.L_overlay_start_0:
0x88: {  	s2 =	sld [smem:$0x3FD9]  }
0x89: {  	s3 =	sld [smem:$0x3FFE];
	_ =	sdelay $0x1  }
0x8a: {  	s1 =	srdreg.scid  }
0x8b: {  	s0 =	sand.u32 $0x1, s1  }
0x8c: {  	s17 =	sshll.u32 s0, $0xA;
	s2 =	sadd.s32 s3, s2  }
0x8d: {  	s2 =	sadd.s32 s2, s17  }
0x8e: {  	[smem:$0x3FA2] =	sst s2  }
0x8f: {  	_ = 	snop  }
0x90: {  	s2 =	sld [smem:$0x3FC6];
	(tm) =	ssettm $0x1  }
0x91: {  	s18 =	sld [smem:$0x3FFB];
	_ =	sdelay $0x3  }
0x92: {  	_ =	strace s18  }
0x93: {  	s3 =	sld [smem:$0x3FFC];
	_ =	sdelay $0x3  }
0x94: {  	_ =	strace s3  }
0x95: {  	s3 =	sld [smem:$0x3FFD];
	_ =	sdelay $0x3  }
0x96: {  	_ =	strace s3  }
0x97: {  	_ =	strace $0x8FFFFFFF  }
0x98: {  	s19 =	sld [smem:$0x3FDB];
	_ =	sdelay $0x1  }
0x99: {  	s4 =	simm.s32 $_scs_section_size  }
0x9a: {  	s5 =	simm.s32 $_size__tile_overlayer_lowered;
	s6 =	simm.s32 $_tile_overlayer_lowered  }
0x9b: {  	s22 =	simm.s32 $0x1BFF;
	s21 =	sshll.u32 s6, $0x1;
	s3 =	sadd.s32 s4, s19  }
0x9c: {  	s7 =	simm.s32 $0x0;
	s20 =	sshll.u32 s5, $0x1;
	s5 =	sadd.s32 s21, s3  }
0x9d: {  	[timem:s7], [sflag:s22] =	dma.local [hbm:s5], s20  }
0x9e: {  	_ =	swait.ge [sflag:s22], s20  }
0x9f: {  	s4 =	ssub.s32 $0x0, s20;
	[sflag:s22] =	ssyncset.done $0x0  }
0xa0: {  	[sflag:s22] =	ssyncadd.s32 s4;
	_ =	sdelay $0x1  }
0xa1: {  	s23 =	simm.s32 $0x1B8B  }
0xa2: {  	_ =	swait.ge [sflag:s23], $0x1  }
0xa3: {  	[sflag:s23] =	ssyncset.done $0x0  }
0xa4: {  	s25 =	simm.s32 $0x1B8E;
	s24 =	sld [smem:$0x3FFE];
	[sflag:s23] =	ssyncadd.s32 $0xFFFFFFFF  }
0xa5: {  	s26 =	simm.s32 $execute0_lowered;
	[smem:$0x3FD2] =	sst s25  }
0xa6: {  	s5 =	sshll.u32 s26, $0x1;
	_ =	strace $0x8000004F;
	[dreg:$0x1] =	wrdreg $0xFFFFFFFF  }
0xa7: {  	s28 =	simm.s32 $_size_execute0_lowered;
	s3 =	sadd.s32 s3, s5;
	[dreg:$0x0] =	wrdreg $0x0  }
0xa8: {  	s5 =	sshll.u32 s28, $0x1;
	[dreg:$0x2] =	wrdreg s3  }
0xa9: {  	[dreg:$0x3] =	wrdreg s5  }
0xaa: {  	[dreg:$0x4] =	wrdreg $0xC0  }
0xab: {  	_ =	task [dreg:s7], $0x5FFFF  }
0xac: {  	[dreg:$0x1] =	wrdreg $0xFFFFFFFF  }
0xad: {  	[dreg:$0x0] =	wrdreg $0x60  }
0xae: {  	[dreg:$0x2] =	wrdreg s24  }
0xaf: {  	[dreg:$0x3] =	wrdreg s2  }
0xb0: {  	[dreg:$0x4] =	wrdreg $0x0  }
0xb1: {  	[dreg:$0x5] =	wrdreg $0x9  }
0xb2: {  	_ =	task.clear_ibuf [dreg:s7], $0x6FFFF;
	_ =	strace $0x9000004F  }
0xb3: {  	s29 =	simm.s32 $0x9;
	_ =	strace $0x80000051  }
0xb4: {  	_ =	swait.ge [sflag:s29], $0x1  }
0xb5: {  	[sflag:s29] =	ssyncadd.s32 $0xFFFFFFFF  }
0xb6: {  	_ =	strace $0x90000051  }
0xb7: {  	_ =	sfence  }
0xb8: {  	s30 =	sld [smem:$0x0];
	_ =	sdelay $0x2  }
0xb9: {  	s31 =	sshll.u32 s1, $0xD;
	s1 =	sshrl.u32 s1, $0x2  }
0xba: {  	s3 =	sand.u32 $0x4000, s31;
	s1 =	sadd.s32 s1, s30  }
0xbb: {  	s0 =	sor.u32 s3, s0;
	s1 =	sshll.u32 s1, $0x11  }
0xbc: {  	s0 =	sor.u32 s1, s0  }
0xbd: {  	s0 =	sadd.s32 $0x8F2B, s0  }
0xbe: {  	[sflag:s0] =	ssyncadd.remote.s32 $0x1  }
0xbf: {  	_ =	sfence.sel $0xFFFF  }
0xc0: {  	[dreg:$0x0] =	wrdreg $0xFFFFFFFF;
	(pc) =	sbr.abs _section_cstart, $3  }
0xc1: {  	[dreg:$0x1] =	wrdreg $0xFFFFFFFF  }
0xc2: {  	_ =	task.clear_ibuf [dreg:s7], $0x2FFFF;
	_ =	strace $0x9FFFFFFF  }
0xc3: {  	(tm) =	ssettm $0x7FFFFFFF  }
tec
execute0_lowered:
.L_overlay_start_1:
0x0: {  	(tag) =	ssettag $0x1  }
0x1: {  	s4 =	rddreg [dreg:$0x0]  }
0x2: {  	s6 =	rddreg [dreg:$0x1]  }
0x3: {  	s2 =	rddreg [dreg:$0x2]  }
0x4: {  	s3 =	srdreg.scid;
	s0 =	rddreg [dreg:$0x3]  }
0x5: {  	s1 =	stileid.u32;
	s16 =	sand.u32 $0x1, s3;
	s3 =	simm.s32 $0x0  }
0x6: {  	s5 =	sshll.u32 s1, $0x8;
	s30 =	sshll.u32 s1, $0xA;
	s8 =	sshll.u32 s1, $0xD  }
0x7: {  	s18 =	sshll.u32 s1, $0x6;
	s7 =	sshll.u32 s16, $0x7;
	[smem:$0x7FF] =	sst s3  }
0x8: {  	s17 =	sadd.s32 s30, s4;
	s8 =	sadd.s32 s8, s2;
	s7 =	sor.u32 s7, s5  }
0x9: {  	_ =	strace $0x80000050;
	s5 =	sshll.u32 s7, $0x4;
	s7 =	sshrl.u32 s7, $0x3  }
0xa: {  	s9 =	sadd.s32 s5, s4;
	s4 =	sadd.s32 $0x1F800, s17;
	s5 =	sor.u32 $0x1C01, s18  }
0xb: {  	s6 =	sadd.s32 s6, s7;
	s7 =	sshrl.u32 s8, $0x3;
	s8 =	simm.s32 $0x2000  }
0xc: {  	[spmem:s7], [sflag:s5] =	dma.local [hbm:s4], $0x400  }
0xd: {  	[tilespmem:s8], [sflag:$0x2] =	stream.linear.gather [hbm4b:s6+s3], $0x80, $0x38;
	[tilespmem:$0x6080] =	vst v63  }
0xe: {  	s10 =	simm.s32 $0x2080;
	s11 =	simm.s32 $0x1;
	s9 =	sadd.s32 $0xF800, s9  }
0xf: {  	[tilespmem:s10], [sflag:$0x3] =	stream.linear.gather [hbm4b:s9+s3], $0x4000, $0x38;
	[tilespmem:$0x6080] =	vst v63  }
0x10: {  	_ =	swait.ge [sflag:s11], $0x400  }
0x11: {  	[sflag:s11] =	ssyncset.done $0x0  }
0x12: {  	s12 =	simm.s32 $0x2;
	[sflag:s11] =	ssyncadd.s32 $0xFFFFFC00  }
0x13: {  	_ =	swait.ge [sflag:s12], $0x80  }
0x14: {  	[sflag:s12] =	ssyncset.done $0x0  }
0x15: {  	s13 =	simm.s32 $0x3;
	[sflag:s12] =	ssyncadd.s32 $0xFFFFFF80  }
0x16: {  	s15 =	simm.s32 $0x80;
	_ =	swait.ge [sflag:s13], $0x4000  }
0x17: {  	s14 =	simm.s32 $0x4;
	s19 =	ssub.s32 $0x2, s16;
	[sflag:s13] =	ssyncset.done $0x0  }
0x18: {  	s16 =	sshll.u32 s16, $0xE;
	s31 =	sshrl.u32 s19, $0x1;
	[sflag:s13] =	ssyncadd.s32 $0xFFFFC000  }
0x19: {  	s16 =	sadd.s32 s16, s17;
	s17 =	ssub.s32 s19, s31;
	[bflag:$0x0] =	sbarrier.arrive $0xFFFF  }
0x1a: {  	[spmem:s2] =	stream.indirect.scatter.add.f32 [tilespmem:s10], [sflag:$0x4], $0x80, s8, s15, $0xb8;
	[tilespmem:$0x6080] =	vst v63  }
0x1b: {  	s19 =	smax.u32 s17, $0x1;
	_ =	swait.ge [sflag:s14], $0x4000  }
0x1c: {  	p0 =	sne.s32 s19, $0x1;
	[sflag:s14] =	ssyncset.done $0x0  }
.Ltmp0:
0x1d: {  	[sflag:s14] =	ssyncadd.s32 $0xFFFFC000;
	(pc) =	sbr.rel @!p0 .LBB2_2-.Ltmp0, $4  }
0x1e: {  	s16 =	sadd.s32 $0x43800, s16;
	s17 =	sor.u32 $0x1C04, s18;
	[bflag:$0x0] =	sbarrier.arrive $0xFFFF  }
0x1f: {  	[hbm:s16], [sflag:s17] =	dma.local [spmem:s7], $0x400  }
0x20: {  	_ =	swait.ge [sflag:s14], $0x400  }
0x21: {  	s18 =	sadd.s32 $0xFFFFFFFF, s19;
	[sflag:s14] =	ssyncset.done $0x0  }
.LBB2_1:
0x22: {  	p0 =	sne.s32 s18, $0x1;
	s18 =	sadd.s32 $0xFFFFFFFF, s18;
	[sflag:s14] =	ssyncadd.s32 $0xFFFFFC00  }
0x23: {  	[spmem:s7], [sflag:s5] =	dma.local [hbm:s4], $0x400  }
0x24: {  	[tilespmem:s8], [sflag:$0x2] =	stream.linear.gather [hbm4b:s6+s3], $0x80, $0x38;
	[tilespmem:$0x6080] =	vst v63  }
0x25: {  	_ = 	snop  }
0x26: {  	[tilespmem:s10], [sflag:$0x3] =	stream.linear.gather [hbm4b:s9+s3], $0x4000, $0x38;
	[tilespmem:$0x6080] =	vst v63  }
0x27: {  	_ =	swait.ge [sflag:s11], $0x400  }
0x28: {  	[sflag:s11] =	ssyncset.done $0x0  }
0x29: {  	[sflag:s11] =	ssyncadd.s32 $0xFFFFFC00  }
0x2a: {  	_ =	swait.ge [sflag:s12], $0x80  }
0x2b: {  	[sflag:s12] =	ssyncset.done $0x0  }
0x2c: {  	[sflag:s12] =	ssyncadd.s32 $0xFFFFFF80  }
0x2d: {  	_ =	swait.ge [sflag:s13], $0x4000  }
0x2e: {  	[sflag:s13] =	ssyncset.done $0x0  }
0x2f: {  	[sflag:s13] =	ssyncadd.s32 $0xFFFFC000  }
0x30: {  	[bflag:$0x0] =	sbarrier.arrive $0xFFFF  }
0x31: {  	[spmem:s2] =	stream.indirect.scatter.add.f32 [tilespmem:s10], [sflag:$0x4], $0x80, s8, s15, $0xb8;
	[tilespmem:$0x6080] =	vst v63  }
0x32: {  	_ =	swait.ge [sflag:s14], $0x4000  }
0x33: {  	[sflag:s14] =	ssyncset.done $0x0  }
.Ltmp1:
0x34: {  	[sflag:s14] =	ssyncadd.s32 $0xFFFFC000;
	(pc) =	sbr.rel @p0 .LBB2_1-.Ltmp1, $4  }
0x35: {  	[bflag:$0x0] =	sbarrier.arrive $0xFFFF  }
0x36: {  	[hbm:s16], [sflag:s17] =	dma.local [spmem:s7], $0x400  }
0x37: {  	_ =	swait.ge [sflag:s14], $0x400  }
0x38: {  	[sflag:s14] =	ssyncset.done $0x0  }
.LBB2_2:
0x39: {  	[sflag:s14] =	ssyncadd.s32 $0xFFFFFC00  }
0x3a: {  	_ =	sfence.sel $0x180000  }
0x3b: {  	[bflag:$0x0] =	sbarrier.arrive $0xFFFF  }
0x3c: {  	p0 =	sne.s32 s1, $0x0;
	_ =	strace $0x90000050  }
0x3d: {  	s0 =	sadd.s32 @!p0 $0x100000, s0;
	[bflag:$0x2] =	sbarrier.arrive $0xFFFF  }
0x3e: {  	[sflag:s0] =	ssyncadd.tile.s32 @!p0 $0x1;
	_ =	shalt  }
.Lfunc_end2:
_tile_overlayer_lowered:
.L_overlay_start_2:
0x3f: {  	(tag) =	ssettag $0x2  }
0x40: {  	s0 =	rddreg [dreg:$0x0];
	s2 =	stileid.u32  }
0x41: {  	s1 =	rddreg [dreg:$0x1];
	p0 =	sne.s32 s2, $0x0  }
0x42: {  	s3 =	rddreg [dreg:$0x2];
	[bflag:$0x3] =	sbarrier.arrive $0xFFFF;
	s2 =	simm.s32 @!p0 $0x1C04  }
0x43: {  	[timem:s3], [sflag:s2] =	dma.local @!p0 [hbm:s0], s1  }
0x44: {  	s0 =	simm.s32 @!p0 $0x4  }
0x45: {  	_ =	swait.ge @!p0 [sflag:s0], s1  }
0x46: {  	s1 =	ssub.s32 @!p0 $0x0, s1;
	[sflag:s0] =	ssyncset.done @!p0 $0x0  }
0x47: {  	[sflag:s0] =	ssyncadd.s32 @!p0 s1  }
0x48: {  	[bflag:$0x3] =	sbarrier.arrive $0xFFFF  }
0x49: {  	_ =	shalt  }

// kernel: kernel.35.cloned.1.call-start
scs
__scs_entry_jumppad:
0x0: {  	(pc) =	sbr.rel $0x88, $3  }
0x1: {  	(tag) =	ssettag $0x0;
	lr =	simm.s32 $0x1  }
0x2: {  	[smem:$0x3F7B] =	sst lr;
	_ =	strace $0xD0000000  }
0x3: {  	_ = 	snop  }
0x4: {  	_ = 	snop  }
0x5: {  	_ = 	snop  }
0x6: {  	_ = 	snop  }
0x7: {  	_ = 	snop  }
__scs_overlays_trampoline_lowered:
0x8: {  	[smem:$0x3F8A] =	sst s0  }
0x9: {  	[smem:$0x3F8B] =	sst s1  }
0xa: {  	[smem:$0x3F8C] =	sst s2  }
0xb: {  	[smem:$0x3F8D] =	sst s3  }
0xc: {  	[smem:$0x3F8E] =	sst s4  }
0xd: {  	[smem:$0x3F8F] =	sst s5  }
0xe: {  	[smem:$0x3F90] =	sst s6  }
0xf: {  	[smem:$0x3F91] =	sst s7  }
0x10: {  	[smem:$0x3F92] =	sst s8  }
0x11: {  	[smem:$0x3F93] =	sst s9;
	s0 =	simm.s32 @!p0 $0x0  }
0x12: {  	s1 =	sld [smem:$0x3F79];
	s0 =	simm.s32 @p0 $0x1  }
0x13: {  	[smem:$0x3F94] =	sst s0;
	s0 =	simm.s32 @!p1 $0x0  }
0x14: {  	s2 =	sld [smem:$0x3F78];
	s0 =	simm.s32 @p1 $0x1  }
0x15: {  	[smem:$0x3F95] =	sst s0;
	s0 =	simm.s32 @!p2 $0x0  }
0x16: {  	s3 =	sld [smem:$0x3FDB];
	s0 =	simm.s32 @p2 $0x1  }
0x17: {  	s4 =	simm.s32 $0x1BF5;
	[smem:$0x3F97] =	sst s0  }
0x18: {  	s0 =	sld [smem:$0x3F7A];
	_ =	swait.ge [sflag:s4], $0x0  }
0x19: {  	s7 =	sld [smem:$0x3F7B]  }
0x1a: {  	s8 =	sadd.s32 $0xFFFFE003, lr  }
0x1b: {  	s9 =	sadd.s32 $0xFFFFFEF7, lr;
	s5 =	simm.s32 $0xFFFFFFFF;
	p2 =	slt.u32 s8, $0xFFFFF086  }
0x1c: {  	p1 =	slt.u32 s9, $0xF7A;
	s5 =	simm.s32 @!p2 $0x0  }
0x1d: {  	s5 =	simm.s32 @p1 $0x1;
	p0 =	seq.s32 s7, s2  }
0x1e: {  	s7 =	smul.u32 @!p0 $0xF7A, s2;
	p2 =	seq.s32 @!p0 s5, $0x0  }
0x1f: {  	s9 =	smul.u32 $0xF7A, s1;
	s8 =	simm.s32 @!p0 $0x1BF5;
	p2 =	por !p2, p0  }
0x20: {  	[sflag:s8] =	ssyncset.s32 @!p0 $0xFFFFF086;
	s6 =	sadd.s32 @!p0 s3, s7;
	s7 =	simm.s32 @!p0 $0x108  }
0x21: {  	s3 =	sadd.s32 s3, s9;
	s6 =	sadd.s32 @!p0 $0x88, s6;
	s7 =	simm.s32 @p2 $0x1082  }
0x22: {  	[simem:s7], [sflag:s8] =	dma.local @!p0 [hbm:s6], $0xF7A  }
0x23: {  	s9 =	sor.u32 $0xD0000000, s2;
	s6 =	simm.s32 $0x108;
	_ =	swait.ge @!p0 [sflag:s8], $0x0  }
0x24: {  	s3 =	sadd.s32 $0x88, s3;
	s6 =	simm.s32 @!p1 $0x1082;
	[sflag:s4] =	ssyncset.s32 $0xFFFFF086  }
0x25: {  	[simem:s6], [sflag:s4] =	dma.local [hbm:s3], $0xF7A  }
0x26: {  	[smem:$0x3F7B] =	sst s1;
	(tag) =	ssettag s2;
	_ =	strace s9  }
0x27: {  	s1 =	sld [smem:$0x3F8B]  }
0x28: {  	s2 =	sld [smem:$0x3F8C]  }
0x29: {  	s4 =	sld [smem:$0x3F8E]  }
0x2a: {  	p0 =	seq.s32 s5, $0x0;
	s5 =	sld [smem:$0x3F8F]  }
0x2b: {  	s6 =	sld [smem:$0x3F90]  }
0x2c: {  	s7 =	sld [smem:$0x3F91]  }
0x2d: {  	s3 =	simm.s32 $0x108;
	s8 =	sld [smem:$0x3F92]  }
0x2e: {  	s3 =	simm.s32 @!p0 $0x1082;
	s9 =	sld [smem:$0x3F93]  }
0x2f: {  	lr =	sadd.s32 s0, s3;
	s0 =	sld [smem:$0x3F8A]  }
0x30: {  	s3 =	sld [smem:$0x3F8D]  }
0x31: {  	[smem:$0x3F96] =	sst s10  }
0x32: {  	s10 =	sld [smem:$0x3F94];
	_ =	sdelay $0x3  }
0x33: {  	p0 =	seq.s32 s10, $0x1;
	s10 =	sld [smem:$0x3F96];
	_ =	sdelay $0x3  }
0x34: {  	[smem:$0x3F96] =	sst s10  }
0x35: {  	s10 =	sld [smem:$0x3F95];
	_ =	sdelay $0x3  }
0x36: {  	p1 =	seq.s32 s10, $0x1;
	s10 =	sld [smem:$0x3F96];
	_ =	sdelay $0x3  }
0x37: {  	[smem:$0x3F96] =	sst s10  }
0x38: {  	s10 =	sld [smem:$0x3F97]  }
0x39: {  	_ = 	snop;
	(pc) =	sbr.ind lr, $3  }
0x3a: {  	_ = 	snop  }
0x3b: {  	_ = 	snop  }
0x3c: {  	p2 =	seq.s32 s10, $0x1;
	s10 =	sld [smem:$0x3F96]  }
0x3d: {  	_ =	shalt  }
0x3e: {  	_ =	shalt  }
0x3f: {  	_ =	shalt  }
0x40: {  	_ =	shalt  }
0x41: {  	_ =	shalt  }
0x42: {  	_ =	shalt  }
0x43: {  	_ =	shalt  }
0x44: {  	_ =	shalt  }
0x45: {  	_ =	shalt  }
0x46: {  	_ =	shalt  }
0x47: {  	_ =	shalt  }
0x48: {  	_ =	shalt  }
0x49: {  	_ =	shalt  }
0x4a: {  	_ =	shalt  }
0x4b: {  	_ =	shalt  }
0x4c: {  	_ =	shalt  }
0x4d: {  	_ =	shalt  }
0x4e: {  	_ =	shalt  }
0x4f: {  	_ =	shalt  }
0x50: {  	_ =	shalt  }
0x51: {  	_ =	shalt  }
0x52: {  	_ =	shalt  }
0x53: {  	_ =	shalt  }
0x54: {  	_ =	shalt  }
0x55: {  	_ =	shalt  }
0x56: {  	_ =	shalt  }
0x57: {  	_ =	shalt  }
0x58: {  	_ =	shalt  }
0x59: {  	_ =	shalt  }
0x5a: {  	_ =	shalt  }
0x5b: {  	_ =	shalt  }
0x5c: {  	_ =	shalt  }
0x5d: {  	_ =	shalt  }
0x5e: {  	_ =	shalt  }
0x5f: {  	_ =	shalt  }
0x60: {  	_ =	shalt  }
0x61: {  	_ =	shalt  }
0x62: {  	_ =	shalt  }
0x63: {  	_ =	shalt  }
0x64: {  	_ =	shalt  }
0x65: {  	_ =	shalt  }
0x66: {  	_ =	shalt  }
0x67: {  	_ =	shalt  }
0x68: {  	_ =	shalt  }
0x69: {  	_ =	shalt  }
0x6a: {  	_ =	shalt  }
0x6b: {  	_ =	shalt  }
0x6c: {  	_ =	shalt  }
0x6d: {  	_ =	shalt  }
0x6e: {  	_ =	shalt  }
0x6f: {  	_ =	shalt  }
0x70: {  	_ =	shalt  }
0x71: {  	_ =	shalt  }
0x72: {  	_ =	shalt  }
0x73: {  	_ =	shalt  }
0x74: {  	_ =	shalt  }
0x75: {  	_ =	shalt  }
0x76: {  	_ =	shalt  }
0x77: {  	_ =	shalt  }
0x78: {  	_ =	shalt  }
0x79: {  	_ =	shalt  }
0x7a: {  	_ =	shalt  }
0x7b: {  	_ =	shalt  }
0x7c: {  	_ =	shalt  }
0x7d: {  	_ =	shalt  }
0x7e: {  	_ =	shalt  }
0x7f: {  	_ =	shalt  }
0x80: {  	_ =	shalt  }
0x81: {  	_ =	shalt  }
0x82: {  	_ =	shalt  }
0x83: {  	_ =	shalt  }
0x84: {  	_ =	shalt  }
0x85: {  	_ =	shalt  }
0x86: {  	_ =	shalt  }
0x87: {  	_ =	shalt  }
.Lfunc_end0:
.L_simem_size_0:
called_computation.4_lowered:
.L_overlay_start_0:
0x88: {  	s2 =	sld [smem:$0x3FD9]  }
0x89: {  	s3 =	sld [smem:$0x3FFE];
	_ =	sdelay $0x1  }
0x8a: {  	s1 =	srdreg.scid  }
0x8b: {  	s0 =	sand.u32 $0x1, s1  }
0x8c: {  	s17 =	sshll.u32 s0, $0xA;
	s2 =	sadd.s32 s3, s2  }
0x8d: {  	s2 =	sadd.s32 s2, s17  }
0x8e: {  	[smem:$0x3FA2] =	sst s2  }
0x8f: {  	_ = 	snop  }
0x90: {  	s2 =	sld [smem:$0x3FC7]  }
0x91: {  	s18 =	sld [smem:$0x3FC6];
	(tm) =	ssettm $0x1  }
0x92: {  	s4 =	sld [smem:$0x3FFB];
	_ =	sdelay $0x3  }
0x93: {  	_ =	strace s4  }
0x94: {  	s4 =	sld [smem:$0x3FFC];
	_ =	sdelay $0x3  }
0x95: {  	_ =	strace s4  }
0x96: {  	s4 =	sld [smem:$0x3FFD];
	_ =	sdelay $0x3  }
0x97: {  	_ =	strace s4  }
0x98: {  	_ =	strace $0x8FFFFFFF  }
0x99: {  	s19 =	sld [smem:$0x3FDB];
	_ =	sdelay $0x1  }
0x9a: {  	s5 =	simm.s32 $_scs_section_size  }
0x9b: {  	s6 =	simm.s32 $_size__tile_overlayer_lowered;
	s7 =	simm.s32 $_tile_overlayer_lowered  }
0x9c: {  	s22 =	simm.s32 $0x1BFF;
	s21 =	sshll.u32 s7, $0x1;
	s4 =	sadd.s32 s5, s19  }
0x9d: {  	s8 =	simm.s32 $0x0;
	s20 =	sshll.u32 s6, $0x1;
	s6 =	sadd.s32 s21, s4  }
0x9e: {  	[timem:s8], [sflag:s22] =	dma.local [hbm:s6], s20  }
0x9f: {  	_ =	swait.ge [sflag:s22], s20  }
0xa0: {  	s5 =	ssub.s32 $0x0, s20;
	[sflag:s22] =	ssyncset.done $0x0  }
0xa1: {  	[sflag:s22] =	ssyncadd.s32 s5;
	_ =	sdelay $0x1  }
0xa2: {  	s23 =	simm.s32 $0x1B8B  }
0xa3: {  	_ =	swait.ge [sflag:s23], $0x1  }
0xa4: {  	[sflag:s23] =	ssyncset.done $0x0  }
0xa5: {  	s25 =	simm.s32 $0x1B8E;
	s24 =	sld [smem:$0x3FFE];
	[sflag:s23] =	ssyncadd.s32 $0xFFFFFFFF  }
0xa6: {  	s26 =	simm.s32 $execute0_lowered;
	[smem:$0x3FD2] =	sst s25  }
0xa7: {  	s6 =	sshll.u32 s26, $0x1;
	_ =	strace $0x80000052;
	[dreg:$0x1] =	wrdreg $0xFFFFFFFF  }
0xa8: {  	s28 =	simm.s32 $_size_execute0_lowered;
	s4 =	sadd.s32 s4, s6;
	[dreg:$0x0] =	wrdreg $0x0  }
0xa9: {  	s6 =	sshll.u32 s28, $0x1;
	[dreg:$0x2] =	wrdreg s4  }
0xaa: {  	[dreg:$0x3] =	wrdreg s6  }
0xab: {  	[dreg:$0x4] =	wrdreg $0xC0  }
0xac: {  	_ =	task [dreg:s8], $0x5FFFF  }
0xad: {  	[dreg:$0x1] =	wrdreg $0xFFFFFFFF  }
0xae: {  	[dreg:$0x0] =	wrdreg $0x60  }
0xaf: {  	[dreg:$0x2] =	wrdreg s24  }
0xb0: {  	[dreg:$0x3] =	wrdreg s2  }
0xb1: {  	[dreg:$0x4] =	wrdreg s18  }
0xb2: {  	[dreg:$0x5] =	wrdreg $0x9  }
0xb3: {  	_ =	task.clear_ibuf [dreg:s8], $0x6FFFF;
	_ =	strace $0x90000052  }
0xb4: {  	s29 =	simm.s32 $0x9;
	_ =	strace $0x80000054  }
0xb5: {  	_ =	swait.ge [sflag:s29], $0x1  }
0xb6: {  	[sflag:s29] =	ssyncadd.s32 $0xFFFFFFFF  }
0xb7: {  	_ =	strace $0x90000054  }
0xb8: {  	_ =	sfence  }
0xb9: {  	s30 =	sld [smem:$0x0];
	_ =	sdelay $0x2  }
0xba: {  	s31 =	sshll.u32 s1, $0xD;
	s1 =	sshrl.u32 s1, $0x2  }
0xbb: {  	s3 =	sand.u32 $0x4000, s31;
	s1 =	sadd.s32 s1, s30  }
0xbc: {  	s0 =	sor.u32 s3, s0;
	s1 =	sshll.u32 s1, $0x11  }
0xbd: {  	s0 =	sor.u32 s1, s0  }
0xbe: {  	s0 =	sadd.s32 $0x8F2B, s0  }
0xbf: {  	[sflag:s0] =	ssyncadd.remote.s32 $0x1  }
0xc0: {  	_ =	sfence.sel $0xFFFF  }
0xc1: {  	[dreg:$0x0] =	wrdreg $0xFFFFFFFF;
	(pc) =	sbr.abs _section_cstart, $3  }
0xc2: {  	[dreg:$0x1] =	wrdreg $0xFFFFFFFF  }
0xc3: {  	_ =	task.clear_ibuf [dreg:s8], $0x2FFFF;
	_ =	strace $0x9FFFFFFF  }
0xc4: {  	(tm) =	ssettm $0x7FFFFFFF  }
0xc5: {  	_ =	shalt  }
tec
execute0_lowered:
.L_overlay_start_1:
0x0: {  	(tag) =	ssettag $0x1  }
0x1: {  	s1 =	srdreg.scid  }
0x2: {  	s12 =	rddreg [dreg:$0x0];
	s0 =	stileid.u32;
	s14 =	sand.u32 $0x1, s1  }
0x3: {  	s3 =	rddreg [dreg:$0x1];
	s5 =	sshll.u32 s0, $0x8;
	s6 =	sshll.u32 s14, $0x7  }
0x4: {  	s4 =	rddreg [dreg:$0x2];
	s2 =	simm.s32 $0x0;
	s13 =	sor.u32 s6, s5  }
0x5: {  	[smem:$0x7FF] =	sst s2;
	s5 =	sshrl.u32 s13, $0x3  }
0x6: {  	s1 =	rddreg [dreg:$0x3];
	_ =	strace $0x80000053;
	s3 =	sadd.s32 s3, s5  }
0x7: {  	[tilespmem:s2], [sflag:$0x1] =	stream.linear.gather [hbm4b:s3+s2], $0x80, $0x38;
	[tilespmem:$0x8100] =	vst v63  }
0x8: {  	s6 =	simm.s32 $0x1;
	s4 =	sadd.s32 s4, s5;
	s5 =	simm.s32 $0x80  }
0x9: {  	[tilespmem:s5], [sflag:$0x2] =	stream.linear.gather [hbm4b:s4+s2], $0x80, $0x38;
	[tilespmem:$0x8100] =	vst v63  }
0xa: {  	_ =	swait.ge [sflag:s6], $0x80  }
0xb: {  	s8 =	simm.s32 $0x100;
	[sflag:s6] =	ssyncset.done $0x0  }
0xc: {  	s9 =	simm.s32 $0x2;
	s7 =	sadd.s32 $0xB800, s12;
	[sflag:s6] =	ssyncadd.s32 $0xFFFFFF80  }
0xd: {  	[tilespmem:s8], [sflag:$0x3] =	stream.indirect.gather [hbm4b:s7+s5], $0x80, s2, s5, $0xb8;
	[tilespmem:$0x8100] =	vst v63  }
0xe: {  	_ =	swait.ge [sflag:s9], $0x80  }
0xf: {  	[sflag:s9] =	ssyncset.done $0x0  }
0x10: {  	s10 =	simm.s32 $0x4100;
	s11 =	simm.s32 $0x3;
	[sflag:s9] =	ssyncadd.s32 $0xFFFFFF80  }
0x11: {  	[tilespmem:s10], [sflag:$0x4] =	stream.indirect.gather [hbm4b:s7+s5], $0x80, s5, s5, $0xb8;
	[tilespmem:$0x8100] =	vst v63  }
0x12: {  	s16 =	ssub.s32 $0x2, s14;
	s13 =	sshll.u32 s13, $0x4;
	_ =	swait.ge [sflag:s11], $0x4000  }
0x13: {  	s17 =	sshrl.u32 s16, $0x1;
	s15 =	sadd.s32 s13, s12;
	[sflag:s11] =	ssyncset.done $0x0  }
0x14: {  	s13 =	simm.s32 $0x4;
	s12 =	sadd.s32 $0x43800, s15;
	[sflag:s11] =	ssyncadd.s32 $0xFFFFC000  }
0x15: {  	[hbm4b:s12+s2] =	stream.linear.scatter [tilespmem:s8], [sflag:$0x5], $0x4000, $0x38;
	[tilespmem:$0x8100] =	vst v63  }
0x16: {  	s16 =	ssub.s32 s16, s17;
	_ =	swait.ge [sflag:s13], $0x4000  }
0x17: {  	s17 =	smax.u32 s16, $0x1;
	s14 =	sadd.s32 $0x53800, s15;
	[sflag:s13] =	ssyncset.done $0x0  }
0x18: {  	s15 =	simm.s32 $0x5;
	p0 =	sne.s32 s17, $0x1;
	[sflag:s13] =	ssyncadd.s32 $0xFFFFC000  }
0x19: {  	[hbm4b:s14+s2] =	stream.linear.scatter [tilespmem:s10], [sflag:$0x6], $0x4000, $0x38;
	[tilespmem:$0x8100] =	vst v63  }
.Ltmp0:
0x1a: {  	_ =	swait.ge [sflag:s15], $0x4000;
	(pc) =	sbr.rel @!p0 .LBB2_2-.Ltmp0, $4  }
0x1b: {  	[sflag:s15] =	ssyncset.done $0x0  }
0x1c: {  	s16 =	simm.s32 $0x6;
	[sflag:s15] =	ssyncadd.s32 $0xFFFFC000  }
0x1d: {  	_ =	swait.ge [sflag:s16], $0x4000  }
0x1e: {  	s17 =	sadd.s32 $0xFFFFFFFF, s17;
	[sflag:s16] =	ssyncset.done $0x0  }
.LBB2_1:
0x1f: {  	p0 =	sne.s32 s17, $0x1;
	s17 =	sadd.s32 $0xFFFFFFFF, s17;
	[sflag:s16] =	ssyncadd.s32 $0xFFFFC000  }
0x20: {  	[tilespmem:s2], [sflag:$0x1] =	stream.linear.gather [hbm4b:s3+s2], $0x80, $0x38;
	[tilespmem:$0x8100] =	vst v63  }
0x21: {  	_ = 	snop  }
0x22: {  	[tilespmem:s5], [sflag:$0x2] =	stream.linear.gather [hbm4b:s4+s2], $0x80, $0x38;
	[tilespmem:$0x8100] =	vst v63  }
0x23: {  	_ =	swait.ge [sflag:s6], $0x80  }
0x24: {  	[sflag:s6] =	ssyncset.done $0x0  }
0x25: {  	[sflag:s6] =	ssyncadd.s32 $0xFFFFFF80  }
0x26: {  	[tilespmem:s8], [sflag:$0x3] =	stream.indirect.gather [hbm4b:s7+s5], $0x80, s2, s5, $0xb8;
	[tilespmem:$0x8100] =	vst v63  }
0x27: {  	_ =	swait.ge [sflag:s9], $0x80  }
0x28: {  	[sflag:s9] =	ssyncset.done $0x0  }
0x29: {  	[sflag:s9] =	ssyncadd.s32 $0xFFFFFF80  }
0x2a: {  	[tilespmem:s10], [sflag:$0x4] =	stream.indirect.gather [hbm4b:s7+s5], $0x80, s5, s5, $0xb8;
	[tilespmem:$0x8100] =	vst v63  }
0x2b: {  	_ =	swait.ge [sflag:s11], $0x4000  }
0x2c: {  	[sflag:s11] =	ssyncset.done $0x0  }
0x2d: {  	[sflag:s11] =	ssyncadd.s32 $0xFFFFC000  }
0x2e: {  	[hbm4b:s12+s2] =	stream.linear.scatter [tilespmem:s8], [sflag:$0x5], $0x4000, $0x38;
	[tilespmem:$0x8100] =	vst v63  }
0x2f: {  	_ =	swait.ge [sflag:s13], $0x4000  }
0x30: {  	[sflag:s13] =	ssyncset.done $0x0  }
0x31: {  	[sflag:s13] =	ssyncadd.s32 $0xFFFFC000  }
0x32: {  	[hbm4b:s14+s2] =	stream.linear.scatter [tilespmem:s10], [sflag:$0x6], $0x4000, $0x38;
	[tilespmem:$0x8100] =	vst v63  }
.Ltmp1:
0x33: {  	_ =	swait.ge [sflag:s15], $0x4000;
	(pc) =	sbr.rel @p0 .LBB2_1-.Ltmp1, $4  }
0x34: {  	[sflag:s15] =	ssyncset.done $0x0  }
0x35: {  	[sflag:s15] =	ssyncadd.s32 $0xFFFFC000  }
0x36: {  	_ =	swait.ge [sflag:s16], $0x4000  }
0x37: {  	[sflag:s16] =	ssyncset.done $0x0  }
.LBB2_2:
0x38: {  	[sflag:s16] =	ssyncadd.s32 $0xFFFFC000  }
0x39: {  	_ =	sfence.sel $0x180000  }
0x3a: {  	[bflag:$0x0] =	sbarrier.arrive $0xFFFF  }
0x3b: {  	p0 =	sne.s32 s0, $0x0;
	_ =	strace $0x90000053  }
0x3c: {  	s0 =	sadd.s32 @!p0 $0x100000, s1;
	[bflag:$0x2] =	sbarrier.arrive $0xFFFF  }
0x3d: {  	[sflag:s0] =	ssyncadd.tile.s32 @!p0 $0x1;
	_ =	shalt  }
.Lfunc_end2:
_tile_overlayer_lowered:
.L_overlay_start_2:
0x3e: {  	(tag) =	ssettag $0x2  }
0x3f: {  	s0 =	rddreg [dreg:$0x0];
	s2 =	stileid.u32  }
0x40: {  	s1 =	rddreg [dreg:$0x1];
	p0 =	sne.s32 s2, $0x0  }
0x41: {  	s3 =	rddreg [dreg:$0x2];
	[bflag:$0x3] =	sbarrier.arrive $0xFFFF;
	s2 =	simm.s32 @!p0 $0x1C07  }
0x42: {  	[timem:s3], [sflag:s2] =	dma.local @!p0 [hbm:s0], s1  }
0x43: {  	s0 =	simm.s32 @!p0 $0x7  }
0x44: {  	_ =	swait.ge @!p0 [sflag:s0], s1  }
0x45: {  	s1 =	ssub.s32 @!p0 $0x0, s1;
	[sflag:s0] =	ssyncset.done @!p0 $0x0  }
0x46: {  	[sflag:s0] =	ssyncadd.s32 @!p0 s1  }
0x47: {  	[bflag:$0x3] =	sbarrier.arrive $0xFFFF  }
0x48: {  	_ =	shalt  }

// kernel: kernel.38.cloned.1.call-start
scs
__scs_entry_jumppad:
0x0: {  	(pc) =	sbr.rel $0x88, $3  }
0x1: {  	(tag) =	ssettag $0x0;
	lr =	simm.s32 $0x1  }
0x2: {  	[smem:$0x3F7B] =	sst lr;
	_ =	strace $0xD0000000  }
0x3: {  	_ = 	snop  }
0x4: {  	_ = 	snop  }
0x5: {  	_ = 	snop  }
0x6: {  	_ = 	snop  }
0x7: {  	_ = 	snop  }
__scs_overlays_trampoline_lowered:
0x8: {  	[smem:$0x3F8A] =	sst s0  }
0x9: {  	[smem:$0x3F8B] =	sst s1  }
0xa: {  	[smem:$0x3F8C] =	sst s2  }
0xb: {  	[smem:$0x3F8D] =	sst s3  }
0xc: {  	[smem:$0x3F8E] =	sst s4  }
0xd: {  	[smem:$0x3F8F] =	sst s5  }
0xe: {  	[smem:$0x3F90] =	sst s6  }
0xf: {  	[smem:$0x3F91] =	sst s7  }
0x10: {  	[smem:$0x3F92] =	sst s8  }
0x11: {  	[smem:$0x3F93] =	sst s9;
	s0 =	simm.s32 @!p0 $0x0  }
0x12: {  	s1 =	sld [smem:$0x3F79];
	s0 =	simm.s32 @p0 $0x1  }
0x13: {  	[smem:$0x3F94] =	sst s0;
	s0 =	simm.s32 @!p1 $0x0  }
0x14: {  	s2 =	sld [smem:$0x3F78];
	s0 =	simm.s32 @p1 $0x1  }
0x15: {  	[smem:$0x3F95] =	sst s0;
	s0 =	simm.s32 @!p2 $0x0  }
0x16: {  	s3 =	sld [smem:$0x3FDB];
	s0 =	simm.s32 @p2 $0x1  }
0x17: {  	s4 =	simm.s32 $0x1BF5;
	[smem:$0x3F97] =	sst s0  }
0x18: {  	s0 =	sld [smem:$0x3F7A];
	_ =	swait.ge [sflag:s4], $0x0  }
0x19: {  	s7 =	sld [smem:$0x3F7B]  }
0x1a: {  	s8 =	sadd.s32 $0xFFFFE003, lr  }
0x1b: {  	s9 =	sadd.s32 $0xFFFFFEF7, lr;
	s5 =	simm.s32 $0xFFFFFFFF;
	p2 =	slt.u32 s8, $0xFFFFF086  }
0x1c: {  	p1 =	slt.u32 s9, $0xF7A;
	s5 =	simm.s32 @!p2 $0x0  }
0x1d: {  	s5 =	simm.s32 @p1 $0x1;
	p0 =	seq.s32 s7, s2  }
0x1e: {  	s7 =	smul.u32 @!p0 $0xF7A, s2;
	p2 =	seq.s32 @!p0 s5, $0x0  }
0x1f: {  	s9 =	smul.u32 $0xF7A, s1;
	s8 =	simm.s32 @!p0 $0x1BF5;
	p2 =	por !p2, p0  }
0x20: {  	[sflag:s8] =	ssyncset.s32 @!p0 $0xFFFFF086;
	s6 =	sadd.s32 @!p0 s3, s7;
	s7 =	simm.s32 @!p0 $0x108  }
0x21: {  	s3 =	sadd.s32 s3, s9;
	s6 =	sadd.s32 @!p0 $0x88, s6;
	s7 =	simm.s32 @p2 $0x1082  }
0x22: {  	[simem:s7], [sflag:s8] =	dma.local @!p0 [hbm:s6], $0xF7A  }
0x23: {  	s9 =	sor.u32 $0xD0000000, s2;
	s6 =	simm.s32 $0x108;
	_ =	swait.ge @!p0 [sflag:s8], $0x0  }
0x24: {  	s3 =	sadd.s32 $0x88, s3;
	s6 =	simm.s32 @!p1 $0x1082;
	[sflag:s4] =	ssyncset.s32 $0xFFFFF086  }
0x25: {  	[simem:s6], [sflag:s4] =	dma.local [hbm:s3], $0xF7A  }
0x26: {  	[smem:$0x3F7B] =	sst s1;
	(tag) =	ssettag s2;
	_ =	strace s9  }
0x27: {  	s1 =	sld [smem:$0x3F8B]  }
0x28: {  	s2 =	sld [smem:$0x3F8C]  }
0x29: {  	s4 =	sld [smem:$0x3F8E]  }
0x2a: {  	p0 =	seq.s32 s5, $0x0;
	s5 =	sld [smem:$0x3F8F]  }
0x2b: {  	s6 =	sld [smem:$0x3F90]  }
0x2c: {  	s7 =	sld [smem:$0x3F91]  }
0x2d: {  	s3 =	simm.s32 $0x108;
	s8 =	sld [smem:$0x3F92]  }
0x2e: {  	s3 =	simm.s32 @!p0 $0x1082;
	s9 =	sld [smem:$0x3F93]  }
0x2f: {  	lr =	sadd.s32 s0, s3;
	s0 =	sld [smem:$0x3F8A]  }
0x30: {  	s3 =	sld [smem:$0x3F8D]  }
0x31: {  	[smem:$0x3F96] =	sst s10  }
0x32: {  	s10 =	sld [smem:$0x3F94];
	_ =	sdelay $0x3  }
0x33: {  	p0 =	seq.s32 s10, $0x1;
	s10 =	sld [smem:$0x3F96];
	_ =	sdelay $0x3  }
0x34: {  	[smem:$0x3F96] =	sst s10  }
0x35: {  	s10 =	sld [smem:$0x3F95];
	_ =	sdelay $0x3  }
0x36: {  	p1 =	seq.s32 s10, $0x1;
	s10 =	sld [smem:$0x3F96];
	_ =	sdelay $0x3  }
0x37: {  	[smem:$0x3F96] =	sst s10  }
0x38: {  	s10 =	sld [smem:$0x3F97]  }
0x39: {  	_ = 	snop;
	(pc) =	sbr.ind lr, $3  }
0x3a: {  	_ = 	snop  }
0x3b: {  	_ = 	snop  }
0x3c: {  	p2 =	seq.s32 s10, $0x1;
	s10 =	sld [smem:$0x3F96]  }
0x3d: {  	_ =	shalt  }
0x3e: {  	_ =	shalt  }
0x3f: {  	_ =	shalt  }
0x40: {  	_ =	shalt  }
0x41: {  	_ =	shalt  }
0x42: {  	_ =	shalt  }
0x43: {  	_ =	shalt  }
0x44: {  	_ =	shalt  }
0x45: {  	_ =	shalt  }
0x46: {  	_ =	shalt  }
0x47: {  	_ =	shalt  }
0x48: {  	_ =	shalt  }
0x49: {  	_ =	shalt  }
0x4a: {  	_ =	shalt  }
0x4b: {  	_ =	shalt  }
0x4c: {  	_ =	shalt  }
0x4d: {  	_ =	shalt  }
0x4e: {  	_ =	shalt  }
0x4f: {  	_ =	shalt  }
0x50: {  	_ =	shalt  }
0x51: {  	_ =	shalt  }
0x52: {  	_ =	shalt  }
0x53: {  	_ =	shalt  }
0x54: {  	_ =	shalt  }
0x55: {  	_ =	shalt  }
0x56: {  	_ =	shalt  }
0x57: {  	_ =	shalt  }
0x58: {  	_ =	shalt  }
0x59: {  	_ =	shalt  }
0x5a: {  	_ =	shalt  }
0x5b: {  	_ =	shalt  }
0x5c: {  	_ =	shalt  }
0x5d: {  	_ =	shalt  }
0x5e: {  	_ =	shalt  }
0x5f: {  	_ =	shalt  }
0x60: {  	_ =	shalt  }
0x61: {  	_ =	shalt  }
0x62: {  	_ =	shalt  }
0x63: {  	_ =	shalt  }
0x64: {  	_ =	shalt  }
0x65: {  	_ =	shalt  }
0x66: {  	_ =	shalt  }
0x67: {  	_ =	shalt  }
0x68: {  	_ =	shalt  }
0x69: {  	_ =	shalt  }
0x6a: {  	_ =	shalt  }
0x6b: {  	_ =	shalt  }
0x6c: {  	_ =	shalt  }
0x6d: {  	_ =	shalt  }
0x6e: {  	_ =	shalt  }
0x6f: {  	_ =	shalt  }
0x70: {  	_ =	shalt  }
0x71: {  	_ =	shalt  }
0x72: {  	_ =	shalt  }
0x73: {  	_ =	shalt  }
0x74: {  	_ =	shalt  }
0x75: {  	_ =	shalt  }
0x76: {  	_ =	shalt  }
0x77: {  	_ =	shalt  }
0x78: {  	_ =	shalt  }
0x79: {  	_ =	shalt  }
0x7a: {  	_ =	shalt  }
0x7b: {  	_ =	shalt  }
0x7c: {  	_ =	shalt  }
0x7d: {  	_ =	shalt  }
0x7e: {  	_ =	shalt  }
0x7f: {  	_ =	shalt  }
0x80: {  	_ =	shalt  }
0x81: {  	_ =	shalt  }
0x82: {  	_ =	shalt  }
0x83: {  	_ =	shalt  }
0x84: {  	_ =	shalt  }
0x85: {  	_ =	shalt  }
0x86: {  	_ =	shalt  }
0x87: {  	_ =	shalt  }
.Lfunc_end0:
.L_simem_size_0:
called_computation.5_lowered:
.L_overlay_start_0:
0x88: {  	s2 =	sld [smem:$0x3FD9]  }
0x89: {  	s3 =	sld [smem:$0x3FFE];
	_ =	sdelay $0x1  }
0x8a: {  	s1 =	srdreg.scid  }
0x8b: {  	s0 =	sand.u32 $0x1, s1  }
0x8c: {  	s17 =	sshll.u32 s0, $0xA;
	s2 =	sadd.s32 s3, s2  }
0x8d: {  	s2 =	sadd.s32 s2, s17  }
0x8e: {  	[smem:$0x3FA2] =	sst s2  }
0x8f: {  	_ = 	snop  }
0x90: {  	s2 =	sld [smem:$0x3FC7]  }
0x91: {  	s18 =	sld [smem:$0x3FC6];
	(tm) =	ssettm $0x1  }
0x92: {  	s4 =	sld [smem:$0x3FFB];
	_ =	sdelay $0x3  }
0x93: {  	_ =	strace s4  }
0x94: {  	s4 =	sld [smem:$0x3FFC];
	_ =	sdelay $0x3  }
0x95: {  	_ =	strace s4  }
0x96: {  	s4 =	sld [smem:$0x3FFD];
	_ =	sdelay $0x3  }
0x97: {  	_ =	strace s4  }
0x98: {  	_ =	strace $0x8FFFFFFF  }
0x99: {  	s19 =	sld [smem:$0x3FDB];
	_ =	sdelay $0x1  }
0x9a: {  	s5 =	simm.s32 $_scs_section_size  }
0x9b: {  	s6 =	simm.s32 $_size__tile_overlayer_lowered;
	s7 =	simm.s32 $_tile_overlayer_lowered  }
0x9c: {  	s22 =	simm.s32 $0x1BFF;
	s21 =	sshll.u32 s7, $0x1;
	s4 =	sadd.s32 s5, s19  }
0x9d: {  	s8 =	simm.s32 $0x0;
	s20 =	sshll.u32 s6, $0x1;
	s6 =	sadd.s32 s21, s4  }
0x9e: {  	[timem:s8], [sflag:s22] =	dma.local [hbm:s6], s20  }
0x9f: {  	_ =	swait.ge [sflag:s22], s20  }
0xa0: {  	s5 =	ssub.s32 $0x0, s20;
	[sflag:s22] =	ssyncset.done $0x0  }
0xa1: {  	[sflag:s22] =	ssyncadd.s32 s5;
	_ =	sdelay $0x1  }
0xa2: {  	s23 =	simm.s32 $0x1B8B  }
0xa3: {  	_ =	swait.ge [sflag:s23], $0x1  }
0xa4: {  	[sflag:s23] =	ssyncset.done $0x0  }
0xa5: {  	s25 =	simm.s32 $0x1B8E;
	s24 =	sld [smem:$0x3FFE];
	[sflag:s23] =	ssyncadd.s32 $0xFFFFFFFF  }
0xa6: {  	s26 =	simm.s32 $execute0_lowered;
	[smem:$0x3FD2] =	sst s25  }
0xa7: {  	s6 =	sshll.u32 s26, $0x1;
	_ =	strace $0x80000055;
	[dreg:$0x1] =	wrdreg $0xFFFFFFFF  }
0xa8: {  	s28 =	simm.s32 $_size_execute0_lowered;
	s4 =	sadd.s32 s4, s6;
	[dreg:$0x0] =	wrdreg $0x0  }
0xa9: {  	s6 =	sshll.u32 s28, $0x1;
	[dreg:$0x2] =	wrdreg s4  }
0xaa: {  	[dreg:$0x3] =	wrdreg s6  }
0xab: {  	[dreg:$0x4] =	wrdreg $0xC0  }
0xac: {  	_ =	task [dreg:s8], $0x5FFFF  }
0xad: {  	[dreg:$0x1] =	wrdreg $0xFFFFFFFF  }
0xae: {  	[dreg:$0x0] =	wrdreg $0x60  }
0xaf: {  	[dreg:$0x2] =	wrdreg s24  }
0xb0: {  	[dreg:$0x3] =	wrdreg s2  }
0xb1: {  	[dreg:$0x4] =	wrdreg s18  }
0xb2: {  	[dreg:$0x5] =	wrdreg $0x0  }
0xb3: {  	[dreg:$0x6] =	wrdreg $0x9  }
0xb4: {  	_ =	task.clear_ibuf [dreg:s8], $0x7FFFF;
	_ =	strace $0x90000055  }
0xb5: {  	s29 =	simm.s32 $0x9;
	_ =	strace $0x80000057  }
0xb6: {  	_ =	swait.ge [sflag:s29], $0x1  }
0xb7: {  	[sflag:s29] =	ssyncadd.s32 $0xFFFFFFFF  }
0xb8: {  	_ =	strace $0x90000057  }
0xb9: {  	_ =	sfence  }
0xba: {  	s30 =	sld [smem:$0x0];
	_ =	sdelay $0x2  }
0xbb: {  	s31 =	sshll.u32 s1, $0xD;
	s1 =	sshrl.u32 s1, $0x2  }
0xbc: {  	s3 =	sand.u32 $0x4000, s31;
	s1 =	sadd.s32 s1, s30  }
0xbd: {  	s0 =	sor.u32 s3, s0;
	s1 =	sshll.u32 s1, $0x11  }
0xbe: {  	s0 =	sor.u32 s1, s0  }
0xbf: {  	s0 =	sadd.s32 $0x8F2B, s0  }
0xc0: {  	[sflag:s0] =	ssyncadd.remote.s32 $0x1  }
0xc1: {  	_ =	sfence.sel $0xFFFF  }
0xc2: {  	[dreg:$0x0] =	wrdreg $0xFFFFFFFF;
	(pc) =	sbr.abs _section_cstart, $3  }
0xc3: {  	[dreg:$0x1] =	wrdreg $0xFFFFFFFF  }
0xc4: {  	_ =	task.clear_ibuf [dreg:s8], $0x2FFFF;
	_ =	strace $0x9FFFFFFF  }
0xc5: {  	(tm) =	ssettm $0x7FFFFFFF  }
tec
execute0_lowered:
.L_overlay_start_1:
0x0: {  	(tag) =	ssettag $0x1  }
0x1: {  	s10 =	rddreg [dreg:$0x0]  }
0x2: {  	s8 =	rddreg [dreg:$0x1]  }
0x3: {  	s11 =	rddreg [dreg:$0x2]  }
0x4: {  	s1 =	rddreg [dreg:$0x3]  }
0x5: {  	s0 =	rddreg [dreg:$0x4];
	s3 =	simm.s32 $0x0;
	s4 =	srdreg.scid  }
0x6: {  	s2 =	stileid.u32;
	s7 =	simm.s32 $0x1;
	[smem:$0x7FF] =	sst s3  }
0x7: {  	s22 =	sand.u32 $0x1, s4;
	s9 =	sshll.u32 s2, $0x8;
	s29 =	sshll.u32 s2, $0xA  }
0x8: {  	s30 =	sshll.u32 s2, $0xD;
	s24 =	sshll.u32 s2, $0x6;
	_ =	strace $0x80000056  }
0x9: {  	s12 =	sshll.u32 s22, $0x7;
	s23 =	sadd.s32 s29, s10;
	s6 =	sadd.s32 s30, s1  }
0xa: {  	s5 =	sor.u32 $0x1C01, s24;
	s4 =	sadd.s32 $0x1F800, s23;
	s6 =	sshrl.u32 s6, $0x3  }
0xb: {  	[spmem:s6], [sflag:s5] =	dma.local [hbm:s4], $0x400  }
0xc: {  	s9 =	sor.u32 s12, s9;
	_ =	swait.ge [sflag:s7], $0x400  }
0xd: {  	s12 =	sshll.u32 s9, $0x4;
	s13 =	sshrl.u32 s9, $0x3;
	[sflag:s7] =	ssyncset.done $0x0  }
0xe: {  	s9 =	simm.s32 $0x2000;
	s8 =	sadd.s32 s8, s13;
	[sflag:s7] =	ssyncadd.s32 $0xFFFFFC00  }
0xf: {  	[tilespmem:s9], [sflag:$0x2] =	stream.linear.gather [hbm4b:s8+s3], $0x80, $0x38;
	[tilespmem:$0xA100] =	vst v63  }
0x10: {  	s14 =	sadd.s32 s12, s10;
	s10 =	sadd.s32 s11, s13;
	s11 =	simm.s32 $0x2080  }
0x11: {  	[tilespmem:s11], [sflag:$0x3] =	stream.linear.gather [hbm4b:s10+s3], $0x80, $0x38;
	[tilespmem:$0xA100] =	vst v63  }
0x12: {  	s13 =	simm.s32 $0x2100;
	s12 =	sadd.s32 $0xB800, s14  }
0x13: {  	[tilespmem:s13], [sflag:$0x4] =	stream.linear.gather [hbm4b:s12+s3], $0x4000, $0x38;
	[tilespmem:$0xA100] =	vst v63  }
0x14: {  	s15 =	simm.s32 $0x6100;
	s16 =	simm.s32 $0x2;
	s14 =	sadd.s32 $0x43800, s14  }
0x15: {  	[tilespmem:s15], [sflag:$0x5] =	stream.linear.gather [hbm4b:s14+s3], $0x4000, $0x38;
	[tilespmem:$0xA100] =	vst v63  }
0x16: {  	_ =	swait.ge [sflag:s16], $0x80  }
0x17: {  	[sflag:s16] =	ssyncset.done $0x0  }
0x18: {  	s17 =	simm.s32 $0x3;
	[sflag:s16] =	ssyncadd.s32 $0xFFFFFF80  }
0x19: {  	_ =	swait.ge [sflag:s17], $0x80  }
0x1a: {  	[sflag:s17] =	ssyncset.done $0x0  }
0x1b: {  	s18 =	simm.s32 $0x4;
	[sflag:s17] =	ssyncadd.s32 $0xFFFFFF80  }
0x1c: {  	_ =	swait.ge [sflag:s18], $0x4000  }
0x1d: {  	[sflag:s18] =	ssyncset.done $0x0  }
0x1e: {  	s19 =	simm.s32 $0x5;
	[sflag:s18] =	ssyncadd.s32 $0xFFFFC000  }
0x1f: {  	_ =	swait.ge [sflag:s19], $0x4000  }
0x20: {  	[sflag:s19] =	ssyncset.done $0x0  }
0x21: {  	[sflag:s19] =	ssyncadd.s32 $0xFFFFC000  }
0x22: {  	s21 =	simm.s32 $0x80;
	s20 =	simm.s32 $0x6;
	[bflag:$0x0] =	sbarrier.arrive $0xFFFF  }
0x23: {  	[spmem:s1] =	stream.indirect.scatter.add.f32 [tilespmem:s13], [sflag:$0x6], $0x80, s9, s21, $0xb8;
	[tilespmem:$0xA100] =	vst v63  }
0x24: {  	s25 =	ssub.s32 $0x2, s22;
	_ =	swait.ge [sflag:s20], $0x4000  }
0x25: {  	s22 =	sshll.u32 s22, $0xE;
	s31 =	sshrl.u32 s25, $0x1;
	[sflag:s20] =	ssyncset.done $0x0  }
0x26: {  	s22 =	sadd.s32 s22, s23;
	s23 =	ssub.s32 s25, s31;
	[sflag:s20] =	ssyncadd.s32 $0xFFFFC000  }
0x27: {  	[spmem:s1] =	stream.indirect.scatter.add.f32 [tilespmem:s15], [sflag:$0x6], $0x80, s11, s21, $0xb8;
	[tilespmem:$0xA100] =	vst v63  }
0x28: {  	s25 =	smax.u32 s23, $0x1;
	_ =	swait.ge [sflag:s20], $0x4000  }
0x29: {  	p0 =	sne.s32 s25, $0x1;
	[sflag:s20] =	ssyncset.done $0x0  }
.Ltmp0:
0x2a: {  	[sflag:s20] =	ssyncadd.s32 $0xFFFFC000;
	(pc) =	sbr.rel @!p0 .LBB2_2-.Ltmp0, $4  }
0x2b: {  	s22 =	sadd.s32 $0x53800, s22;
	s23 =	sor.u32 $0x1C06, s24;
	[bflag:$0x0] =	sbarrier.arrive $0xFFFF  }
0x2c: {  	[hbm:s22], [sflag:s23] =	dma.local [spmem:s6], $0x400  }
0x2d: {  	_ =	swait.ge [sflag:s20], $0x400  }
0x2e: {  	s24 =	sadd.s32 $0xFFFFFFFF, s25;
	[sflag:s20] =	ssyncset.done $0x0  }
.LBB2_1:
0x2f: {  	p0 =	sne.s32 s24, $0x1;
	s24 =	sadd.s32 $0xFFFFFFFF, s24;
	[sflag:s20] =	ssyncadd.s32 $0xFFFFFC00  }
0x30: {  	[spmem:s6], [sflag:s5] =	dma.local [hbm:s4], $0x400  }
0x31: {  	_ =	swait.ge [sflag:s7], $0x400  }
0x32: {  	[sflag:s7] =	ssyncset.done $0x0  }
0x33: {  	[sflag:s7] =	ssyncadd.s32 $0xFFFFFC00  }
0x34: {  	[tilespmem:s9], [sflag:$0x2] =	stream.linear.gather [hbm4b:s8+s3], $0x80, $0x38;
	[tilespmem:$0xA100] =	vst v63  }
0x35: {  	_ = 	snop  }
0x36: {  	[tilespmem:s11], [sflag:$0x3] =	stream.linear.gather [hbm4b:s10+s3], $0x80, $0x38;
	[tilespmem:$0xA100] =	vst v63  }
0x37: {  	_ = 	snop  }
0x38: {  	[tilespmem:s13], [sflag:$0x4] =	stream.linear.gather [hbm4b:s12+s3], $0x4000, $0x38;
	[tilespmem:$0xA100] =	vst v63  }
0x39: {  	_ = 	snop  }
0x3a: {  	[tilespmem:s15], [sflag:$0x5] =	stream.linear.gather [hbm4b:s14+s3], $0x4000, $0x38;
	[tilespmem:$0xA100] =	vst v63  }
0x3b: {  	_ =	swait.ge [sflag:s16], $0x80  }
0x3c: {  	[sflag:s16] =	ssyncset.done $0x0  }
0x3d: {  	[sflag:s16] =	ssyncadd.s32 $0xFFFFFF80  }
0x3e: {  	_ =	swait.ge [sflag:s17], $0x80  }
0x3f: {  	[sflag:s17] =	ssyncset.done $0x0  }
0x40: {  	[sflag:s17] =	ssyncadd.s32 $0xFFFFFF80  }
0x41: {  	_ =	swait.ge [sflag:s18], $0x4000  }
0x42: {  	[sflag:s18] =	ssyncset.done $0x0  }
0x43: {  	[sflag:s18] =	ssyncadd.s32 $0xFFFFC000  }
0x44: {  	_ =	swait.ge [sflag:s19], $0x4000  }
0x45: {  	[sflag:s19] =	ssyncset.done $0x0  }
0x46: {  	[sflag:s19] =	ssyncadd.s32 $0xFFFFC000  }
0x47: {  	[bflag:$0x0] =	sbarrier.arrive $0xFFFF  }
0x48: {  	[spmem:s1] =	stream.indirect.scatter.add.f32 [tilespmem:s13], [sflag:$0x6], $0x80, s9, s21, $0xb8;
	[tilespmem:$0xA100] =	vst v63  }
0x49: {  	_ =	swait.ge [sflag:s20], $0x4000  }
0x4a: {  	[sflag:s20] =	ssyncset.done $0x0  }
0x4b: {  	[sflag:s20] =	ssyncadd.s32 $0xFFFFC000  }
0x4c: {  	[spmem:s1] =	stream.indirect.scatter.add.f32 [tilespmem:s15], [sflag:$0x6], $0x80, s11, s21, $0xb8;
	[tilespmem:$0xA100] =	vst v63  }
0x4d: {  	_ =	swait.ge [sflag:s20], $0x4000  }
0x4e: {  	[sflag:s20] =	ssyncset.done $0x0  }
.Ltmp1:
0x4f: {  	[sflag:s20] =	ssyncadd.s32 $0xFFFFC000;
	(pc) =	sbr.rel @p0 .LBB2_1-.Ltmp1, $4  }
0x50: {  	[bflag:$0x0] =	sbarrier.arrive $0xFFFF  }
0x51: {  	[hbm:s22], [sflag:s23] =	dma.local [spmem:s6], $0x400  }
0x52: {  	_ =	swait.ge [sflag:s20], $0x400  }
0x53: {  	[sflag:s20] =	ssyncset.done $0x0  }
.LBB2_2:
0x54: {  	[sflag:s20] =	ssyncadd.s32 $0xFFFFFC00  }
0x55: {  	_ =	sfence.sel $0x180000  }
0x56: {  	[bflag:$0x0] =	sbarrier.arrive $0xFFFF  }
0x57: {  	p0 =	sne.s32 s2, $0x0;
	_ =	strace $0x90000056  }
0x58: {  	s0 =	sadd.s32 @!p0 $0x100000, s0;
	[bflag:$0x2] =	sbarrier.arrive $0xFFFF  }
0x59: {  	[sflag:s0] =	ssyncadd.tile.s32 @!p0 $0x1;
	_ =	shalt  }
.Lfunc_end2:
_tile_overlayer_lowered:
.L_overlay_start_2:
0x5a: {  	(tag) =	ssettag $0x2  }
0x5b: {  	s0 =	rddreg [dreg:$0x0];
	s2 =	stileid.u32  }
0x5c: {  	s1 =	rddreg [dreg:$0x1];
	p0 =	sne.s32 s2, $0x0  }
0x5d: {  	s3 =	rddreg [dreg:$0x2];
	[bflag:$0x3] =	sbarrier.arrive $0xFFFF;
	s2 =	simm.s32 @!p0 $0x1C06  }
0x5e: {  	[timem:s3], [sflag:s2] =	dma.local @!p0 [hbm:s0], s1  }
0x5f: {  	s0 =	simm.s32 @!p0 $0x6  }
0x60: {  	_ =	swait.ge @!p0 [sflag:s0], s1  }
0x61: {  	s1 =	ssub.s32 @!p0 $0x0, s1;
	[sflag:s0] =	ssyncset.done @!p0 $0x0  }
0x62: {  	[sflag:s0] =	ssyncadd.s32 @!p0 s1  }
0x63: {  	[bflag:$0x3] =	sbarrier.arrive $0xFFFF  }
0x64: {  	_ =	shalt  }

// kernel: kernel.41.cloned.1.call-start
scs
__scs_entry_jumppad:
0x0: {  	(pc) =	sbr.rel $0x88, $3  }
0x1: {  	(tag) =	ssettag $0x0;
	lr =	simm.s32 $0x1  }
0x2: {  	[smem:$0x3F7B] =	sst lr;
	_ =	strace $0xD0000000  }
0x3: {  	_ = 	snop  }
0x4: {  	_ = 	snop  }
0x5: {  	_ = 	snop  }
0x6: {  	_ = 	snop  }
0x7: {  	_ = 	snop  }
__scs_overlays_trampoline_lowered:
0x8: {  	[smem:$0x3F8A] =	sst s0  }
0x9: {  	[smem:$0x3F8B] =	sst s1  }
0xa: {  	[smem:$0x3F8C] =	sst s2  }
0xb: {  	[smem:$0x3F8D] =	sst s3  }
0xc: {  	[smem:$0x3F8E] =	sst s4  }
0xd: {  	[smem:$0x3F8F] =	sst s5  }
0xe: {  	[smem:$0x3F90] =	sst s6  }
0xf: {  	[smem:$0x3F91] =	sst s7  }
0x10: {  	[smem:$0x3F92] =	sst s8  }
0x11: {  	[smem:$0x3F93] =	sst s9;
	s0 =	simm.s32 @!p0 $0x0  }
0x12: {  	s1 =	sld [smem:$0x3F79];
	s0 =	simm.s32 @p0 $0x1  }
0x13: {  	[smem:$0x3F94] =	sst s0;
	s0 =	simm.s32 @!p1 $0x0  }
0x14: {  	s2 =	sld [smem:$0x3F78];
	s0 =	simm.s32 @p1 $0x1  }
0x15: {  	[smem:$0x3F95] =	sst s0;
	s0 =	simm.s32 @!p2 $0x0  }
0x16: {  	s3 =	sld [smem:$0x3FDB];
	s0 =	simm.s32 @p2 $0x1  }
0x17: {  	s4 =	simm.s32 $0x1BF5;
	[smem:$0x3F97] =	sst s0  }
0x18: {  	s0 =	sld [smem:$0x3F7A];
	_ =	swait.ge [sflag:s4], $0x0  }
0x19: {  	s7 =	sld [smem:$0x3F7B]  }
0x1a: {  	s8 =	sadd.s32 $0xFFFFE003, lr  }
0x1b: {  	s9 =	sadd.s32 $0xFFFFFEF7, lr;
	s5 =	simm.s32 $0xFFFFFFFF;
	p2 =	slt.u32 s8, $0xFFFFF086  }
0x1c: {  	p1 =	slt.u32 s9, $0xF7A;
	s5 =	simm.s32 @!p2 $0x0  }
0x1d: {  	s5 =	simm.s32 @p1 $0x1;
	p0 =	seq.s32 s7, s2  }
0x1e: {  	s7 =	smul.u32 @!p0 $0xF7A, s2;
	p2 =	seq.s32 @!p0 s5, $0x0  }
0x1f: {  	s9 =	smul.u32 $0xF7A, s1;
	s8 =	simm.s32 @!p0 $0x1BF5;
	p2 =	por !p2, p0  }
0x20: {  	[sflag:s8] =	ssyncset.s32 @!p0 $0xFFFFF086;
	s6 =	sadd.s32 @!p0 s3, s7;
	s7 =	simm.s32 @!p0 $0x108  }
0x21: {  	s3 =	sadd.s32 s3, s9;
	s6 =	sadd.s32 @!p0 $0x88, s6;
	s7 =	simm.s32 @p2 $0x1082  }
0x22: {  	[simem:s7], [sflag:s8] =	dma.local @!p0 [hbm:s6], $0xF7A  }
0x23: {  	s9 =	sor.u32 $0xD0000000, s2;
	s6 =	simm.s32 $0x108;
	_ =	swait.ge @!p0 [sflag:s8], $0x0  }
0x24: {  	s3 =	sadd.s32 $0x88, s3;
	s6 =	simm.s32 @!p1 $0x1082;
	[sflag:s4] =	ssyncset.s32 $0xFFFFF086  }
0x25: {  	[simem:s6], [sflag:s4] =	dma.local [hbm:s3], $0xF7A  }
0x26: {  	[smem:$0x3F7B] =	sst s1;
	(tag) =	ssettag s2;
	_ =	strace s9  }
0x27: {  	s1 =	sld [smem:$0x3F8B]  }
0x28: {  	s2 =	sld [smem:$0x3F8C]  }
0x29: {  	s4 =	sld [smem:$0x3F8E]  }
0x2a: {  	p0 =	seq.s32 s5, $0x0;
	s5 =	sld [smem:$0x3F8F]  }
0x2b: {  	s6 =	sld [smem:$0x3F90]  }
0x2c: {  	s7 =	sld [smem:$0x3F91]  }
0x2d: {  	s3 =	simm.s32 $0x108;
	s8 =	sld [smem:$0x3F92]  }
0x2e: {  	s3 =	simm.s32 @!p0 $0x1082;
	s9 =	sld [smem:$0x3F93]  }
0x2f: {  	lr =	sadd.s32 s0, s3;
	s0 =	sld [smem:$0x3F8A]  }
0x30: {  	s3 =	sld [smem:$0x3F8D]  }
0x31: {  	[smem:$0x3F96] =	sst s10  }
0x32: {  	s10 =	sld [smem:$0x3F94];
	_ =	sdelay $0x3  }
0x33: {  	p0 =	seq.s32 s10, $0x1;
	s10 =	sld [smem:$0x3F96];
	_ =	sdelay $0x3  }
0x34: {  	[smem:$0x3F96] =	sst s10  }
0x35: {  	s10 =	sld [smem:$0x3F95];
	_ =	sdelay $0x3  }
0x36: {  	p1 =	seq.s32 s10, $0x1;
	s10 =	sld [smem:$0x3F96];
	_ =	sdelay $0x3  }
0x37: {  	[smem:$0x3F96] =	sst s10  }
0x38: {  	s10 =	sld [smem:$0x3F97]  }
0x39: {  	_ = 	snop;
	(pc) =	sbr.ind lr, $3  }
0x3a: {  	_ = 	snop  }
0x3b: {  	_ = 	snop  }
0x3c: {  	p2 =	seq.s32 s10, $0x1;
	s10 =	sld [smem:$0x3F96]  }
0x3d: {  	_ =	shalt  }
0x3e: {  	_ =	shalt  }
0x3f: {  	_ =	shalt  }
0x40: {  	_ =	shalt  }
0x41: {  	_ =	shalt  }
0x42: {  	_ =	shalt  }
0x43: {  	_ =	shalt  }
0x44: {  	_ =	shalt  }
0x45: {  	_ =	shalt  }
0x46: {  	_ =	shalt  }
0x47: {  	_ =	shalt  }
0x48: {  	_ =	shalt  }
0x49: {  	_ =	shalt  }
0x4a: {  	_ =	shalt  }
0x4b: {  	_ =	shalt  }
0x4c: {  	_ =	shalt  }
0x4d: {  	_ =	shalt  }
0x4e: {  	_ =	shalt  }
0x4f: {  	_ =	shalt  }
0x50: {  	_ =	shalt  }
0x51: {  	_ =	shalt  }
0x52: {  	_ =	shalt  }
0x53: {  	_ =	shalt  }
0x54: {  	_ =	shalt  }
0x55: {  	_ =	shalt  }
0x56: {  	_ =	shalt  }
0x57: {  	_ =	shalt  }
0x58: {  	_ =	shalt  }
0x59: {  	_ =	shalt  }
0x5a: {  	_ =	shalt  }
0x5b: {  	_ =	shalt  }
0x5c: {  	_ =	shalt  }
0x5d: {  	_ =	shalt  }
0x5e: {  	_ =	shalt  }
0x5f: {  	_ =	shalt  }
0x60: {  	_ =	shalt  }
0x61: {  	_ =	shalt  }
0x62: {  	_ =	shalt  }
0x63: {  	_ =	shalt  }
0x64: {  	_ =	shalt  }
0x65: {  	_ =	shalt  }
0x66: {  	_ =	shalt  }
0x67: {  	_ =	shalt  }
0x68: {  	_ =	shalt  }
0x69: {  	_ =	shalt  }
0x6a: {  	_ =	shalt  }
0x6b: {  	_ =	shalt  }
0x6c: {  	_ =	shalt  }
0x6d: {  	_ =	shalt  }
0x6e: {  	_ =	shalt  }
0x6f: {  	_ =	shalt  }
0x70: {  	_ =	shalt  }
0x71: {  	_ =	shalt  }
0x72: {  	_ =	shalt  }
0x73: {  	_ =	shalt  }
0x74: {  	_ =	shalt  }
0x75: {  	_ =	shalt  }
0x76: {  	_ =	shalt  }
0x77: {  	_ =	shalt  }
0x78: {  	_ =	shalt  }
0x79: {  	_ =	shalt  }
0x7a: {  	_ =	shalt  }
0x7b: {  	_ =	shalt  }
0x7c: {  	_ =	shalt  }
0x7d: {  	_ =	shalt  }
0x7e: {  	_ =	shalt  }
0x7f: {  	_ =	shalt  }
0x80: {  	_ =	shalt  }
0x81: {  	_ =	shalt  }
0x82: {  	_ =	shalt  }
0x83: {  	_ =	shalt  }
0x84: {  	_ =	shalt  }
0x85: {  	_ =	shalt  }
0x86: {  	_ =	shalt  }
0x87: {  	_ =	shalt  }
.Lfunc_end0:
.L_simem_size_0:
called_computation.6_lowered:
.L_overlay_start_0:
0x88: {  	s2 =	sld [smem:$0x3FD9]  }
0x89: {  	s3 =	sld [smem:$0x3FFE];
	_ =	sdelay $0x1  }
0x8a: {  	s1 =	srdreg.scid  }
0x8b: {  	s0 =	sand.u32 $0x1, s1  }
0x8c: {  	s17 =	sshll.u32 s0, $0xA;
	s2 =	sadd.s32 s3, s2  }
0x8d: {  	s2 =	sadd.s32 s2, s17  }
0x8e: {  	[smem:$0x3FA2] =	sst s2  }
0x8f: {  	_ = 	snop  }
0x90: {  	s2 =	sld [smem:$0x3FC6];
	(tm) =	ssettm $0x1  }
0x91: {  	s18 =	sld [smem:$0x3FFB];
	_ =	sdelay $0x3  }
0x92: {  	_ =	strace s18  }
0x93: {  	s3 =	sld [smem:$0x3FFC];
	_ =	sdelay $0x3  }
0x94: {  	_ =	strace s3  }
0x95: {  	s3 =	sld [smem:$0x3FFD];
	_ =	sdelay $0x3  }
0x96: {  	_ =	strace s3  }
0x97: {  	_ =	strace $0x8FFFFFFF  }
0x98: {  	s19 =	sld [smem:$0x3FDB];
	_ =	sdelay $0x1  }
0x99: {  	s4 =	simm.s32 $_scs_section_size  }
0x9a: {  	s5 =	simm.s32 $_size__tile_overlayer_lowered;
	s6 =	simm.s32 $_tile_overlayer_lowered  }
0x9b: {  	s22 =	simm.s32 $0x1BFF;
	s21 =	sshll.u32 s6, $0x1;
	s3 =	sadd.s32 s4, s19  }
0x9c: {  	s7 =	simm.s32 $0x0;
	s20 =	sshll.u32 s5, $0x1;
	s5 =	sadd.s32 s21, s3  }
0x9d: {  	[timem:s7], [sflag:s22] =	dma.local [hbm:s5], s20  }
0x9e: {  	_ =	swait.ge [sflag:s22], s20  }
0x9f: {  	s4 =	ssub.s32 $0x0, s20;
	[sflag:s22] =	ssyncset.done $0x0  }
0xa0: {  	[sflag:s22] =	ssyncadd.s32 s4;
	_ =	sdelay $0x1  }
0xa1: {  	s23 =	simm.s32 $0x1B8B  }
0xa2: {  	_ =	swait.ge [sflag:s23], $0x1  }
0xa3: {  	[sflag:s23] =	ssyncset.done $0x0  }
0xa4: {  	s25 =	simm.s32 $0x1B8E;
	s24 =	sld [smem:$0x3FFE];
	[sflag:s23] =	ssyncadd.s32 $0xFFFFFFFF  }
0xa5: {  	s26 =	simm.s32 $execute0_lowered;
	[smem:$0x3FD2] =	sst s25  }
0xa6: {  	s5 =	sshll.u32 s26, $0x1;
	_ =	strace $0x80000058;
	[dreg:$0x1] =	wrdreg $0xFFFFFFFF  }
0xa7: {  	s28 =	simm.s32 $_size_execute0_lowered;
	s3 =	sadd.s32 s3, s5;
	[dreg:$0x0] =	wrdreg $0x0  }
0xa8: {  	s5 =	sshll.u32 s28, $0x1;
	[dreg:$0x2] =	wrdreg s3  }
0xa9: {  	[dreg:$0x3] =	wrdreg s5  }
0xaa: {  	[dreg:$0x4] =	wrdreg $0xC0  }
0xab: {  	_ =	task [dreg:s7], $0x5FFFF  }
0xac: {  	[dreg:$0x1] =	wrdreg $0xFFFFFFFF  }
0xad: {  	[dreg:$0x0] =	wrdreg $0x60  }
0xae: {  	[dreg:$0x2] =	wrdreg s24  }
0xaf: {  	[dreg:$0x3] =	wrdreg s2  }
0xb0: {  	[dreg:$0x4] =	wrdreg $0x9  }
0xb1: {  	_ =	task.clear_ibuf [dreg:s7], $0x5FFFF;
	_ =	strace $0x90000058  }
0xb2: {  	s29 =	simm.s32 $0x9;
	_ =	strace $0x8000005A  }
0xb3: {  	_ =	swait.ge [sflag:s29], $0x1  }
0xb4: {  	[sflag:s29] =	ssyncadd.s32 $0xFFFFFFFF  }
0xb5: {  	_ =	strace $0x9000005A  }
0xb6: {  	_ =	sfence  }
0xb7: {  	s30 =	sld [smem:$0x0];
	_ =	sdelay $0x2  }
0xb8: {  	s31 =	sshll.u32 s1, $0xD;
	s1 =	sshrl.u32 s1, $0x2  }
0xb9: {  	s3 =	sand.u32 $0x4000, s31;
	s1 =	sadd.s32 s1, s30  }
0xba: {  	s0 =	sor.u32 s3, s0;
	s1 =	sshll.u32 s1, $0x11  }
0xbb: {  	s0 =	sor.u32 s1, s0  }
0xbc: {  	s0 =	sadd.s32 $0x8F2B, s0  }
0xbd: {  	[sflag:s0] =	ssyncadd.remote.s32 $0x1  }
0xbe: {  	_ =	sfence.sel $0xFFFF  }
0xbf: {  	[dreg:$0x0] =	wrdreg $0xFFFFFFFF;
	(pc) =	sbr.abs _section_cstart, $3  }
0xc0: {  	[dreg:$0x1] =	wrdreg $0xFFFFFFFF  }
0xc1: {  	_ =	task.clear_ibuf [dreg:s7], $0x2FFFF;
	_ =	strace $0x9FFFFFFF  }
0xc2: {  	(tm) =	ssettm $0x7FFFFFFF  }
0xc3: {  	_ =	shalt  }
tec
execute0_lowered:
.L_overlay_start_1:
0x0: {  	(tag) =	ssettag $0x1  }
0x1: {  	s1 =	srdreg.scid  }
0x2: {  	s8 =	rddreg [dreg:$0x0];
	s0 =	stileid.u32  }
0x3: {  	s3 =	rddreg [dreg:$0x1];
	s2 =	simm.s32 $0x0;
	s6 =	sand.u32 $0x1, s1  }
0x4: {  	s4 =	sshll.u32 s0, $0x8;
	s1 =	rddreg [dreg:$0x2];
	s5 =	sshll.u32 s6, $0x7  }
0x5: {  	s7 =	simm.s32 $0x1;
	[smem:$0x7FF] =	sst s2;
	s9 =	sor.u32 s5, s4  }
0x6: {  	_ =	strace $0x80000059;
	s10 =	ssub.s32 $0x2, s6;
	s4 =	sshrl.u32 s9, $0x3  }
0x7: {  	s6 =	simm.s32 $0x80;
	s4 =	sadd.s32 s3, s4;
	s3 =	simm.s32 $0x2  }
0x8: {  	[tilespmem:s2], [sflag:$0x2] =	stream.linear.gather [hbm4b:s4+s2], $0x80, $0x38;
	[tilespmem:$0x4080] =	vst v63  }
0x9: {  	s5 =	sadd.s32 $0xB800, s8;
	s11 =	sshrl.u32 s10, $0x1;
	_ =	swait.ge [sflag:s3], $0x80  }
0xa: {  	s9 =	sshll.u32 s9, $0x4;
	s31 =	ssub.s32 s10, s11;
	[sflag:s3] =	ssyncset.done $0x0  }
0xb: {  	s8 =	sadd.s32 s9, s8;
	s9 =	smax.u32 s31, $0x1;
	[sflag:s3] =	ssyncadd.s32 $0xFFFFFF80  }
0xc: {  	[tilespmem:s6], [sflag:$0x1] =	stream.indirect.gather [hbm4b:s5+s6], $0x80, s2, s6, $0xb8;
	[tilespmem:$0x4080] =	vst v63  }
0xd: {  	p0 =	sne.s32 s9, $0x1;
	_ =	swait.ge [sflag:s7], $0x4000  }
.Ltmp0:
0xe: {  	[sflag:s7] =	ssyncset.done $0x0;
	(pc) =	sbr.rel @!p0 .LBB2_2-.Ltmp0, $4  }
0xf: {  	s8 =	sadd.s32 $0x43800, s8;
	[sflag:s7] =	ssyncadd.s32 $0xFFFFC000  }
0x10: {  	[hbm4b:s8+s2] =	stream.linear.scatter [tilespmem:s6], [sflag:$0x2], $0x4000, $0x38;
	[tilespmem:$0x4080] =	vst v63  }
0x11: {  	_ =	swait.ge [sflag:s3], $0x4000  }
0x12: {  	s9 =	sadd.s32 $0xFFFFFFFF, s9;
	[sflag:s3] =	ssyncset.done $0x0  }
.LBB2_1:
0x13: {  	p0 =	sne.s32 s9, $0x1;
	s9 =	sadd.s32 $0xFFFFFFFF, s9;
	[sflag:s3] =	ssyncadd.s32 $0xFFFFC000  }
0x14: {  	[tilespmem:s2], [sflag:$0x2] =	stream.linear.gather [hbm4b:s4+s2], $0x80, $0x38;
	[tilespmem:$0x4080] =	vst v63  }
0x15: {  	_ =	swait.ge [sflag:s3], $0x80  }
0x16: {  	[sflag:s3] =	ssyncset.done $0x0  }
0x17: {  	[sflag:s3] =	ssyncadd.s32 $0xFFFFFF80  }
0x18: {  	[tilespmem:s6], [sflag:$0x1] =	stream.indirect.gather [hbm4b:s5+s6], $0x80, s2, s6, $0xb8;
	[tilespmem:$0x4080] =	vst v63  }
0x19: {  	_ =	swait.ge [sflag:s7], $0x4000  }
.Ltmp1:
0x1a: {  	[sflag:s7] =	ssyncset.done $0x0;
	(pc) =	sbr.rel @p0 .LBB2_1-.Ltmp1, $4  }
0x1b: {  	[sflag:s7] =	ssyncadd.s32 $0xFFFFC000  }
0x1c: {  	[hbm4b:s8+s2] =	stream.linear.scatter [tilespmem:s6], [sflag:$0x2], $0x4000, $0x38;
	[tilespmem:$0x4080] =	vst v63  }
0x1d: {  	_ =	swait.ge [sflag:s3], $0x4000  }
0x1e: {  	[sflag:s3] =	ssyncset.done $0x0  }
.LBB2_2:
0x1f: {  	[sflag:s3] =	ssyncadd.s32 $0xFFFFC000  }
0x20: {  	_ =	sfence.sel $0x180000  }
0x21: {  	[bflag:$0x0] =	sbarrier.arrive $0xFFFF  }
0x22: {  	p0 =	sne.s32 s0, $0x0;
	_ =	strace $0x90000059  }
0x23: {  	s0 =	sadd.s32 @!p0 $0x100000, s1;
	[bflag:$0x2] =	sbarrier.arrive $0xFFFF  }
0x24: {  	[sflag:s0] =	ssyncadd.tile.s32 @!p0 $0x1;
	_ =	shalt  }
.Lfunc_end2:
_tile_overlayer_lowered:
.L_overlay_start_2:
0x25: {  	(tag) =	ssettag $0x2  }
0x26: {  	s0 =	rddreg [dreg:$0x0];
	s2 =	stileid.u32  }
0x27: {  	s1 =	rddreg [dreg:$0x1];
	p0 =	sne.s32 s2, $0x0  }
0x28: {  	s3 =	rddreg [dreg:$0x2];
	[bflag:$0x3] =	sbarrier.arrive $0xFFFF;
	s2 =	simm.s32 @!p0 $0x1C02  }
0x29: {  	[timem:s3], [sflag:s2] =	dma.local @!p0 [hbm:s0], s1  }
0x2a: {  	s0 =	simm.s32 @!p0 $0x2  }
0x2b: {  	_ =	swait.ge @!p0 [sflag:s0], s1  }
0x2c: {  	s1 =	ssub.s32 @!p0 $0x0, s1;
	[sflag:s0] =	ssyncset.done @!p0 $0x0  }
0x2d: {  	[sflag:s0] =	ssyncadd.s32 @!p0 s1  }
0x2e: {  	[bflag:$0x3] =	sbarrier.arrive $0xFFFF  }
0x2f: {  	_ =	shalt  }

// kernel: kernel.44.cloned.1.call-start
scs
__scs_entry_jumppad:
0x0: {  	(pc) =	sbr.rel $0x88, $3  }
0x1: {  	(tag) =	ssettag $0x0;
	lr =	simm.s32 $0x1  }
0x2: {  	[smem:$0x3F7B] =	sst lr;
	_ =	strace $0xD0000000  }
0x3: {  	_ = 	snop  }
0x4: {  	_ = 	snop  }
0x5: {  	_ = 	snop  }
0x6: {  	_ = 	snop  }
0x7: {  	_ = 	snop  }
__scs_overlays_trampoline_lowered:
0x8: {  	[smem:$0x3F8A] =	sst s0  }
0x9: {  	[smem:$0x3F8B] =	sst s1  }
0xa: {  	[smem:$0x3F8C] =	sst s2  }
0xb: {  	[smem:$0x3F8D] =	sst s3  }
0xc: {  	[smem:$0x3F8E] =	sst s4  }
0xd: {  	[smem:$0x3F8F] =	sst s5  }
0xe: {  	[smem:$0x3F90] =	sst s6  }
0xf: {  	[smem:$0x3F91] =	sst s7  }
0x10: {  	[smem:$0x3F92] =	sst s8  }
0x11: {  	[smem:$0x3F93] =	sst s9;
	s0 =	simm.s32 @!p0 $0x0  }
0x12: {  	s1 =	sld [smem:$0x3F79];
	s0 =	simm.s32 @p0 $0x1  }
0x13: {  	[smem:$0x3F94] =	sst s0;
	s0 =	simm.s32 @!p1 $0x0  }
0x14: {  	s2 =	sld [smem:$0x3F78];
	s0 =	simm.s32 @p1 $0x1  }
0x15: {  	[smem:$0x3F95] =	sst s0;
	s0 =	simm.s32 @!p2 $0x0  }
0x16: {  	s3 =	sld [smem:$0x3FDB];
	s0 =	simm.s32 @p2 $0x1  }
0x17: {  	s4 =	simm.s32 $0x1BF5;
	[smem:$0x3F97] =	sst s0  }
0x18: {  	s0 =	sld [smem:$0x3F7A];
	_ =	swait.ge [sflag:s4], $0x0  }
0x19: {  	s7 =	sld [smem:$0x3F7B]  }
0x1a: {  	s8 =	sadd.s32 $0xFFFFE003, lr  }
0x1b: {  	s9 =	sadd.s32 $0xFFFFFEF7, lr;
	s5 =	simm.s32 $0xFFFFFFFF;
	p2 =	slt.u32 s8, $0xFFFFF086  }
0x1c: {  	p1 =	slt.u32 s9, $0xF7A;
	s5 =	simm.s32 @!p2 $0x0  }
0x1d: {  	s5 =	simm.s32 @p1 $0x1;
	p0 =	seq.s32 s7, s2  }
0x1e: {  	s7 =	smul.u32 @!p0 $0xF7A, s2;
	p2 =	seq.s32 @!p0 s5, $0x0  }
0x1f: {  	s9 =	smul.u32 $0xF7A, s1;
	s8 =	simm.s32 @!p0 $0x1BF5;
	p2 =	por !p2, p0  }
0x20: {  	[sflag:s8] =	ssyncset.s32 @!p0 $0xFFFFF086;
	s6 =	sadd.s32 @!p0 s3, s7;
	s7 =	simm.s32 @!p0 $0x108  }
0x21: {  	s3 =	sadd.s32 s3, s9;
	s6 =	sadd.s32 @!p0 $0x88, s6;
	s7 =	simm.s32 @p2 $0x1082  }
0x22: {  	[simem:s7], [sflag:s8] =	dma.local @!p0 [hbm:s6], $0xF7A  }
0x23: {  	s9 =	sor.u32 $0xD0000000, s2;
	s6 =	simm.s32 $0x108;
	_ =	swait.ge @!p0 [sflag:s8], $0x0  }
0x24: {  	s3 =	sadd.s32 $0x88, s3;
	s6 =	simm.s32 @!p1 $0x1082;
	[sflag:s4] =	ssyncset.s32 $0xFFFFF086  }
0x25: {  	[simem:s6], [sflag:s4] =	dma.local [hbm:s3], $0xF7A  }
0x26: {  	[smem:$0x3F7B] =	sst s1;
	(tag) =	ssettag s2;
	_ =	strace s9  }
0x27: {  	s1 =	sld [smem:$0x3F8B]  }
0x28: {  	s2 =	sld [smem:$0x3F8C]  }
0x29: {  	s4 =	sld [smem:$0x3F8E]  }
0x2a: {  	p0 =	seq.s32 s5, $0x0;
	s5 =	sld [smem:$0x3F8F]  }
0x2b: {  	s6 =	sld [smem:$0x3F90]  }
0x2c: {  	s7 =	sld [smem:$0x3F91]  }
0x2d: {  	s3 =	simm.s32 $0x108;
	s8 =	sld [smem:$0x3F92]  }
0x2e: {  	s3 =	simm.s32 @!p0 $0x1082;
	s9 =	sld [smem:$0x3F93]  }
0x2f: {  	lr =	sadd.s32 s0, s3;
	s0 =	sld [smem:$0x3F8A]  }
0x30: {  	s3 =	sld [smem:$0x3F8D]  }
0x31: {  	[smem:$0x3F96] =	sst s10  }
0x32: {  	s10 =	sld [smem:$0x3F94];
	_ =	sdelay $0x3  }
0x33: {  	p0 =	seq.s32 s10, $0x1;
	s10 =	sld [smem:$0x3F96];
	_ =	sdelay $0x3  }
0x34: {  	[smem:$0x3F96] =	sst s10  }
0x35: {  	s10 =	sld [smem:$0x3F95];
	_ =	sdelay $0x3  }
0x36: {  	p1 =	seq.s32 s10, $0x1;
	s10 =	sld [smem:$0x3F96];
	_ =	sdelay $0x3  }
0x37: {  	[smem:$0x3F96] =	sst s10  }
0x38: {  	s10 =	sld [smem:$0x3F97]  }
0x39: {  	_ = 	snop;
	(pc) =	sbr.ind lr, $3  }
0x3a: {  	_ = 	snop  }
0x3b: {  	_ = 	snop  }
0x3c: {  	p2 =	seq.s32 s10, $0x1;
	s10 =	sld [smem:$0x3F96]  }
0x3d: {  	_ =	shalt  }
0x3e: {  	_ =	shalt  }
0x3f: {  	_ =	shalt  }
0x40: {  	_ =	shalt  }
0x41: {  	_ =	shalt  }
0x42: {  	_ =	shalt  }
0x43: {  	_ =	shalt  }
0x44: {  	_ =	shalt  }
0x45: {  	_ =	shalt  }
0x46: {  	_ =	shalt  }
0x47: {  	_ =	shalt  }
0x48: {  	_ =	shalt  }
0x49: {  	_ =	shalt  }
0x4a: {  	_ =	shalt  }
0x4b: {  	_ =	shalt  }
0x4c: {  	_ =	shalt  }
0x4d: {  	_ =	shalt  }
0x4e: {  	_ =	shalt  }
0x4f: {  	_ =	shalt  }
0x50: {  	_ =	shalt  }
0x51: {  	_ =	shalt  }
0x52: {  	_ =	shalt  }
0x53: {  	_ =	shalt  }
0x54: {  	_ =	shalt  }
0x55: {  	_ =	shalt  }
0x56: {  	_ =	shalt  }
0x57: {  	_ =	shalt  }
0x58: {  	_ =	shalt  }
0x59: {  	_ =	shalt  }
0x5a: {  	_ =	shalt  }
0x5b: {  	_ =	shalt  }
0x5c: {  	_ =	shalt  }
0x5d: {  	_ =	shalt  }
0x5e: {  	_ =	shalt  }
0x5f: {  	_ =	shalt  }
0x60: {  	_ =	shalt  }
0x61: {  	_ =	shalt  }
0x62: {  	_ =	shalt  }
0x63: {  	_ =	shalt  }
0x64: {  	_ =	shalt  }
0x65: {  	_ =	shalt  }
0x66: {  	_ =	shalt  }
0x67: {  	_ =	shalt  }
0x68: {  	_ =	shalt  }
0x69: {  	_ =	shalt  }
0x6a: {  	_ =	shalt  }
0x6b: {  	_ =	shalt  }
0x6c: {  	_ =	shalt  }
0x6d: {  	_ =	shalt  }
0x6e: {  	_ =	shalt  }
0x6f: {  	_ =	shalt  }
0x70: {  	_ =	shalt  }
0x71: {  	_ =	shalt  }
0x72: {  	_ =	shalt  }
0x73: {  	_ =	shalt  }
0x74: {  	_ =	shalt  }
0x75: {  	_ =	shalt  }
0x76: {  	_ =	shalt  }
0x77: {  	_ =	shalt  }
0x78: {  	_ =	shalt  }
0x79: {  	_ =	shalt  }
0x7a: {  	_ =	shalt  }
0x7b: {  	_ =	shalt  }
0x7c: {  	_ =	shalt  }
0x7d: {  	_ =	shalt  }
0x7e: {  	_ =	shalt  }
0x7f: {  	_ =	shalt  }
0x80: {  	_ =	shalt  }
0x81: {  	_ =	shalt  }
0x82: {  	_ =	shalt  }
0x83: {  	_ =	shalt  }
0x84: {  	_ =	shalt  }
0x85: {  	_ =	shalt  }
0x86: {  	_ =	shalt  }
0x87: {  	_ =	shalt  }
.Lfunc_end0:
.L_simem_size_0:
called_computation.7_lowered:
.L_overlay_start_0:
0x88: {  	s2 =	sld [smem:$0x3FD9]  }
0x89: {  	s3 =	sld [smem:$0x3FFE];
	_ =	sdelay $0x1  }
0x8a: {  	s1 =	srdreg.scid  }
0x8b: {  	s0 =	sand.u32 $0x1, s1  }
0x8c: {  	s17 =	sshll.u32 s0, $0xA;
	s2 =	sadd.s32 s3, s2  }
0x8d: {  	s2 =	sadd.s32 s2, s17  }
0x8e: {  	[smem:$0x3FA2] =	sst s2  }
0x8f: {  	_ = 	snop  }
0x90: {  	s2 =	sld [smem:$0x3FC7]  }
0x91: {  	s18 =	sld [smem:$0x3FC6];
	(tm) =	ssettm $0x1  }
0x92: {  	s4 =	sld [smem:$0x3FFB];
	_ =	sdelay $0x3  }
0x93: {  	_ =	strace s4  }
0x94: {  	s4 =	sld [smem:$0x3FFC];
	_ =	sdelay $0x3  }
0x95: {  	_ =	strace s4  }
0x96: {  	s4 =	sld [smem:$0x3FFD];
	_ =	sdelay $0x3  }
0x97: {  	_ =	strace s4  }
0x98: {  	_ =	strace $0x8FFFFFFF  }
0x99: {  	s19 =	sld [smem:$0x3FDB];
	_ =	sdelay $0x1  }
0x9a: {  	s5 =	simm.s32 $_scs_section_size  }
0x9b: {  	s6 =	simm.s32 $_size__tile_overlayer_lowered;
	s7 =	simm.s32 $_tile_overlayer_lowered  }
0x9c: {  	s22 =	simm.s32 $0x1BFF;
	s21 =	sshll.u32 s7, $0x1;
	s4 =	sadd.s32 s5, s19  }
0x9d: {  	s8 =	simm.s32 $0x0;
	s20 =	sshll.u32 s6, $0x1;
	s6 =	sadd.s32 s21, s4  }
0x9e: {  	[timem:s8], [sflag:s22] =	dma.local [hbm:s6], s20  }
0x9f: {  	_ =	swait.ge [sflag:s22], s20  }
0xa0: {  	s5 =	ssub.s32 $0x0, s20;
	[sflag:s22] =	ssyncset.done $0x0  }
0xa1: {  	[sflag:s22] =	ssyncadd.s32 s5;
	_ =	sdelay $0x1  }
0xa2: {  	s23 =	simm.s32 $0x1B8B  }
0xa3: {  	_ =	swait.ge [sflag:s23], $0x1  }
0xa4: {  	[sflag:s23] =	ssyncset.done $0x0  }
0xa5: {  	s25 =	simm.s32 $0x1B8E;
	s24 =	sld [smem:$0x3FFE];
	[sflag:s23] =	ssyncadd.s32 $0xFFFFFFFF  }
0xa6: {  	s26 =	simm.s32 $execute0_lowered;
	[smem:$0x3FD2] =	sst s25  }
0xa7: {  	s6 =	sshll.u32 s26, $0x1;
	_ =	strace $0x8000005B;
	[dreg:$0x1] =	wrdreg $0xFFFFFFFF  }
0xa8: {  	s28 =	simm.s32 $_size_execute0_lowered;
	s4 =	sadd.s32 s4, s6;
	[dreg:$0x0] =	wrdreg $0x0  }
0xa9: {  	s6 =	sshll.u32 s28, $0x1;
	[dreg:$0x2] =	wrdreg s4  }
0xaa: {  	[dreg:$0x3] =	wrdreg s6  }
0xab: {  	[dreg:$0x4] =	wrdreg $0xC0  }
0xac: {  	_ =	task [dreg:s8], $0x5FFFF  }
0xad: {  	[dreg:$0x1] =	wrdreg $0xFFFFFFFF  }
0xae: {  	[dreg:$0x0] =	wrdreg $0x60  }
0xaf: {  	[dreg:$0x2] =	wrdreg s24  }
0xb0: {  	[dreg:$0x3] =	wrdreg s2  }
0xb1: {  	[dreg:$0x4] =	wrdreg s18  }
0xb2: {  	[dreg:$0x5] =	wrdreg $0x0  }
0xb3: {  	[dreg:$0x6] =	wrdreg $0x9  }
0xb4: {  	_ =	task.clear_ibuf [dreg:s8], $0x7FFFF;
	_ =	strace $0x9000005B  }
0xb5: {  	s29 =	simm.s32 $0x9;
	_ =	strace $0x8000005D  }
0xb6: {  	_ =	swait.ge [sflag:s29], $0x1  }
0xb7: {  	[sflag:s29] =	ssyncadd.s32 $0xFFFFFFFF  }
0xb8: {  	_ =	strace $0x9000005D  }
0xb9: {  	_ =	sfence  }
0xba: {  	s30 =	sld [smem:$0x0];
	_ =	sdelay $0x2  }
0xbb: {  	s31 =	sshll.u32 s1, $0xD;
	s1 =	sshrl.u32 s1, $0x2  }
0xbc: {  	s3 =	sand.u32 $0x4000, s31;
	s1 =	sadd.s32 s1, s30  }
0xbd: {  	s0 =	sor.u32 s3, s0;
	s1 =	sshll.u32 s1, $0x11  }
0xbe: {  	s0 =	sor.u32 s1, s0  }
0xbf: {  	s0 =	sadd.s32 $0x8F2B, s0  }
0xc0: {  	[sflag:s0] =	ssyncadd.remote.s32 $0x1  }
0xc1: {  	_ =	sfence.sel $0xFFFF  }
0xc2: {  	[dreg:$0x0] =	wrdreg $0xFFFFFFFF;
	(pc) =	sbr.abs _section_cstart, $3  }
0xc3: {  	[dreg:$0x1] =	wrdreg $0xFFFFFFFF  }
0xc4: {  	_ =	task.clear_ibuf [dreg:s8], $0x2FFFF;
	_ =	strace $0x9FFFFFFF  }
0xc5: {  	(tm) =	ssettm $0x7FFFFFFF  }
tec
execute0_lowered:
.L_overlay_start_1:
0x0: {  	(tag) =	ssettag $0x1  }
0x1: {  	s10 =	rddreg [dreg:$0x0]  }
0x2: {  	s8 =	rddreg [dreg:$0x1]  }
0x3: {  	s11 =	rddreg [dreg:$0x2]  }
0x4: {  	s2 =	rddreg [dreg:$0x3]  }
0x5: {  	s0 =	rddreg [dreg:$0x4];
	s3 =	simm.s32 $0x0;
	s4 =	srdreg.scid  }
0x6: {  	s1 =	stileid.u32;
	s5 =	simm.s32 $0xF800;
	s7 =	simm.s32 $0x1  }
0x7: {  	[smem:$0x7FF] =	sst s3;
	s22 =	sand.u32 $0x1, s4;
	s9 =	sshll.u32 s1, $0x8  }
0x8: {  	s29 =	sshll.u32 s1, $0xA;
	s30 =	sshll.u32 s1, $0xD;
	s24 =	sshll.u32 s1, $0x6  }
0x9: {  	_ =	strace $0x8000005C;
	s12 =	sshll.u32 s22, $0x7;
	p0 =	seq.s32 s22, $0x0  }
0xa: {  	s23 =	sadd.s32 s29, s10;
	s6 =	sadd.s32 s30, s2;
	s5 =	simm.s32 @!p0 $0x1F800  }
0xb: {  	s6 =	sshrl.u32 s6, $0x3;
	s4 =	sadd.s32 s5, s23;
	s5 =	sor.u32 $0x1C01, s24  }
0xc: {  	[spmem:s6], [sflag:s5] =	dma.local [hbm:s4], $0x400  }
0xd: {  	s9 =	sor.u32 s12, s9;
	_ =	swait.ge [sflag:s7], $0x400  }
0xe: {  	s12 =	sshll.u32 s9, $0x4;
	s13 =	sshrl.u32 s9, $0x3;
	[sflag:s7] =	ssyncset.done $0x0  }
0xf: {  	s9 =	simm.s32 $0x2000;
	s8 =	sadd.s32 s8, s13;
	[sflag:s7] =	ssyncadd.s32 $0xFFFFFC00  }
0x10: {  	[tilespmem:s9], [sflag:$0x2] =	stream.linear.gather [hbm4b:s8+s3], $0x80, $0x38;
	[tilespmem:$0xA100] =	vst v63  }
0x11: {  	s14 =	sadd.s32 s12, s10;
	s10 =	sadd.s32 s11, s13;
	s11 =	simm.s32 $0x2080  }
0x12: {  	[tilespmem:s11], [sflag:$0x3] =	stream.linear.gather [hbm4b:s10+s3], $0x80, $0x38;
	[tilespmem:$0xA100] =	vst v63  }
0x13: {  	s13 =	simm.s32 $0x2100;
	s12 =	sadd.s32 $0x23800, s14  }
0x14: {  	[tilespmem:s13], [sflag:$0x4] =	stream.linear.gather [hbm4b:s12+s3], $0x4000, $0x38;
	[tilespmem:$0xA100] =	vst v63  }
0x15: {  	s15 =	simm.s32 $0x6100;
	s16 =	simm.s32 $0x2;
	s14 =	sadd.s32 $0x33800, s14  }
0x16: {  	[tilespmem:s15], [sflag:$0x5] =	stream.linear.gather [hbm4b:s14+s3], $0x4000, $0x38;
	[tilespmem:$0xA100] =	vst v63  }
0x17: {  	_ =	swait.ge [sflag:s16], $0x80  }
0x18: {  	[sflag:s16] =	ssyncset.done $0x0  }
0x19: {  	s17 =	simm.s32 $0x3;
	[sflag:s16] =	ssyncadd.s32 $0xFFFFFF80  }
0x1a: {  	_ =	swait.ge [sflag:s17], $0x80  }
0x1b: {  	[sflag:s17] =	ssyncset.done $0x0  }
0x1c: {  	s18 =	simm.s32 $0x4;
	[sflag:s17] =	ssyncadd.s32 $0xFFFFFF80  }
0x1d: {  	_ =	swait.ge [sflag:s18], $0x4000  }
0x1e: {  	[sflag:s18] =	ssyncset.done $0x0  }
0x1f: {  	s19 =	simm.s32 $0x5;
	[sflag:s18] =	ssyncadd.s32 $0xFFFFC000  }
0x20: {  	_ =	swait.ge [sflag:s19], $0x4000  }
0x21: {  	[sflag:s19] =	ssyncset.done $0x0  }
0x22: {  	[sflag:s19] =	ssyncadd.s32 $0xFFFFC000  }
0x23: {  	s21 =	simm.s32 $0x80;
	s20 =	simm.s32 $0x6;
	[bflag:$0x0] =	sbarrier.arrive $0xFFFF  }
0x24: {  	[spmem:s2] =	stream.indirect.scatter.add.f32 [tilespmem:s13], [sflag:$0x6], $0x80, s9, s21, $0xb8;
	[tilespmem:$0xA100] =	vst v63  }
0x25: {  	s25 =	ssub.s32 $0x2, s22;
	_ =	swait.ge [sflag:s20], $0x4000  }
0x26: {  	s22 =	sshll.u32 s22, $0xE;
	s31 =	sshrl.u32 s25, $0x1;
	[sflag:s20] =	ssyncset.done $0x0  }
0x27: {  	s22 =	sadd.s32 s22, s23;
	s23 =	ssub.s32 s25, s31;
	[sflag:s20] =	ssyncadd.s32 $0xFFFFC000  }
0x28: {  	[spmem:s2] =	stream.indirect.scatter.add.f32 [tilespmem:s15], [sflag:$0x6], $0x80, s11, s21, $0xb8;
	[tilespmem:$0xA100] =	vst v63  }
0x29: {  	s25 =	smax.u32 s23, $0x1;
	_ =	swait.ge [sflag:s20], $0x4000  }
0x2a: {  	p0 =	sne.s32 s25, $0x1;
	[sflag:s20] =	ssyncset.done $0x0  }
.Ltmp0:
0x2b: {  	[sflag:s20] =	ssyncadd.s32 $0xFFFFC000;
	(pc) =	sbr.rel @!p0 .LBB2_2-.Ltmp0, $4  }
0x2c: {  	s22 =	sadd.s32 $0x13800, s22;
	s23 =	sor.u32 $0x1C06, s24;
	[bflag:$0x0] =	sbarrier.arrive $0xFFFF  }
0x2d: {  	[hbm:s22], [sflag:s23] =	dma.local [spmem:s6], $0x400  }
0x2e: {  	_ =	swait.ge [sflag:s20], $0x400  }
0x2f: {  	s24 =	sadd.s32 $0xFFFFFFFF, s25;
	[sflag:s20] =	ssyncset.done $0x0  }
.LBB2_1:
0x30: {  	p0 =	sne.s32 s24, $0x1;
	s24 =	sadd.s32 $0xFFFFFFFF, s24;
	[sflag:s20] =	ssyncadd.s32 $0xFFFFFC00  }
0x31: {  	[spmem:s6], [sflag:s5] =	dma.local [hbm:s4], $0x400  }
0x32: {  	_ =	swait.ge [sflag:s7], $0x400  }
0x33: {  	[sflag:s7] =	ssyncset.done $0x0  }
0x34: {  	[sflag:s7] =	ssyncadd.s32 $0xFFFFFC00  }
0x35: {  	[tilespmem:s9], [sflag:$0x2] =	stream.linear.gather [hbm4b:s8+s3], $0x80, $0x38;
	[tilespmem:$0xA100] =	vst v63  }
0x36: {  	_ = 	snop  }
0x37: {  	[tilespmem:s11], [sflag:$0x3] =	stream.linear.gather [hbm4b:s10+s3], $0x80, $0x38;
	[tilespmem:$0xA100] =	vst v63  }
0x38: {  	_ = 	snop  }
0x39: {  	[tilespmem:s13], [sflag:$0x4] =	stream.linear.gather [hbm4b:s12+s3], $0x4000, $0x38;
	[tilespmem:$0xA100] =	vst v63  }
0x3a: {  	_ = 	snop  }
0x3b: {  	[tilespmem:s15], [sflag:$0x5] =	stream.linear.gather [hbm4b:s14+s3], $0x4000, $0x38;
	[tilespmem:$0xA100] =	vst v63  }
0x3c: {  	_ =	swait.ge [sflag:s16], $0x80  }
0x3d: {  	[sflag:s16] =	ssyncset.done $0x0  }
0x3e: {  	[sflag:s16] =	ssyncadd.s32 $0xFFFFFF80  }
0x3f: {  	_ =	swait.ge [sflag:s17], $0x80  }
0x40: {  	[sflag:s17] =	ssyncset.done $0x0  }
0x41: {  	[sflag:s17] =	ssyncadd.s32 $0xFFFFFF80  }
0x42: {  	_ =	swait.ge [sflag:s18], $0x4000  }
0x43: {  	[sflag:s18] =	ssyncset.done $0x0  }
0x44: {  	[sflag:s18] =	ssyncadd.s32 $0xFFFFC000  }
0x45: {  	_ =	swait.ge [sflag:s19], $0x4000  }
0x46: {  	[sflag:s19] =	ssyncset.done $0x0  }
0x47: {  	[sflag:s19] =	ssyncadd.s32 $0xFFFFC000  }
0x48: {  	[bflag:$0x0] =	sbarrier.arrive $0xFFFF  }
0x49: {  	[spmem:s2] =	stream.indirect.scatter.add.f32 [tilespmem:s13], [sflag:$0x6], $0x80, s9, s21, $0xb8;
	[tilespmem:$0xA100] =	vst v63  }
0x4a: {  	_ =	swait.ge [sflag:s20], $0x4000  }
0x4b: {  	[sflag:s20] =	ssyncset.done $0x0  }
0x4c: {  	[sflag:s20] =	ssyncadd.s32 $0xFFFFC000  }
0x4d: {  	[spmem:s2] =	stream.indirect.scatter.add.f32 [tilespmem:s15], [sflag:$0x6], $0x80, s11, s21, $0xb8;
	[tilespmem:$0xA100] =	vst v63  }
0x4e: {  	_ =	swait.ge [sflag:s20], $0x4000  }
0x4f: {  	[sflag:s20] =	ssyncset.done $0x0  }
.Ltmp1:
0x50: {  	[sflag:s20] =	ssyncadd.s32 $0xFFFFC000;
	(pc) =	sbr.rel @p0 .LBB2_1-.Ltmp1, $4  }
0x51: {  	[bflag:$0x0] =	sbarrier.arrive $0xFFFF  }
0x52: {  	[hbm:s22], [sflag:s23] =	dma.local [spmem:s6], $0x400  }
0x53: {  	_ =	swait.ge [sflag:s20], $0x400  }
0x54: {  	[sflag:s20] =	ssyncset.done $0x0  }
.LBB2_2:
0x55: {  	[sflag:s20] =	ssyncadd.s32 $0xFFFFFC00  }
0x56: {  	_ =	sfence.sel $0x180000  }
0x57: {  	[bflag:$0x0] =	sbarrier.arrive $0xFFFF  }
0x58: {  	p0 =	sne.s32 s1, $0x0;
	_ =	strace $0x9000005C  }
0x59: {  	s0 =	sadd.s32 @!p0 $0x100000, s0;
	[bflag:$0x2] =	sbarrier.arrive $0xFFFF  }
0x5a: {  	[sflag:s0] =	ssyncadd.tile.s32 @!p0 $0x1;
	_ =	shalt  }
.Lfunc_end2:
_tile_overlayer_lowered:
.L_overlay_start_2:
0x5b: {  	(tag) =	ssettag $0x2  }
0x5c: {  	s0 =	rddreg [dreg:$0x0];
	s2 =	stileid.u32  }
0x5d: {  	s1 =	rddreg [dreg:$0x1];
	p0 =	sne.s32 s2, $0x0  }
0x5e: {  	s3 =	rddreg [dreg:$0x2];
	[bflag:$0x3] =	sbarrier.arrive $0xFFFF;
	s2 =	simm.s32 @!p0 $0x1C06  }
0x5f: {  	[timem:s3], [sflag:s2] =	dma.local @!p0 [hbm:s0], s1  }
0x60: {  	s0 =	simm.s32 @!p0 $0x6  }
0x61: {  	_ =	swait.ge @!p0 [sflag:s0], s1  }
0x62: {  	s1 =	ssub.s32 @!p0 $0x0, s1;
	[sflag:s0] =	ssyncset.done @!p0 $0x0  }
0x63: {  	[sflag:s0] =	ssyncadd.s32 @!p0 s1  }
0x64: {  	[bflag:$0x3] =	sbarrier.arrive $0xFFFF  }
0x65: {  	_ =	shalt  }

// kernel: kernel.47.cloned.1.call-start
scs
__scs_entry_jumppad:
0x0: {  	(pc) =	sbr.rel $0x88, $3  }
0x1: {  	(tag) =	ssettag $0x0;
	lr =	simm.s32 $0x1  }
0x2: {  	[smem:$0x3F7B] =	sst lr;
	_ =	strace $0xD0000000  }
0x3: {  	_ = 	snop  }
0x4: {  	_ = 	snop  }
0x5: {  	_ = 	snop  }
0x6: {  	_ = 	snop  }
0x7: {  	_ = 	snop  }
__scs_overlays_trampoline_lowered:
0x8: {  	[smem:$0x3F8A] =	sst s0  }
0x9: {  	[smem:$0x3F8B] =	sst s1  }
0xa: {  	[smem:$0x3F8C] =	sst s2  }
0xb: {  	[smem:$0x3F8D] =	sst s3  }
0xc: {  	[smem:$0x3F8E] =	sst s4  }
0xd: {  	[smem:$0x3F8F] =	sst s5  }
0xe: {  	[smem:$0x3F90] =	sst s6  }
0xf: {  	[smem:$0x3F91] =	sst s7  }
0x10: {  	[smem:$0x3F92] =	sst s8  }
0x11: {  	[smem:$0x3F93] =	sst s9;
	s0 =	simm.s32 @!p0 $0x0  }
0x12: {  	s1 =	sld [smem:$0x3F79];
	s0 =	simm.s32 @p0 $0x1  }
0x13: {  	[smem:$0x3F94] =	sst s0;
	s0 =	simm.s32 @!p1 $0x0  }
0x14: {  	s2 =	sld [smem:$0x3F78];
	s0 =	simm.s32 @p1 $0x1  }
0x15: {  	[smem:$0x3F95] =	sst s0;
	s0 =	simm.s32 @!p2 $0x0  }
0x16: {  	s3 =	sld [smem:$0x3FDB];
	s0 =	simm.s32 @p2 $0x1  }
0x17: {  	s4 =	simm.s32 $0x1BF5;
	[smem:$0x3F97] =	sst s0  }
0x18: {  	s0 =	sld [smem:$0x3F7A];
	_ =	swait.ge [sflag:s4], $0x0  }
0x19: {  	s7 =	sld [smem:$0x3F7B]  }
0x1a: {  	s8 =	sadd.s32 $0xFFFFE003, lr  }
0x1b: {  	s9 =	sadd.s32 $0xFFFFFEF7, lr;
	s5 =	simm.s32 $0xFFFFFFFF;
	p2 =	slt.u32 s8, $0xFFFFF086  }
0x1c: {  	p1 =	slt.u32 s9, $0xF7A;
	s5 =	simm.s32 @!p2 $0x0  }
0x1d: {  	s5 =	simm.s32 @p1 $0x1;
	p0 =	seq.s32 s7, s2  }
0x1e: {  	s7 =	smul.u32 @!p0 $0xF7A, s2;
	p2 =	seq.s32 @!p0 s5, $0x0  }
0x1f: {  	s9 =	smul.u32 $0xF7A, s1;
	s8 =	simm.s32 @!p0 $0x1BF5;
	p2 =	por !p2, p0  }
0x20: {  	[sflag:s8] =	ssyncset.s32 @!p0 $0xFFFFF086;
	s6 =	sadd.s32 @!p0 s3, s7;
	s7 =	simm.s32 @!p0 $0x108  }
0x21: {  	s3 =	sadd.s32 s3, s9;
	s6 =	sadd.s32 @!p0 $0x88, s6;
	s7 =	simm.s32 @p2 $0x1082  }
0x22: {  	[simem:s7], [sflag:s8] =	dma.local @!p0 [hbm:s6], $0xF7A  }
0x23: {  	s9 =	sor.u32 $0xD0000000, s2;
	s6 =	simm.s32 $0x108;
	_ =	swait.ge @!p0 [sflag:s8], $0x0  }
0x24: {  	s3 =	sadd.s32 $0x88, s3;
	s6 =	simm.s32 @!p1 $0x1082;
	[sflag:s4] =	ssyncset.s32 $0xFFFFF086  }
0x25: {  	[simem:s6], [sflag:s4] =	dma.local [hbm:s3], $0xF7A  }
0x26: {  	[smem:$0x3F7B] =	sst s1;
	(tag) =	ssettag s2;
	_ =	strace s9  }
0x27: {  	s1 =	sld [smem:$0x3F8B]  }
0x28: {  	s2 =	sld [smem:$0x3F8C]  }
0x29: {  	s4 =	sld [smem:$0x3F8E]  }
0x2a: {  	p0 =	seq.s32 s5, $0x0;
	s5 =	sld [smem:$0x3F8F]  }
0x2b: {  	s6 =	sld [smem:$0x3F90]  }
0x2c: {  	s7 =	sld [smem:$0x3F91]  }
0x2d: {  	s3 =	simm.s32 $0x108;
	s8 =	sld [smem:$0x3F92]  }
0x2e: {  	s3 =	simm.s32 @!p0 $0x1082;
	s9 =	sld [smem:$0x3F93]  }
0x2f: {  	lr =	sadd.s32 s0, s3;
	s0 =	sld [smem:$0x3F8A]  }
0x30: {  	s3 =	sld [smem:$0x3F8D]  }
0x31: {  	[smem:$0x3F96] =	sst s10  }
0x32: {  	s10 =	sld [smem:$0x3F94];
	_ =	sdelay $0x3  }
0x33: {  	p0 =	seq.s32 s10, $0x1;
	s10 =	sld [smem:$0x3F96];
	_ =	sdelay $0x3  }
0x34: {  	[smem:$0x3F96] =	sst s10  }
0x35: {  	s10 =	sld [smem:$0x3F95];
	_ =	sdelay $0x3  }
0x36: {  	p1 =	seq.s32 s10, $0x1;
	s10 =	sld [smem:$0x3F96];
	_ =	sdelay $0x3  }
0x37: {  	[smem:$0x3F96] =	sst s10  }
0x38: {  	s10 =	sld [smem:$0x3F97]  }
0x39: {  	_ = 	snop;
	(pc) =	sbr.ind lr, $3  }
0x3a: {  	_ = 	snop  }
0x3b: {  	_ = 	snop  }
0x3c: {  	p2 =	seq.s32 s10, $0x1;
	s10 =	sld [smem:$0x3F96]  }
0x3d: {  	_ =	shalt  }
0x3e: {  	_ =	shalt  }
0x3f: {  	_ =	shalt  }
0x40: {  	_ =	shalt  }
0x41: {  	_ =	shalt  }
0x42: {  	_ =	shalt  }
0x43: {  	_ =	shalt  }
0x44: {  	_ =	shalt  }
0x45: {  	_ =	shalt  }
0x46: {  	_ =	shalt  }
0x47: {  	_ =	shalt  }
0x48: {  	_ =	shalt  }
0x49: {  	_ =	shalt  }
0x4a: {  	_ =	shalt  }
0x4b: {  	_ =	shalt  }
0x4c: {  	_ =	shalt  }
0x4d: {  	_ =	shalt  }
0x4e: {  	_ =	shalt  }
0x4f: {  	_ =	shalt  }
0x50: {  	_ =	shalt  }
0x51: {  	_ =	shalt  }
0x52: {  	_ =	shalt  }
0x53: {  	_ =	shalt  }
0x54: {  	_ =	shalt  }
0x55: {  	_ =	shalt  }
0x56: {  	_ =	shalt  }
0x57: {  	_ =	shalt  }
0x58: {  	_ =	shalt  }
0x59: {  	_ =	shalt  }
0x5a: {  	_ =	shalt  }
0x5b: {  	_ =	shalt  }
0x5c: {  	_ =	shalt  }
0x5d: {  	_ =	shalt  }
0x5e: {  	_ =	shalt  }
0x5f: {  	_ =	shalt  }
0x60: {  	_ =	shalt  }
0x61: {  	_ =	shalt  }
0x62: {  	_ =	shalt  }
0x63: {  	_ =	shalt  }
0x64: {  	_ =	shalt  }
0x65: {  	_ =	shalt  }
0x66: {  	_ =	shalt  }
0x67: {  	_ =	shalt  }
0x68: {  	_ =	shalt  }
0x69: {  	_ =	shalt  }
0x6a: {  	_ =	shalt  }
0x6b: {  	_ =	shalt  }
0x6c: {  	_ =	shalt  }
0x6d: {  	_ =	shalt  }
0x6e: {  	_ =	shalt  }
0x6f: {  	_ =	shalt  }
0x70: {  	_ =	shalt  }
0x71: {  	_ =	shalt  }
0x72: {  	_ =	shalt  }
0x73: {  	_ =	shalt  }
0x74: {  	_ =	shalt  }
0x75: {  	_ =	shalt  }
0x76: {  	_ =	shalt  }
0x77: {  	_ =	shalt  }
0x78: {  	_ =	shalt  }
0x79: {  	_ =	shalt  }
0x7a: {  	_ =	shalt  }
0x7b: {  	_ =	shalt  }
0x7c: {  	_ =	shalt  }
0x7d: {  	_ =	shalt  }
0x7e: {  	_ =	shalt  }
0x7f: {  	_ =	shalt  }
0x80: {  	_ =	shalt  }
0x81: {  	_ =	shalt  }
0x82: {  	_ =	shalt  }
0x83: {  	_ =	shalt  }
0x84: {  	_ =	shalt  }
0x85: {  	_ =	shalt  }
0x86: {  	_ =	shalt  }
0x87: {  	_ =	shalt  }
.Lfunc_end0:
.L_simem_size_0:
called_computation.8_lowered:
.L_overlay_start_0:
0x88: {  	s2 =	sld [smem:$0x3FD9]  }
0x89: {  	s3 =	sld [smem:$0x3FFE];
	_ =	sdelay $0x1  }
0x8a: {  	s1 =	srdreg.scid  }
0x8b: {  	s0 =	sand.u32 $0x1, s1  }
0x8c: {  	s17 =	sshll.u32 s0, $0xA;
	s2 =	sadd.s32 s3, s2  }
0x8d: {  	s2 =	sadd.s32 s2, s17  }
0x8e: {  	[smem:$0x3FA2] =	sst s2  }
0x8f: {  	_ = 	snop  }
0x90: {  	s2 =	sld [smem:$0x3FC6];
	(tm) =	ssettm $0x1  }
0x91: {  	s18 =	sld [smem:$0x3FFB];
	_ =	sdelay $0x3  }
0x92: {  	_ =	strace s18  }
0x93: {  	s3 =	sld [smem:$0x3FFC];
	_ =	sdelay $0x3  }
0x94: {  	_ =	strace s3  }
0x95: {  	s3 =	sld [smem:$0x3FFD];
	_ =	sdelay $0x3  }
0x96: {  	_ =	strace s3  }
0x97: {  	_ =	strace $0x8FFFFFFF  }
0x98: {  	s19 =	sld [smem:$0x3FDB];
	_ =	sdelay $0x1  }
0x99: {  	s4 =	simm.s32 $_scs_section_size  }
0x9a: {  	s5 =	simm.s32 $_size__tile_overlayer_lowered;
	s6 =	simm.s32 $_tile_overlayer_lowered  }
0x9b: {  	s22 =	simm.s32 $0x1BFF;
	s21 =	sshll.u32 s6, $0x1;
	s3 =	sadd.s32 s4, s19  }
0x9c: {  	s7 =	simm.s32 $0x0;
	s20 =	sshll.u32 s5, $0x1;
	s5 =	sadd.s32 s21, s3  }
0x9d: {  	[timem:s7], [sflag:s22] =	dma.local [hbm:s5], s20  }
0x9e: {  	_ =	swait.ge [sflag:s22], s20  }
0x9f: {  	s4 =	ssub.s32 $0x0, s20;
	[sflag:s22] =	ssyncset.done $0x0  }
0xa0: {  	[sflag:s22] =	ssyncadd.s32 s4;
	_ =	sdelay $0x1  }
0xa1: {  	s23 =	simm.s32 $0x1B8B  }
0xa2: {  	_ =	swait.ge [sflag:s23], $0x1  }
0xa3: {  	[sflag:s23] =	ssyncset.done $0x0  }
0xa4: {  	s25 =	simm.s32 $0x1B8E;
	s24 =	sld [smem:$0x3FFE];
	[sflag:s23] =	ssyncadd.s32 $0xFFFFFFFF  }
0xa5: {  	s26 =	simm.s32 $execute0_lowered;
	[smem:$0x3FD2] =	sst s25  }
0xa6: {  	s5 =	sshll.u32 s26, $0x1;
	_ =	strace $0x8000005E;
	[dreg:$0x1] =	wrdreg $0xFFFFFFFF  }
0xa7: {  	s28 =	simm.s32 $_size_execute0_lowered;
	s3 =	sadd.s32 s3, s5;
	[dreg:$0x0] =	wrdreg $0x0  }
0xa8: {  	s5 =	sshll.u32 s28, $0x1;
	[dreg:$0x2] =	wrdreg s3  }
0xa9: {  	[dreg:$0x3] =	wrdreg s5  }
0xaa: {  	[dreg:$0x4] =	wrdreg $0xC0  }
0xab: {  	_ =	task [dreg:s7], $0x5FFFF  }
0xac: {  	[dreg:$0x1] =	wrdreg $0xFFFFFFFF  }
0xad: {  	[dreg:$0x0] =	wrdreg $0x60  }
0xae: {  	[dreg:$0x2] =	wrdreg s24  }
0xaf: {  	[dreg:$0x3] =	wrdreg s2  }
0xb0: {  	[dreg:$0x4] =	wrdreg $0x9  }
0xb1: {  	_ =	task.clear_ibuf [dreg:s7], $0x5FFFF;
	_ =	strace $0x9000005E  }
0xb2: {  	s29 =	simm.s32 $0x9;
	_ =	strace $0x80000060  }
0xb3: {  	_ =	swait.ge [sflag:s29], $0x1  }
0xb4: {  	[sflag:s29] =	ssyncadd.s32 $0xFFFFFFFF  }
0xb5: {  	_ =	strace $0x90000060  }
0xb6: {  	_ =	sfence  }
0xb7: {  	s30 =	sld [smem:$0x0];
	_ =	sdelay $0x2  }
0xb8: {  	s31 =	sshll.u32 s1, $0xD;
	s1 =	sshrl.u32 s1, $0x2  }
0xb9: {  	s3 =	sand.u32 $0x4000, s31;
	s1 =	sadd.s32 s1, s30  }
0xba: {  	s0 =	sor.u32 s3, s0;
	s1 =	sshll.u32 s1, $0x11  }
0xbb: {  	s0 =	sor.u32 s1, s0  }
0xbc: {  	s0 =	sadd.s32 $0x8F2B, s0  }
0xbd: {  	[sflag:s0] =	ssyncadd.remote.s32 $0x1  }
0xbe: {  	_ =	sfence.sel $0xFFFF  }
0xbf: {  	[dreg:$0x0] =	wrdreg $0xFFFFFFFF;
	(pc) =	sbr.abs _section_cstart, $3  }
0xc0: {  	[dreg:$0x1] =	wrdreg $0xFFFFFFFF  }
0xc1: {  	_ =	task.clear_ibuf [dreg:s7], $0x2FFFF;
	_ =	strace $0x9FFFFFFF  }
0xc2: {  	(tm) =	ssettm $0x7FFFFFFF  }
0xc3: {  	_ =	shalt  }
tec
execute0_lowered:
.L_overlay_start_1:
0x0: {  	(tag) =	ssettag $0x1  }
0x1: {  	s1 =	srdreg.scid  }
0x2: {  	s8 =	rddreg [dreg:$0x0];
	s0 =	stileid.u32  }
0x3: {  	s3 =	rddreg [dreg:$0x1];
	s2 =	simm.s32 $0x0;
	s6 =	sand.u32 $0x1, s1  }
0x4: {  	s4 =	sshll.u32 s0, $0x8;
	s1 =	rddreg [dreg:$0x2];
	s5 =	sshll.u32 s6, $0x7  }
0x5: {  	s7 =	simm.s32 $0x1;
	[smem:$0x7FF] =	sst s2;
	s9 =	sor.u32 s5, s4  }
0x6: {  	_ =	strace $0x8000005F;
	s10 =	ssub.s32 $0x2, s6;
	s4 =	sshrl.u32 s9, $0x3  }
0x7: {  	s6 =	simm.s32 $0x80;
	s4 =	sadd.s32 s3, s4;
	s3 =	simm.s32 $0x2  }
0x8: {  	[tilespmem:s2], [sflag:$0x2] =	stream.linear.gather [hbm4b:s4+s2], $0x80, $0x38;
	[tilespmem:$0x4080] =	vst v63  }
0x9: {  	s5 =	sadd.s32 $0xB800, s8;
	s11 =	sshrl.u32 s10, $0x1;
	_ =	swait.ge [sflag:s3], $0x80  }
0xa: {  	s9 =	sshll.u32 s9, $0x4;
	s31 =	ssub.s32 s10, s11;
	[sflag:s3] =	ssyncset.done $0x0  }
0xb: {  	s8 =	sadd.s32 s9, s8;
	s9 =	smax.u32 s31, $0x1;
	[sflag:s3] =	ssyncadd.s32 $0xFFFFFF80  }
0xc: {  	[tilespmem:s6], [sflag:$0x1] =	stream.indirect.gather [hbm4b:s5+s6], $0x80, s2, s6, $0xb8;
	[tilespmem:$0x4080] =	vst v63  }
0xd: {  	p0 =	sne.s32 s9, $0x1;
	_ =	swait.ge [sflag:s7], $0x4000  }
.Ltmp0:
0xe: {  	[sflag:s7] =	ssyncset.done $0x0;
	(pc) =	sbr.rel @!p0 .LBB2_2-.Ltmp0, $4  }
0xf: {  	s8 =	sadd.s32 $0xF800, s8;
	[sflag:s7] =	ssyncadd.s32 $0xFFFFC000  }
0x10: {  	[hbm4b:s8+s2] =	stream.linear.scatter [tilespmem:s6], [sflag:$0x2], $0x4000, $0x38;
	[tilespmem:$0x4080] =	vst v63  }
0x11: {  	_ =	swait.ge [sflag:s3], $0x4000  }
0x12: {  	s9 =	sadd.s32 $0xFFFFFFFF, s9;
	[sflag:s3] =	ssyncset.done $0x0  }
.LBB2_1:
0x13: {  	p0 =	sne.s32 s9, $0x1;
	s9 =	sadd.s32 $0xFFFFFFFF, s9;
	[sflag:s3] =	ssyncadd.s32 $0xFFFFC000  }
0x14: {  	[tilespmem:s2], [sflag:$0x2] =	stream.linear.gather [hbm4b:s4+s2], $0x80, $0x38;
	[tilespmem:$0x4080] =	vst v63  }
0x15: {  	_ =	swait.ge [sflag:s3], $0x80  }
0x16: {  	[sflag:s3] =	ssyncset.done $0x0  }
0x17: {  	[sflag:s3] =	ssyncadd.s32 $0xFFFFFF80  }
0x18: {  	[tilespmem:s6], [sflag:$0x1] =	stream.indirect.gather [hbm4b:s5+s6], $0x80, s2, s6, $0xb8;
	[tilespmem:$0x4080] =	vst v63  }
0x19: {  	_ =	swait.ge [sflag:s7], $0x4000  }
.Ltmp1:
0x1a: {  	[sflag:s7] =	ssyncset.done $0x0;
	(pc) =	sbr.rel @p0 .LBB2_1-.Ltmp1, $4  }
0x1b: {  	[sflag:s7] =	ssyncadd.s32 $0xFFFFC000  }
0x1c: {  	[hbm4b:s8+s2] =	stream.linear.scatter [tilespmem:s6], [sflag:$0x2], $0x4000, $0x38;
	[tilespmem:$0x4080] =	vst v63  }
0x1d: {  	_ =	swait.ge [sflag:s3], $0x4000  }
0x1e: {  	[sflag:s3] =	ssyncset.done $0x0  }
.LBB2_2:
0x1f: {  	[sflag:s3] =	ssyncadd.s32 $0xFFFFC000  }
0x20: {  	_ =	sfence.sel $0x180000  }
0x21: {  	[bflag:$0x0] =	sbarrier.arrive $0xFFFF  }
0x22: {  	p0 =	sne.s32 s0, $0x0;
	_ =	strace $0x9000005F  }
0x23: {  	s0 =	sadd.s32 @!p0 $0x100000, s1;
	[bflag:$0x2] =	sbarrier.arrive $0xFFFF  }
0x24: {  	[sflag:s0] =	ssyncadd.tile.s32 @!p0 $0x1;
	_ =	shalt  }
.Lfunc_end2:
_tile_overlayer_lowered:
.L_overlay_start_2:
0x25: {  	(tag) =	ssettag $0x2  }
0x26: {  	s0 =	rddreg [dreg:$0x0];
	s2 =	stileid.u32  }
0x27: {  	s1 =	rddreg [dreg:$0x1];
	p0 =	sne.s32 s2, $0x0  }
0x28: {  	s3 =	rddreg [dreg:$0x2];
	[bflag:$0x3] =	sbarrier.arrive $0xFFFF;
	s2 =	simm.s32 @!p0 $0x1C02  }
0x29: {  	[timem:s3], [sflag:s2] =	dma.local @!p0 [hbm:s0], s1  }
0x2a: {  	s0 =	simm.s32 @!p0 $0x2  }
0x2b: {  	_ =	swait.ge @!p0 [sflag:s0], s1  }
0x2c: {  	s1 =	ssub.s32 @!p0 $0x0, s1;
	[sflag:s0] =	ssyncset.done @!p0 $0x0  }
0x2d: {  	[sflag:s0] =	ssyncadd.s32 @!p0 s1  }
0x2e: {  	[bflag:$0x3] =	sbarrier.arrive $0xFFFF  }
0x2f: {  	_ =	shalt  }

</sc_bundles>
